<compile_context>
chip_gen: v7x
topology: tpu7x:2x2x1
jax: 0.10.2.dev20260603
libtpu: 0.0.44.dev20260713+nightly
codegen_flags: <defaults>
</compile_context>

<pallas_src>
import functools

import jax
import jax.numpy as jnp
from jax import lax
from jax.experimental import pallas as pl
from jax.experimental.pallas import tpu as pltpu
from jax.experimental.pallas import tpu_sc as plsc

N = 10000
E = 320000
D = 128
NHID = 32
F = 16

NC = 2
NS = 16
NW = NC * NS
EP = E // NW
CH = 80
NJ = EP // CH
NB = 10
PD = 5
NP = 10240
RPT = NP // NS
L = 16


@functools.partial(
    pl.kernel,
    out_type=jax.ShapeDtypeStruct((NW, NP), jnp.float32),
    mesh=plsc.VectorSubcoreMesh(core_axis_name="c", subcore_axis_name="s"),
    compiler_params=pltpu.CompilerParams(use_tc_tiling_on_sc=False,
                                         needs_layout_passes=False),
    scratch_types=[
        pltpu.VMEM((EP,), jnp.int32),
        pltpu.VMEM((NP,), jnp.float32),
    ],
)
def _deg(dst_hbm, zeros_hbm, out_hbm, dst_v, deg_v):
    c = lax.axis_index("c")
    s = lax.axis_index("s")
    wid = s * NC + c

    pltpu.sync_copy(zeros_hbm.at[pl.ds(0, NP)], deg_v)
    pltpu.sync_copy(dst_hbm.at[wid], dst_v)
    ones = jnp.ones((L,), jnp.float32)

    def body(i, carry):
        idx = dst_v[pl.ds(i * L, L)]
        plsc.addupdate_scatter(deg_v, [idx], ones)
        return carry

    lax.fori_loop(0, EP // L, body, 0)
    pltpu.sync_copy(deg_v, out_hbm.at[wid])


@functools.partial(
    pl.kernel,
    out_type=jax.ShapeDtypeStruct((NC, NP, F), jnp.float32),
    mesh=plsc.VectorSubcoreMesh(core_axis_name="c", subcore_axis_name="s"),
    compiler_params=pltpu.CompilerParams(use_tc_tiling_on_sc=False),
    scratch_types=[
        pltpu.VMEM((NJ, CH), jnp.int32),
        pltpu.VMEM((NJ, CH), jnp.int32),
        pltpu.VMEM((NB, CH, F), jnp.float32),
        pltpu.VMEM_SHARED((NP, F), jnp.float32),
        pltpu.VMEM_SHARED((NP, F), jnp.float32),
    ] + [pltpu.SemaphoreType.DMA] * (2 * NB),
)
def _prop(src_hbm, dst_hbm, table_hbm, zeros_hbm, out_hbm,
          src_v, dst_v, rows_v, acc_sh, table_sh, *sems):
    gsems, ssems = sems[:NB], sems[NB:]
    c = lax.axis_index("c")
    s = lax.axis_index("s")
    wid = s * NC + c

    def gather(j, b):
        pltpu.async_copy(table_sh.at[src_v.at[j]], rows_v.at[b], gsems[b])

    def gather_wait(j, b):
        pltpu.make_async_copy(table_sh.at[src_v.at[j]], rows_v.at[b],
                              gsems[b]).wait()

    def scatter(j, b):
        pltpu.async_copy(rows_v.at[b], acc_sh.at[dst_v.at[j]], ssems[b],
                         add=True)

    def scatter_wait(j, b):
        pltpu.make_async_copy(rows_v.at[b], acc_sh.at[dst_v.at[j]],
                              ssems[b]).wait()

    pltpu.sync_copy(zeros_hbm.at[pl.ds(s * RPT, RPT)],
                    acc_sh.at[pl.ds(s * RPT, RPT)])
    pltpu.sync_copy(table_hbm.at[pl.ds(s * RPT, RPT)],
                    table_sh.at[pl.ds(s * RPT, RPT)])
    pltpu.sync_copy(src_hbm.at[wid], src_v)
    pltpu.sync_copy(dst_hbm.at[wid], dst_v)
    plsc.subcore_barrier()

    for j in range(PD):
        gather(j, j)
    for j in range(NB):
        gather_wait(j, j)
        scatter(j, j)
        if j + PD < NB:
            gather(j + PD, j + PD)
        else:
            scatter_wait(j + PD - NB, (j + PD) % NB)
            gather(j + PD, (j + PD) % NB)

    def body(g, carry):
        for b in range(NB):
            j = g * NB + b
            gather_wait(j, b)
            scatter(j, b)
            bb = (b + PD) % NB
            scatter_wait(j + PD - NB, bb)
            gather(j + PD, bb)
        return carry

    lax.fori_loop(1, (NJ - PD) // NB, body, 0)

    TAIL0 = NB * ((NJ - PD) // NB)
    for j in range(TAIL0, NJ):
        b = j % NB
        gather_wait(j, b)
        scatter(j, b)
        if j + PD < NJ:
            bb = (j + PD) % NB
            scatter_wait(j + PD - NB, bb)
            gather(j + PD, bb)
    for j in range(NJ - NB, NJ):
        scatter_wait(j, j % NB)
    plsc.subcore_barrier()

    pltpu.sync_copy(acc_sh.at[pl.ds(s * RPT, RPT)],
                    out_hbm.at[c, pl.ds(s * RPT, RPT)])


def _prep(xp, W1, W2, degW):
    B = 1024

    def body(x_ref, w1_ref, w2_ref, degp_ref, u1_ref, dinvb_ref):
        w12 = jnp.dot(w1_ref[...], w2_ref[...], preferred_element_type=jnp.float32)
        y = jnp.dot(x_ref[...], w12, preferred_element_type=jnp.float32)
        deg = 1.0 + jnp.sum(degp_ref[...], axis=0)
        dinv = lax.rsqrt(deg)
        u1_ref[...] = y * dinv[:, None]
        dinvb_ref[...] = jnp.broadcast_to(dinv[:, None], (B, F))

    return pl.pallas_call(
        body,
        grid=(NP // B,),
        in_specs=[
            pl.BlockSpec((B, D), lambda i: (i, 0)),
            pl.BlockSpec((D, NHID), lambda i: (0, 0)),
            pl.BlockSpec((NHID, F), lambda i: (0, 0)),
            pl.BlockSpec((NW, B), lambda i: (0, i)),
        ],
        out_specs=[pl.BlockSpec((B, F), lambda i: (i, 0)),
                   pl.BlockSpec((B, F), lambda i: (i, 0))],
        out_shape=[jax.ShapeDtypeStruct((NP, F), jnp.float32),
                   jax.ShapeDtypeStruct((NP, F), jnp.float32)],
    )(xp, W1, W2, degW)


def _combine(P, uprev, dinvb, square: bool):
    B = 1024

    def body(p_ref, u_ref, d_ref, o_ref):
        sc = d_ref[...]
        if square:
            sc = sc * sc
        o_ref[...] = (p_ref[0] + p_ref[1] + u_ref[...]) * sc

    return pl.pallas_call(
        body,
        grid=(NP // B,),
        in_specs=[
            pl.BlockSpec((NC, B, F), lambda i: (0, i, 0)),
            pl.BlockSpec((B, F), lambda i: (i, 0)),
            pl.BlockSpec((B, F), lambda i: (i, 0)),
        ],
        out_specs=pl.BlockSpec((B, F), lambda i: (i, 0)),
        out_shape=jax.ShapeDtypeStruct((NP, F), jnp.float32),
    )(P, uprev, dinvb)


def _decoder(Q, u2, dinvb):
    BM = 400

    def body(q_ref, u_ref, d_ref, o_ref, z_ref, zs_ref):
        i = pl.program_id(0)

        @pl.when(i == 0)
        def _():
            zfull = (q_ref[0] + q_ref[1] + u_ref[...]) * d_ref[...]
            zs_ref[...] = zfull
            z_ref[...] = zfull

        zm = zs_ref[pl.ds(i * BM, BM), :]
        a = lax.dot_general(zm, zs_ref[:N, :], (((1,), (1,)), ((), ())),
                            preferred_element_type=jnp.float32,
                            precision=lax.Precision.DEFAULT)
        o_ref[...] = 0.5 + 0.5 * lax.tanh(0.5 * a)

    return pl.pallas_call(
        body,
        grid=(N // BM,),
        in_specs=[
            pl.BlockSpec((NC, NP, F), lambda i: (0, 0, 0)),
            pl.BlockSpec((NP, F), lambda i: (0, 0)),
            pl.BlockSpec((NP, F), lambda i: (0, 0)),
        ],
        out_specs=[pl.BlockSpec((BM, N), lambda i: (i, 0)),
                   pl.BlockSpec((NP, F), lambda i: (0, 0))],
        out_shape=[jax.ShapeDtypeStruct((N, N), jnp.float32),
                   jax.ShapeDtypeStruct((NP, F), jnp.float32)],
        scratch_shapes=[pltpu.VMEM((NP, F), jnp.float32)],
        compiler_params=pltpu.CompilerParams(
            vmem_limit_bytes=100 * 1024 * 1024),
    )(Q, u2, dinvb)


def kernel(x, edge_index, W1, W2):
    ei = edge_index.astype(jnp.int32)
    srcr = ei[0].reshape(NW, NJ, CH)
    dstr = ei[1].reshape(NW, NJ, CH)
    dstw = ei[1].reshape(NW, EP)
    zeros_t = jnp.zeros((NP, F), jnp.float32)
    zeros_n = jnp.zeros((NP,), jnp.float32)
    xp = jnp.pad(x, ((0, NP - N), (0, 0)))

    degW = _deg(dstw, zeros_n)
    u1, dinvb = _prep(xp, W1, W2, degW)
    P = _prop(srcr, dstr, u1, zeros_t)
    u2 = _combine(P, u1, dinvb, square=True)
    Q = _prop(srcr, dstr, u2, zeros_t)
    adj, z = _decoder(Q, u2, dinvb)
    return adj, z[:N]

# --- scband reference (transcript-rebuilt; emitter-appended) ---
"""Pipeline reference for scband-gae-49993419325910 (READ-ONLY COPY).

The authoritative reference and input builder live on the scoring server;
editing this copy changes nothing except your own understanding.
"""

import jax, jax.numpy as jnp
import numpy as np

N_NODES = 10000
N_EDGES = 320000
D_FEAT = 128
NHID = 32
LATENT = 16


def gcn_conv(x, edge_index, W, num_nodes):
    # x @ W then symmetric-normalized propagation with self-loops (GCNConv, bias=False)
    x = x @ W
    src = edge_index[0]
    dst = edge_index[1]
    loop = jnp.arange(num_nodes, dtype=src.dtype)
    src = jnp.concatenate([src, loop])
    dst = jnp.concatenate([dst, loop])
    ones = jnp.ones(dst.shape[0], dtype=x.dtype)
    deg = jax.ops.segment_sum(ones, dst, num_segments=num_nodes)
    dinv = jnp.where(deg > 0, jax.lax.rsqrt(jnp.maximum(deg, 1e-12)), 0.0)
    norm = dinv[src] * dinv[dst]
    msgs = jnp.take(x, src, axis=0) * norm[:, None]
    return jax.ops.segment_sum(msgs, dst, num_segments=num_nodes)


def setup_inputs(seed: int = 0) -> dict:
    key = jax.random.key(seed)
    k1, k2, k3, k4 = jax.random.split(key, 4)
    x = jax.random.normal(k1, (N_NODES, D_FEAT), dtype=jnp.float32)
    edge_index = jax.random.randint(k2, (2, N_EDGES), 0, N_NODES)
    # Glorot-style init for GCN weights (bias=False)
    W1 = jax.random.normal(k3, (D_FEAT, NHID), dtype=jnp.float32) * (1.0 / np.sqrt(D_FEAT))
    W2 = jax.random.normal(k4, (NHID, LATENT), dtype=jnp.float32) * (1.0 / np.sqrt(NHID))
    return {"x": x, "edge_index": edge_index, "W1": W1, "W2": W2}


def reference(x, edge_index, W1, W2):
    h = gcn_conv(x, edge_index, W1, N_NODES)
    z = gcn_conv(h, edge_index, W2, N_NODES)
    # Inner-product decoder: adj_recon = sigmoid(z z^T)
    adj_recon = jax.nn.sigmoid(z @ z.T)
    return adj_recon, z

if __name__ == "__main__":
    import jax
    _d = setup_inputs()
    print(jax.jit(kernel)(*tuple(_d.values())))

</pallas_src>

<mosaic_0001>
#map = affine_map<(d0, d1) -> (0, 0)>
#map1 = affine_map<(d0, d1) -> (0)>
module attributes {stable_mosaic.version = 14 : i64} {
  func.func @_deg(%arg0: i32, %arg1: i32, %arg2: memref<32x10000xi32, #tpu.memory_space<hbm>>, %arg3: memref<10240xf32, #tpu.memory_space<hbm>>, %arg4: memref<32x10240xf32, #tpu.memory_space<hbm>>, %arg5: memref<10000xi32, #tpu.memory_space<vmem>>, %arg6: memref<10240xf32, #tpu.memory_space<vmem>>) attributes {dimension_semantics = [#tpu.dimension_semantics<core_parallel>, #tpu.dimension_semantics<subcore_parallel>], iteration_bounds = array<i64: 2, 16>, scalar_prefetch = 0 : i64, scratch_operands = 2 : i64, tpu.core_type = #tpu.core_type<sc_vector_subcore>, window_params = [{transform_indices = #map}, {transform_indices = #map1}, {transform_indices = #map}]} {
    %mul3A = arith.constant 2 : i32
    %mul3A_0 = arith.muli %arg1, %mul3A : i32
    %add3A = arith.addi %mul3A_0, %arg0 : i32
    "tpu.region"() ({
      %run_scoped3A = tpu.sem_alloc : memref<!tpu.dma_semaphore, #tpu.memory_space<semaphore_mem>>
      %dma_start3A = arith.constant 0 : i32
      %dma_start3A_7 = tpu.memref_slice %arg3[%dma_start3A] : memref<10240xf32, #tpu.memory_space<hbm>> -> memref<10240xf32, #tpu.memory_space<hbm>>
      %dma_start3A_8 = arith.constant 0 : i32
      %dma_start3A_9 = tpu.memref_slice %arg3[%dma_start3A_8] : memref<10240xf32, #tpu.memory_space<hbm>> -> memref<10240xf32, #tpu.memory_space<hbm>>
      tpu.enqueue_dma source(%dma_start3A_9 : memref<10240xf32, #tpu.memory_space<hbm>>) target(%arg6 : memref<10240xf32, #tpu.memory_space<vmem>>) target_semaphore(%run_scoped3A : memref<!tpu.dma_semaphore, #tpu.memory_space<semaphore_mem>>)
      %dma_wait3A = arith.constant 0 : i32
      %dma_wait3A_10 = tpu.memref_slice %arg3[%dma_wait3A] : memref<10240xf32, #tpu.memory_space<hbm>> -> memref<10240xf32, #tpu.memory_space<hbm>>
      %dma_wait3A_11 = arith.constant 0 : i32
      %dma_wait3A_12 = tpu.memref_slice %arg3[%dma_wait3A_11] : memref<10240xf32, #tpu.memory_space<hbm>> -> memref<10240xf32, #tpu.memory_space<hbm>>
      tpu.wait_dma2 semaphore(%run_scoped3A : memref<!tpu.dma_semaphore, #tpu.memory_space<semaphore_mem>>) src(%dma_wait3A_12 : memref<10240xf32, #tpu.memory_space<hbm>>) dst(%arg6 : memref<10240xf32, #tpu.memory_space<vmem>>)
      tpu.yield
    }) : () -> ()
    "tpu.region"() ({
      %run_scoped3A = tpu.sem_alloc : memref<!tpu.dma_semaphore, #tpu.memory_space<semaphore_mem>>
      %dma_start3A = arith.constant 0 : i32
      %dma_start3A_7 = tpu.memref_slice %arg2[%add3A, %dma_start3A] : memref<32x10000xi32, #tpu.memory_space<hbm>> -> memref<1x10000xi32, #tpu.memory_space<hbm>>
      %dma_start3A_8 = tpu.memref_squeeze %dma_start3A_7 : memref<1x10000xi32, #tpu.memory_space<hbm>> -> memref<10000xi32, #tpu.memory_space<hbm>>
      %dma_start3A_9 = arith.constant 0 : i32
      %dma_start3A_10 = tpu.memref_slice %arg2[%add3A, %dma_start3A_9] : memref<32x10000xi32, #tpu.memory_space<hbm>> -> memref<1x10000xi32, #tpu.memory_space<hbm>>
      %dma_start3A_11 = tpu.memref_squeeze %dma_start3A_10 : memref<1x10000xi32, #tpu.memory_space<hbm>> -> memref<10000xi32, #tpu.memory_space<hbm>>
      tpu.enqueue_dma source(%dma_start3A_11 : memref<10000xi32, #tpu.memory_space<hbm>>) target(%arg5 : memref<10000xi32, #tpu.memory_space<vmem>>) target_semaphore(%run_scoped3A : memref<!tpu.dma_semaphore, #tpu.memory_space<semaphore_mem>>)
      %dma_wait3A = arith.constant 0 : i32
      %dma_wait3A_12 = tpu.memref_slice %arg2[%add3A, %dma_wait3A] : memref<32x10000xi32, #tpu.memory_space<hbm>> -> memref<1x10000xi32, #tpu.memory_space<hbm>>
      %dma_wait3A_13 = tpu.memref_squeeze %dma_wait3A_12 : memref<1x10000xi32, #tpu.memory_space<hbm>> -> memref<10000xi32, #tpu.memory_space<hbm>>
      %dma_wait3A_14 = arith.constant 0 : i32
      %dma_wait3A_15 = tpu.memref_slice %arg2[%add3A, %dma_wait3A_14] : memref<32x10000xi32, #tpu.memory_space<hbm>> -> memref<1x10000xi32, #tpu.memory_space<hbm>>
      %dma_wait3A_16 = tpu.memref_squeeze %dma_wait3A_15 : memref<1x10000xi32, #tpu.memory_space<hbm>> -> memref<10000xi32, #tpu.memory_space<hbm>>
      tpu.wait_dma2 semaphore(%run_scoped3A : memref<!tpu.dma_semaphore, #tpu.memory_space<semaphore_mem>>) src(%dma_wait3A_16 : memref<10000xi32, #tpu.memory_space<hbm>>) dst(%arg5 : memref<10000xi32, #tpu.memory_space<vmem>>)
      tpu.yield
    }) : () -> ()
    %broadcast_in_dim3A = arith.constant 1.000000e+00 : f32
    %broadcast_in_dim3A_1 = vector.broadcast %broadcast_in_dim3A : f32 to vector<16xf32>
    %scan3A = arith.constant 0 : i32
    %scan3A_2 = arith.constant 0 : i32
    %scan3A_3 = arith.constant 625 : i32
    %scan3A_4 = arith.addi %scan3A_2, %scan3A_3 : i32
    %scan3A_5 = arith.constant 1 : i32
    scf.for %scan3A_7 = %scan3A_2 to %scan3A_4 step %scan3A_5  : i32 {
      %mul3A_8 = arith.constant 16 : i32
      %mul3A_9 = arith.muli %scan3A_7, %mul3A_8 : i32
      %get3A = arith.index_cast %mul3A_9 : i32 to index
      %get3A_10 = tpu.vector_load %arg5[%get3A] {strides = array<i32>} : memref<10000xi32, #tpu.memory_space<vmem>>, vector<16xi32>,
      tpu.vector_store_idx %arg6[%get3A_10], %broadcast_in_dim3A_1 {add = true} : memref<10240xf32, #tpu.memory_space<vmem>>[vector<16xi32>], vector<16xf32>,
    }
    %scan3A_6 = arith.constant 625 : i32
    "tpu.region"() ({
      %run_scoped3A = tpu.sem_alloc : memref<!tpu.dma_semaphore, #tpu.memory_space<semaphore_mem>>
      %dma_start3A = arith.constant 0 : i32
      %dma_start3A_7 = tpu.memref_slice %arg4[%add3A, %dma_start3A] : memref<32x10240xf32, #tpu.memory_space<hbm>> -> memref<1x10240xf32, #tpu.memory_space<hbm>>
      %dma_start3A_8 = tpu.memref_squeeze %dma_start3A_7 : memref<1x10240xf32, #tpu.memory_space<hbm>> -> memref<10240xf32, #tpu.memory_space<hbm>>
      %dma_start3A_9 = arith.constant 0 : i32
      %dma_start3A_10 = tpu.memref_slice %arg4[%add3A, %dma_start3A_9] : memref<32x10240xf32, #tpu.memory_space<hbm>> -> memref<1x10240xf32, #tpu.memory_space<hbm>>
      %dma_start3A_11 = tpu.memref_squeeze %dma_start3A_10 : memref<1x10240xf32, #tpu.memory_space<hbm>> -> memref<10240xf32, #tpu.memory_space<hbm>>
      tpu.enqueue_dma source(%arg6 : memref<10240xf32, #tpu.memory_space<vmem>>) target(%dma_start3A_11 : memref<10240xf32, #tpu.memory_space<hbm>>) target_semaphore(%run_scoped3A : memref<!tpu.dma_semaphore, #tpu.memory_space<semaphore_mem>>)
      %dma_wait3A = arith.constant 0 : i32
      %dma_wait3A_12 = tpu.memref_slice %arg4[%add3A, %dma_wait3A] : memref<32x10240xf32, #tpu.memory_space<hbm>> -> memref<1x10240xf32, #tpu.memory_space<hbm>>
      %dma_wait3A_13 = tpu.memref_squeeze %dma_wait3A_12 : memref<1x10240xf32, #tpu.memory_space<hbm>> -> memref<10240xf32, #tpu.memory_space<hbm>>
      %dma_wait3A_14 = arith.constant 0 : i32
      %dma_wait3A_15 = tpu.memref_slice %arg4[%add3A, %dma_wait3A_14] : memref<32x10240xf32, #tpu.memory_space<hbm>> -> memref<1x10240xf32, #tpu.memory_space<hbm>>
      %dma_wait3A_16 = tpu.memref_squeeze %dma_wait3A_15 : memref<1x10240xf32, #tpu.memory_space<hbm>> -> memref<10240xf32, #tpu.memory_space<hbm>>
      tpu.wait_dma2 semaphore(%run_scoped3A : memref<!tpu.dma_semaphore, #tpu.memory_space<semaphore_mem>>) src(%arg6 : memref<10240xf32, #tpu.memory_space<vmem>>) dst(%dma_wait3A_16 : memref<10240xf32, #tpu.memory_space<hbm>>)
      tpu.yield
    }) : () -> ()
    return
  }
}

#map = affine_map<(d0, d1) -> (0, 0, 0)>
#map1 = affine_map<(d0, d1) -> (0, 0)>
module attributes {stable_mosaic.version = 14 : i64} {
  func.func @_prop(%arg0: i32, %arg1: i32, %arg2: memref<32x125x80xi32, #tpu.memory_space<hbm>>, %arg3: memref<32x125x80xi32, #tpu.memory_space<hbm>>, %arg4: memref<10240x16xf32, #tpu.memory_space<hbm>>, %arg5: memref<10240x16xf32, #tpu.memory_space<hbm>>, %arg6: memref<2x10240x16xf32, #tpu.memory_space<hbm>>, %arg7: memref<125x80xi32, #tpu.memory_space<vmem>>, %arg8: memref<125x80xi32, #tpu.memory_space<vmem>>, %arg9: memref<10x80x16xf32, #tpu.memory_space<vmem>>, %arg10: memref<10240x16xf32, #tpu.memory_space<vmem_shared>>, %arg11: memref<10240x16xf32, #tpu.memory_space<vmem_shared>>, %arg12: memref<!tpu.dma_semaphore, #tpu.memory_space<semaphore_mem>>, %arg13: memref<!tpu.dma_semaphore, #tpu.memory_space<semaphore_mem>>, %arg14: memref<!tpu.dma_semaphore, #tpu.memory_space<semaphore_mem>>, %arg15: memref<!tpu.dma_semaphore, #tpu.memory_space<semaphore_mem>>, %arg16: memref<!tpu.dma_semaphore, #tpu.memory_space<semaphore_mem>>, %arg17: memref<!tpu.dma_semaphore, #tpu.memory_space<semaphore_mem>>, %arg18: memref<!tpu.dma_semaphore, #tpu.memory_space<semaphore_mem>>, %arg19: memref<!tpu.dma_semaphore, #tpu.memory_space<semaphore_mem>>, %arg20: memref<!tpu.dma_semaphore, #tpu.memory_space<semaphore_mem>>, %arg21: memref<!tpu.dma_semaphore, #tpu.memory_space<semaphore_mem>>, %arg22: memref<!tpu.dma_semaphore, #tpu.memory_space<semaphore_mem>>, %arg23: memref<!tpu.dma_semaphore, #tpu.memory_space<semaphore_mem>>, %arg24: memref<!tpu.dma_semaphore, #tpu.memory_space<semaphore_mem>>, %arg25: memref<!tpu.dma_semaphore, #tpu.memory_space<semaphore_mem>>, %arg26: memref<!tpu.dma_semaphore, #tpu.memory_space<semaphore_mem>>, %arg27: memref<!tpu.dma_semaphore, #tpu.memory_space<semaphore_mem>>, %arg28: memref<!tpu.dma_semaphore, #tpu.memory_space<semaphore_mem>>, %arg29: memref<!tpu.dma_semaphore, #tpu.memory_space<semaphore_mem>>, %arg30: memref<!tpu.dma_semaphore, #tpu.memory_space<semaphore_mem>>, %arg31: memref<!tpu.dma_semaphore, #tpu.memory_space<semaphore_mem>>) attributes {dimension_semantics = [#tpu.dimension_semantics<core_parallel>, #tpu.dimension_semantics<subcore_parallel>], iteration_bounds = array<i64: 2, 16>, scalar_prefetch = 0 : i64, scratch_operands = 25 : i64, tpu.core_type = #tpu.core_type<sc_vector_subcore>, window_params = [{transform_indices = #map}, {transform_indices = #map}, {transform_indices = #map1}, {transform_indices = #map1}, {transform_indices = #map}]} {
    %mul3A = arith.constant 2 : i32
    %mul3A_0 = arith.muli %arg1, %mul3A : i32
    %add3A = arith.addi %mul3A_0, %arg0 : i32
    %mul3A_1 = arith.constant 640 : i32
    %mul3A_2 = arith.muli %arg1, %mul3A_1 : i32
    %mul3A_3 = arith.constant 640 : i32
    %mul3A_4 = arith.muli %arg1, %mul3A_3 : i32
    "tpu.region"() ({
      %run_scoped3A = tpu.sem_alloc : memref<!tpu.dma_semaphore, #tpu.memory_space<semaphore_mem>>
      %dma_start3A_737 = arith.constant 0 : i32
      %dma_start3A_738 = tpu.memref_slice %arg10[%mul3A_4, %dma_start3A_737] : memref<10240x16xf32, #tpu.memory_space<vmem_shared>> -> memref<640x16xf32, #tpu.memory_space<vmem_shared>>
      %dma_start3A_739 = arith.constant 0 : i32
      %dma_start3A_740 = tpu.memref_slice %arg5[%mul3A_2, %dma_start3A_739] : memref<10240x16xf32, #tpu.memory_space<hbm>> -> memref<640x16xf32, #tpu.memory_space<hbm>>
      tpu.enqueue_dma source(%dma_start3A_740 : memref<640x16xf32, #tpu.memory_space<hbm>>) target(%dma_start3A_738 : memref<640x16xf32, #tpu.memory_space<vmem_shared>>) target_semaphore(%run_scoped3A : memref<!tpu.dma_semaphore, #tpu.memory_space<semaphore_mem>>)
      %dma_wait3A_741 = arith.constant 0 : i32
      %dma_wait3A_742 = tpu.memref_slice %arg10[%mul3A_4, %dma_wait3A_741] : memref<10240x16xf32, #tpu.memory_space<vmem_shared>> -> memref<640x16xf32, #tpu.memory_space<vmem_shared>>
      %dma_wait3A_743 = arith.constant 0 : i32
      %dma_wait3A_744 = tpu.memref_slice %arg5[%mul3A_2, %dma_wait3A_743] : memref<10240x16xf32, #tpu.memory_space<hbm>> -> memref<640x16xf32, #tpu.memory_space<hbm>>
      tpu.wait_dma2 semaphore(%run_scoped3A : memref<!tpu.dma_semaphore, #tpu.memory_space<semaphore_mem>>) src(%dma_wait3A_744 : memref<640x16xf32, #tpu.memory_space<hbm>>) dst(%dma_wait3A_742 : memref<640x16xf32, #tpu.memory_space<vmem_shared>>)
      tpu.yield
    }) : () -> ()
    %mul3A_5 = arith.constant 640 : i32
    %mul3A_6 = arith.muli %arg1, %mul3A_5 : i32
    %mul3A_7 = arith.constant 640 : i32
    %mul3A_8 = arith.muli %arg1, %mul3A_7 : i32
    "tpu.region"() ({
      %run_scoped3A = tpu.sem_alloc : memref<!tpu.dma_semaphore, #tpu.memory_space<semaphore_mem>>
      %dma_start3A_737 = arith.constant 0 : i32
      %dma_start3A_738 = tpu.memref_slice %arg11[%mul3A_8, %dma_start3A_737] : memref<10240x16xf32, #tpu.memory_space<vmem_shared>> -> memref<640x16xf32, #tpu.memory_space<vmem_shared>>
      %dma_start3A_739 = arith.constant 0 : i32
      %dma_start3A_740 = tpu.memref_slice %arg4[%mul3A_6, %dma_start3A_739] : memref<10240x16xf32, #tpu.memory_space<hbm>> -> memref<640x16xf32, #tpu.memory_space<hbm>>
      tpu.enqueue_dma source(%dma_start3A_740 : memref<640x16xf32, #tpu.memory_space<hbm>>) target(%dma_start3A_738 : memref<640x16xf32, #tpu.memory_space<vmem_shared>>) target_semaphore(%run_scoped3A : memref<!tpu.dma_semaphore, #tpu.memory_space<semaphore_mem>>)
      %dma_wait3A_741 = arith.constant 0 : i32
      %dma_wait3A_742 = tpu.memref_slice %arg11[%mul3A_8, %dma_wait3A_741] : memref<10240x16xf32, #tpu.memory_space<vmem_shared>> -> memref<640x16xf32, #tpu.memory_space<vmem_shared>>
      %dma_wait3A_743 = arith.constant 0 : i32
      %dma_wait3A_744 = tpu.memref_slice %arg4[%mul3A_6, %dma_wait3A_743] : memref<10240x16xf32, #tpu.memory_space<hbm>> -> memref<640x16xf32, #tpu.memory_space<hbm>>
      tpu.wait_dma2 semaphore(%run_scoped3A : memref<!tpu.dma_semaphore, #tpu.memory_space<semaphore_mem>>) src(%dma_wait3A_744 : memref<640x16xf32, #tpu.memory_space<hbm>>) dst(%dma_wait3A_742 : memref<640x16xf32, #tpu.memory_space<vmem_shared>>)
      tpu.yield
    }) : () -> ()
    "tpu.region"() ({
      %run_scoped3A = tpu.sem_alloc : memref<!tpu.dma_semaphore, #tpu.memory_space<semaphore_mem>>
      %dma_start3A_737 = arith.constant 0 : i32
      %dma_start3A_738 = arith.constant 0 : i32
      %dma_start3A_739 = tpu.memref_slice %arg2[%add3A, %dma_start3A_737, %dma_start3A_738] : memref<32x125x80xi32, #tpu.memory_space<hbm>> -> memref<1x125x80xi32, #tpu.memory_space<hbm>>
      %dma_start3A_740 = tpu.memref_squeeze %dma_start3A_739 : memref<1x125x80xi32, #tpu.memory_space<hbm>> -> memref<125x80xi32, #tpu.memory_space<hbm>>
      %dma_start3A_741 = arith.constant 0 : i32
      %dma_start3A_742 = arith.constant 0 : i32
      %dma_start3A_743 = tpu.memref_slice %arg2[%add3A, %dma_start3A_741, %dma_start3A_742] : memref<32x125x80xi32, #tpu.memory_space<hbm>> -> memref<1x125x80xi32, #tpu.memory_space<hbm>>
      %dma_start3A_744 = tpu.memref_squeeze %dma_start3A_743 : memref<1x125x80xi32, #tpu.memory_space<hbm>> -> memref<125x80xi32, #tpu.memory_space<hbm>>
      tpu.enqueue_dma source(%dma_start3A_744 : memref<125x80xi32, #tpu.memory_space<hbm>>) target(%arg7 : memref<125x80xi32, #tpu.memory_space<vmem>>) target_semaphore(%run_scoped3A : memref<!tpu.dma_semaphore, #tpu.memory_space<semaphore_mem>>)
      %dma_wait3A_745 = arith.constant 0 : i32
      %dma_wait3A_746 = arith.constant 0 : i32
      %dma_wait3A_747 = tpu.memref_slice %arg2[%add3A, %dma_wait3A_745, %dma_wait3A_746] : memref<32x125x80xi32, #tpu.memory_space<hbm>> -> memref<1x125x80xi32, #tpu.memory_space<hbm>>
      %dma_wait3A_748 = tpu.memref_squeeze %dma_wait3A_747 : memref<1x125x80xi32, #tpu.memory_space<hbm>> -> memref<125x80xi32, #tpu.memory_space<hbm>>
      %dma_wait3A_749 = arith.constant 0 : i32
      %dma_wait3A_750 = arith.constant 0 : i32
      %dma_wait3A_751 = tpu.memref_slice %arg2[%add3A, %dma_wait3A_749, %dma_wait3A_750] : memref<32x125x80xi32, #tpu.memory_space<hbm>> -> memref<1x125x80xi32, #tpu.memory_space<hbm>>
      %dma_wait3A_752 = tpu.memref_squeeze %dma_wait3A_751 : memref<1x125x80xi32, #tpu.memory_space<hbm>> -> memref<125x80xi32, #tpu.memory_space<hbm>>
      tpu.wait_dma2 semaphore(%run_scoped3A : memref<!tpu.dma_semaphore, #tpu.memory_space<semaphore_mem>>) src(%dma_wait3A_752 : memref<125x80xi32, #tpu.memory_space<hbm>>) dst(%arg7 : memref<125x80xi32, #tpu.memory_space<vmem>>)
      tpu.yield
    }) : () -> ()
    "tpu.region"() ({
      %run_scoped3A = tpu.sem_alloc : memref<!tpu.dma_semaphore, #tpu.memory_space<semaphore_mem>>
      %dma_start3A_737 = arith.constant 0 : i32
      %dma_start3A_738 = arith.constant 0 : i32
      %dma_start3A_739 = tpu.memref_slice %arg3[%add3A, %dma_start3A_737, %dma_start3A_738] : memref<32x125x80xi32, #tpu.memory_space<hbm>> -> memref<1x125x80xi32, #tpu.memory_space<hbm>>
      %dma_start3A_740 = tpu.memref_squeeze %dma_start3A_739 : memref<1x125x80xi32, #tpu.memory_space<hbm>> -> memref<125x80xi32, #tpu.memory_space<hbm>>
      %dma_start3A_741 = arith.constant 0 : i32
      %dma_start3A_742 = arith.constant 0 : i32
      %dma_start3A_743 = tpu.memref_slice %arg3[%add3A, %dma_start3A_741, %dma_start3A_742] : memref<32x125x80xi32, #tpu.memory_space<hbm>> -> memref<1x125x80xi32, #tpu.memory_space<hbm>>
      %dma_start3A_744 = tpu.memref_squeeze %dma_start3A_743 : memref<1x125x80xi32, #tpu.memory_space<hbm>> -> memref<125x80xi32, #tpu.memory_space<hbm>>
      tpu.enqueue_dma source(%dma_start3A_744 : memref<125x80xi32, #tpu.memory_space<hbm>>) target(%arg8 : memref<125x80xi32, #tpu.memory_space<vmem>>) target_semaphore(%run_scoped3A : memref<!tpu.dma_semaphore, #tpu.memory_space<semaphore_mem>>)
      %dma_wait3A_745 = arith.constant 0 : i32
      %dma_wait3A_746 = arith.constant 0 : i32
      %dma_wait3A_747 = tpu.memref_slice %arg3[%add3A, %dma_wait3A_745, %dma_wait3A_746] : memref<32x125x80xi32, #tpu.memory_space<hbm>> -> memref<1x125x80xi32, #tpu.memory_space<hbm>>
      %dma_wait3A_748 = tpu.memref_squeeze %dma_wait3A_747 : memref<1x125x80xi32, #tpu.memory_space<hbm>> -> memref<125x80xi32, #tpu.memory_space<hbm>>
      %dma_wait3A_749 = arith.constant 0 : i32
      %dma_wait3A_750 = arith.constant 0 : i32
      %dma_wait3A_751 = tpu.memref_slice %arg3[%add3A, %dma_wait3A_749, %dma_wait3A_750] : memref<32x125x80xi32, #tpu.memory_space<hbm>> -> memref<1x125x80xi32, #tpu.memory_space<hbm>>
      %dma_wait3A_752 = tpu.memref_squeeze %dma_wait3A_751 : memref<1x125x80xi32, #tpu.memory_space<hbm>> -> memref<125x80xi32, #tpu.memory_space<hbm>>
      tpu.wait_dma2 semaphore(%run_scoped3A : memref<!tpu.dma_semaphore, #tpu.memory_space<semaphore_mem>>) src(%dma_wait3A_752 : memref<125x80xi32, #tpu.memory_space<hbm>>) dst(%arg8 : memref<125x80xi32, #tpu.memory_space<vmem>>)
      tpu.yield
    }) : () -> ()
    %barrier3A = arith.constant 0 : index
    tpu.barrier barrier_id(%barrier3A)
    %dma_start3A = arith.constant 0 : i32
    %dma_start3A_9 = arith.constant 0 : i32
    %dma_start3A_10 = arith.constant 0 : i32
    %dma_start3A_11 = arith.constant 0 : i32
    %dma_start3A_12 = tpu.memref_slice %arg9[%dma_start3A_9, %dma_start3A_10, %dma_start3A_11] : memref<10x80x16xf32, #tpu.memory_space<vmem>> -> memref<1x80x16xf32, #tpu.memory_space<vmem>>
    %dma_start3A_13 = tpu.memref_squeeze %dma_start3A_12 : memref<1x80x16xf32, #tpu.memory_space<vmem>> -> memref<80x16xf32, #tpu.memory_space<vmem>>
    %dma_start3A_14 = arith.constant 0 : i32
    %dma_start3A_15 = tpu.memref_slice %arg7[%dma_start3A, %dma_start3A_14] : memref<125x80xi32, #tpu.memory_space<vmem>> -> memref<1x80xi32, #tpu.memory_space<vmem>>
    %dma_start3A_16 = tpu.memref_squeeze %dma_start3A_15 : memref<1x80xi32, #tpu.memory_space<vmem>> -> memref<80xi32, #tpu.memory_space<vmem>>
    %dma_start3A_17 = arith.constant 0 : i32
    %dma_start3A_18 = arith.constant 0 : i32
    %dma_start3A_19 = tpu.memref_slice %arg11[%dma_start3A_17, %dma_start3A_18] : memref<10240x16xf32, #tpu.memory_space<vmem_shared>> -> memref<10240x16xf32, #tpu.memory_space<vmem_shared>>
    tpu.enqueue_indirect_dma source(%dma_start3A_19 : memref<10240x16xf32, #tpu.memory_space<vmem_shared>>) target(%dma_start3A_13 : memref<80x16xf32, #tpu.memory_space<vmem>>) offsets(%dma_start3A_16 : memref<80xi32, #tpu.memory_space<vmem>>) semaphore(%arg12 : memref<!tpu.dma_semaphore, #tpu.memory_space<semaphore_mem>>)
    %dma_start3A_20 = arith.constant 1 : i32
    %dma_start3A_21 = arith.constant 1 : i32
    %dma_start3A_22 = arith.constant 0 : i32
    %dma_start3A_23 = arith.constant 0 : i32
    %dma_start3A_24 = tpu.memref_slice %arg9[%dma_start3A_21, %dma_start3A_22, %dma_start3A_23] : memref<10x80x16xf32, #tpu.memory_space<vmem>> -> memref<1x80x16xf32, #tpu.memory_space<vmem>>
    %dma_start3A_25 = tpu.memref_squeeze %dma_start3A_24 : memref<1x80x16xf32, #tpu.memory_space<vmem>> -> memref<80x16xf32, #tpu.memory_space<vmem>>
    %dma_start3A_26 = arith.constant 0 : i32
    %dma_start3A_27 = tpu.memref_slice %arg7[%dma_start3A_20, %dma_start3A_26] : memref<125x80xi32, #tpu.memory_space<vmem>> -> memref<1x80xi32, #tpu.memory_space<vmem>>
    %dma_start3A_28 = tpu.memref_squeeze %dma_start3A_27 : memref<1x80xi32, #tpu.memory_space<vmem>> -> memref<80xi32, #tpu.memory_space<vmem>>
    %dma_start3A_29 = arith.constant 0 : i32
    %dma_start3A_30 = arith.constant 0 : i32
    %dma_start3A_31 = tpu.memref_slice %arg11[%dma_start3A_29, %dma_start3A_30] : memref<10240x16xf32, #tpu.memory_space<vmem_shared>> -> memref<10240x16xf32, #tpu.memory_space<vmem_shared>>
    tpu.enqueue_indirect_dma source(%dma_start3A_31 : memref<10240x16xf32, #tpu.memory_space<vmem_shared>>) target(%dma_start3A_25 : memref<80x16xf32, #tpu.memory_space<vmem>>) offsets(%dma_start3A_28 : memref<80xi32, #tpu.memory_space<vmem>>) semaphore(%arg13 : memref<!tpu.dma_semaphore, #tpu.memory_space<semaphore_mem>>)
    %dma_start3A_32 = arith.constant 2 : i32
    %dma_start3A_33 = arith.constant 2 : i32
    %dma_start3A_34 = arith.constant 0 : i32
    %dma_start3A_35 = arith.constant 0 : i32
    %dma_start3A_36 = tpu.memref_slice %arg9[%dma_start3A_33, %dma_start3A_34, %dma_start3A_35] : memref<10x80x16xf32, #tpu.memory_space<vmem>> -> memref<1x80x16xf32, #tpu.memory_space<vmem>>
    %dma_start3A_37 = tpu.memref_squeeze %dma_start3A_36 : memref<1x80x16xf32, #tpu.memory_space<vmem>> -> memref<80x16xf32, #tpu.memory_space<vmem>>
    %dma_start3A_38 = arith.constant 0 : i32
    %dma_start3A_39 = tpu.memref_slice %arg7[%dma_start3A_32, %dma_start3A_38] : memref<125x80xi32, #tpu.memory_space<vmem>> -> memref<1x80xi32, #tpu.memory_space<vmem>>
    %dma_start3A_40 = tpu.memref_squeeze %dma_start3A_39 : memref<1x80xi32, #tpu.memory_space<vmem>> -> memref<80xi32, #tpu.memory_space<vmem>>
    %dma_start3A_41 = arith.constant 0 : i32
    %dma_start3A_42 = arith.constant 0 : i32
    %dma_start3A_43 = tpu.memref_slice %arg11[%dma_start3A_41, %dma_start3A_42] : memref<10240x16xf32, #tpu.memory_space<vmem_shared>> -> memref<10240x16xf32, #tpu.memory_space<vmem_shared>>
    tpu.enqueue_indirect_dma source(%dma_start3A_43 : memref<10240x16xf32, #tpu.memory_space<vmem_shared>>) target(%dma_start3A_37 : memref<80x16xf32, #tpu.memory_space<vmem>>) offsets(%dma_start3A_40 : memref<80xi32, #tpu.memory_space<vmem>>) semaphore(%arg14 : memref<!tpu.dma_semaphore, #tpu.memory_space<semaphore_mem>>)
    %dma_start3A_44 = arith.constant 3 : i32
    %dma_start3A_45 = arith.constant 3 : i32
    %dma_start3A_46 = arith.constant 0 : i32
    %dma_start3A_47 = arith.constant 0 : i32
    %dma_start3A_48 = tpu.memref_slice %arg9[%dma_start3A_45, %dma_start3A_46, %dma_start3A_47] : memref<10x80x16xf32, #tpu.memory_space<vmem>> -> memref<1x80x16xf32, #tpu.memory_space<vmem>>
    %dma_start3A_49 = tpu.memref_squeeze %dma_start3A_48 : memref<1x80x16xf32, #tpu.memory_space<vmem>> -> memref<80x16xf32, #tpu.memory_space<vmem>>
    %dma_start3A_50 = arith.constant 0 : i32
    %dma_start3A_51 = tpu.memref_slice %arg7[%dma_start3A_44, %dma_start3A_50] : memref<125x80xi32, #tpu.memory_space<vmem>> -> memref<1x80xi32, #tpu.memory_space<vmem>>
    %dma_start3A_52 = tpu.memref_squeeze %dma_start3A_51 : memref<1x80xi32, #tpu.memory_space<vmem>> -> memref<80xi32, #tpu.memory_space<vmem>>
    %dma_start3A_53 = arith.constant 0 : i32
    %dma_start3A_54 = arith.constant 0 : i32
    %dma_start3A_55 = tpu.memref_slice %arg11[%dma_start3A_53, %dma_start3A_54] : memref<10240x16xf32, #tpu.memory_space<vmem_shared>> -> memref<10240x16xf32, #tpu.memory_space<vmem_shared>>
    tpu.enqueue_indirect_dma source(%dma_start3A_55 : memref<10240x16xf32, #tpu.memory_space<vmem_shared>>) target(%dma_start3A_49 : memref<80x16xf32, #tpu.memory_space<vmem>>) offsets(%dma_start3A_52 : memref<80xi32, #tpu.memory_space<vmem>>) semaphore(%arg15 : memref<!tpu.dma_semaphore, #tpu.memory_space<semaphore_mem>>)
    %dma_start3A_56 = arith.constant 4 : i32
    %dma_start3A_57 = arith.constant 4 : i32
    %dma_start3A_58 = arith.constant 0 : i32
    %dma_start3A_59 = arith.constant 0 : i32
    %dma_start3A_60 = tpu.memref_slice %arg9[%dma_start3A_57, %dma_start3A_58, %dma_start3A_59] : memref<10x80x16xf32, #tpu.memory_space<vmem>> -> memref<1x80x16xf32, #tpu.memory_space<vmem>>
    %dma_start3A_61 = tpu.memref_squeeze %dma_start3A_60 : memref<1x80x16xf32, #tpu.memory_space<vmem>> -> memref<80x16xf32, #tpu.memory_space<vmem>>
    %dma_start3A_62 = arith.constant 0 : i32
    %dma_start3A_63 = tpu.memref_slice %arg7[%dma_start3A_56, %dma_start3A_62] : memref<125x80xi32, #tpu.memory_space<vmem>> -> memref<1x80xi32, #tpu.memory_space<vmem>>
    %dma_start3A_64 = tpu.memref_squeeze %dma_start3A_63 : memref<1x80xi32, #tpu.memory_space<vmem>> -> memref<80xi32, #tpu.memory_space<vmem>>
    %dma_start3A_65 = arith.constant 0 : i32
    %dma_start3A_66 = arith.constant 0 : i32
    %dma_start3A_67 = tpu.memref_slice %arg11[%dma_start3A_65, %dma_start3A_66] : memref<10240x16xf32, #tpu.memory_space<vmem_shared>> -> memref<10240x16xf32, #tpu.memory_space<vmem_shared>>
    tpu.enqueue_indirect_dma source(%dma_start3A_67 : memref<10240x16xf32, #tpu.memory_space<vmem_shared>>) target(%dma_start3A_61 : memref<80x16xf32, #tpu.memory_space<vmem>>) offsets(%dma_start3A_64 : memref<80xi32, #tpu.memory_space<vmem>>) semaphore(%arg16 : memref<!tpu.dma_semaphore, #tpu.memory_space<semaphore_mem>>)
    %dma_wait3A = arith.constant 0 : i32
    %dma_wait3A_68 = arith.constant 0 : i32
    %dma_wait3A_69 = arith.constant 0 : i32
    %dma_wait3A_70 = arith.constant 0 : i32
    %dma_wait3A_71 = tpu.memref_slice %arg9[%dma_wait3A_68, %dma_wait3A_69, %dma_wait3A_70] : memref<10x80x16xf32, #tpu.memory_space<vmem>> -> memref<1x80x16xf32, #tpu.memory_space<vmem>>
    %dma_wait3A_72 = tpu.memref_squeeze %dma_wait3A_71 : memref<1x80x16xf32, #tpu.memory_space<vmem>> -> memref<80x16xf32, #tpu.memory_space<vmem>>
    %dma_wait3A_73 = arith.constant 0 : i32
    %dma_wait3A_74 = tpu.memref_slice %arg7[%dma_wait3A, %dma_wait3A_73] : memref<125x80xi32, #tpu.memory_space<vmem>> -> memref<1x80xi32, #tpu.memory_space<vmem>>
    %dma_wait3A_75 = tpu.memref_squeeze %dma_wait3A_74 : memref<1x80xi32, #tpu.memory_space<vmem>> -> memref<80xi32, #tpu.memory_space<vmem>>
    %dma_wait3A_76 = arith.constant 0 : i32
    %dma_wait3A_77 = arith.constant 0 : i32
    %dma_wait3A_78 = tpu.memref_slice %arg11[%dma_wait3A_76, %dma_wait3A_77] : memref<10240x16xf32, #tpu.memory_space<vmem_shared>> -> memref<10240x16xf32, #tpu.memory_space<vmem_shared>>
    tpu.wait_indirect_dma semaphore(%arg12 : memref<!tpu.dma_semaphore, #tpu.memory_space<semaphore_mem>>) src(%dma_wait3A_78 : memref<10240x16xf32, #tpu.memory_space<vmem_shared>>) dst(%dma_wait3A_72 : memref<80x16xf32, #tpu.memory_space<vmem>>)
    %dma_start3A_79 = arith.constant 0 : i32
    %dma_start3A_80 = arith.constant 0 : i32
    %dma_start3A_81 = arith.constant 0 : i32
    %dma_start3A_82 = arith.constant 0 : i32
    %dma_start3A_83 = tpu.memref_slice %arg9[%dma_start3A_79, %dma_start3A_81, %dma_start3A_82] : memref<10x80x16xf32, #tpu.memory_space<vmem>> -> memref<1x80x16xf32, #tpu.memory_space<vmem>>
    %dma_start3A_84 = tpu.memref_squeeze %dma_start3A_83 : memref<1x80x16xf32, #tpu.memory_space<vmem>> -> memref<80x16xf32, #tpu.memory_space<vmem>>
    %dma_start3A_85 = arith.constant 0 : i32
    %dma_start3A_86 = tpu.memref_slice %arg8[%dma_start3A_80, %dma_start3A_85] : memref<125x80xi32, #tpu.memory_space<vmem>> -> memref<1x80xi32, #tpu.memory_space<vmem>>
    %dma_start3A_87 = tpu.memref_squeeze %dma_start3A_86 : memref<1x80xi32, #tpu.memory_space<vmem>> -> memref<80xi32, #tpu.memory_space<vmem>>
    %dma_start3A_88 = arith.constant 0 : i32
    %dma_start3A_89 = arith.constant 0 : i32
    %dma_start3A_90 = tpu.memref_slice %arg10[%dma_start3A_88, %dma_start3A_89] : memref<10240x16xf32, #tpu.memory_space<vmem_shared>> -> memref<10240x16xf32, #tpu.memory_space<vmem_shared>>
    tpu.enqueue_indirect_dma source(%dma_start3A_84 : memref<80x16xf32, #tpu.memory_space<vmem>>) target(%dma_start3A_90 : memref<10240x16xf32, #tpu.memory_space<vmem_shared>>) offsets(%dma_start3A_87 : memref<80xi32, #tpu.memory_space<vmem>>) semaphore(%arg22 : memref<!tpu.dma_semaphore, #tpu.memory_space<semaphore_mem>>) {add = true}
    %dma_start3A_91 = arith.constant 5 : i32
    %dma_start3A_92 = arith.constant 5 : i32
    %dma_start3A_93 = arith.constant 0 : i32
    %dma_start3A_94 = arith.constant 0 : i32
    %dma_start3A_95 = tpu.memref_slice %arg9[%dma_start3A_92, %dma_start3A_93, %dma_start3A_94] : memref<10x80x16xf32, #tpu.memory_space<vmem>> -> memref<1x80x16xf32, #tpu.memory_space<vmem>>
    %dma_start3A_96 = tpu.memref_squeeze %dma_start3A_95 : memref<1x80x16xf32, #tpu.memory_space<vmem>> -> memref<80x16xf32, #tpu.memory_space<vmem>>
    %dma_start3A_97 = arith.constant 0 : i32
    %dma_start3A_98 = tpu.memref_slice %arg7[%dma_start3A_91, %dma_start3A_97] : memref<125x80xi32, #tpu.memory_space<vmem>> -> memref<1x80xi32, #tpu.memory_space<vmem>>
    %dma_start3A_99 = tpu.memref_squeeze %dma_start3A_98 : memref<1x80xi32, #tpu.memory_space<vmem>> -> memref<80xi32, #tpu.memory_space<vmem>>
    %dma_start3A_100 = arith.constant 0 : i32
    %dma_start3A_101 = arith.constant 0 : i32
    %dma_start3A_102 = tpu.memref_slice %arg11[%dma_start3A_100, %dma_start3A_101] : memref<10240x16xf32, #tpu.memory_space<vmem_shared>> -> memref<10240x16xf32, #tpu.memory_space<vmem_shared>>
    tpu.enqueue_indirect_dma source(%dma_start3A_102 : memref<10240x16xf32, #tpu.memory_space<vmem_shared>>) target(%dma_start3A_96 : memref<80x16xf32, #tpu.memory_space<vmem>>) offsets(%dma_start3A_99 : memref<80xi32, #tpu.memory_space<vmem>>) semaphore(%arg17 : memref<!tpu.dma_semaphore, #tpu.memory_space<semaphore_mem>>)
    %dma_wait3A_103 = arith.constant 1 : i32
    %dma_wait3A_104 = arith.constant 1 : i32
    %dma_wait3A_105 = arith.constant 0 : i32
    %dma_wait3A_106 = arith.constant 0 : i32
    %dma_wait3A_107 = tpu.memref_slice %arg9[%dma_wait3A_104, %dma_wait3A_105, %dma_wait3A_106] : memref<10x80x16xf32, #tpu.memory_space<vmem>> -> memref<1x80x16xf32, #tpu.memory_space<vmem>>
    %dma_wait3A_108 = tpu.memref_squeeze %dma_wait3A_107 : memref<1x80x16xf32, #tpu.memory_space<vmem>> -> memref<80x16xf32, #tpu.memory_space<vmem>>
    %dma_wait3A_109 = arith.constant 0 : i32
    %dma_wait3A_110 = tpu.memref_slice %arg7[%dma_wait3A_103, %dma_wait3A_109] : memref<125x80xi32, #tpu.memory_space<vmem>> -> memref<1x80xi32, #tpu.memory_space<vmem>>
    %dma_wait3A_111 = tpu.memref_squeeze %dma_wait3A_110 : memref<1x80xi32, #tpu.memory_space<vmem>> -> memref<80xi32, #tpu.memory_space<vmem>>
    %dma_wait3A_112 = arith.constant 0 : i32
    %dma_wait3A_113 = arith.constant 0 : i32
    %dma_wait3A_114 = tpu.memref_slice %arg11[%dma_wait3A_112, %dma_wait3A_113] : memref<10240x16xf32, #tpu.memory_space<vmem_shared>> -> memref<10240x16xf32, #tpu.memory_space<vmem_shared>>
    tpu.wait_indirect_dma semaphore(%arg13 : memref<!tpu.dma_semaphore, #tpu.memory_space<semaphore_mem>>) src(%dma_wait3A_114 : memref<10240x16xf32, #tpu.memory_space<vmem_shared>>) dst(%dma_wait3A_108 : memref<80x16xf32, #tpu.memory_space<vmem>>)
    %dma_start3A_115 = arith.constant 1 : i32
    %dma_start3A_116 = arith.constant 1 : i32
    %dma_start3A_117 = arith.constant 0 : i32
    %dma_start3A_118 = arith.constant 0 : i32
    %dma_start3A_119 = tpu.memref_slice %arg9[%dma_start3A_115, %dma_start3A_117, %dma_start3A_118] : memref<10x80x16xf32, #tpu.memory_space<vmem>> -> memref<1x80x16xf32, #tpu.memory_space<vmem>>
    %dma_start3A_120 = tpu.memref_squeeze %dma_start3A_119 : memref<1x80x16xf32, #tpu.memory_space<vmem>> -> memref<80x16xf32, #tpu.memory_space<vmem>>
    %dma_start3A_121 = arith.constant 0 : i32
    %dma_start3A_122 = tpu.memref_slice %arg8[%dma_start3A_116, %dma_start3A_121] : memref<125x80xi32, #tpu.memory_space<vmem>> -> memref<1x80xi32, #tpu.memory_space<vmem>>
    %dma_start3A_123 = tpu.memref_squeeze %dma_start3A_122 : memref<1x80xi32, #tpu.memory_space<vmem>> -> memref<80xi32, #tpu.memory_space<vmem>>
    %dma_start3A_124 = arith.constant 0 : i32
    %dma_start3A_125 = arith.constant 0 : i32
    %dma_start3A_126 = tpu.memref_slice %arg10[%dma_start3A_124, %dma_start3A_125] : memref<10240x16xf32, #tpu.memory_space<vmem_shared>> -> memref<10240x16xf32, #tpu.memory_space<vmem_shared>>
    tpu.enqueue_indirect_dma source(%dma_start3A_120 : memref<80x16xf32, #tpu.memory_space<vmem>>) target(%dma_start3A_126 : memref<10240x16xf32, #tpu.memory_space<vmem_shared>>) offsets(%dma_start3A_123 : memref<80xi32, #tpu.memory_space<vmem>>) semaphore(%arg23 : memref<!tpu.dma_semaphore, #tpu.memory_space<semaphore_mem>>) {add = true}
    %dma_start3A_127 = arith.constant 6 : i32
    %dma_start3A_128 = arith.constant 6 : i32
    %dma_start3A_129 = arith.constant 0 : i32
    %dma_start3A_130 = arith.constant 0 : i32
    %dma_start3A_131 = tpu.memref_slice %arg9[%dma_start3A_128, %dma_start3A_129, %dma_start3A_130] : memref<10x80x16xf32, #tpu.memory_space<vmem>> -> memref<1x80x16xf32, #tpu.memory_space<vmem>>
    %dma_start3A_132 = tpu.memref_squeeze %dma_start3A_131 : memref<1x80x16xf32, #tpu.memory_space<vmem>> -> memref<80x16xf32, #tpu.memory_space<vmem>>
    %dma_start3A_133 = arith.constant 0 : i32
    %dma_start3A_134 = tpu.memref_slice %arg7[%dma_start3A_127, %dma_start3A_133] : memref<125x80xi32, #tpu.memory_space<vmem>> -> memref<1x80xi32, #tpu.memory_space<vmem>>
    %dma_start3A_135 = tpu.memref_squeeze %dma_start3A_134 : memref<1x80xi32, #tpu.memory_space<vmem>> -> memref<80xi32, #tpu.memory_space<vmem>>
    %dma_start3A_136 = arith.constant 0 : i32
    %dma_start3A_137 = arith.constant 0 : i32
    %dma_start3A_138 = tpu.memref_slice %arg11[%dma_start3A_136, %dma_start3A_137] : memref<10240x16xf32, #tpu.memory_space<vmem_shared>> -> memref<10240x16xf32, #tpu.memory_space<vmem_shared>>
    tpu.enqueue_indirect_dma source(%dma_start3A_138 : memref<10240x16xf32, #tpu.memory_space<vmem_shared>>) target(%dma_start3A_132 : memref<80x16xf32, #tpu.memory_space<vmem>>) offsets(%dma_start3A_135 : memref<80xi32, #tpu.memory_space<vmem>>) semaphore(%arg18 : memref<!tpu.dma_semaphore, #tpu.memory_space<semaphore_mem>>)
    %dma_wait3A_139 = arith.constant 2 : i32
    %dma_wait3A_140 = arith.constant 2 : i32
    %dma_wait3A_141 = arith.constant 0 : i32
    %dma_wait3A_142 = arith.constant 0 : i32
    %dma_wait3A_143 = tpu.memref_slice %arg9[%dma_wait3A_140, %dma_wait3A_141, %dma_wait3A_142] : memref<10x80x16xf32, #tpu.memory_space<vmem>> -> memref<1x80x16xf32, #tpu.memory_space<vmem>>
    %dma_wait3A_144 = tpu.memref_squeeze %dma_wait3A_143 : memref<1x80x16xf32, #tpu.memory_space<vmem>> -> memref<80x16xf32, #tpu.memory_space<vmem>>
    %dma_wait3A_145 = arith.constant 0 : i32
    %dma_wait3A_146 = tpu.memref_slice %arg7[%dma_wait3A_139, %dma_wait3A_145] : memref<125x80xi32, #tpu.memory_space<vmem>> -> memref<1x80xi32, #tpu.memory_space<vmem>>
    %dma_wait3A_147 = tpu.memref_squeeze %dma_wait3A_146 : memref<1x80xi32, #tpu.memory_space<vmem>> -> memref<80xi32, #tpu.memory_space<vmem>>
    %dma_wait3A_148 = arith.constant 0 : i32
    %dma_wait3A_149 = arith.constant 0 : i32
    %dma_wait3A_150 = tpu.memref_slice %arg11[%dma_wait3A_148, %dma_wait3A_149] : memref<10240x16xf32, #tpu.memory_space<vmem_shared>> -> memref<10240x16xf32, #tpu.memory_space<vmem_shared>>
    tpu.wait_indirect_dma semaphore(%arg14 : memref<!tpu.dma_semaphore, #tpu.memory_space<semaphore_mem>>) src(%dma_wait3A_150 : memref<10240x16xf32, #tpu.memory_space<vmem_shared>>) dst(%dma_wait3A_144 : memref<80x16xf32, #tpu.memory_space<vmem>>)
    %dma_start3A_151 = arith.constant 2 : i32
    %dma_start3A_152 = arith.constant 2 : i32
    %dma_start3A_153 = arith.constant 0 : i32
    %dma_start3A_154 = arith.constant 0 : i32
    %dma_start3A_155 = tpu.memref_slice %arg9[%dma_start3A_151, %dma_start3A_153, %dma_start3A_154] : memref<10x80x16xf32, #tpu.memory_space<vmem>> -> memref<1x80x16xf32, #tpu.memory_space<vmem>>
    %dma_start3A_156 = tpu.memref_squeeze %dma_start3A_155 : memref<1x80x16xf32, #tpu.memory_space<vmem>> -> memref<80x16xf32, #tpu.memory_space<vmem>>
    %dma_start3A_157 = arith.constant 0 : i32
    %dma_start3A_158 = tpu.memref_slice %arg8[%dma_start3A_152, %dma_start3A_157] : memref<125x80xi32, #tpu.memory_space<vmem>> -> memref<1x80xi32, #tpu.memory_space<vmem>>
    %dma_start3A_159 = tpu.memref_squeeze %dma_start3A_158 : memref<1x80xi32, #tpu.memory_space<vmem>> -> memref<80xi32, #tpu.memory_space<vmem>>
    %dma_start3A_160 = arith.constant 0 : i32
    %dma_start3A_161 = arith.constant 0 : i32
    %dma_start3A_162 = tpu.memref_slice %arg10[%dma_start3A_160, %dma_start3A_161] : memref<10240x16xf32, #tpu.memory_space<vmem_shared>> -> memref<10240x16xf32, #tpu.memory_space<vmem_shared>>
    tpu.enqueue_indirect_dma source(%dma_start3A_156 : memref<80x16xf32, #tpu.memory_space<vmem>>) target(%dma_start3A_162 : memref<10240x16xf32, #tpu.memory_space<vmem_shared>>) offsets(%dma_start3A_159 : memref<80xi32, #tpu.memory_space<vmem>>) semaphore(%arg24 : memref<!tpu.dma_semaphore, #tpu.memory_space<semaphore_mem>>) {add = true}
    %dma_start3A_163 = arith.constant 7 : i32
    %dma_start3A_164 = arith.constant 7 : i32
    %dma_start3A_165 = arith.constant 0 : i32
    %dma_start3A_166 = arith.constant 0 : i32
    %dma_start3A_167 = tpu.memref_slice %arg9[%dma_start3A_164, %dma_start3A_165, %dma_start3A_166] : memref<10x80x16xf32, #tpu.memory_space<vmem>> -> memref<1x80x16xf32, #tpu.memory_space<vmem>>
    %dma_start3A_168 = tpu.memref_squeeze %dma_start3A_167 : memref<1x80x16xf32, #tpu.memory_space<vmem>> -> memref<80x16xf32, #tpu.memory_space<vmem>>
    %dma_start3A_169 = arith.constant 0 : i32
    %dma_start3A_170 = tpu.memref_slice %arg7[%dma_start3A_163, %dma_start3A_169] : memref<125x80xi32, #tpu.memory_space<vmem>> -> memref<1x80xi32, #tpu.memory_space<vmem>>
    %dma_start3A_171 = tpu.memref_squeeze %dma_start3A_170 : memref<1x80xi32, #tpu.memory_space<vmem>> -> memref<80xi32, #tpu.memory_space<vmem>>
    %dma_start3A_172 = arith.constant 0 : i32
    %dma_start3A_173 = arith.constant 0 : i32
    %dma_start3A_174 = tpu.memref_slice %arg11[%dma_start3A_172, %dma_start3A_173] : memref<10240x16xf32, #tpu.memory_space<vmem_shared>> -> memref<10240x16xf32, #tpu.memory_space<vmem_shared>>
    tpu.enqueue_indirect_dma source(%dma_start3A_174 : memref<10240x16xf32, #tpu.memory_space<vmem_shared>>) target(%dma_start3A_168 : memref<80x16xf32, #tpu.memory_space<vmem>>) offsets(%dma_start3A_171 : memref<80xi32, #tpu.memory_space<vmem>>) semaphore(%arg19 : memref<!tpu.dma_semaphore, #tpu.memory_space<semaphore_mem>>)
    %dma_wait3A_175 = arith.constant 3 : i32
    %dma_wait3A_176 = arith.constant 3 : i32
    %dma_wait3A_177 = arith.constant 0 : i32
    %dma_wait3A_178 = arith.constant 0 : i32
    %dma_wait3A_179 = tpu.memref_slice %arg9[%dma_wait3A_176, %dma_wait3A_177, %dma_wait3A_178] : memref<10x80x16xf32, #tpu.memory_space<vmem>> -> memref<1x80x16xf32, #tpu.memory_space<vmem>>
    %dma_wait3A_180 = tpu.memref_squeeze %dma_wait3A_179 : memref<1x80x16xf32, #tpu.memory_space<vmem>> -> memref<80x16xf32, #tpu.memory_space<vmem>>
    %dma_wait3A_181 = arith.constant 0 : i32
    %dma_wait3A_182 = tpu.memref_slice %arg7[%dma_wait3A_175, %dma_wait3A_181] : memref<125x80xi32, #tpu.memory_space<vmem>> -> memref<1x80xi32, #tpu.memory_space<vmem>>
    %dma_wait3A_183 = tpu.memref_squeeze %dma_wait3A_182 : memref<1x80xi32, #tpu.memory_space<vmem>> -> memref<80xi32, #tpu.memory_space<vmem>>
    %dma_wait3A_184 = arith.constant 0 : i32
    %dma_wait3A_185 = arith.constant 0 : i32
    %dma_wait3A_186 = tpu.memref_slice %arg11[%dma_wait3A_184, %dma_wait3A_185] : memref<10240x16xf32, #tpu.memory_space<vmem_shared>> -> memref<10240x16xf32, #tpu.memory_space<vmem_shared>>
    tpu.wait_indirect_dma semaphore(%arg15 : memref<!tpu.dma_semaphore, #tpu.memory_space<semaphore_mem>>) src(%dma_wait3A_186 : memref<10240x16xf32, #tpu.memory_space<vmem_shared>>) dst(%dma_wait3A_180 : memref<80x16xf32, #tpu.memory_space<vmem>>)
    %dma_start3A_187 = arith.constant 3 : i32
    %dma_start3A_188 = arith.constant 3 : i32
    %dma_start3A_189 = arith.constant 0 : i32
    %dma_start3A_190 = arith.constant 0 : i32
    %dma_start3A_191 = tpu.memref_slice %arg9[%dma_start3A_187, %dma_start3A_189, %dma_start3A_190] : memref<10x80x16xf32, #tpu.memory_space<vmem>> -> memref<1x80x16xf32, #tpu.memory_space<vmem>>
    %dma_start3A_192 = tpu.memref_squeeze %dma_start3A_191 : memref<1x80x16xf32, #tpu.memory_space<vmem>> -> memref<80x16xf32, #tpu.memory_space<vmem>>
    %dma_start3A_193 = arith.constant 0 : i32
    %dma_start3A_194 = tpu.memref_slice %arg8[%dma_start3A_188, %dma_start3A_193] : memref<125x80xi32, #tpu.memory_space<vmem>> -> memref<1x80xi32, #tpu.memory_space<vmem>>
    %dma_start3A_195 = tpu.memref_squeeze %dma_start3A_194 : memref<1x80xi32, #tpu.memory_space<vmem>> -> memref<80xi32, #tpu.memory_space<vmem>>
    %dma_start3A_196 = arith.constant 0 : i32
    %dma_start3A_197 = arith.constant 0 : i32
    %dma_start3A_198 = tpu.memref_slice %arg10[%dma_start3A_196, %dma_start3A_197] : memref<10240x16xf32, #tpu.memory_space<vmem_shared>> -> memref<10240x16xf32, #tpu.memory_space<vmem_shared>>
    tpu.enqueue_indirect_dma source(%dma_start3A_192 : memref<80x16xf32, #tpu.memory_space<vmem>>) target(%dma_start3A_198 : memref<10240x16xf32, #tpu.memory_space<vmem_shared>>) offsets(%dma_start3A_195 : memref<80xi32, #tpu.memory_space<vmem>>) semaphore(%arg25 : memref<!tpu.dma_semaphore, #tpu.memory_space<semaphore_mem>>) {add = true}
    %dma_start3A_199 = arith.constant 8 : i32
    %dma_start3A_200 = arith.constant 8 : i32
    %dma_start3A_201 = arith.constant 0 : i32
    %dma_start3A_202 = arith.constant 0 : i32
    %dma_start3A_203 = tpu.memref_slice %arg9[%dma_start3A_200, %dma_start3A_201, %dma_start3A_202] : memref<10x80x16xf32, #tpu.memory_space<vmem>> -> memref<1x80x16xf32, #tpu.memory_space<vmem>>
    %dma_start3A_204 = tpu.memref_squeeze %dma_start3A_203 : memref<1x80x16xf32, #tpu.memory_space<vmem>> -> memref<80x16xf32, #tpu.memory_space<vmem>>
    %dma_start3A_205 = arith.constant 0 : i32
    %dma_start3A_206 = tpu.memref_slice %arg7[%dma_start3A_199, %dma_start3A_205] : memref<125x80xi32, #tpu.memory_space<vmem>> -> memref<1x80xi32, #tpu.memory_space<vmem>>
    %dma_start3A_207 = tpu.memref_squeeze %dma_start3A_206 : memref<1x80xi32, #tpu.memory_space<vmem>> -> memref<80xi32, #tpu.memory_space<vmem>>
    %dma_start3A_208 = arith.constant 0 : i32
    %dma_start3A_209 = arith.constant 0 : i32
    %dma_start3A_210 = tpu.memref_slice %arg11[%dma_start3A_208, %dma_start3A_209] : memref<10240x16xf32, #tpu.memory_space<vmem_shared>> -> memref<10240x16xf32, #tpu.memory_space<vmem_shared>>
    tpu.enqueue_indirect_dma source(%dma_start3A_210 : memref<10240x16xf32, #tpu.memory_space<vmem_shared>>) target(%dma_start3A_204 : memref<80x16xf32, #tpu.memory_space<vmem>>) offsets(%dma_start3A_207 : memref<80xi32, #tpu.memory_space<vmem>>) semaphore(%arg20 : memref<!tpu.dma_semaphore, #tpu.memory_space<semaphore_mem>>)
    %dma_wait3A_211 = arith.constant 4 : i32
    %dma_wait3A_212 = arith.constant 4 : i32
    %dma_wait3A_213 = arith.constant 0 : i32
    %dma_wait3A_214 = arith.constant 0 : i32
    %dma_wait3A_215 = tpu.memref_slice %arg9[%dma_wait3A_212, %dma_wait3A_213, %dma_wait3A_214] : memref<10x80x16xf32, #tpu.memory_space<vmem>> -> memref<1x80x16xf32, #tpu.memory_space<vmem>>
    %dma_wait3A_216 = tpu.memref_squeeze %dma_wait3A_215 : memref<1x80x16xf32, #tpu.memory_space<vmem>> -> memref<80x16xf32, #tpu.memory_space<vmem>>
    %dma_wait3A_217 = arith.constant 0 : i32
    %dma_wait3A_218 = tpu.memref_slice %arg7[%dma_wait3A_211, %dma_wait3A_217] : memref<125x80xi32, #tpu.memory_space<vmem>> -> memref<1x80xi32, #tpu.memory_space<vmem>>
    %dma_wait3A_219 = tpu.memref_squeeze %dma_wait3A_218 : memref<1x80xi32, #tpu.memory_space<vmem>> -> memref<80xi32, #tpu.memory_space<vmem>>
    %dma_wait3A_220 = arith.constant 0 : i32
    %dma_wait3A_221 = arith.constant 0 : i32
    %dma_wait3A_222 = tpu.memref_slice %arg11[%dma_wait3A_220, %dma_wait3A_221] : memref<10240x16xf32, #tpu.memory_space<vmem_shared>> -> memref<10240x16xf32, #tpu.memory_space<vmem_shared>>
    tpu.wait_indirect_dma semaphore(%arg16 : memref<!tpu.dma_semaphore, #tpu.memory_space<semaphore_mem>>) src(%dma_wait3A_222 : memref<10240x16xf32, #tpu.memory_space<vmem_shared>>) dst(%dma_wait3A_216 : memref<80x16xf32, #tpu.memory_space<vmem>>)
    %dma_start3A_223 = arith.constant 4 : i32
    %dma_start3A_224 = arith.constant 4 : i32
    %dma_start3A_225 = arith.constant 0 : i32
    %dma_start3A_226 = arith.constant 0 : i32
    %dma_start3A_227 = tpu.memref_slice %arg9[%dma_start3A_223, %dma_start3A_225, %dma_start3A_226] : memref<10x80x16xf32, #tpu.memory_space<vmem>> -> memref<1x80x16xf32, #tpu.memory_space<vmem>>
    %dma_start3A_228 = tpu.memref_squeeze %dma_start3A_227 : memref<1x80x16xf32, #tpu.memory_space<vmem>> -> memref<80x16xf32, #tpu.memory_space<vmem>>
    %dma_start3A_229 = arith.constant 0 : i32
    %dma_start3A_230 = tpu.memref_slice %arg8[%dma_start3A_224, %dma_start3A_229] : memref<125x80xi32, #tpu.memory_space<vmem>> -> memref<1x80xi32, #tpu.memory_space<vmem>>
    %dma_start3A_231 = tpu.memref_squeeze %dma_start3A_230 : memref<1x80xi32, #tpu.memory_space<vmem>> -> memref<80xi32, #tpu.memory_space<vmem>>
    %dma_start3A_232 = arith.constant 0 : i32
    %dma_start3A_233 = arith.constant 0 : i32
    %dma_start3A_234 = tpu.memref_slice %arg10[%dma_start3A_232, %dma_start3A_233] : memref<10240x16xf32, #tpu.memory_space<vmem_shared>> -> memref<10240x16xf32, #tpu.memory_space<vmem_shared>>
    tpu.enqueue_indirect_dma source(%dma_start3A_228 : memref<80x16xf32, #tpu.memory_space<vmem>>) target(%dma_start3A_234 : memref<10240x16xf32, #tpu.memory_space<vmem_shared>>) offsets(%dma_start3A_231 : memref<80xi32, #tpu.memory_space<vmem>>) semaphore(%arg26 : memref<!tpu.dma_semaphore, #tpu.memory_space<semaphore_mem>>) {add = true}
    %dma_start3A_235 = arith.constant 9 : i32
    %dma_start3A_236 = arith.constant 9 : i32
    %dma_start3A_237 = arith.constant 0 : i32
    %dma_start3A_238 = arith.constant 0 : i32
    %dma_start3A_239 = tpu.memref_slice %arg9[%dma_start3A_236, %dma_start3A_237, %dma_start3A_238] : memref<10x80x16xf32, #tpu.memory_space<vmem>> -> memref<1x80x16xf32, #tpu.memory_space<vmem>>
    %dma_start3A_240 = tpu.memref_squeeze %dma_start3A_239 : memref<1x80x16xf32, #tpu.memory_space<vmem>> -> memref<80x16xf32, #tpu.memory_space<vmem>>
    %dma_start3A_241 = arith.constant 0 : i32
    %dma_start3A_242 = tpu.memref_slice %arg7[%dma_start3A_235, %dma_start3A_241] : memref<125x80xi32, #tpu.memory_space<vmem>> -> memref<1x80xi32, #tpu.memory_space<vmem>>
    %dma_start3A_243 = tpu.memref_squeeze %dma_start3A_242 : memref<1x80xi32, #tpu.memory_space<vmem>> -> memref<80xi32, #tpu.memory_space<vmem>>
    %dma_start3A_244 = arith.constant 0 : i32
    %dma_start3A_245 = arith.constant 0 : i32
    %dma_start3A_246 = tpu.memref_slice %arg11[%dma_start3A_244, %dma_start3A_245] : memref<10240x16xf32, #tpu.memory_space<vmem_shared>> -> memref<10240x16xf32, #tpu.memory_space<vmem_shared>>
    tpu.enqueue_indirect_dma source(%dma_start3A_246 : memref<10240x16xf32, #tpu.memory_space<vmem_shared>>) target(%dma_start3A_240 : memref<80x16xf32, #tpu.memory_space<vmem>>) offsets(%dma_start3A_243 : memref<80xi32, #tpu.memory_space<vmem>>) semaphore(%arg21 : memref<!tpu.dma_semaphore, #tpu.memory_space<semaphore_mem>>)
    %dma_wait3A_247 = arith.constant 5 : i32
    %dma_wait3A_248 = arith.constant 5 : i32
    %dma_wait3A_249 = arith.constant 0 : i32
    %dma_wait3A_250 = arith.constant 0 : i32
    %dma_wait3A_251 = tpu.memref_slice %arg9[%dma_wait3A_248, %dma_wait3A_249, %dma_wait3A_250] : memref<10x80x16xf32, #tpu.memory_space<vmem>> -> memref<1x80x16xf32, #tpu.memory_space<vmem>>
    %dma_wait3A_252 = tpu.memref_squeeze %dma_wait3A_251 : memref<1x80x16xf32, #tpu.memory_space<vmem>> -> memref<80x16xf32, #tpu.memory_space<vmem>>
    %dma_wait3A_253 = arith.constant 0 : i32
    %dma_wait3A_254 = tpu.memref_slice %arg7[%dma_wait3A_247, %dma_wait3A_253] : memref<125x80xi32, #tpu.memory_space<vmem>> -> memref<1x80xi32, #tpu.memory_space<vmem>>
    %dma_wait3A_255 = tpu.memref_squeeze %dma_wait3A_254 : memref<1x80xi32, #tpu.memory_space<vmem>> -> memref<80xi32, #tpu.memory_space<vmem>>
    %dma_wait3A_256 = arith.constant 0 : i32
    %dma_wait3A_257 = arith.constant 0 : i32
    %dma_wait3A_258 = tpu.memref_slice %arg11[%dma_wait3A_256, %dma_wait3A_257] : memref<10240x16xf32, #tpu.memory_space<vmem_shared>> -> memref<10240x16xf32, #tpu.memory_space<vmem_shared>>
    tpu.wait_indirect_dma semaphore(%arg17 : memref<!tpu.dma_semaphore, #tpu.memory_space<semaphore_mem>>) src(%dma_wait3A_258 : memref<10240x16xf32, #tpu.memory_space<vmem_shared>>) dst(%dma_wait3A_252 : memref<80x16xf32, #tpu.memory_space<vmem>>)
    %dma_start3A_259 = arith.constant 5 : i32
    %dma_start3A_260 = arith.constant 5 : i32
    %dma_start3A_261 = arith.constant 0 : i32
    %dma_start3A_262 = arith.constant 0 : i32
    %dma_start3A_263 = tpu.memref_slice %arg9[%dma_start3A_259, %dma_start3A_261, %dma_start3A_262] : memref<10x80x16xf32, #tpu.memory_space<vmem>> -> memref<1x80x16xf32, #tpu.memory_space<vmem>>
    %dma_start3A_264 = tpu.memref_squeeze %dma_start3A_263 : memref<1x80x16xf32, #tpu.memory_space<vmem>> -> memref<80x16xf32, #tpu.memory_space<vmem>>
    %dma_start3A_265 = arith.constant 0 : i32
    %dma_start3A_266 = tpu.memref_slice %arg8[%dma_start3A_260, %dma_start3A_265] : memref<125x80xi32, #tpu.memory_space<vmem>> -> memref<1x80xi32, #tpu.memory_space<vmem>>
    %dma_start3A_267 = tpu.memref_squeeze %dma_start3A_266 : memref<1x80xi32, #tpu.memory_space<vmem>> -> memref<80xi32, #tpu.memory_space<vmem>>
    %dma_start3A_268 = arith.constant 0 : i32
    %dma_start3A_269 = arith.constant 0 : i32
    %dma_start3A_270 = tpu.memref_slice %arg10[%dma_start3A_268, %dma_start3A_269] : memref<10240x16xf32, #tpu.memory_space<vmem_shared>> -> memref<10240x16xf32, #tpu.memory_space<vmem_shared>>
    tpu.enqueue_indirect_dma source(%dma_start3A_264 : memref<80x16xf32, #tpu.memory_space<vmem>>) target(%dma_start3A_270 : memref<10240x16xf32, #tpu.memory_space<vmem_shared>>) offsets(%dma_start3A_267 : memref<80xi32, #tpu.memory_space<vmem>>) semaphore(%arg27 : memref<!tpu.dma_semaphore, #tpu.memory_space<semaphore_mem>>) {add = true}
    %dma_wait3A_271 = arith.constant 0 : i32
    %dma_wait3A_272 = arith.constant 0 : i32
    %dma_wait3A_273 = arith.constant 0 : i32
    %dma_wait3A_274 = arith.constant 0 : i32
    %dma_wait3A_275 = tpu.memref_slice %arg9[%dma_wait3A_271, %dma_wait3A_273, %dma_wait3A_274] : memref<10x80x16xf32, #tpu.memory_space<vmem>> -> memref<1x80x16xf32, #tpu.memory_space<vmem>>
    %dma_wait3A_276 = tpu.memref_squeeze %dma_wait3A_275 : memref<1x80x16xf32, #tpu.memory_space<vmem>> -> memref<80x16xf32, #tpu.memory_space<vmem>>
    %dma_wait3A_277 = arith.constant 0 : i32
    %dma_wait3A_278 = tpu.memref_slice %arg8[%dma_wait3A_272, %dma_wait3A_277] : memref<125x80xi32, #tpu.memory_space<vmem>> -> memref<1x80xi32, #tpu.memory_space<vmem>>
    %dma_wait3A_279 = tpu.memref_squeeze %dma_wait3A_278 : memref<1x80xi32, #tpu.memory_space<vmem>> -> memref<80xi32, #tpu.memory_space<vmem>>
    %dma_wait3A_280 = arith.constant 0 : i32
    %dma_wait3A_281 = arith.constant 0 : i32
    %dma_wait3A_282 = tpu.memref_slice %arg10[%dma_wait3A_280, %dma_wait3A_281] : memref<10240x16xf32, #tpu.memory_space<vmem_shared>> -> memref<10240x16xf32, #tpu.memory_space<vmem_shared>>
    tpu.wait_indirect_dma semaphore(%arg22 : memref<!tpu.dma_semaphore, #tpu.memory_space<semaphore_mem>>) src(%dma_wait3A_276 : memref<80x16xf32, #tpu.memory_space<vmem>>) dst(%dma_wait3A_282 : memref<10240x16xf32, #tpu.memory_space<vmem_shared>>)
    %dma_start3A_283 = arith.constant 10 : i32
    %dma_start3A_284 = arith.constant 0 : i32
    %dma_start3A_285 = arith.constant 0 : i32
    %dma_start3A_286 = arith.constant 0 : i32
    %dma_start3A_287 = tpu.memref_slice %arg9[%dma_start3A_284, %dma_start3A_285, %dma_start3A_286] : memref<10x80x16xf32, #tpu.memory_space<vmem>> -> memref<1x80x16xf32, #tpu.memory_space<vmem>>
    %dma_start3A_288 = tpu.memref_squeeze %dma_start3A_287 : memref<1x80x16xf32, #tpu.memory_space<vmem>> -> memref<80x16xf32, #tpu.memory_space<vmem>>
    %dma_start3A_289 = arith.constant 0 : i32
    %dma_start3A_290 = tpu.memref_slice %arg7[%dma_start3A_283, %dma_start3A_289] : memref<125x80xi32, #tpu.memory_space<vmem>> -> memref<1x80xi32, #tpu.memory_space<vmem>>
    %dma_start3A_291 = tpu.memref_squeeze %dma_start3A_290 : memref<1x80xi32, #tpu.memory_space<vmem>> -> memref<80xi32, #tpu.memory_space<vmem>>
    %dma_start3A_292 = arith.constant 0 : i32
    %dma_start3A_293 = arith.constant 0 : i32
    %dma_start3A_294 = tpu.memref_slice %arg11[%dma_start3A_292, %dma_start3A_293] : memref<10240x16xf32, #tpu.memory_space<vmem_shared>> -> memref<10240x16xf32, #tpu.memory_space<vmem_shared>>
    tpu.enqueue_indirect_dma source(%dma_start3A_294 : memref<10240x16xf32, #tpu.memory_space<vmem_shared>>) target(%dma_start3A_288 : memref<80x16xf32, #tpu.memory_space<vmem>>) offsets(%dma_start3A_291 : memref<80xi32, #tpu.memory_space<vmem>>) semaphore(%arg12 : memref<!tpu.dma_semaphore, #tpu.memory_space<semaphore_mem>>)
    %dma_wait3A_295 = arith.constant 6 : i32
    %dma_wait3A_296 = arith.constant 6 : i32
    %dma_wait3A_297 = arith.constant 0 : i32
    %dma_wait3A_298 = arith.constant 0 : i32
    %dma_wait3A_299 = tpu.memref_slice %arg9[%dma_wait3A_296, %dma_wait3A_297, %dma_wait3A_298] : memref<10x80x16xf32, #tpu.memory_space<vmem>> -> memref<1x80x16xf32, #tpu.memory_space<vmem>>
    %dma_wait3A_300 = tpu.memref_squeeze %dma_wait3A_299 : memref<1x80x16xf32, #tpu.memory_space<vmem>> -> memref<80x16xf32, #tpu.memory_space<vmem>>
    %dma_wait3A_301 = arith.constant 0 : i32
    %dma_wait3A_302 = tpu.memref_slice %arg7[%dma_wait3A_295, %dma_wait3A_301] : memref<125x80xi32, #tpu.memory_space<vmem>> -> memref<1x80xi32, #tpu.memory_space<vmem>>
    %dma_wait3A_303 = tpu.memref_squeeze %dma_wait3A_302 : memref<1x80xi32, #tpu.memory_space<vmem>> -> memref<80xi32, #tpu.memory_space<vmem>>
    %dma_wait3A_304 = arith.constant 0 : i32
    %dma_wait3A_305 = arith.constant 0 : i32
    %dma_wait3A_306 = tpu.memref_slice %arg11[%dma_wait3A_304, %dma_wait3A_305] : memref<10240x16xf32, #tpu.memory_space<vmem_shared>> -> memref<10240x16xf32, #tpu.memory_space<vmem_shared>>
    tpu.wait_indirect_dma semaphore(%arg18 : memref<!tpu.dma_semaphore, #tpu.memory_space<semaphore_mem>>) src(%dma_wait3A_306 : memref<10240x16xf32, #tpu.memory_space<vmem_shared>>) dst(%dma_wait3A_300 : memref<80x16xf32, #tpu.memory_space<vmem>>)
    %dma_start3A_307 = arith.constant 6 : i32
    %dma_start3A_308 = arith.constant 6 : i32
    %dma_start3A_309 = arith.constant 0 : i32
    %dma_start3A_310 = arith.constant 0 : i32
    %dma_start3A_311 = tpu.memref_slice %arg9[%dma_start3A_307, %dma_start3A_309, %dma_start3A_310] : memref<10x80x16xf32, #tpu.memory_space<vmem>> -> memref<1x80x16xf32, #tpu.memory_space<vmem>>
    %dma_start3A_312 = tpu.memref_squeeze %dma_start3A_311 : memref<1x80x16xf32, #tpu.memory_space<vmem>> -> memref<80x16xf32, #tpu.memory_space<vmem>>
    %dma_start3A_313 = arith.constant 0 : i32
    %dma_start3A_314 = tpu.memref_slice %arg8[%dma_start3A_308, %dma_start3A_313] : memref<125x80xi32, #tpu.memory_space<vmem>> -> memref<1x80xi32, #tpu.memory_space<vmem>>
    %dma_start3A_315 = tpu.memref_squeeze %dma_start3A_314 : memref<1x80xi32, #tpu.memory_space<vmem>> -> memref<80xi32, #tpu.memory_space<vmem>>
    %dma_start3A_316 = arith.constant 0 : i32
    %dma_start3A_317 = arith.constant 0 : i32
    %dma_start3A_318 = tpu.memref_slice %arg10[%dma_start3A_316, %dma_start3A_317] : memref<10240x16xf32, #tpu.memory_space<vmem_shared>> -> memref<10240x16xf32, #tpu.memory_space<vmem_shared>>
    tpu.enqueue_indirect_dma source(%dma_start3A_312 : memref<80x16xf32, #tpu.memory_space<vmem>>) target(%dma_start3A_318 : memref<10240x16xf32, #tpu.memory_space<vmem_shared>>) offsets(%dma_start3A_315 : memref<80xi32, #tpu.memory_space<vmem>>) semaphore(%arg28 : memref<!tpu.dma_semaphore, #tpu.memory_space<semaphore_mem>>) {add = true}
    %dma_wait3A_319 = arith.constant 1 : i32
    %dma_wait3A_320 = arith.constant 1 : i32
    %dma_wait3A_321 = arith.constant 0 : i32
    %dma_wait3A_322 = arith.constant 0 : i32
    %dma_wait3A_323 = tpu.memref_slice %arg9[%dma_wait3A_319, %dma_wait3A_321, %dma_wait3A_322] : memref<10x80x16xf32, #tpu.memory_space<vmem>> -> memref<1x80x16xf32, #tpu.memory_space<vmem>>
    %dma_wait3A_324 = tpu.memref_squeeze %dma_wait3A_323 : memref<1x80x16xf32, #tpu.memory_space<vmem>> -> memref<80x16xf32, #tpu.memory_space<vmem>>
    %dma_wait3A_325 = arith.constant 0 : i32
    %dma_wait3A_326 = tpu.memref_slice %arg8[%dma_wait3A_320, %dma_wait3A_325] : memref<125x80xi32, #tpu.memory_space<vmem>> -> memref<1x80xi32, #tpu.memory_space<vmem>>
    %dma_wait3A_327 = tpu.memref_squeeze %dma_wait3A_326 : memref<1x80xi32, #tpu.memory_space<vmem>> -> memref<80xi32, #tpu.memory_space<vmem>>
    %dma_wait3A_328 = arith.constant 0 : i32
    %dma_wait3A_329 = arith.constant 0 : i32
    %dma_wait3A_330 = tpu.memref_slice %arg10[%dma_wait3A_328, %dma_wait3A_329] : memref<10240x16xf32, #tpu.memory_space<vmem_shared>> -> memref<10240x16xf32, #tpu.memory_space<vmem_shared>>
    tpu.wait_indirect_dma semaphore(%arg23 : memref<!tpu.dma_semaphore, #tpu.memory_space<semaphore_mem>>) src(%dma_wait3A_324 : memref<80x16xf32, #tpu.memory_space<vmem>>) dst(%dma_wait3A_330 : memref<10240x16xf32, #tpu.memory_space<vmem_shared>>)
    %dma_start3A_331 = arith.constant 11 : i32
    %dma_start3A_332 = arith.constant 1 : i32
    %dma_start3A_333 = arith.constant 0 : i32
    %dma_start3A_334 = arith.constant 0 : i32
    %dma_start3A_335 = tpu.memref_slice %arg9[%dma_start3A_332, %dma_start3A_333, %dma_start3A_334] : memref<10x80x16xf32, #tpu.memory_space<vmem>> -> memref<1x80x16xf32, #tpu.memory_space<vmem>>
    %dma_start3A_336 = tpu.memref_squeeze %dma_start3A_335 : memref<1x80x16xf32, #tpu.memory_space<vmem>> -> memref<80x16xf32, #tpu.memory_space<vmem>>
    %dma_start3A_337 = arith.constant 0 : i32
    %dma_start3A_338 = tpu.memref_slice %arg7[%dma_start3A_331, %dma_start3A_337] : memref<125x80xi32, #tpu.memory_space<vmem>> -> memref<1x80xi32, #tpu.memory_space<vmem>>
    %dma_start3A_339 = tpu.memref_squeeze %dma_start3A_338 : memref<1x80xi32, #tpu.memory_space<vmem>> -> memref<80xi32, #tpu.memory_space<vmem>>
    %dma_start3A_340 = arith.constant 0 : i32
    %dma_start3A_341 = arith.constant 0 : i32
    %dma_start3A_342 = tpu.memref_slice %arg11[%dma_start3A_340, %dma_start3A_341] : memref<10240x16xf32, #tpu.memory_space<vmem_shared>> -> memref<10240x16xf32, #tpu.memory_space<vmem_shared>>
    tpu.enqueue_indirect_dma source(%dma_start3A_342 : memref<10240x16xf32, #tpu.memory_space<vmem_shared>>) target(%dma_start3A_336 : memref<80x16xf32, #tpu.memory_space<vmem>>) offsets(%dma_start3A_339 : memref<80xi32, #tpu.memory_space<vmem>>) semaphore(%arg13 : memref<!tpu.dma_semaphore, #tpu.memory_space<semaphore_mem>>)
    %dma_wait3A_343 = arith.constant 7 : i32
    %dma_wait3A_344 = arith.constant 7 : i32
    %dma_wait3A_345 = arith.constant 0 : i32
    %dma_wait3A_346 = arith.constant 0 : i32
    %dma_wait3A_347 = tpu.memref_slice %arg9[%dma_wait3A_344, %dma_wait3A_345, %dma_wait3A_346] : memref<10x80x16xf32, #tpu.memory_space<vmem>> -> memref<1x80x16xf32, #tpu.memory_space<vmem>>
    %dma_wait3A_348 = tpu.memref_squeeze %dma_wait3A_347 : memref<1x80x16xf32, #tpu.memory_space<vmem>> -> memref<80x16xf32, #tpu.memory_space<vmem>>
    %dma_wait3A_349 = arith.constant 0 : i32
    %dma_wait3A_350 = tpu.memref_slice %arg7[%dma_wait3A_343, %dma_wait3A_349] : memref<125x80xi32, #tpu.memory_space<vmem>> -> memref<1x80xi32, #tpu.memory_space<vmem>>
    %dma_wait3A_351 = tpu.memref_squeeze %dma_wait3A_350 : memref<1x80xi32, #tpu.memory_space<vmem>> -> memref<80xi32, #tpu.memory_space<vmem>>
    %dma_wait3A_352 = arith.constant 0 : i32
    %dma_wait3A_353 = arith.constant 0 : i32
    %dma_wait3A_354 = tpu.memref_slice %arg11[%dma_wait3A_352, %dma_wait3A_353] : memref<10240x16xf32, #tpu.memory_space<vmem_shared>> -> memref<10240x16xf32, #tpu.memory_space<vmem_shared>>
    tpu.wait_indirect_dma semaphore(%arg19 : memref<!tpu.dma_semaphore, #tpu.memory_space<semaphore_mem>>) src(%dma_wait3A_354 : memref<10240x16xf32, #tpu.memory_space<vmem_shared>>) dst(%dma_wait3A_348 : memref<80x16xf32, #tpu.memory_space<vmem>>)
    %dma_start3A_355 = arith.constant 7 : i32
    %dma_start3A_356 = arith.constant 7 : i32
    %dma_start3A_357 = arith.constant 0 : i32
    %dma_start3A_358 = arith.constant 0 : i32
    %dma_start3A_359 = tpu.memref_slice %arg9[%dma_start3A_355, %dma_start3A_357, %dma_start3A_358] : memref<10x80x16xf32, #tpu.memory_space<vmem>> -> memref<1x80x16xf32, #tpu.memory_space<vmem>>
    %dma_start3A_360 = tpu.memref_squeeze %dma_start3A_359 : memref<1x80x16xf32, #tpu.memory_space<vmem>> -> memref<80x16xf32, #tpu.memory_space<vmem>>
    %dma_start3A_361 = arith.constant 0 : i32
    %dma_start3A_362 = tpu.memref_slice %arg8[%dma_start3A_356, %dma_start3A_361] : memref<125x80xi32, #tpu.memory_space<vmem>> -> memref<1x80xi32, #tpu.memory_space<vmem>>
    %dma_start3A_363 = tpu.memref_squeeze %dma_start3A_362 : memref<1x80xi32, #tpu.memory_space<vmem>> -> memref<80xi32, #tpu.memory_space<vmem>>
    %dma_start3A_364 = arith.constant 0 : i32
    %dma_start3A_365 = arith.constant 0 : i32
    %dma_start3A_366 = tpu.memref_slice %arg10[%dma_start3A_364, %dma_start3A_365] : memref<10240x16xf32, #tpu.memory_space<vmem_shared>> -> memref<10240x16xf32, #tpu.memory_space<vmem_shared>>
    tpu.enqueue_indirect_dma source(%dma_start3A_360 : memref<80x16xf32, #tpu.memory_space<vmem>>) target(%dma_start3A_366 : memref<10240x16xf32, #tpu.memory_space<vmem_shared>>) offsets(%dma_start3A_363 : memref<80xi32, #tpu.memory_space<vmem>>) semaphore(%arg29 : memref<!tpu.dma_semaphore, #tpu.memory_space<semaphore_mem>>) {add = true}
    %dma_wait3A_367 = arith.constant 2 : i32
    %dma_wait3A_368 = arith.constant 2 : i32
    %dma_wait3A_369 = arith.constant 0 : i32
    %dma_wait3A_370 = arith.constant 0 : i32
    %dma_wait3A_371 = tpu.memref_slice %arg9[%dma_wait3A_367, %dma_wait3A_369, %dma_wait3A_370] : memref<10x80x16xf32, #tpu.memory_space<vmem>> -> memref<1x80x16xf32, #tpu.memory_space<vmem>>
    %dma_wait3A_372 = tpu.memref_squeeze %dma_wait3A_371 : memref<1x80x16xf32, #tpu.memory_space<vmem>> -> memref<80x16xf32, #tpu.memory_space<vmem>>
    %dma_wait3A_373 = arith.constant 0 : i32
    %dma_wait3A_374 = tpu.memref_slice %arg8[%dma_wait3A_368, %dma_wait3A_373] : memref<125x80xi32, #tpu.memory_space<vmem>> -> memref<1x80xi32, #tpu.memory_space<vmem>>
    %dma_wait3A_375 = tpu.memref_squeeze %dma_wait3A_374 : memref<1x80xi32, #tpu.memory_space<vmem>> -> memref<80xi32, #tpu.memory_space<vmem>>
    %dma_wait3A_376 = arith.constant 0 : i32
    %dma_wait3A_377 = arith.constant 0 : i32
    %dma_wait3A_378 = tpu.memref_slice %arg10[%dma_wait3A_376, %dma_wait3A_377] : memref<10240x16xf32, #tpu.memory_space<vmem_shared>> -> memref<10240x16xf32, #tpu.memory_space<vmem_shared>>
    tpu.wait_indirect_dma semaphore(%arg24 : memref<!tpu.dma_semaphore, #tpu.memory_space<semaphore_mem>>) src(%dma_wait3A_372 : memref<80x16xf32, #tpu.memory_space<vmem>>) dst(%dma_wait3A_378 : memref<10240x16xf32, #tpu.memory_space<vmem_shared>>)
    %dma_start3A_379 = arith.constant 12 : i32
    %dma_start3A_380 = arith.constant 2 : i32
    %dma_start3A_381 = arith.constant 0 : i32
    %dma_start3A_382 = arith.constant 0 : i32
    %dma_start3A_383 = tpu.memref_slice %arg9[%dma_start3A_380, %dma_start3A_381, %dma_start3A_382] : memref<10x80x16xf32, #tpu.memory_space<vmem>> -> memref<1x80x16xf32, #tpu.memory_space<vmem>>
    %dma_start3A_384 = tpu.memref_squeeze %dma_start3A_383 : memref<1x80x16xf32, #tpu.memory_space<vmem>> -> memref<80x16xf32, #tpu.memory_space<vmem>>
    %dma_start3A_385 = arith.constant 0 : i32
    %dma_start3A_386 = tpu.memref_slice %arg7[%dma_start3A_379, %dma_start3A_385] : memref<125x80xi32, #tpu.memory_space<vmem>> -> memref<1x80xi32, #tpu.memory_space<vmem>>
    %dma_start3A_387 = tpu.memref_squeeze %dma_start3A_386 : memref<1x80xi32, #tpu.memory_space<vmem>> -> memref<80xi32, #tpu.memory_space<vmem>>
    %dma_start3A_388 = arith.constant 0 : i32
    %dma_start3A_389 = arith.constant 0 : i32
    %dma_start3A_390 = tpu.memref_slice %arg11[%dma_start3A_388, %dma_start3A_389] : memref<10240x16xf32, #tpu.memory_space<vmem_shared>> -> memref<10240x16xf32, #tpu.memory_space<vmem_shared>>
    tpu.enqueue_indirect_dma source(%dma_start3A_390 : memref<10240x16xf32, #tpu.memory_space<vmem_shared>>) target(%dma_start3A_384 : memref<80x16xf32, #tpu.memory_space<vmem>>) offsets(%dma_start3A_387 : memref<80xi32, #tpu.memory_space<vmem>>) semaphore(%arg14 : memref<!tpu.dma_semaphore, #tpu.memory_space<semaphore_mem>>)
    %dma_wait3A_391 = arith.constant 8 : i32
    %dma_wait3A_392 = arith.constant 8 : i32
    %dma_wait3A_393 = arith.constant 0 : i32
    %dma_wait3A_394 = arith.constant 0 : i32
    %dma_wait3A_395 = tpu.memref_slice %arg9[%dma_wait3A_392, %dma_wait3A_393, %dma_wait3A_394] : memref<10x80x16xf32, #tpu.memory_space<vmem>> -> memref<1x80x16xf32, #tpu.memory_space<vmem>>
    %dma_wait3A_396 = tpu.memref_squeeze %dma_wait3A_395 : memref<1x80x16xf32, #tpu.memory_space<vmem>> -> memref<80x16xf32, #tpu.memory_space<vmem>>
    %dma_wait3A_397 = arith.constant 0 : i32
    %dma_wait3A_398 = tpu.memref_slice %arg7[%dma_wait3A_391, %dma_wait3A_397] : memref<125x80xi32, #tpu.memory_space<vmem>> -> memref<1x80xi32, #tpu.memory_space<vmem>>
    %dma_wait3A_399 = tpu.memref_squeeze %dma_wait3A_398 : memref<1x80xi32, #tpu.memory_space<vmem>> -> memref<80xi32, #tpu.memory_space<vmem>>
    %dma_wait3A_400 = arith.constant 0 : i32
    %dma_wait3A_401 = arith.constant 0 : i32
    %dma_wait3A_402 = tpu.memref_slice %arg11[%dma_wait3A_400, %dma_wait3A_401] : memref<10240x16xf32, #tpu.memory_space<vmem_shared>> -> memref<10240x16xf32, #tpu.memory_space<vmem_shared>>
    tpu.wait_indirect_dma semaphore(%arg20 : memref<!tpu.dma_semaphore, #tpu.memory_space<semaphore_mem>>) src(%dma_wait3A_402 : memref<10240x16xf32, #tpu.memory_space<vmem_shared>>) dst(%dma_wait3A_396 : memref<80x16xf32, #tpu.memory_space<vmem>>)
    %dma_start3A_403 = arith.constant 8 : i32
    %dma_start3A_404 = arith.constant 8 : i32
    %dma_start3A_405 = arith.constant 0 : i32
    %dma_start3A_406 = arith.constant 0 : i32
    %dma_start3A_407 = tpu.memref_slice %arg9[%dma_start3A_403, %dma_start3A_405, %dma_start3A_406] : memref<10x80x16xf32, #tpu.memory_space<vmem>> -> memref<1x80x16xf32, #tpu.memory_space<vmem>>
    %dma_start3A_408 = tpu.memref_squeeze %dma_start3A_407 : memref<1x80x16xf32, #tpu.memory_space<vmem>> -> memref<80x16xf32, #tpu.memory_space<vmem>>
    %dma_start3A_409 = arith.constant 0 : i32
    %dma_start3A_410 = tpu.memref_slice %arg8[%dma_start3A_404, %dma_start3A_409] : memref<125x80xi32, #tpu.memory_space<vmem>> -> memref<1x80xi32, #tpu.memory_space<vmem>>
    %dma_start3A_411 = tpu.memref_squeeze %dma_start3A_410 : memref<1x80xi32, #tpu.memory_space<vmem>> -> memref<80xi32, #tpu.memory_space<vmem>>
    %dma_start3A_412 = arith.constant 0 : i32
    %dma_start3A_413 = arith.constant 0 : i32
    %dma_start3A_414 = tpu.memref_slice %arg10[%dma_start3A_412, %dma_start3A_413] : memref<10240x16xf32, #tpu.memory_space<vmem_shared>> -> memref<10240x16xf32, #tpu.memory_space<vmem_shared>>
    tpu.enqueue_indirect_dma source(%dma_start3A_408 : memref<80x16xf32, #tpu.memory_space<vmem>>) target(%dma_start3A_414 : memref<10240x16xf32, #tpu.memory_space<vmem_shared>>) offsets(%dma_start3A_411 : memref<80xi32, #tpu.memory_space<vmem>>) semaphore(%arg30 : memref<!tpu.dma_semaphore, #tpu.memory_space<semaphore_mem>>) {add = true}
    %dma_wait3A_415 = arith.constant 3 : i32
    %dma_wait3A_416 = arith.constant 3 : i32
    %dma_wait3A_417 = arith.constant 0 : i32
    %dma_wait3A_418 = arith.constant 0 : i32
    %dma_wait3A_419 = tpu.memref_slice %arg9[%dma_wait3A_415, %dma_wait3A_417, %dma_wait3A_418] : memref<10x80x16xf32, #tpu.memory_space<vmem>> -> memref<1x80x16xf32, #tpu.memory_space<vmem>>
    %dma_wait3A_420 = tpu.memref_squeeze %dma_wait3A_419 : memref<1x80x16xf32, #tpu.memory_space<vmem>> -> memref<80x16xf32, #tpu.memory_space<vmem>>
    %dma_wait3A_421 = arith.constant 0 : i32
    %dma_wait3A_422 = tpu.memref_slice %arg8[%dma_wait3A_416, %dma_wait3A_421] : memref<125x80xi32, #tpu.memory_space<vmem>> -> memref<1x80xi32, #tpu.memory_space<vmem>>
    %dma_wait3A_423 = tpu.memref_squeeze %dma_wait3A_422 : memref<1x80xi32, #tpu.memory_space<vmem>> -> memref<80xi32, #tpu.memory_space<vmem>>
    %dma_wait3A_424 = arith.constant 0 : i32
    %dma_wait3A_425 = arith.constant 0 : i32
    %dma_wait3A_426 = tpu.memref_slice %arg10[%dma_wait3A_424, %dma_wait3A_425] : memref<10240x16xf32, #tpu.memory_space<vmem_shared>> -> memref<10240x16xf32, #tpu.memory_space<vmem_shared>>
    tpu.wait_indirect_dma semaphore(%arg25 : memref<!tpu.dma_semaphore, #tpu.memory_space<semaphore_mem>>) src(%dma_wait3A_420 : memref<80x16xf32, #tpu.memory_space<vmem>>) dst(%dma_wait3A_426 : memref<10240x16xf32, #tpu.memory_space<vmem_shared>>)
    %dma_start3A_427 = arith.constant 13 : i32
    %dma_start3A_428 = arith.constant 3 : i32
    %dma_start3A_429 = arith.constant 0 : i32
    %dma_start3A_430 = arith.constant 0 : i32
    %dma_start3A_431 = tpu.memref_slice %arg9[%dma_start3A_428, %dma_start3A_429, %dma_start3A_430] : memref<10x80x16xf32, #tpu.memory_space<vmem>> -> memref<1x80x16xf32, #tpu.memory_space<vmem>>
    %dma_start3A_432 = tpu.memref_squeeze %dma_start3A_431 : memref<1x80x16xf32, #tpu.memory_space<vmem>> -> memref<80x16xf32, #tpu.memory_space<vmem>>
    %dma_start3A_433 = arith.constant 0 : i32
    %dma_start3A_434 = tpu.memref_slice %arg7[%dma_start3A_427, %dma_start3A_433] : memref<125x80xi32, #tpu.memory_space<vmem>> -> memref<1x80xi32, #tpu.memory_space<vmem>>
    %dma_start3A_435 = tpu.memref_squeeze %dma_start3A_434 : memref<1x80xi32, #tpu.memory_space<vmem>> -> memref<80xi32, #tpu.memory_space<vmem>>
    %dma_start3A_436 = arith.constant 0 : i32
    %dma_start3A_437 = arith.constant 0 : i32
    %dma_start3A_438 = tpu.memref_slice %arg11[%dma_start3A_436, %dma_start3A_437] : memref<10240x16xf32, #tpu.memory_space<vmem_shared>> -> memref<10240x16xf32, #tpu.memory_space<vmem_shared>>
    tpu.enqueue_indirect_dma source(%dma_start3A_438 : memref<10240x16xf32, #tpu.memory_space<vmem_shared>>) target(%dma_start3A_432 : memref<80x16xf32, #tpu.memory_space<vmem>>) offsets(%dma_start3A_435 : memref<80xi32, #tpu.memory_space<vmem>>) semaphore(%arg15 : memref<!tpu.dma_semaphore, #tpu.memory_space<semaphore_mem>>)
    %dma_wait3A_439 = arith.constant 9 : i32
    %dma_wait3A_440 = arith.constant 9 : i32
    %dma_wait3A_441 = arith.constant 0 : i32
    %dma_wait3A_442 = arith.constant 0 : i32
    %dma_wait3A_443 = tpu.memref_slice %arg9[%dma_wait3A_440, %dma_wait3A_441, %dma_wait3A_442] : memref<10x80x16xf32, #tpu.memory_space<vmem>> -> memref<1x80x16xf32, #tpu.memory_space<vmem>>
    %dma_wait3A_444 = tpu.memref_squeeze %dma_wait3A_443 : memref<1x80x16xf32, #tpu.memory_space<vmem>> -> memref<80x16xf32, #tpu.memory_space<vmem>>
    %dma_wait3A_445 = arith.constant 0 : i32
    %dma_wait3A_446 = tpu.memref_slice %arg7[%dma_wait3A_439, %dma_wait3A_445] : memref<125x80xi32, #tpu.memory_space<vmem>> -> memref<1x80xi32, #tpu.memory_space<vmem>>
    %dma_wait3A_447 = tpu.memref_squeeze %dma_wait3A_446 : memref<1x80xi32, #tpu.memory_space<vmem>> -> memref<80xi32, #tpu.memory_space<vmem>>
    %dma_wait3A_448 = arith.constant 0 : i32
    %dma_wait3A_449 = arith.constant 0 : i32
    %dma_wait3A_450 = tpu.memref_slice %arg11[%dma_wait3A_448, %dma_wait3A_449] : memref<10240x16xf32, #tpu.memory_space<vmem_shared>> -> memref<10240x16xf32, #tpu.memory_space<vmem_shared>>
    tpu.wait_indirect_dma semaphore(%arg21 : memref<!tpu.dma_semaphore, #tpu.memory_space<semaphore_mem>>) src(%dma_wait3A_450 : memref<10240x16xf32, #tpu.memory_space<vmem_shared>>) dst(%dma_wait3A_444 : memref<80x16xf32, #tpu.memory_space<vmem>>)
    %dma_start3A_451 = arith.constant 9 : i32
    %dma_start3A_452 = arith.constant 9 : i32
    %dma_start3A_453 = arith.constant 0 : i32
    %dma_start3A_454 = arith.constant 0 : i32
    %dma_start3A_455 = tpu.memref_slice %arg9[%dma_start3A_451, %dma_start3A_453, %dma_start3A_454] : memref<10x80x16xf32, #tpu.memory_space<vmem>> -> memref<1x80x16xf32, #tpu.memory_space<vmem>>
    %dma_start3A_456 = tpu.memref_squeeze %dma_start3A_455 : memref<1x80x16xf32, #tpu.memory_space<vmem>> -> memref<80x16xf32, #tpu.memory_space<vmem>>
    %dma_start3A_457 = arith.constant 0 : i32
    %dma_start3A_458 = tpu.memref_slice %arg8[%dma_start3A_452, %dma_start3A_457] : memref<125x80xi32, #tpu.memory_space<vmem>> -> memref<1x80xi32, #tpu.memory_space<vmem>>
    %dma_start3A_459 = tpu.memref_squeeze %dma_start3A_458 : memref<1x80xi32, #tpu.memory_space<vmem>> -> memref<80xi32, #tpu.memory_space<vmem>>
    %dma_start3A_460 = arith.constant 0 : i32
    %dma_start3A_461 = arith.constant 0 : i32
    %dma_start3A_462 = tpu.memref_slice %arg10[%dma_start3A_460, %dma_start3A_461] : memref<10240x16xf32, #tpu.memory_space<vmem_shared>> -> memref<10240x16xf32, #tpu.memory_space<vmem_shared>>
    tpu.enqueue_indirect_dma source(%dma_start3A_456 : memref<80x16xf32, #tpu.memory_space<vmem>>) target(%dma_start3A_462 : memref<10240x16xf32, #tpu.memory_space<vmem_shared>>) offsets(%dma_start3A_459 : memref<80xi32, #tpu.memory_space<vmem>>) semaphore(%arg31 : memref<!tpu.dma_semaphore, #tpu.memory_space<semaphore_mem>>) {add = true}
    %dma_wait3A_463 = arith.constant 4 : i32
    %dma_wait3A_464 = arith.constant 4 : i32
    %dma_wait3A_465 = arith.constant 0 : i32
    %dma_wait3A_466 = arith.constant 0 : i32
    %dma_wait3A_467 = tpu.memref_slice %arg9[%dma_wait3A_463, %dma_wait3A_465, %dma_wait3A_466] : memref<10x80x16xf32, #tpu.memory_space<vmem>> -> memref<1x80x16xf32, #tpu.memory_space<vmem>>
    %dma_wait3A_468 = tpu.memref_squeeze %dma_wait3A_467 : memref<1x80x16xf32, #tpu.memory_space<vmem>> -> memref<80x16xf32, #tpu.memory_space<vmem>>
    %dma_wait3A_469 = arith.constant 0 : i32
    %dma_wait3A_470 = tpu.memref_slice %arg8[%dma_wait3A_464, %dma_wait3A_469] : memref<125x80xi32, #tpu.memory_space<vmem>> -> memref<1x80xi32, #tpu.memory_space<vmem>>
    %dma_wait3A_471 = tpu.memref_squeeze %dma_wait3A_470 : memref<1x80xi32, #tpu.memory_space<vmem>> -> memref<80xi32, #tpu.memory_space<vmem>>
    %dma_wait3A_472 = arith.constant 0 : i32
    %dma_wait3A_473 = arith.constant 0 : i32
    %dma_wait3A_474 = tpu.memref_slice %arg10[%dma_wait3A_472, %dma_wait3A_473] : memref<10240x16xf32, #tpu.memory_space<vmem_shared>> -> memref<10240x16xf32, #tpu.memory_space<vmem_shared>>
    tpu.wait_indirect_dma semaphore(%arg26 : memref<!tpu.dma_semaphore, #tpu.memory_space<semaphore_mem>>) src(%dma_wait3A_468 : memref<80x16xf32, #tpu.memory_space<vmem>>) dst(%dma_wait3A_474 : memref<10240x16xf32, #tpu.memory_space<vmem_shared>>)
    %dma_start3A_475 = arith.constant 14 : i32
    %dma_start3A_476 = arith.constant 4 : i32
    %dma_start3A_477 = arith.constant 0 : i32
    %dma_start3A_478 = arith.constant 0 : i32
    %dma_start3A_479 = tpu.memref_slice %arg9[%dma_start3A_476, %dma_start3A_477, %dma_start3A_478] : memref<10x80x16xf32, #tpu.memory_space<vmem>> -> memref<1x80x16xf32, #tpu.memory_space<vmem>>
    %dma_start3A_480 = tpu.memref_squeeze %dma_start3A_479 : memref<1x80x16xf32, #tpu.memory_space<vmem>> -> memref<80x16xf32, #tpu.memory_space<vmem>>
    %dma_start3A_481 = arith.constant 0 : i32
    %dma_start3A_482 = tpu.memref_slice %arg7[%dma_start3A_475, %dma_start3A_481] : memref<125x80xi32, #tpu.memory_space<vmem>> -> memref<1x80xi32, #tpu.memory_space<vmem>>
    %dma_start3A_483 = tpu.memref_squeeze %dma_start3A_482 : memref<1x80xi32, #tpu.memory_space<vmem>> -> memref<80xi32, #tpu.memory_space<vmem>>
    %dma_start3A_484 = arith.constant 0 : i32
    %dma_start3A_485 = arith.constant 0 : i32
    %dma_start3A_486 = tpu.memref_slice %arg11[%dma_start3A_484, %dma_start3A_485] : memref<10240x16xf32, #tpu.memory_space<vmem_shared>> -> memref<10240x16xf32, #tpu.memory_space<vmem_shared>>
    tpu.enqueue_indirect_dma source(%dma_start3A_486 : memref<10240x16xf32, #tpu.memory_space<vmem_shared>>) target(%dma_start3A_480 : memref<80x16xf32, #tpu.memory_space<vmem>>) offsets(%dma_start3A_483 : memref<80xi32, #tpu.memory_space<vmem>>) semaphore(%arg16 : memref<!tpu.dma_semaphore, #tpu.memory_space<semaphore_mem>>)
    %scan3A = arith.constant 0 : i32
    %scan3A_487 = arith.constant 1 : i32
    %scan3A_488 = arith.constant 11 : i32
    %scan3A_489 = arith.addi %scan3A_487, %scan3A_488 : i32
    %scan3A_490 = arith.constant 1 : i32
    scf.for %scan3A_737 = %scan3A_487 to %scan3A_489 step %scan3A_490  : i32 {
      %mul3A_738 = arith.constant 10 : i32
      %mul3A_739 = arith.muli %scan3A_737, %mul3A_738 : i32
      %add3A_740 = arith.constant 0 : i32
      %add3A_741 = arith.addi %mul3A_739, %add3A_740 : i32
      %dma_wait3A_742 = arith.constant 0 : i32
      %dma_wait3A_743 = arith.constant 0 : i32
      %dma_wait3A_744 = arith.constant 0 : i32
      %dma_wait3A_745 = tpu.memref_slice %arg9[%dma_wait3A_742, %dma_wait3A_743, %dma_wait3A_744] : memref<10x80x16xf32, #tpu.memory_space<vmem>> -> memref<1x80x16xf32, #tpu.memory_space<vmem>>
      %dma_wait3A_746 = tpu.memref_squeeze %dma_wait3A_745 : memref<1x80x16xf32, #tpu.memory_space<vmem>> -> memref<80x16xf32, #tpu.memory_space<vmem>>
      %dma_wait3A_747 = arith.constant 0 : i32
      %dma_wait3A_748 = tpu.memref_slice %arg7[%add3A_741, %dma_wait3A_747] : memref<125x80xi32, #tpu.memory_space<vmem>> -> memref<1x80xi32, #tpu.memory_space<vmem>>
      %dma_wait3A_749 = tpu.memref_squeeze %dma_wait3A_748 : memref<1x80xi32, #tpu.memory_space<vmem>> -> memref<80xi32, #tpu.memory_space<vmem>>
      %dma_wait3A_750 = arith.constant 0 : i32
      %dma_wait3A_751 = arith.constant 0 : i32
      %dma_wait3A_752 = tpu.memref_slice %arg11[%dma_wait3A_750, %dma_wait3A_751] : memref<10240x16xf32, #tpu.memory_space<vmem_shared>> -> memref<10240x16xf32, #tpu.memory_space<vmem_shared>>
      tpu.wait_indirect_dma semaphore(%arg12 : memref<!tpu.dma_semaphore, #tpu.memory_space<semaphore_mem>>) src(%dma_wait3A_752 : memref<10240x16xf32, #tpu.memory_space<vmem_shared>>) dst(%dma_wait3A_746 : memref<80x16xf32, #tpu.memory_space<vmem>>)
      %dma_start3A_753 = arith.constant 0 : i32
      %dma_start3A_754 = arith.constant 0 : i32
      %dma_start3A_755 = arith.constant 0 : i32
      %dma_start3A_756 = tpu.memref_slice %arg9[%dma_start3A_753, %dma_start3A_754, %dma_start3A_755] : memref<10x80x16xf32, #tpu.memory_space<vmem>> -> memref<1x80x16xf32, #tpu.memory_space<vmem>>
      %dma_start3A_757 = tpu.memref_squeeze %dma_start3A_756 : memref<1x80x16xf32, #tpu.memory_space<vmem>> -> memref<80x16xf32, #tpu.memory_space<vmem>>
      %dma_start3A_758 = arith.constant 0 : i32
      %dma_start3A_759 = tpu.memref_slice %arg8[%add3A_741, %dma_start3A_758] : memref<125x80xi32, #tpu.memory_space<vmem>> -> memref<1x80xi32, #tpu.memory_space<vmem>>
      %dma_start3A_760 = tpu.memref_squeeze %dma_start3A_759 : memref<1x80xi32, #tpu.memory_space<vmem>> -> memref<80xi32, #tpu.memory_space<vmem>>
      %dma_start3A_761 = arith.constant 0 : i32
      %dma_start3A_762 = arith.constant 0 : i32
      %dma_start3A_763 = tpu.memref_slice %arg10[%dma_start3A_761, %dma_start3A_762] : memref<10240x16xf32, #tpu.memory_space<vmem_shared>> -> memref<10240x16xf32, #tpu.memory_space<vmem_shared>>
      tpu.enqueue_indirect_dma source(%dma_start3A_757 : memref<80x16xf32, #tpu.memory_space<vmem>>) target(%dma_start3A_763 : memref<10240x16xf32, #tpu.memory_space<vmem_shared>>) offsets(%dma_start3A_760 : memref<80xi32, #tpu.memory_space<vmem>>) semaphore(%arg22 : memref<!tpu.dma_semaphore, #tpu.memory_space<semaphore_mem>>) {add = true}
      %add3A_764 = arith.constant 5 : i32
      %add3A_765 = arith.addi %add3A_741, %add3A_764 : i32
      %sub3A = arith.constant 10 : i32
      %sub3A_766 = arith.subi %add3A_765, %sub3A : i32
      %dma_wait3A_767 = arith.constant 5 : i32
      %dma_wait3A_768 = arith.constant 0 : i32
      %dma_wait3A_769 = arith.constant 0 : i32
      %dma_wait3A_770 = tpu.memref_slice %arg9[%dma_wait3A_767, %dma_wait3A_768, %dma_wait3A_769] : memref<10x80x16xf32, #tpu.memory_space<vmem>> -> memref<1x80x16xf32, #tpu.memory_space<vmem>>
      %dma_wait3A_771 = tpu.memref_squeeze %dma_wait3A_770 : memref<1x80x16xf32, #tpu.memory_space<vmem>> -> memref<80x16xf32, #tpu.memory_space<vmem>>
      %dma_wait3A_772 = arith.constant 0 : i32
      %dma_wait3A_773 = tpu.memref_slice %arg8[%sub3A_766, %dma_wait3A_772] : memref<125x80xi32, #tpu.memory_space<vmem>> -> memref<1x80xi32, #tpu.memory_space<vmem>>
      %dma_wait3A_774 = tpu.memref_squeeze %dma_wait3A_773 : memref<1x80xi32, #tpu.memory_space<vmem>> -> memref<80xi32, #tpu.memory_space<vmem>>
      %dma_wait3A_775 = arith.constant 0 : i32
      %dma_wait3A_776 = arith.constant 0 : i32
      %dma_wait3A_777 = tpu.memref_slice %arg10[%dma_wait3A_775, %dma_wait3A_776] : memref<10240x16xf32, #tpu.memory_space<vmem_shared>> -> memref<10240x16xf32, #tpu.memory_space<vmem_shared>>
      tpu.wait_indirect_dma semaphore(%arg27 : memref<!tpu.dma_semaphore, #tpu.memory_space<semaphore_mem>>) src(%dma_wait3A_771 : memref<80x16xf32, #tpu.memory_space<vmem>>) dst(%dma_wait3A_777 : memref<10240x16xf32, #tpu.memory_space<vmem_shared>>)
      %add3A_778 = arith.constant 5 : i32
      %add3A_779 = arith.addi %add3A_741, %add3A_778 : i32
      %dma_start3A_780 = arith.constant 5 : i32
      %dma_start3A_781 = arith.constant 0 : i32
      %dma_start3A_782 = arith.constant 0 : i32
      %dma_start3A_783 = tpu.memref_slice %arg9[%dma_start3A_780, %dma_start3A_781, %dma_start3A_782] : memref<10x80x16xf32, #tpu.memory_space<vmem>> -> memref<1x80x16xf32, #tpu.memory_space<vmem>>
      %dma_start3A_784 = tpu.memref_squeeze %dma_start3A_783 : memref<1x80x16xf32, #tpu.memory_space<vmem>> -> memref<80x16xf32, #tpu.memory_space<vmem>>
      %dma_start3A_785 = arith.constant 0 : i32
      %dma_start3A_786 = tpu.memref_slice %arg7[%add3A_779, %dma_start3A_785] : memref<125x80xi32, #tpu.memory_space<vmem>> -> memref<1x80xi32, #tpu.memory_space<vmem>>
      %dma_start3A_787 = tpu.memref_squeeze %dma_start3A_786 : memref<1x80xi32, #tpu.memory_space<vmem>> -> memref<80xi32, #tpu.memory_space<vmem>>
      %dma_start3A_788 = arith.constant 0 : i32
      %dma_start3A_789 = arith.constant 0 : i32
      %dma_start3A_790 = tpu.memref_slice %arg11[%dma_start3A_788, %dma_start3A_789] : memref<10240x16xf32, #tpu.memory_space<vmem_shared>> -> memref<10240x16xf32, #tpu.memory_space<vmem_shared>>
      tpu.enqueue_indirect_dma source(%dma_start3A_790 : memref<10240x16xf32, #tpu.memory_space<vmem_shared>>) target(%dma_start3A_784 : memref<80x16xf32, #tpu.memory_space<vmem>>) offsets(%dma_start3A_787 : memref<80xi32, #tpu.memory_space<vmem>>) semaphore(%arg17 : memref<!tpu.dma_semaphore, #tpu.memory_space<semaphore_mem>>)
      %mul3A_791 = arith.constant 10 : i32
      %mul3A_792 = arith.muli %scan3A_737, %mul3A_791 : i32
      %add3A_793 = arith.constant 1 : i32
      %add3A_794 = arith.addi %mul3A_792, %add3A_793 : i32
      %dma_wait3A_795 = arith.constant 1 : i32
      %dma_wait3A_796 = arith.constant 0 : i32
      %dma_wait3A_797 = arith.constant 0 : i32
      %dma_wait3A_798 = tpu.memref_slice %arg9[%dma_wait3A_795, %dma_wait3A_796, %dma_wait3A_797] : memref<10x80x16xf32, #tpu.memory_space<vmem>> -> memref<1x80x16xf32, #tpu.memory_space<vmem>>
      %dma_wait3A_799 = tpu.memref_squeeze %dma_wait3A_798 : memref<1x80x16xf32, #tpu.memory_space<vmem>> -> memref<80x16xf32, #tpu.memory_space<vmem>>
      %dma_wait3A_800 = arith.constant 0 : i32
      %dma_wait3A_801 = tpu.memref_slice %arg7[%add3A_794, %dma_wait3A_800] : memref<125x80xi32, #tpu.memory_space<vmem>> -> memref<1x80xi32, #tpu.memory_space<vmem>>
      %dma_wait3A_802 = tpu.memref_squeeze %dma_wait3A_801 : memref<1x80xi32, #tpu.memory_space<vmem>> -> memref<80xi32, #tpu.memory_space<vmem>>
      %dma_wait3A_803 = arith.constant 0 : i32
      %dma_wait3A_804 = arith.constant 0 : i32
      %dma_wait3A_805 = tpu.memref_slice %arg11[%dma_wait3A_803, %dma_wait3A_804] : memref<10240x16xf32, #tpu.memory_space<vmem_shared>> -> memref<10240x16xf32, #tpu.memory_space<vmem_shared>>
      tpu.wait_indirect_dma semaphore(%arg13 : memref<!tpu.dma_semaphore, #tpu.memory_space<semaphore_mem>>) src(%dma_wait3A_805 : memref<10240x16xf32, #tpu.memory_space<vmem_shared>>) dst(%dma_wait3A_799 : memref<80x16xf32, #tpu.memory_space<vmem>>)
      %dma_start3A_806 = arith.constant 1 : i32
      %dma_start3A_807 = arith.constant 0 : i32
      %dma_start3A_808 = arith.constant 0 : i32
      %dma_start3A_809 = tpu.memref_slice %arg9[%dma_start3A_806, %dma_start3A_807, %dma_start3A_808] : memref<10x80x16xf32, #tpu.memory_space<vmem>> -> memref<1x80x16xf32, #tpu.memory_space<vmem>>
      %dma_start3A_810 = tpu.memref_squeeze %dma_start3A_809 : memref<1x80x16xf32, #tpu.memory_space<vmem>> -> memref<80x16xf32, #tpu.memory_space<vmem>>
      %dma_start3A_811 = arith.constant 0 : i32
      %dma_start3A_812 = tpu.memref_slice %arg8[%add3A_794, %dma_start3A_811] : memref<125x80xi32, #tpu.memory_space<vmem>> -> memref<1x80xi32, #tpu.memory_space<vmem>>
      %dma_start3A_813 = tpu.memref_squeeze %dma_start3A_812 : memref<1x80xi32, #tpu.memory_space<vmem>> -> memref<80xi32, #tpu.memory_space<vmem>>
      %dma_start3A_814 = arith.constant 0 : i32
      %dma_start3A_815 = arith.constant 0 : i32
      %dma_start3A_816 = tpu.memref_slice %arg10[%dma_start3A_814, %dma_start3A_815] : memref<10240x16xf32, #tpu.memory_space<vmem_shared>> -> memref<10240x16xf32, #tpu.memory_space<vmem_shared>>
      tpu.enqueue_indirect_dma source(%dma_start3A_810 : memref<80x16xf32, #tpu.memory_space<vmem>>) target(%dma_start3A_816 : memref<10240x16xf32, #tpu.memory_space<vmem_shared>>) offsets(%dma_start3A_813 : memref<80xi32, #tpu.memory_space<vmem>>) semaphore(%arg23 : memref<!tpu.dma_semaphore, #tpu.memory_space<semaphore_mem>>) {add = true}
      %add3A_817 = arith.constant 5 : i32
      %add3A_818 = arith.addi %add3A_794, %add3A_817 : i32
      %sub3A_819 = arith.constant 10 : i32
      %sub3A_820 = arith.subi %add3A_818, %sub3A_819 : i32
      %dma_wait3A_821 = arith.constant 6 : i32
      %dma_wait3A_822 = arith.constant 0 : i32
      %dma_wait3A_823 = arith.constant 0 : i32
      %dma_wait3A_824 = tpu.memref_slice %arg9[%dma_wait3A_821, %dma_wait3A_822, %dma_wait3A_823] : memref<10x80x16xf32, #tpu.memory_space<vmem>> -> memref<1x80x16xf32, #tpu.memory_space<vmem>>
      %dma_wait3A_825 = tpu.memref_squeeze %dma_wait3A_824 : memref<1x80x16xf32, #tpu.memory_space<vmem>> -> memref<80x16xf32, #tpu.memory_space<vmem>>
      %dma_wait3A_826 = arith.constant 0 : i32
      %dma_wait3A_827 = tpu.memref_slice %arg8[%sub3A_820, %dma_wait3A_826] : memref<125x80xi32, #tpu.memory_space<vmem>> -> memref<1x80xi32, #tpu.memory_space<vmem>>
      %dma_wait3A_828 = tpu.memref_squeeze %dma_wait3A_827 : memref<1x80xi32, #tpu.memory_space<vmem>> -> memref<80xi32, #tpu.memory_space<vmem>>
      %dma_wait3A_829 = arith.constant 0 : i32
      %dma_wait3A_830 = arith.constant 0 : i32
      %dma_wait3A_831 = tpu.memref_slice %arg10[%dma_wait3A_829, %dma_wait3A_830] : memref<10240x16xf32, #tpu.memory_space<vmem_shared>> -> memref<10240x16xf32, #tpu.memory_space<vmem_shared>>
      tpu.wait_indirect_dma semaphore(%arg28 : memref<!tpu.dma_semaphore, #tpu.memory_space<semaphore_mem>>) src(%dma_wait3A_825 : memref<80x16xf32, #tpu.memory_space<vmem>>) dst(%dma_wait3A_831 : memref<10240x16xf32, #tpu.memory_space<vmem_shared>>)
      %add3A_832 = arith.constant 5 : i32
      %add3A_833 = arith.addi %add3A_794, %add3A_832 : i32
      %dma_start3A_834 = arith.constant 6 : i32
      %dma_start3A_835 = arith.constant 0 : i32
      %dma_start3A_836 = arith.constant 0 : i32
      %dma_start3A_837 = tpu.memref_slice %arg9[%dma_start3A_834, %dma_start3A_835, %dma_start3A_836] : memref<10x80x16xf32, #tpu.memory_space<vmem>> -> memref<1x80x16xf32, #tpu.memory_space<vmem>>
      %dma_start3A_838 = tpu.memref_squeeze %dma_start3A_837 : memref<1x80x16xf32, #tpu.memory_space<vmem>> -> memref<80x16xf32, #tpu.memory_space<vmem>>
      %dma_start3A_839 = arith.constant 0 : i32
      %dma_start3A_840 = tpu.memref_slice %arg7[%add3A_833, %dma_start3A_839] : memref<125x80xi32, #tpu.memory_space<vmem>> -> memref<1x80xi32, #tpu.memory_space<vmem>>
      %dma_start3A_841 = tpu.memref_squeeze %dma_start3A_840 : memref<1x80xi32, #tpu.memory_space<vmem>> -> memref<80xi32, #tpu.memory_space<vmem>>
      %dma_start3A_842 = arith.constant 0 : i32
      %dma_start3A_843 = arith.constant 0 : i32
      %dma_start3A_844 = tpu.memref_slice %arg11[%dma_start3A_842, %dma_start3A_843] : memref<10240x16xf32, #tpu.memory_space<vmem_shared>> -> memref<10240x16xf32, #tpu.memory_space<vmem_shared>>
      tpu.enqueue_indirect_dma source(%dma_start3A_844 : memref<10240x16xf32, #tpu.memory_space<vmem_shared>>) target(%dma_start3A_838 : memref<80x16xf32, #tpu.memory_space<vmem>>) offsets(%dma_start3A_841 : memref<80xi32, #tpu.memory_space<vmem>>) semaphore(%arg18 : memref<!tpu.dma_semaphore, #tpu.memory_space<semaphore_mem>>)
      %mul3A_845 = arith.constant 10 : i32
      %mul3A_846 = arith.muli %scan3A_737, %mul3A_845 : i32
      %add3A_847 = arith.constant 2 : i32
      %add3A_848 = arith.addi %mul3A_846, %add3A_847 : i32
      %dma_wait3A_849 = arith.constant 2 : i32
      %dma_wait3A_850 = arith.constant 0 : i32
      %dma_wait3A_851 = arith.constant 0 : i32
      %dma_wait3A_852 = tpu.memref_slice %arg9[%dma_wait3A_849, %dma_wait3A_850, %dma_wait3A_851] : memref<10x80x16xf32, #tpu.memory_space<vmem>> -> memref<1x80x16xf32, #tpu.memory_space<vmem>>
      %dma_wait3A_853 = tpu.memref_squeeze %dma_wait3A_852 : memref<1x80x16xf32, #tpu.memory_space<vmem>> -> memref<80x16xf32, #tpu.memory_space<vmem>>
      %dma_wait3A_854 = arith.constant 0 : i32
      %dma_wait3A_855 = tpu.memref_slice %arg7[%add3A_848, %dma_wait3A_854] : memref<125x80xi32, #tpu.memory_space<vmem>> -> memref<1x80xi32, #tpu.memory_space<vmem>>
      %dma_wait3A_856 = tpu.memref_squeeze %dma_wait3A_855 : memref<1x80xi32, #tpu.memory_space<vmem>> -> memref<80xi32, #tpu.memory_space<vmem>>
      %dma_wait3A_857 = arith.constant 0 : i32
      %dma_wait3A_858 = arith.constant 0 : i32
      %dma_wait3A_859 = tpu.memref_slice %arg11[%dma_wait3A_857, %dma_wait3A_858] : memref<10240x16xf32, #tpu.memory_space<vmem_shared>> -> memref<10240x16xf32, #tpu.memory_space<vmem_shared>>
      tpu.wait_indirect_dma semaphore(%arg14 : memref<!tpu.dma_semaphore, #tpu.memory_space<semaphore_mem>>) src(%dma_wait3A_859 : memref<10240x16xf32, #tpu.memory_space<vmem_shared>>) dst(%dma_wait3A_853 : memref<80x16xf32, #tpu.memory_space<vmem>>)
      %dma_start3A_860 = arith.constant 2 : i32
      %dma_start3A_861 = arith.constant 0 : i32
      %dma_start3A_862 = arith.constant 0 : i32
      %dma_start3A_863 = tpu.memref_slice %arg9[%dma_start3A_860, %dma_start3A_861, %dma_start3A_862] : memref<10x80x16xf32, #tpu.memory_space<vmem>> -> memref<1x80x16xf32, #tpu.memory_space<vmem>>
      %dma_start3A_864 = tpu.memref_squeeze %dma_start3A_863 : memref<1x80x16xf32, #tpu.memory_space<vmem>> -> memref<80x16xf32, #tpu.memory_space<vmem>>
      %dma_start3A_865 = arith.constant 0 : i32
      %dma_start3A_866 = tpu.memref_slice %arg8[%add3A_848, %dma_start3A_865] : memref<125x80xi32, #tpu.memory_space<vmem>> -> memref<1x80xi32, #tpu.memory_space<vmem>>
      %dma_start3A_867 = tpu.memref_squeeze %dma_start3A_866 : memref<1x80xi32, #tpu.memory_space<vmem>> -> memref<80xi32, #tpu.memory_space<vmem>>
      %dma_start3A_868 = arith.constant 0 : i32
      %dma_start3A_869 = arith.constant 0 : i32
      %dma_start3A_870 = tpu.memref_slice %arg10[%dma_start3A_868, %dma_start3A_869] : memref<10240x16xf32, #tpu.memory_space<vmem_shared>> -> memref<10240x16xf32, #tpu.memory_space<vmem_shared>>
      tpu.enqueue_indirect_dma source(%dma_start3A_864 : memref<80x16xf32, #tpu.memory_space<vmem>>) target(%dma_start3A_870 : memref<10240x16xf32, #tpu.memory_space<vmem_shared>>) offsets(%dma_start3A_867 : memref<80xi32, #tpu.memory_space<vmem>>) semaphore(%arg24 : memref<!tpu.dma_semaphore, #tpu.memory_space<semaphore_mem>>) {add = true}
      %add3A_871 = arith.constant 5 : i32
      %add3A_872 = arith.addi %add3A_848, %add3A_871 : i32
      %sub3A_873 = arith.constant 10 : i32
      %sub3A_874 = arith.subi %add3A_872, %sub3A_873 : i32
      %dma_wait3A_875 = arith.constant 7 : i32
      %dma_wait3A_876 = arith.constant 0 : i32
      %dma_wait3A_877 = arith.constant 0 : i32
      %dma_wait3A_878 = tpu.memref_slice %arg9[%dma_wait3A_875, %dma_wait3A_876, %dma_wait3A_877] : memref<10x80x16xf32, #tpu.memory_space<vmem>> -> memref<1x80x16xf32, #tpu.memory_space<vmem>>
      %dma_wait3A_879 = tpu.memref_squeeze %dma_wait3A_878 : memref<1x80x16xf32, #tpu.memory_space<vmem>> -> memref<80x16xf32, #tpu.memory_space<vmem>>
      %dma_wait3A_880 = arith.constant 0 : i32
      %dma_wait3A_881 = tpu.memref_slice %arg8[%sub3A_874, %dma_wait3A_880] : memref<125x80xi32, #tpu.memory_space<vmem>> -> memref<1x80xi32, #tpu.memory_space<vmem>>
      %dma_wait3A_882 = tpu.memref_squeeze %dma_wait3A_881 : memref<1x80xi32, #tpu.memory_space<vmem>> -> memref<80xi32, #tpu.memory_space<vmem>>
      %dma_wait3A_883 = arith.constant 0 : i32
      %dma_wait3A_884 = arith.constant 0 : i32
      %dma_wait3A_885 = tpu.memref_slice %arg10[%dma_wait3A_883, %dma_wait3A_884] : memref<10240x16xf32, #tpu.memory_space<vmem_shared>> -> memref<10240x16xf32, #tpu.memory_space<vmem_shared>>
      tpu.wait_indirect_dma semaphore(%arg29 : memref<!tpu.dma_semaphore, #tpu.memory_space<semaphore_mem>>) src(%dma_wait3A_879 : memref<80x16xf32, #tpu.memory_space<vmem>>) dst(%dma_wait3A_885 : memref<10240x16xf32, #tpu.memory_space<vmem_shared>>)
      %add3A_886 = arith.constant 5 : i32
      %add3A_887 = arith.addi %add3A_848, %add3A_886 : i32
      %dma_start3A_888 = arith.constant 7 : i32
      %dma_start3A_889 = arith.constant 0 : i32
      %dma_start3A_890 = arith.constant 0 : i32
      %dma_start3A_891 = tpu.memref_slice %arg9[%dma_start3A_888, %dma_start3A_889, %dma_start3A_890] : memref<10x80x16xf32, #tpu.memory_space<vmem>> -> memref<1x80x16xf32, #tpu.memory_space<vmem>>
      %dma_start3A_892 = tpu.memref_squeeze %dma_start3A_891 : memref<1x80x16xf32, #tpu.memory_space<vmem>> -> memref<80x16xf32, #tpu.memory_space<vmem>>
      %dma_start3A_893 = arith.constant 0 : i32
      %dma_start3A_894 = tpu.memref_slice %arg7[%add3A_887, %dma_start3A_893] : memref<125x80xi32, #tpu.memory_space<vmem>> -> memref<1x80xi32, #tpu.memory_space<vmem>>
      %dma_start3A_895 = tpu.memref_squeeze %dma_start3A_894 : memref<1x80xi32, #tpu.memory_space<vmem>> -> memref<80xi32, #tpu.memory_space<vmem>>
      %dma_start3A_896 = arith.constant 0 : i32
      %dma_start3A_897 = arith.constant 0 : i32
      %dma_start3A_898 = tpu.memref_slice %arg11[%dma_start3A_896, %dma_start3A_897] : memref<10240x16xf32, #tpu.memory_space<vmem_shared>> -> memref<10240x16xf32, #tpu.memory_space<vmem_shared>>
      tpu.enqueue_indirect_dma source(%dma_start3A_898 : memref<10240x16xf32, #tpu.memory_space<vmem_shared>>) target(%dma_start3A_892 : memref<80x16xf32, #tpu.memory_space<vmem>>) offsets(%dma_start3A_895 : memref<80xi32, #tpu.memory_space<vmem>>) semaphore(%arg19 : memref<!tpu.dma_semaphore, #tpu.memory_space<semaphore_mem>>)
      %mul3A_899 = arith.constant 10 : i32
      %mul3A_900 = arith.muli %scan3A_737, %mul3A_899 : i32
      %add3A_901 = arith.constant 3 : i32
      %add3A_902 = arith.addi %mul3A_900, %add3A_901 : i32
      %dma_wait3A_903 = arith.constant 3 : i32
      %dma_wait3A_904 = arith.constant 0 : i32
      %dma_wait3A_905 = arith.constant 0 : i32
      %dma_wait3A_906 = tpu.memref_slice %arg9[%dma_wait3A_903, %dma_wait3A_904, %dma_wait3A_905] : memref<10x80x16xf32, #tpu.memory_space<vmem>> -> memref<1x80x16xf32, #tpu.memory_space<vmem>>
      %dma_wait3A_907 = tpu.memref_squeeze %dma_wait3A_906 : memref<1x80x16xf32, #tpu.memory_space<vmem>> -> memref<80x16xf32, #tpu.memory_space<vmem>>
      %dma_wait3A_908 = arith.constant 0 : i32
      %dma_wait3A_909 = tpu.memref_slice %arg7[%add3A_902, %dma_wait3A_908] : memref<125x80xi32, #tpu.memory_space<vmem>> -> memref<1x80xi32, #tpu.memory_space<vmem>>
      %dma_wait3A_910 = tpu.memref_squeeze %dma_wait3A_909 : memref<1x80xi32, #tpu.memory_space<vmem>> -> memref<80xi32, #tpu.memory_space<vmem>>
      %dma_wait3A_911 = arith.constant 0 : i32
      %dma_wait3A_912 = arith.constant 0 : i32
      %dma_wait3A_913 = tpu.memref_slice %arg11[%dma_wait3A_911, %dma_wait3A_912] : memref<10240x16xf32, #tpu.memory_space<vmem_shared>> -> memref<10240x16xf32, #tpu.memory_space<vmem_shared>>
      tpu.wait_indirect_dma semaphore(%arg15 : memref<!tpu.dma_semaphore, #tpu.memory_space<semaphore_mem>>) src(%dma_wait3A_913 : memref<10240x16xf32, #tpu.memory_space<vmem_shared>>) dst(%dma_wait3A_907 : memref<80x16xf32, #tpu.memory_space<vmem>>)
      %dma_start3A_914 = arith.constant 3 : i32
      %dma_start3A_915 = arith.constant 0 : i32
      %dma_start3A_916 = arith.constant 0 : i32
      %dma_start3A_917 = tpu.memref_slice %arg9[%dma_start3A_914, %dma_start3A_915, %dma_start3A_916] : memref<10x80x16xf32, #tpu.memory_space<vmem>> -> memref<1x80x16xf32, #tpu.memory_space<vmem>>
      %dma_start3A_918 = tpu.memref_squeeze %dma_start3A_917 : memref<1x80x16xf32, #tpu.memory_space<vmem>> -> memref<80x16xf32, #tpu.memory_space<vmem>>
      %dma_start3A_919 = arith.constant 0 : i32
      %dma_start3A_920 = tpu.memref_slice %arg8[%add3A_902, %dma_start3A_919] : memref<125x80xi32, #tpu.memory_space<vmem>> -> memref<1x80xi32, #tpu.memory_space<vmem>>
      %dma_start3A_921 = tpu.memref_squeeze %dma_start3A_920 : memref<1x80xi32, #tpu.memory_space<vmem>> -> memref<80xi32, #tpu.memory_space<vmem>>
      %dma_start3A_922 = arith.constant 0 : i32
      %dma_start3A_923 = arith.constant 0 : i32
      %dma_start3A_924 = tpu.memref_slice %arg10[%dma_start3A_922, %dma_start3A_923] : memref<10240x16xf32, #tpu.memory_space<vmem_shared>> -> memref<10240x16xf32, #tpu.memory_space<vmem_shared>>
      tpu.enqueue_indirect_dma source(%dma_start3A_918 : memref<80x16xf32, #tpu.memory_space<vmem>>) target(%dma_start3A_924 : memref<10240x16xf32, #tpu.memory_space<vmem_shared>>) offsets(%dma_start3A_921 : memref<80xi32, #tpu.memory_space<vmem>>) semaphore(%arg25 : memref<!tpu.dma_semaphore, #tpu.memory_space<semaphore_mem>>) {add = true}
      %add3A_925 = arith.constant 5 : i32
      %add3A_926 = arith.addi %add3A_902, %add3A_925 : i32
      %sub3A_927 = arith.constant 10 : i32
      %sub3A_928 = arith.subi %add3A_926, %sub3A_927 : i32
      %dma_wait3A_929 = arith.constant 8 : i32
      %dma_wait3A_930 = arith.constant 0 : i32
      %dma_wait3A_931 = arith.constant 0 : i32
      %dma_wait3A_932 = tpu.memref_slice %arg9[%dma_wait3A_929, %dma_wait3A_930, %dma_wait3A_931] : memref<10x80x16xf32, #tpu.memory_space<vmem>> -> memref<1x80x16xf32, #tpu.memory_space<vmem>>
      %dma_wait3A_933 = tpu.memref_squeeze %dma_wait3A_932 : memref<1x80x16xf32, #tpu.memory_space<vmem>> -> memref<80x16xf32, #tpu.memory_space<vmem>>
      %dma_wait3A_934 = arith.constant 0 : i32
      %dma_wait3A_935 = tpu.memref_slice %arg8[%sub3A_928, %dma_wait3A_934] : memref<125x80xi32, #tpu.memory_space<vmem>> -> memref<1x80xi32, #tpu.memory_space<vmem>>
      %dma_wait3A_936 = tpu.memref_squeeze %dma_wait3A_935 : memref<1x80xi32, #tpu.memory_space<vmem>> -> memref<80xi32, #tpu.memory_space<vmem>>
      %dma_wait3A_937 = arith.constant 0 : i32
      %dma_wait3A_938 = arith.constant 0 : i32
      %dma_wait3A_939 = tpu.memref_slice %arg10[%dma_wait3A_937, %dma_wait3A_938] : memref<10240x16xf32, #tpu.memory_space<vmem_shared>> -> memref<10240x16xf32, #tpu.memory_space<vmem_shared>>
      tpu.wait_indirect_dma semaphore(%arg30 : memref<!tpu.dma_semaphore, #tpu.memory_space<semaphore_mem>>) src(%dma_wait3A_933 : memref<80x16xf32, #tpu.memory_space<vmem>>) dst(%dma_wait3A_939 : memref<10240x16xf32, #tpu.memory_space<vmem_shared>>)
      %add3A_940 = arith.constant 5 : i32
      %add3A_941 = arith.addi %add3A_902, %add3A_940 : i32
      %dma_start3A_942 = arith.constant 8 : i32
      %dma_start3A_943 = arith.constant 0 : i32
      %dma_start3A_944 = arith.constant 0 : i32
      %dma_start3A_945 = tpu.memref_slice %arg9[%dma_start3A_942, %dma_start3A_943, %dma_start3A_944] : memref<10x80x16xf32, #tpu.memory_space<vmem>> -> memref<1x80x16xf32, #tpu.memory_space<vmem>>
      %dma_start3A_946 = tpu.memref_squeeze %dma_start3A_945 : memref<1x80x16xf32, #tpu.memory_space<vmem>> -> memref<80x16xf32, #tpu.memory_space<vmem>>
      %dma_start3A_947 = arith.constant 0 : i32
      %dma_start3A_948 = tpu.memref_slice %arg7[%add3A_941, %dma_start3A_947] : memref<125x80xi32, #tpu.memory_space<vmem>> -> memref<1x80xi32, #tpu.memory_space<vmem>>
      %dma_start3A_949 = tpu.memref_squeeze %dma_start3A_948 : memref<1x80xi32, #tpu.memory_space<vmem>> -> memref<80xi32, #tpu.memory_space<vmem>>
      %dma_start3A_950 = arith.constant 0 : i32
      %dma_start3A_951 = arith.constant 0 : i32
      %dma_start3A_952 = tpu.memref_slice %arg11[%dma_start3A_950, %dma_start3A_951] : memref<10240x16xf32, #tpu.memory_space<vmem_shared>> -> memref<10240x16xf32, #tpu.memory_space<vmem_shared>>
      tpu.enqueue_indirect_dma source(%dma_start3A_952 : memref<10240x16xf32, #tpu.memory_space<vmem_shared>>) target(%dma_start3A_946 : memref<80x16xf32, #tpu.memory_space<vmem>>) offsets(%dma_start3A_949 : memref<80xi32, #tpu.memory_space<vmem>>) semaphore(%arg20 : memref<!tpu.dma_semaphore, #tpu.memory_space<semaphore_mem>>)
      %mul3A_953 = arith.constant 10 : i32
      %mul3A_954 = arith.muli %scan3A_737, %mul3A_953 : i32
      %add3A_955 = arith.constant 4 : i32
      %add3A_956 = arith.addi %mul3A_954, %add3A_955 : i32
      %dma_wait3A_957 = arith.constant 4 : i32
      %dma_wait3A_958 = arith.constant 0 : i32
      %dma_wait3A_959 = arith.constant 0 : i32
      %dma_wait3A_960 = tpu.memref_slice %arg9[%dma_wait3A_957, %dma_wait3A_958, %dma_wait3A_959] : memref<10x80x16xf32, #tpu.memory_space<vmem>> -> memref<1x80x16xf32, #tpu.memory_space<vmem>>
      %dma_wait3A_961 = tpu.memref_squeeze %dma_wait3A_960 : memref<1x80x16xf32, #tpu.memory_space<vmem>> -> memref<80x16xf32, #tpu.memory_space<vmem>>
      %dma_wait3A_962 = arith.constant 0 : i32
      %dma_wait3A_963 = tpu.memref_slice %arg7[%add3A_956, %dma_wait3A_962] : memref<125x80xi32, #tpu.memory_space<vmem>> -> memref<1x80xi32, #tpu.memory_space<vmem>>
      %dma_wait3A_964 = tpu.memref_squeeze %dma_wait3A_963 : memref<1x80xi32, #tpu.memory_space<vmem>> -> memref<80xi32, #tpu.memory_space<vmem>>
      %dma_wait3A_965 = arith.constant 0 : i32
      %dma_wait3A_966 = arith.constant 0 : i32
      %dma_wait3A_967 = tpu.memref_slice %arg11[%dma_wait3A_965, %dma_wait3A_966] : memref<10240x16xf32, #tpu.memory_space<vmem_shared>> -> memref<10240x16xf32, #tpu.memory_space<vmem_shared>>
      tpu.wait_indirect_dma semaphore(%arg16 : memref<!tpu.dma_semaphore, #tpu.memory_space<semaphore_mem>>) src(%dma_wait3A_967 : memref<10240x16xf32, #tpu.memory_space<vmem_shared>>) dst(%dma_wait3A_961 : memref<80x16xf32, #tpu.memory_space<vmem>>)
      %dma_start3A_968 = arith.constant 4 : i32
      %dma_start3A_969 = arith.constant 0 : i32
      %dma_start3A_970 = arith.constant 0 : i32
      %dma_start3A_971 = tpu.memref_slice %arg9[%dma_start3A_968, %dma_start3A_969, %dma_start3A_970] : memref<10x80x16xf32, #tpu.memory_space<vmem>> -> memref<1x80x16xf32, #tpu.memory_space<vmem>>
      %dma_start3A_972 = tpu.memref_squeeze %dma_start3A_971 : memref<1x80x16xf32, #tpu.memory_space<vmem>> -> memref<80x16xf32, #tpu.memory_space<vmem>>
      %dma_start3A_973 = arith.constant 0 : i32
      %dma_start3A_974 = tpu.memref_slice %arg8[%add3A_956, %dma_start3A_973] : memref<125x80xi32, #tpu.memory_space<vmem>> -> memref<1x80xi32, #tpu.memory_space<vmem>>
      %dma_start3A_975 = tpu.memref_squeeze %dma_start3A_974 : memref<1x80xi32, #tpu.memory_space<vmem>> -> memref<80xi32, #tpu.memory_space<vmem>>
      %dma_start3A_976 = arith.constant 0 : i32
      %dma_start3A_977 = arith.constant 0 : i32
      %dma_start3A_978 = tpu.memref_slice %arg10[%dma_start3A_976, %dma_start3A_977] : memref<10240x16xf32, #tpu.memory_space<vmem_shared>> -> memref<10240x16xf32, #tpu.memory_space<vmem_shared>>
      tpu.enqueue_indirect_dma source(%dma_start3A_972 : memref<80x16xf32, #tpu.memory_space<vmem>>) target(%dma_start3A_978 : memref<10240x16xf32, #tpu.memory_space<vmem_shared>>) offsets(%dma_start3A_975 : memref<80xi32, #tpu.memory_space<vmem>>) semaphore(%arg26 : memref<!tpu.dma_semaphore, #tpu.memory_space<semaphore_mem>>) {add = true}
      %add3A_979 = arith.constant 5 : i32
      %add3A_980 = arith.addi %add3A_956, %add3A_979 : i32
      %sub3A_981 = arith.constant 10 : i32
      %sub3A_982 = arith.subi %add3A_980, %sub3A_981 : i32
      %dma_wait3A_983 = arith.constant 9 : i32
      %dma_wait3A_984 = arith.constant 0 : i32
      %dma_wait3A_985 = arith.constant 0 : i32
      %dma_wait3A_986 = tpu.memref_slice %arg9[%dma_wait3A_983, %dma_wait3A_984, %dma_wait3A_985] : memref<10x80x16xf32, #tpu.memory_space<vmem>> -> memref<1x80x16xf32, #tpu.memory_space<vmem>>
      %dma_wait3A_987 = tpu.memref_squeeze %dma_wait3A_986 : memref<1x80x16xf32, #tpu.memory_space<vmem>> -> memref<80x16xf32, #tpu.memory_space<vmem>>
      %dma_wait3A_988 = arith.constant 0 : i32
      %dma_wait3A_989 = tpu.memref_slice %arg8[%sub3A_982, %dma_wait3A_988] : memref<125x80xi32, #tpu.memory_space<vmem>> -> memref<1x80xi32, #tpu.memory_space<vmem>>
      %dma_wait3A_990 = tpu.memref_squeeze %dma_wait3A_989 : memref<1x80xi32, #tpu.memory_space<vmem>> -> memref<80xi32, #tpu.memory_space<vmem>>
      %dma_wait3A_991 = arith.constant 0 : i32
      %dma_wait3A_992 = arith.constant 0 : i32
      %dma_wait3A_993 = tpu.memref_slice %arg10[%dma_wait3A_991, %dma_wait3A_992] : memref<10240x16xf32, #tpu.memory_space<vmem_shared>> -> memref<10240x16xf32, #tpu.memory_space<vmem_shared>>
      tpu.wait_indirect_dma semaphore(%arg31 : memref<!tpu.dma_semaphore, #tpu.memory_space<semaphore_mem>>) src(%dma_wait3A_987 : memref<80x16xf32, #tpu.memory_space<vmem>>) dst(%dma_wait3A_993 : memref<10240x16xf32, #tpu.memory_space<vmem_shared>>)
      %add3A_994 = arith.constant 5 : i32
      %add3A_995 = arith.addi %add3A_956, %add3A_994 : i32
      %dma_start3A_996 = arith.constant 9 : i32
      %dma_start3A_997 = arith.constant 0 : i32
      %dma_start3A_998 = arith.constant 0 : i32
      %dma_start3A_999 = tpu.memref_slice %arg9[%dma_start3A_996, %dma_start3A_997, %dma_start3A_998] : memref<10x80x16xf32, #tpu.memory_space<vmem>> -> memref<1x80x16xf32, #tpu.memory_space<vmem>>
      %dma_start3A_1000 = tpu.memref_squeeze %dma_start3A_999 : memref<1x80x16xf32, #tpu.memory_space<vmem>> -> memref<80x16xf32, #tpu.memory_space<vmem>>
      %dma_start3A_1001 = arith.constant 0 : i32
      %dma_start3A_1002 = tpu.memref_slice %arg7[%add3A_995, %dma_start3A_1001] : memref<125x80xi32, #tpu.memory_space<vmem>> -> memref<1x80xi32, #tpu.memory_space<vmem>>
      %dma_start3A_1003 = tpu.memref_squeeze %dma_start3A_1002 : memref<1x80xi32, #tpu.memory_space<vmem>> -> memref<80xi32, #tpu.memory_space<vmem>>
      %dma_start3A_1004 = arith.constant 0 : i32
      %dma_start3A_1005 = arith.constant 0 : i32
      %dma_start3A_1006 = tpu.memref_slice %arg11[%dma_start3A_1004, %dma_start3A_1005] : memref<10240x16xf32, #tpu.memory_space<vmem_shared>> -> memref<10240x16xf32, #tpu.memory_space<vmem_shared>>
      tpu.enqueue_indirect_dma source(%dma_start3A_1006 : memref<10240x16xf32, #tpu.memory_space<vmem_shared>>) target(%dma_start3A_1000 : memref<80x16xf32, #tpu.memory_space<vmem>>) offsets(%dma_start3A_1003 : memref<80xi32, #tpu.memory_space<vmem>>) semaphore(%arg21 : memref<!tpu.dma_semaphore, #tpu.memory_space<semaphore_mem>>)
      %mul3A_1007 = arith.constant 10 : i32
      %mul3A_1008 = arith.muli %scan3A_737, %mul3A_1007 : i32
      %add3A_1009 = arith.constant 5 : i32
      %add3A_1010 = arith.addi %mul3A_1008, %add3A_1009 : i32
      %dma_wait3A_1011 = arith.constant 5 : i32
      %dma_wait3A_1012 = arith.constant 0 : i32
      %dma_wait3A_1013 = arith.constant 0 : i32
      %dma_wait3A_1014 = tpu.memref_slice %arg9[%dma_wait3A_1011, %dma_wait3A_1012, %dma_wait3A_1013] : memref<10x80x16xf32, #tpu.memory_space<vmem>> -> memref<1x80x16xf32, #tpu.memory_space<vmem>>
      %dma_wait3A_1015 = tpu.memref_squeeze %dma_wait3A_1014 : memref<1x80x16xf32, #tpu.memory_space<vmem>> -> memref<80x16xf32, #tpu.memory_space<vmem>>
      %dma_wait3A_1016 = arith.constant 0 : i32
      %dma_wait3A_1017 = tpu.memref_slice %arg7[%add3A_1010, %dma_wait3A_1016] : memref<125x80xi32, #tpu.memory_space<vmem>> -> memref<1x80xi32, #tpu.memory_space<vmem>>
      %dma_wait3A_1018 = tpu.memref_squeeze %dma_wait3A_1017 : memref<1x80xi32, #tpu.memory_space<vmem>> -> memref<80xi32, #tpu.memory_space<vmem>>
      %dma_wait3A_1019 = arith.constant 0 : i32
      %dma_wait3A_1020 = arith.constant 0 : i32
      %dma_wait3A_1021 = tpu.memref_slice %arg11[%dma_wait3A_1019, %dma_wait3A_1020] : memref<10240x16xf32, #tpu.memory_space<vmem_shared>> -> memref<10240x16xf32, #tpu.memory_space<vmem_shared>>
      tpu.wait_indirect_dma semaphore(%arg17 : memref<!tpu.dma_semaphore, #tpu.memory_space<semaphore_mem>>) src(%dma_wait3A_1021 : memref<10240x16xf32, #tpu.memory_space<vmem_shared>>) dst(%dma_wait3A_1015 : memref<80x16xf32, #tpu.memory_space<vmem>>)
      %dma_start3A_1022 = arith.constant 5 : i32
      %dma_start3A_1023 = arith.constant 0 : i32
      %dma_start3A_1024 = arith.constant 0 : i32
      %dma_start3A_1025 = tpu.memref_slice %arg9[%dma_start3A_1022, %dma_start3A_1023, %dma_start3A_1024] : memref<10x80x16xf32, #tpu.memory_space<vmem>> -> memref<1x80x16xf32, #tpu.memory_space<vmem>>
      %dma_start3A_1026 = tpu.memref_squeeze %dma_start3A_1025 : memref<1x80x16xf32, #tpu.memory_space<vmem>> -> memref<80x16xf32, #tpu.memory_space<vmem>>
      %dma_start3A_1027 = arith.constant 0 : i32
      %dma_start3A_1028 = tpu.memref_slice %arg8[%add3A_1010, %dma_start3A_1027] : memref<125x80xi32, #tpu.memory_space<vmem>> -> memref<1x80xi32, #tpu.memory_space<vmem>>
      %dma_start3A_1029 = tpu.memref_squeeze %dma_start3A_1028 : memref<1x80xi32, #tpu.memory_space<vmem>> -> memref<80xi32, #tpu.memory_space<vmem>>
      %dma_start3A_1030 = arith.constant 0 : i32
      %dma_start3A_1031 = arith.constant 0 : i32
      %dma_start3A_1032 = tpu.memref_slice %arg10[%dma_start3A_1030, %dma_start3A_1031] : memref<10240x16xf32, #tpu.memory_space<vmem_shared>> -> memref<10240x16xf32, #tpu.memory_space<vmem_shared>>
      tpu.enqueue_indirect_dma source(%dma_start3A_1026 : memref<80x16xf32, #tpu.memory_space<vmem>>) target(%dma_start3A_1032 : memref<10240x16xf32, #tpu.memory_space<vmem_shared>>) offsets(%dma_start3A_1029 : memref<80xi32, #tpu.memory_space<vmem>>) semaphore(%arg27 : memref<!tpu.dma_semaphore, #tpu.memory_space<semaphore_mem>>) {add = true}
      %add3A_1033 = arith.constant 5 : i32
      %add3A_1034 = arith.addi %add3A_1010, %add3A_1033 : i32
      %sub3A_1035 = arith.constant 10 : i32
      %sub3A_1036 = arith.subi %add3A_1034, %sub3A_1035 : i32
      %dma_wait3A_1037 = arith.constant 0 : i32
      %dma_wait3A_1038 = arith.constant 0 : i32
      %dma_wait3A_1039 = arith.constant 0 : i32
      %dma_wait3A_1040 = tpu.memref_slice %arg9[%dma_wait3A_1037, %dma_wait3A_1038, %dma_wait3A_1039] : memref<10x80x16xf32, #tpu.memory_space<vmem>> -> memref<1x80x16xf32, #tpu.memory_space<vmem>>
      %dma_wait3A_1041 = tpu.memref_squeeze %dma_wait3A_1040 : memref<1x80x16xf32, #tpu.memory_space<vmem>> -> memref<80x16xf32, #tpu.memory_space<vmem>>
      %dma_wait3A_1042 = arith.constant 0 : i32
      %dma_wait3A_1043 = tpu.memref_slice %arg8[%sub3A_1036, %dma_wait3A_1042] : memref<125x80xi32, #tpu.memory_space<vmem>> -> memref<1x80xi32, #tpu.memory_space<vmem>>
      %dma_wait3A_1044 = tpu.memref_squeeze %dma_wait3A_1043 : memref<1x80xi32, #tpu.memory_space<vmem>> -> memref<80xi32, #tpu.memory_space<vmem>>
      %dma_wait3A_1045 = arith.constant 0 : i32
      %dma_wait3A_1046 = arith.constant 0 : i32
      %dma_wait3A_1047 = tpu.memref_slice %arg10[%dma_wait3A_1045, %dma_wait3A_1046] : memref<10240x16xf32, #tpu.memory_space<vmem_shared>> -> memref<10240x16xf32, #tpu.memory_space<vmem_shared>>
      tpu.wait_indirect_dma semaphore(%arg22 : memref<!tpu.dma_semaphore, #tpu.memory_space<semaphore_mem>>) src(%dma_wait3A_1041 : memref<80x16xf32, #tpu.memory_space<vmem>>) dst(%dma_wait3A_1047 : memref<10240x16xf32, #tpu.memory_space<vmem_shared>>)
      %add3A_1048 = arith.constant 5 : i32
      %add3A_1049 = arith.addi %add3A_1010, %add3A_1048 : i32
      %dma_start3A_1050 = arith.constant 0 : i32
      %dma_start3A_1051 = arith.constant 0 : i32
      %dma_start3A_1052 = arith.constant 0 : i32
      %dma_start3A_1053 = tpu.memref_slice %arg9[%dma_start3A_1050, %dma_start3A_1051, %dma_start3A_1052] : memref<10x80x16xf32, #tpu.memory_space<vmem>> -> memref<1x80x16xf32, #tpu.memory_space<vmem>>
      %dma_start3A_1054 = tpu.memref_squeeze %dma_start3A_1053 : memref<1x80x16xf32, #tpu.memory_space<vmem>> -> memref<80x16xf32, #tpu.memory_space<vmem>>
      %dma_start3A_1055 = arith.constant 0 : i32
      %dma_start3A_1056 = tpu.memref_slice %arg7[%add3A_1049, %dma_start3A_1055] : memref<125x80xi32, #tpu.memory_space<vmem>> -> memref<1x80xi32, #tpu.memory_space<vmem>>
      %dma_start3A_1057 = tpu.memref_squeeze %dma_start3A_1056 : memref<1x80xi32, #tpu.memory_space<vmem>> -> memref<80xi32, #tpu.memory_space<vmem>>
      %dma_start3A_1058 = arith.constant 0 : i32
      %dma_start3A_1059 = arith.constant 0 : i32
      %dma_start3A_1060 = tpu.memref_slice %arg11[%dma_start3A_1058, %dma_start3A_1059] : memref<10240x16xf32, #tpu.memory_space<vmem_shared>> -> memref<10240x16xf32, #tpu.memory_space<vmem_shared>>
      tpu.enqueue_indirect_dma source(%dma_start3A_1060 : memref<10240x16xf32, #tpu.memory_space<vmem_shared>>) target(%dma_start3A_1054 : memref<80x16xf32, #tpu.memory_space<vmem>>) offsets(%dma_start3A_1057 : memref<80xi32, #tpu.memory_space<vmem>>) semaphore(%arg12 : memref<!tpu.dma_semaphore, #tpu.memory_space<semaphore_mem>>)
      %mul3A_1061 = arith.constant 10 : i32
      %mul3A_1062 = arith.muli %scan3A_737, %mul3A_1061 : i32
      %add3A_1063 = arith.constant 6 : i32
      %add3A_1064 = arith.addi %mul3A_1062, %add3A_1063 : i32
      %dma_wait3A_1065 = arith.constant 6 : i32
      %dma_wait3A_1066 = arith.constant 0 : i32
      %dma_wait3A_1067 = arith.constant 0 : i32
      %dma_wait3A_1068 = tpu.memref_slice %arg9[%dma_wait3A_1065, %dma_wait3A_1066, %dma_wait3A_1067] : memref<10x80x16xf32, #tpu.memory_space<vmem>> -> memref<1x80x16xf32, #tpu.memory_space<vmem>>
      %dma_wait3A_1069 = tpu.memref_squeeze %dma_wait3A_1068 : memref<1x80x16xf32, #tpu.memory_space<vmem>> -> memref<80x16xf32, #tpu.memory_space<vmem>>
      %dma_wait3A_1070 = arith.constant 0 : i32
      %dma_wait3A_1071 = tpu.memref_slice %arg7[%add3A_1064, %dma_wait3A_1070] : memref<125x80xi32, #tpu.memory_space<vmem>> -> memref<1x80xi32, #tpu.memory_space<vmem>>
      %dma_wait3A_1072 = tpu.memref_squeeze %dma_wait3A_1071 : memref<1x80xi32, #tpu.memory_space<vmem>> -> memref<80xi32, #tpu.memory_space<vmem>>
      %dma_wait3A_1073 = arith.constant 0 : i32
      %dma_wait3A_1074 = arith.constant 0 : i32
      %dma_wait3A_1075 = tpu.memref_slice %arg11[%dma_wait3A_1073, %dma_wait3A_1074] : memref<10240x16xf32, #tpu.memory_space<vmem_shared>> -> memref<10240x16xf32, #tpu.memory_space<vmem_shared>>
      tpu.wait_indirect_dma semaphore(%arg18 : memref<!tpu.dma_semaphore, #tpu.memory_space<semaphore_mem>>) src(%dma_wait3A_1075 : memref<10240x16xf32, #tpu.memory_space<vmem_shared>>) dst(%dma_wait3A_1069 : memref<80x16xf32, #tpu.memory_space<vmem>>)
      %dma_start3A_1076 = arith.constant 6 : i32
      %dma_start3A_1077 = arith.constant 0 : i32
      %dma_start3A_1078 = arith.constant 0 : i32
      %dma_start3A_1079 = tpu.memref_slice %arg9[%dma_start3A_1076, %dma_start3A_1077, %dma_start3A_1078] : memref<10x80x16xf32, #tpu.memory_space<vmem>> -> memref<1x80x16xf32, #tpu.memory_space<vmem>>
      %dma_start3A_1080 = tpu.memref_squeeze %dma_start3A_1079 : memref<1x80x16xf32, #tpu.memory_space<vmem>> -> memref<80x16xf32, #tpu.memory_space<vmem>>
      %dma_start3A_1081 = arith.constant 0 : i32
      %dma_start3A_1082 = tpu.memref_slice %arg8[%add3A_1064, %dma_start3A_1081] : memref<125x80xi32, #tpu.memory_space<vmem>> -> memref<1x80xi32, #tpu.memory_space<vmem>>
      %dma_start3A_1083 = tpu.memref_squeeze %dma_start3A_1082 : memref<1x80xi32, #tpu.memory_space<vmem>> -> memref<80xi32, #tpu.memory_space<vmem>>
      %dma_start3A_1084 = arith.constant 0 : i32
      %dma_start3A_1085 = arith.constant 0 : i32
      %dma_start3A_1086 = tpu.memref_slice %arg10[%dma_start3A_1084, %dma_start3A_1085] : memref<10240x16xf32, #tpu.memory_space<vmem_shared>> -> memref<10240x16xf32, #tpu.memory_space<vmem_shared>>
      tpu.enqueue_indirect_dma source(%dma_start3A_1080 : memref<80x16xf32, #tpu.memory_space<vmem>>) target(%dma_start3A_1086 : memref<10240x16xf32, #tpu.memory_space<vmem_shared>>) offsets(%dma_start3A_1083 : memref<80xi32, #tpu.memory_space<vmem>>) semaphore(%arg28 : memref<!tpu.dma_semaphore, #tpu.memory_space<semaphore_mem>>) {add = true}
      %add3A_1087 = arith.constant 5 : i32
      %add3A_1088 = arith.addi %add3A_1064, %add3A_1087 : i32
      %sub3A_1089 = arith.constant 10 : i32
      %sub3A_1090 = arith.subi %add3A_1088, %sub3A_1089 : i32
      %dma_wait3A_1091 = arith.constant 1 : i32
      %dma_wait3A_1092 = arith.constant 0 : i32
      %dma_wait3A_1093 = arith.constant 0 : i32
      %dma_wait3A_1094 = tpu.memref_slice %arg9[%dma_wait3A_1091, %dma_wait3A_1092, %dma_wait3A_1093] : memref<10x80x16xf32, #tpu.memory_space<vmem>> -> memref<1x80x16xf32, #tpu.memory_space<vmem>>
      %dma_wait3A_1095 = tpu.memref_squeeze %dma_wait3A_1094 : memref<1x80x16xf32, #tpu.memory_space<vmem>> -> memref<80x16xf32, #tpu.memory_space<vmem>>
      %dma_wait3A_1096 = arith.constant 0 : i32
      %dma_wait3A_1097 = tpu.memref_slice %arg8[%sub3A_1090, %dma_wait3A_1096] : memref<125x80xi32, #tpu.memory_space<vmem>> -> memref<1x80xi32, #tpu.memory_space<vmem>>
      %dma_wait3A_1098 = tpu.memref_squeeze %dma_wait3A_1097 : memref<1x80xi32, #tpu.memory_space<vmem>> -> memref<80xi32, #tpu.memory_space<vmem>>
      %dma_wait3A_1099 = arith.constant 0 : i32
      %dma_wait3A_1100 = arith.constant 0 : i32
      %dma_wait3A_1101 = tpu.memref_slice %arg10[%dma_wait3A_1099, %dma_wait3A_1100] : memref<10240x16xf32, #tpu.memory_space<vmem_shared>> -> memref<10240x16xf32, #tpu.memory_space<vmem_shared>>
      tpu.wait_indirect_dma semaphore(%arg23 : memref<!tpu.dma_semaphore, #tpu.memory_space<semaphore_mem>>) src(%dma_wait3A_1095 : memref<80x16xf32, #tpu.memory_space<vmem>>) dst(%dma_wait3A_1101 : memref<10240x16xf32, #tpu.memory_space<vmem_shared>>)
      %add3A_1102 = arith.constant 5 : i32
      %add3A_1103 = arith.addi %add3A_1064, %add3A_1102 : i32
      %dma_start3A_1104 = arith.constant 1 : i32
      %dma_start3A_1105 = arith.constant 0 : i32
      %dma_start3A_1106 = arith.constant 0 : i32
      %dma_start3A_1107 = tpu.memref_slice %arg9[%dma_start3A_1104, %dma_start3A_1105, %dma_start3A_1106] : memref<10x80x16xf32, #tpu.memory_space<vmem>> -> memref<1x80x16xf32, #tpu.memory_space<vmem>>
      %dma_start3A_1108 = tpu.memref_squeeze %dma_start3A_1107 : memref<1x80x16xf32, #tpu.memory_space<vmem>> -> memref<80x16xf32, #tpu.memory_space<vmem>>
      %dma_start3A_1109 = arith.constant 0 : i32
      %dma_start3A_1110 = tpu.memref_slice %arg7[%add3A_1103, %dma_start3A_1109] : memref<125x80xi32, #tpu.memory_space<vmem>> -> memref<1x80xi32, #tpu.memory_space<vmem>>
      %dma_start3A_1111 = tpu.memref_squeeze %dma_start3A_1110 : memref<1x80xi32, #tpu.memory_space<vmem>> -> memref<80xi32, #tpu.memory_space<vmem>>
      %dma_start3A_1112 = arith.constant 0 : i32
      %dma_start3A_1113 = arith.constant 0 : i32
      %dma_start3A_1114 = tpu.memref_slice %arg11[%dma_start3A_1112, %dma_start3A_1113] : memref<10240x16xf32, #tpu.memory_space<vmem_shared>> -> memref<10240x16xf32, #tpu.memory_space<vmem_shared>>
      tpu.enqueue_indirect_dma source(%dma_start3A_1114 : memref<10240x16xf32, #tpu.memory_space<vmem_shared>>) target(%dma_start3A_1108 : memref<80x16xf32, #tpu.memory_space<vmem>>) offsets(%dma_start3A_1111 : memref<80xi32, #tpu.memory_space<vmem>>) semaphore(%arg13 : memref<!tpu.dma_semaphore, #tpu.memory_space<semaphore_mem>>)
      %mul3A_1115 = arith.constant 10 : i32
      %mul3A_1116 = arith.muli %scan3A_737, %mul3A_1115 : i32
      %add3A_1117 = arith.constant 7 : i32
      %add3A_1118 = arith.addi %mul3A_1116, %add3A_1117 : i32
      %dma_wait3A_1119 = arith.constant 7 : i32
      %dma_wait3A_1120 = arith.constant 0 : i32
      %dma_wait3A_1121 = arith.constant 0 : i32
      %dma_wait3A_1122 = tpu.memref_slice %arg9[%dma_wait3A_1119, %dma_wait3A_1120, %dma_wait3A_1121] : memref<10x80x16xf32, #tpu.memory_space<vmem>> -> memref<1x80x16xf32, #tpu.memory_space<vmem>>
      %dma_wait3A_1123 = tpu.memref_squeeze %dma_wait3A_1122 : memref<1x80x16xf32, #tpu.memory_space<vmem>> -> memref<80x16xf32, #tpu.memory_space<vmem>>
      %dma_wait3A_1124 = arith.constant 0 : i32
      %dma_wait3A_1125 = tpu.memref_slice %arg7[%add3A_1118, %dma_wait3A_1124] : memref<125x80xi32, #tpu.memory_space<vmem>> -> memref<1x80xi32, #tpu.memory_space<vmem>>
      %dma_wait3A_1126 = tpu.memref_squeeze %dma_wait3A_1125 : memref<1x80xi32, #tpu.memory_space<vmem>> -> memref<80xi32, #tpu.memory_space<vmem>>
      %dma_wait3A_1127 = arith.constant 0 : i32
      %dma_wait3A_1128 = arith.constant 0 : i32
      %dma_wait3A_1129 = tpu.memref_slice %arg11[%dma_wait3A_1127, %dma_wait3A_1128] : memref<10240x16xf32, #tpu.memory_space<vmem_shared>> -> memref<10240x16xf32, #tpu.memory_space<vmem_shared>>
      tpu.wait_indirect_dma semaphore(%arg19 : memref<!tpu.dma_semaphore, #tpu.memory_space<semaphore_mem>>) src(%dma_wait3A_1129 : memref<10240x16xf32, #tpu.memory_space<vmem_shared>>) dst(%dma_wait3A_1123 : memref<80x16xf32, #tpu.memory_space<vmem>>)
      %dma_start3A_1130 = arith.constant 7 : i32
      %dma_start3A_1131 = arith.constant 0 : i32
      %dma_start3A_1132 = arith.constant 0 : i32
      %dma_start3A_1133 = tpu.memref_slice %arg9[%dma_start3A_1130, %dma_start3A_1131, %dma_start3A_1132] : memref<10x80x16xf32, #tpu.memory_space<vmem>> -> memref<1x80x16xf32, #tpu.memory_space<vmem>>
      %dma_start3A_1134 = tpu.memref_squeeze %dma_start3A_1133 : memref<1x80x16xf32, #tpu.memory_space<vmem>> -> memref<80x16xf32, #tpu.memory_space<vmem>>
      %dma_start3A_1135 = arith.constant 0 : i32
      %dma_start3A_1136 = tpu.memref_slice %arg8[%add3A_1118, %dma_start3A_1135] : memref<125x80xi32, #tpu.memory_space<vmem>> -> memref<1x80xi32, #tpu.memory_space<vmem>>
      %dma_start3A_1137 = tpu.memref_squeeze %dma_start3A_1136 : memref<1x80xi32, #tpu.memory_space<vmem>> -> memref<80xi32, #tpu.memory_space<vmem>>
      %dma_start3A_1138 = arith.constant 0 : i32
      %dma_start3A_1139 = arith.constant 0 : i32
      %dma_start3A_1140 = tpu.memref_slice %arg10[%dma_start3A_1138, %dma_start3A_1139] : memref<10240x16xf32, #tpu.memory_space<vmem_shared>> -> memref<10240x16xf32, #tpu.memory_space<vmem_shared>>
      tpu.enqueue_indirect_dma source(%dma_start3A_1134 : memref<80x16xf32, #tpu.memory_space<vmem>>) target(%dma_start3A_1140 : memref<10240x16xf32, #tpu.memory_space<vmem_shared>>) offsets(%dma_start3A_1137 : memref<80xi32, #tpu.memory_space<vmem>>) semaphore(%arg29 : memref<!tpu.dma_semaphore, #tpu.memory_space<semaphore_mem>>) {add = true}
      %add3A_1141 = arith.constant 5 : i32
      %add3A_1142 = arith.addi %add3A_1118, %add3A_1141 : i32
      %sub3A_1143 = arith.constant 10 : i32
      %sub3A_1144 = arith.subi %add3A_1142, %sub3A_1143 : i32
      %dma_wait3A_1145 = arith.constant 2 : i32
      %dma_wait3A_1146 = arith.constant 0 : i32
      %dma_wait3A_1147 = arith.constant 0 : i32
      %dma_wait3A_1148 = tpu.memref_slice %arg9[%dma_wait3A_1145, %dma_wait3A_1146, %dma_wait3A_1147] : memref<10x80x16xf32, #tpu.memory_space<vmem>> -> memref<1x80x16xf32, #tpu.memory_space<vmem>>
      %dma_wait3A_1149 = tpu.memref_squeeze %dma_wait3A_1148 : memref<1x80x16xf32, #tpu.memory_space<vmem>> -> memref<80x16xf32, #tpu.memory_space<vmem>>
      %dma_wait3A_1150 = arith.constant 0 : i32
      %dma_wait3A_1151 = tpu.memref_slice %arg8[%sub3A_1144, %dma_wait3A_1150] : memref<125x80xi32, #tpu.memory_space<vmem>> -> memref<1x80xi32, #tpu.memory_space<vmem>>
      %dma_wait3A_1152 = tpu.memref_squeeze %dma_wait3A_1151 : memref<1x80xi32, #tpu.memory_space<vmem>> -> memref<80xi32, #tpu.memory_space<vmem>>
      %dma_wait3A_1153 = arith.constant 0 : i32
      %dma_wait3A_1154 = arith.constant 0 : i32
      %dma_wait3A_1155 = tpu.memref_slice %arg10[%dma_wait3A_1153, %dma_wait3A_1154] : memref<10240x16xf32, #tpu.memory_space<vmem_shared>> -> memref<10240x16xf32, #tpu.memory_space<vmem_shared>>
      tpu.wait_indirect_dma semaphore(%arg24 : memref<!tpu.dma_semaphore, #tpu.memory_space<semaphore_mem>>) src(%dma_wait3A_1149 : memref<80x16xf32, #tpu.memory_space<vmem>>) dst(%dma_wait3A_1155 : memref<10240x16xf32, #tpu.memory_space<vmem_shared>>)
      %add3A_1156 = arith.constant 5 : i32
      %add3A_1157 = arith.addi %add3A_1118, %add3A_1156 : i32
      %dma_start3A_1158 = arith.constant 2 : i32
      %dma_start3A_1159 = arith.constant 0 : i32
      %dma_start3A_1160 = arith.constant 0 : i32
      %dma_start3A_1161 = tpu.memref_slice %arg9[%dma_start3A_1158, %dma_start3A_1159, %dma_start3A_1160] : memref<10x80x16xf32, #tpu.memory_space<vmem>> -> memref<1x80x16xf32, #tpu.memory_space<vmem>>
      %dma_start3A_1162 = tpu.memref_squeeze %dma_start3A_1161 : memref<1x80x16xf32, #tpu.memory_space<vmem>> -> memref<80x16xf32, #tpu.memory_space<vmem>>
      %dma_start3A_1163 = arith.constant 0 : i32
      %dma_start3A_1164 = tpu.memref_slice %arg7[%add3A_1157, %dma_start3A_1163] : memref<125x80xi32, #tpu.memory_space<vmem>> -> memref<1x80xi32, #tpu.memory_space<vmem>>
      %dma_start3A_1165 = tpu.memref_squeeze %dma_start3A_1164 : memref<1x80xi32, #tpu.memory_space<vmem>> -> memref<80xi32, #tpu.memory_space<vmem>>
      %dma_start3A_1166 = arith.constant 0 : i32
      %dma_start3A_1167 = arith.constant 0 : i32
      %dma_start3A_1168 = tpu.memref_slice %arg11[%dma_start3A_1166, %dma_start3A_1167] : memref<10240x16xf32, #tpu.memory_space<vmem_shared>> -> memref<10240x16xf32, #tpu.memory_space<vmem_shared>>
      tpu.enqueue_indirect_dma source(%dma_start3A_1168 : memref<10240x16xf32, #tpu.memory_space<vmem_shared>>) target(%dma_start3A_1162 : memref<80x16xf32, #tpu.memory_space<vmem>>) offsets(%dma_start3A_1165 : memref<80xi32, #tpu.memory_space<vmem>>) semaphore(%arg14 : memref<!tpu.dma_semaphore, #tpu.memory_space<semaphore_mem>>)
      %mul3A_1169 = arith.constant 10 : i32
      %mul3A_1170 = arith.muli %scan3A_737, %mul3A_1169 : i32
      %add3A_1171 = arith.constant 8 : i32
      %add3A_1172 = arith.addi %mul3A_1170, %add3A_1171 : i32
      %dma_wait3A_1173 = arith.constant 8 : i32
      %dma_wait3A_1174 = arith.constant 0 : i32
      %dma_wait3A_1175 = arith.constant 0 : i32
      %dma_wait3A_1176 = tpu.memref_slice %arg9[%dma_wait3A_1173, %dma_wait3A_1174, %dma_wait3A_1175] : memref<10x80x16xf32, #tpu.memory_space<vmem>> -> memref<1x80x16xf32, #tpu.memory_space<vmem>>
      %dma_wait3A_1177 = tpu.memref_squeeze %dma_wait3A_1176 : memref<1x80x16xf32, #tpu.memory_space<vmem>> -> memref<80x16xf32, #tpu.memory_space<vmem>>
      %dma_wait3A_1178 = arith.constant 0 : i32
      %dma_wait3A_1179 = tpu.memref_slice %arg7[%add3A_1172, %dma_wait3A_1178] : memref<125x80xi32, #tpu.memory_space<vmem>> -> memref<1x80xi32, #tpu.memory_space<vmem>>
      %dma_wait3A_1180 = tpu.memref_squeeze %dma_wait3A_1179 : memref<1x80xi32, #tpu.memory_space<vmem>> -> memref<80xi32, #tpu.memory_space<vmem>>
      %dma_wait3A_1181 = arith.constant 0 : i32
      %dma_wait3A_1182 = arith.constant 0 : i32
      %dma_wait3A_1183 = tpu.memref_slice %arg11[%dma_wait3A_1181, %dma_wait3A_1182] : memref<10240x16xf32, #tpu.memory_space<vmem_shared>> -> memref<10240x16xf32, #tpu.memory_space<vmem_shared>>
      tpu.wait_indirect_dma semaphore(%arg20 : memref<!tpu.dma_semaphore, #tpu.memory_space<semaphore_mem>>) src(%dma_wait3A_1183 : memref<10240x16xf32, #tpu.memory_space<vmem_shared>>) dst(%dma_wait3A_1177 : memref<80x16xf32, #tpu.memory_space<vmem>>)
      %dma_start3A_1184 = arith.constant 8 : i32
      %dma_start3A_1185 = arith.constant 0 : i32
      %dma_start3A_1186 = arith.constant 0 : i32
      %dma_start3A_1187 = tpu.memref_slice %arg9[%dma_start3A_1184, %dma_start3A_1185, %dma_start3A_1186] : memref<10x80x16xf32, #tpu.memory_space<vmem>> -> memref<1x80x16xf32, #tpu.memory_space<vmem>>
      %dma_start3A_1188 = tpu.memref_squeeze %dma_start3A_1187 : memref<1x80x16xf32, #tpu.memory_space<vmem>> -> memref<80x16xf32, #tpu.memory_space<vmem>>
      %dma_start3A_1189 = arith.constant 0 : i32
      %dma_start3A_1190 = tpu.memref_slice %arg8[%add3A_1172, %dma_start3A_1189] : memref<125x80xi32, #tpu.memory_space<vmem>> -> memref<1x80xi32, #tpu.memory_space<vmem>>
      %dma_start3A_1191 = tpu.memref_squeeze %dma_start3A_1190 : memref<1x80xi32, #tpu.memory_space<vmem>> -> memref<80xi32, #tpu.memory_space<vmem>>
      %dma_start3A_1192 = arith.constant 0 : i32
      %dma_start3A_1193 = arith.constant 0 : i32
      %dma_start3A_1194 = tpu.memref_slice %arg10[%dma_start3A_1192, %dma_start3A_1193] : memref<10240x16xf32, #tpu.memory_space<vmem_shared>> -> memref<10240x16xf32, #tpu.memory_space<vmem_shared>>
      tpu.enqueue_indirect_dma source(%dma_start3A_1188 : memref<80x16xf32, #tpu.memory_space<vmem>>) target(%dma_start3A_1194 : memref<10240x16xf32, #tpu.memory_space<vmem_shared>>) offsets(%dma_start3A_1191 : memref<80xi32, #tpu.memory_space<vmem>>) semaphore(%arg30 : memref<!tpu.dma_semaphore, #tpu.memory_space<semaphore_mem>>) {add = true}
      %add3A_1195 = arith.constant 5 : i32
      %add3A_1196 = arith.addi %add3A_1172, %add3A_1195 : i32
      %sub3A_1197 = arith.constant 10 : i32
      %sub3A_1198 = arith.subi %add3A_1196, %sub3A_1197 : i32
      %dma_wait3A_1199 = arith.constant 3 : i32
      %dma_wait3A_1200 = arith.constant 0 : i32
      %dma_wait3A_1201 = arith.constant 0 : i32
      %dma_wait3A_1202 = tpu.memref_slice %arg9[%dma_wait3A_1199, %dma_wait3A_1200, %dma_wait3A_1201] : memref<10x80x16xf32, #tpu.memory_space<vmem>> -> memref<1x80x16xf32, #tpu.memory_space<vmem>>
      %dma_wait3A_1203 = tpu.memref_squeeze %dma_wait3A_1202 : memref<1x80x16xf32, #tpu.memory_space<vmem>> -> memref<80x16xf32, #tpu.memory_space<vmem>>
      %dma_wait3A_1204 = arith.constant 0 : i32
      %dma_wait3A_1205 = tpu.memref_slice %arg8[%sub3A_1198, %dma_wait3A_1204] : memref<125x80xi32, #tpu.memory_space<vmem>> -> memref<1x80xi32, #tpu.memory_space<vmem>>
      %dma_wait3A_1206 = tpu.memref_squeeze %dma_wait3A_1205 : memref<1x80xi32, #tpu.memory_space<vmem>> -> memref<80xi32, #tpu.memory_space<vmem>>
      %dma_wait3A_1207 = arith.constant 0 : i32
      %dma_wait3A_1208 = arith.constant 0 : i32
      %dma_wait3A_1209 = tpu.memref_slice %arg10[%dma_wait3A_1207, %dma_wait3A_1208] : memref<10240x16xf32, #tpu.memory_space<vmem_shared>> -> memref<10240x16xf32, #tpu.memory_space<vmem_shared>>
      tpu.wait_indirect_dma semaphore(%arg25 : memref<!tpu.dma_semaphore, #tpu.memory_space<semaphore_mem>>) src(%dma_wait3A_1203 : memref<80x16xf32, #tpu.memory_space<vmem>>) dst(%dma_wait3A_1209 : memref<10240x16xf32, #tpu.memory_space<vmem_shared>>)
      %add3A_1210 = arith.constant 5 : i32
      %add3A_1211 = arith.addi %add3A_1172, %add3A_1210 : i32
      %dma_start3A_1212 = arith.constant 3 : i32
      %dma_start3A_1213 = arith.constant 0 : i32
      %dma_start3A_1214 = arith.constant 0 : i32
      %dma_start3A_1215 = tpu.memref_slice %arg9[%dma_start3A_1212, %dma_start3A_1213, %dma_start3A_1214] : memref<10x80x16xf32, #tpu.memory_space<vmem>> -> memref<1x80x16xf32, #tpu.memory_space<vmem>>
      %dma_start3A_1216 = tpu.memref_squeeze %dma_start3A_1215 : memref<1x80x16xf32, #tpu.memory_space<vmem>> -> memref<80x16xf32, #tpu.memory_space<vmem>>
      %dma_start3A_1217 = arith.constant 0 : i32
      %dma_start3A_1218 = tpu.memref_slice %arg7[%add3A_1211, %dma_start3A_1217] : memref<125x80xi32, #tpu.memory_space<vmem>> -> memref<1x80xi32, #tpu.memory_space<vmem>>
      %dma_start3A_1219 = tpu.memref_squeeze %dma_start3A_1218 : memref<1x80xi32, #tpu.memory_space<vmem>> -> memref<80xi32, #tpu.memory_space<vmem>>
      %dma_start3A_1220 = arith.constant 0 : i32
      %dma_start3A_1221 = arith.constant 0 : i32
      %dma_start3A_1222 = tpu.memref_slice %arg11[%dma_start3A_1220, %dma_start3A_1221] : memref<10240x16xf32, #tpu.memory_space<vmem_shared>> -> memref<10240x16xf32, #tpu.memory_space<vmem_shared>>
      tpu.enqueue_indirect_dma source(%dma_start3A_1222 : memref<10240x16xf32, #tpu.memory_space<vmem_shared>>) target(%dma_start3A_1216 : memref<80x16xf32, #tpu.memory_space<vmem>>) offsets(%dma_start3A_1219 : memref<80xi32, #tpu.memory_space<vmem>>) semaphore(%arg15 : memref<!tpu.dma_semaphore, #tpu.memory_space<semaphore_mem>>)
      %mul3A_1223 = arith.constant 10 : i32
      %mul3A_1224 = arith.muli %scan3A_737, %mul3A_1223 : i32
      %add3A_1225 = arith.constant 9 : i32
      %add3A_1226 = arith.addi %mul3A_1224, %add3A_1225 : i32
      %dma_wait3A_1227 = arith.constant 9 : i32
      %dma_wait3A_1228 = arith.constant 0 : i32
      %dma_wait3A_1229 = arith.constant 0 : i32
      %dma_wait3A_1230 = tpu.memref_slice %arg9[%dma_wait3A_1227, %dma_wait3A_1228, %dma_wait3A_1229] : memref<10x80x16xf32, #tpu.memory_space<vmem>> -> memref<1x80x16xf32, #tpu.memory_space<vmem>>
      %dma_wait3A_1231 = tpu.memref_squeeze %dma_wait3A_1230 : memref<1x80x16xf32, #tpu.memory_space<vmem>> -> memref<80x16xf32, #tpu.memory_space<vmem>>
      %dma_wait3A_1232 = arith.constant 0 : i32
      %dma_wait3A_1233 = tpu.memref_slice %arg7[%add3A_1226, %dma_wait3A_1232] : memref<125x80xi32, #tpu.memory_space<vmem>> -> memref<1x80xi32, #tpu.memory_space<vmem>>
      %dma_wait3A_1234 = tpu.memref_squeeze %dma_wait3A_1233 : memref<1x80xi32, #tpu.memory_space<vmem>> -> memref<80xi32, #tpu.memory_space<vmem>>
      %dma_wait3A_1235 = arith.constant 0 : i32
      %dma_wait3A_1236 = arith.constant 0 : i32
      %dma_wait3A_1237 = tpu.memref_slice %arg11[%dma_wait3A_1235, %dma_wait3A_1236] : memref<10240x16xf32, #tpu.memory_space<vmem_shared>> -> memref<10240x16xf32, #tpu.memory_space<vmem_shared>>
      tpu.wait_indirect_dma semaphore(%arg21 : memref<!tpu.dma_semaphore, #tpu.memory_space<semaphore_mem>>) src(%dma_wait3A_1237 : memref<10240x16xf32, #tpu.memory_space<vmem_shared>>) dst(%dma_wait3A_1231 : memref<80x16xf32, #tpu.memory_space<vmem>>)
      %dma_start3A_1238 = arith.constant 9 : i32
      %dma_start3A_1239 = arith.constant 0 : i32
      %dma_start3A_1240 = arith.constant 0 : i32
      %dma_start3A_1241 = tpu.memref_slice %arg9[%dma_start3A_1238, %dma_start3A_1239, %dma_start3A_1240] : memref<10x80x16xf32, #tpu.memory_space<vmem>> -> memref<1x80x16xf32, #tpu.memory_space<vmem>>
      %dma_start3A_1242 = tpu.memref_squeeze %dma_start3A_1241 : memref<1x80x16xf32, #tpu.memory_space<vmem>> -> memref<80x16xf32, #tpu.memory_space<vmem>>
      %dma_start3A_1243 = arith.constant 0 : i32
      %dma_start3A_1244 = tpu.memref_slice %arg8[%add3A_1226, %dma_start3A_1243] : memref<125x80xi32, #tpu.memory_space<vmem>> -> memref<1x80xi32, #tpu.memory_space<vmem>>
      %dma_start3A_1245 = tpu.memref_squeeze %dma_start3A_1244 : memref<1x80xi32, #tpu.memory_space<vmem>> -> memref<80xi32, #tpu.memory_space<vmem>>
      %dma_start3A_1246 = arith.constant 0 : i32
      %dma_start3A_1247 = arith.constant 0 : i32
      %dma_start3A_1248 = tpu.memref_slice %arg10[%dma_start3A_1246, %dma_start3A_1247] : memref<10240x16xf32, #tpu.memory_space<vmem_shared>> -> memref<10240x16xf32, #tpu.memory_space<vmem_shared>>
      tpu.enqueue_indirect_dma source(%dma_start3A_1242 : memref<80x16xf32, #tpu.memory_space<vmem>>) target(%dma_start3A_1248 : memref<10240x16xf32, #tpu.memory_space<vmem_shared>>) offsets(%dma_start3A_1245 : memref<80xi32, #tpu.memory_space<vmem>>) semaphore(%arg31 : memref<!tpu.dma_semaphore, #tpu.memory_space<semaphore_mem>>) {add = true}
      %add3A_1249 = arith.constant 5 : i32
      %add3A_1250 = arith.addi %add3A_1226, %add3A_1249 : i32
      %sub3A_1251 = arith.constant 10 : i32
      %sub3A_1252 = arith.subi %add3A_1250, %sub3A_1251 : i32
      %dma_wait3A_1253 = arith.constant 4 : i32
      %dma_wait3A_1254 = arith.constant 0 : i32
      %dma_wait3A_1255 = arith.constant 0 : i32
      %dma_wait3A_1256 = tpu.memref_slice %arg9[%dma_wait3A_1253, %dma_wait3A_1254, %dma_wait3A_1255] : memref<10x80x16xf32, #tpu.memory_space<vmem>> -> memref<1x80x16xf32, #tpu.memory_space<vmem>>
      %dma_wait3A_1257 = tpu.memref_squeeze %dma_wait3A_1256 : memref<1x80x16xf32, #tpu.memory_space<vmem>> -> memref<80x16xf32, #tpu.memory_space<vmem>>
      %dma_wait3A_1258 = arith.constant 0 : i32
      %dma_wait3A_1259 = tpu.memref_slice %arg8[%sub3A_1252, %dma_wait3A_1258] : memref<125x80xi32, #tpu.memory_space<vmem>> -> memref<1x80xi32, #tpu.memory_space<vmem>>
      %dma_wait3A_1260 = tpu.memref_squeeze %dma_wait3A_1259 : memref<1x80xi32, #tpu.memory_space<vmem>> -> memref<80xi32, #tpu.memory_space<vmem>>
      %dma_wait3A_1261 = arith.constant 0 : i32
      %dma_wait3A_1262 = arith.constant 0 : i32
      %dma_wait3A_1263 = tpu.memref_slice %arg10[%dma_wait3A_1261, %dma_wait3A_1262] : memref<10240x16xf32, #tpu.memory_space<vmem_shared>> -> memref<10240x16xf32, #tpu.memory_space<vmem_shared>>
      tpu.wait_indirect_dma semaphore(%arg26 : memref<!tpu.dma_semaphore, #tpu.memory_space<semaphore_mem>>) src(%dma_wait3A_1257 : memref<80x16xf32, #tpu.memory_space<vmem>>) dst(%dma_wait3A_1263 : memref<10240x16xf32, #tpu.memory_space<vmem_shared>>)
      %add3A_1264 = arith.constant 5 : i32
      %add3A_1265 = arith.addi %add3A_1226, %add3A_1264 : i32
      %dma_start3A_1266 = arith.constant 4 : i32
      %dma_start3A_1267 = arith.constant 0 : i32
      %dma_start3A_1268 = arith.constant 0 : i32
      %dma_start3A_1269 = tpu.memref_slice %arg9[%dma_start3A_1266, %dma_start3A_1267, %dma_start3A_1268] : memref<10x80x16xf32, #tpu.memory_space<vmem>> -> memref<1x80x16xf32, #tpu.memory_space<vmem>>
      %dma_start3A_1270 = tpu.memref_squeeze %dma_start3A_1269 : memref<1x80x16xf32, #tpu.memory_space<vmem>> -> memref<80x16xf32, #tpu.memory_space<vmem>>
      %dma_start3A_1271 = arith.constant 0 : i32
      %dma_start3A_1272 = tpu.memref_slice %arg7[%add3A_1265, %dma_start3A_1271] : memref<125x80xi32, #tpu.memory_space<vmem>> -> memref<1x80xi32, #tpu.memory_space<vmem>>
      %dma_start3A_1273 = tpu.memref_squeeze %dma_start3A_1272 : memref<1x80xi32, #tpu.memory_space<vmem>> -> memref<80xi32, #tpu.memory_space<vmem>>
      %dma_start3A_1274 = arith.constant 0 : i32
      %dma_start3A_1275 = arith.constant 0 : i32
      %dma_start3A_1276 = tpu.memref_slice %arg11[%dma_start3A_1274, %dma_start3A_1275] : memref<10240x16xf32, #tpu.memory_space<vmem_shared>> -> memref<10240x16xf32, #tpu.memory_space<vmem_shared>>
      tpu.enqueue_indirect_dma source(%dma_start3A_1276 : memref<10240x16xf32, #tpu.memory_space<vmem_shared>>) target(%dma_start3A_1270 : memref<80x16xf32, #tpu.memory_space<vmem>>) offsets(%dma_start3A_1273 : memref<80xi32, #tpu.memory_space<vmem>>) semaphore(%arg16 : memref<!tpu.dma_semaphore, #tpu.memory_space<semaphore_mem>>)
    }
    %scan3A_491 = arith.constant 11 : i32
    %dma_wait3A_492 = arith.constant 120 : i32
    %dma_wait3A_493 = arith.constant 0 : i32
    %dma_wait3A_494 = arith.constant 0 : i32
    %dma_wait3A_495 = arith.constant 0 : i32
    %dma_wait3A_496 = tpu.memref_slice %arg9[%dma_wait3A_493, %dma_wait3A_494, %dma_wait3A_495] : memref<10x80x16xf32, #tpu.memory_space<vmem>> -> memref<1x80x16xf32, #tpu.memory_space<vmem>>
    %dma_wait3A_497 = tpu.memref_squeeze %dma_wait3A_496 : memref<1x80x16xf32, #tpu.memory_space<vmem>> -> memref<80x16xf32, #tpu.memory_space<vmem>>
    %dma_wait3A_498 = arith.constant 0 : i32
    %dma_wait3A_499 = tpu.memref_slice %arg7[%dma_wait3A_492, %dma_wait3A_498] : memref<125x80xi32, #tpu.memory_space<vmem>> -> memref<1x80xi32, #tpu.memory_space<vmem>>
    %dma_wait3A_500 = tpu.memref_squeeze %dma_wait3A_499 : memref<1x80xi32, #tpu.memory_space<vmem>> -> memref<80xi32, #tpu.memory_space<vmem>>
    %dma_wait3A_501 = arith.constant 0 : i32
    %dma_wait3A_502 = arith.constant 0 : i32
    %dma_wait3A_503 = tpu.memref_slice %arg11[%dma_wait3A_501, %dma_wait3A_502] : memref<10240x16xf32, #tpu.memory_space<vmem_shared>> -> memref<10240x16xf32, #tpu.memory_space<vmem_shared>>
    tpu.wait_indirect_dma semaphore(%arg12 : memref<!tpu.dma_semaphore, #tpu.memory_space<semaphore_mem>>) src(%dma_wait3A_503 : memref<10240x16xf32, #tpu.memory_space<vmem_shared>>) dst(%dma_wait3A_497 : memref<80x16xf32, #tpu.memory_space<vmem>>)
    %dma_start3A_504 = arith.constant 0 : i32
    %dma_start3A_505 = arith.constant 120 : i32
    %dma_start3A_506 = arith.constant 0 : i32
    %dma_start3A_507 = arith.constant 0 : i32
    %dma_start3A_508 = tpu.memref_slice %arg9[%dma_start3A_504, %dma_start3A_506, %dma_start3A_507] : memref<10x80x16xf32, #tpu.memory_space<vmem>> -> memref<1x80x16xf32, #tpu.memory_space<vmem>>
    %dma_start3A_509 = tpu.memref_squeeze %dma_start3A_508 : memref<1x80x16xf32, #tpu.memory_space<vmem>> -> memref<80x16xf32, #tpu.memory_space<vmem>>
    %dma_start3A_510 = arith.constant 0 : i32
    %dma_start3A_511 = tpu.memref_slice %arg8[%dma_start3A_505, %dma_start3A_510] : memref<125x80xi32, #tpu.memory_space<vmem>> -> memref<1x80xi32, #tpu.memory_space<vmem>>
    %dma_start3A_512 = tpu.memref_squeeze %dma_start3A_511 : memref<1x80xi32, #tpu.memory_space<vmem>> -> memref<80xi32, #tpu.memory_space<vmem>>
    %dma_start3A_513 = arith.constant 0 : i32
    %dma_start3A_514 = arith.constant 0 : i32
    %dma_start3A_515 = tpu.memref_slice %arg10[%dma_start3A_513, %dma_start3A_514] : memref<10240x16xf32, #tpu.memory_space<vmem_shared>> -> memref<10240x16xf32, #tpu.memory_space<vmem_shared>>
    tpu.enqueue_indirect_dma source(%dma_start3A_509 : memref<80x16xf32, #tpu.memory_space<vmem>>) target(%dma_start3A_515 : memref<10240x16xf32, #tpu.memory_space<vmem_shared>>) offsets(%dma_start3A_512 : memref<80xi32, #tpu.memory_space<vmem>>) semaphore(%arg22 : memref<!tpu.dma_semaphore, #tpu.memory_space<semaphore_mem>>) {add = true}
    %dma_wait3A_516 = arith.constant 121 : i32
    %dma_wait3A_517 = arith.constant 1 : i32
    %dma_wait3A_518 = arith.constant 0 : i32
    %dma_wait3A_519 = arith.constant 0 : i32
    %dma_wait3A_520 = tpu.memref_slice %arg9[%dma_wait3A_517, %dma_wait3A_518, %dma_wait3A_519] : memref<10x80x16xf32, #tpu.memory_space<vmem>> -> memref<1x80x16xf32, #tpu.memory_space<vmem>>
    %dma_wait3A_521 = tpu.memref_squeeze %dma_wait3A_520 : memref<1x80x16xf32, #tpu.memory_space<vmem>> -> memref<80x16xf32, #tpu.memory_space<vmem>>
    %dma_wait3A_522 = arith.constant 0 : i32
    %dma_wait3A_523 = tpu.memref_slice %arg7[%dma_wait3A_516, %dma_wait3A_522] : memref<125x80xi32, #tpu.memory_space<vmem>> -> memref<1x80xi32, #tpu.memory_space<vmem>>
    %dma_wait3A_524 = tpu.memref_squeeze %dma_wait3A_523 : memref<1x80xi32, #tpu.memory_space<vmem>> -> memref<80xi32, #tpu.memory_space<vmem>>
    %dma_wait3A_525 = arith.constant 0 : i32
    %dma_wait3A_526 = arith.constant 0 : i32
    %dma_wait3A_527 = tpu.memref_slice %arg11[%dma_wait3A_525, %dma_wait3A_526] : memref<10240x16xf32, #tpu.memory_space<vmem_shared>> -> memref<10240x16xf32, #tpu.memory_space<vmem_shared>>
    tpu.wait_indirect_dma semaphore(%arg13 : memref<!tpu.dma_semaphore, #tpu.memory_space<semaphore_mem>>) src(%dma_wait3A_527 : memref<10240x16xf32, #tpu.memory_space<vmem_shared>>) dst(%dma_wait3A_521 : memref<80x16xf32, #tpu.memory_space<vmem>>)
    %dma_start3A_528 = arith.constant 1 : i32
    %dma_start3A_529 = arith.constant 121 : i32
    %dma_start3A_530 = arith.constant 0 : i32
    %dma_start3A_531 = arith.constant 0 : i32
    %dma_start3A_532 = tpu.memref_slice %arg9[%dma_start3A_528, %dma_start3A_530, %dma_start3A_531] : memref<10x80x16xf32, #tpu.memory_space<vmem>> -> memref<1x80x16xf32, #tpu.memory_space<vmem>>
    %dma_start3A_533 = tpu.memref_squeeze %dma_start3A_532 : memref<1x80x16xf32, #tpu.memory_space<vmem>> -> memref<80x16xf32, #tpu.memory_space<vmem>>
    %dma_start3A_534 = arith.constant 0 : i32
    %dma_start3A_535 = tpu.memref_slice %arg8[%dma_start3A_529, %dma_start3A_534] : memref<125x80xi32, #tpu.memory_space<vmem>> -> memref<1x80xi32, #tpu.memory_space<vmem>>
    %dma_start3A_536 = tpu.memref_squeeze %dma_start3A_535 : memref<1x80xi32, #tpu.memory_space<vmem>> -> memref<80xi32, #tpu.memory_space<vmem>>
    %dma_start3A_537 = arith.constant 0 : i32
    %dma_start3A_538 = arith.constant 0 : i32
    %dma_start3A_539 = tpu.memref_slice %arg10[%dma_start3A_537, %dma_start3A_538] : memref<10240x16xf32, #tpu.memory_space<vmem_shared>> -> memref<10240x16xf32, #tpu.memory_space<vmem_shared>>
    tpu.enqueue_indirect_dma source(%dma_start3A_533 : memref<80x16xf32, #tpu.memory_space<vmem>>) target(%dma_start3A_539 : memref<10240x16xf32, #tpu.memory_space<vmem_shared>>) offsets(%dma_start3A_536 : memref<80xi32, #tpu.memory_space<vmem>>) semaphore(%arg23 : memref<!tpu.dma_semaphore, #tpu.memory_space<semaphore_mem>>) {add = true}
    %dma_wait3A_540 = arith.constant 122 : i32
    %dma_wait3A_541 = arith.constant 2 : i32
    %dma_wait3A_542 = arith.constant 0 : i32
    %dma_wait3A_543 = arith.constant 0 : i32
    %dma_wait3A_544 = tpu.memref_slice %arg9[%dma_wait3A_541, %dma_wait3A_542, %dma_wait3A_543] : memref<10x80x16xf32, #tpu.memory_space<vmem>> -> memref<1x80x16xf32, #tpu.memory_space<vmem>>
    %dma_wait3A_545 = tpu.memref_squeeze %dma_wait3A_544 : memref<1x80x16xf32, #tpu.memory_space<vmem>> -> memref<80x16xf32, #tpu.memory_space<vmem>>
    %dma_wait3A_546 = arith.constant 0 : i32
    %dma_wait3A_547 = tpu.memref_slice %arg7[%dma_wait3A_540, %dma_wait3A_546] : memref<125x80xi32, #tpu.memory_space<vmem>> -> memref<1x80xi32, #tpu.memory_space<vmem>>
    %dma_wait3A_548 = tpu.memref_squeeze %dma_wait3A_547 : memref<1x80xi32, #tpu.memory_space<vmem>> -> memref<80xi32, #tpu.memory_space<vmem>>
    %dma_wait3A_549 = arith.constant 0 : i32
    %dma_wait3A_550 = arith.constant 0 : i32
    %dma_wait3A_551 = tpu.memref_slice %arg11[%dma_wait3A_549, %dma_wait3A_550] : memref<10240x16xf32, #tpu.memory_space<vmem_shared>> -> memref<10240x16xf32, #tpu.memory_space<vmem_shared>>
    tpu.wait_indirect_dma semaphore(%arg14 : memref<!tpu.dma_semaphore, #tpu.memory_space<semaphore_mem>>) src(%dma_wait3A_551 : memref<10240x16xf32, #tpu.memory_space<vmem_shared>>) dst(%dma_wait3A_545 : memref<80x16xf32, #tpu.memory_space<vmem>>)
    %dma_start3A_552 = arith.constant 2 : i32
    %dma_start3A_553 = arith.constant 122 : i32
    %dma_start3A_554 = arith.constant 0 : i32
    %dma_start3A_555 = arith.constant 0 : i32
    %dma_start3A_556 = tpu.memref_slice %arg9[%dma_start3A_552, %dma_start3A_554, %dma_start3A_555] : memref<10x80x16xf32, #tpu.memory_space<vmem>> -> memref<1x80x16xf32, #tpu.memory_space<vmem>>
    %dma_start3A_557 = tpu.memref_squeeze %dma_start3A_556 : memref<1x80x16xf32, #tpu.memory_space<vmem>> -> memref<80x16xf32, #tpu.memory_space<vmem>>
    %dma_start3A_558 = arith.constant 0 : i32
    %dma_start3A_559 = tpu.memref_slice %arg8[%dma_start3A_553, %dma_start3A_558] : memref<125x80xi32, #tpu.memory_space<vmem>> -> memref<1x80xi32, #tpu.memory_space<vmem>>
    %dma_start3A_560 = tpu.memref_squeeze %dma_start3A_559 : memref<1x80xi32, #tpu.memory_space<vmem>> -> memref<80xi32, #tpu.memory_space<vmem>>
    %dma_start3A_561 = arith.constant 0 : i32
    %dma_start3A_562 = arith.constant 0 : i32
    %dma_start3A_563 = tpu.memref_slice %arg10[%dma_start3A_561, %dma_start3A_562] : memref<10240x16xf32, #tpu.memory_space<vmem_shared>> -> memref<10240x16xf32, #tpu.memory_space<vmem_shared>>
    tpu.enqueue_indirect_dma source(%dma_start3A_557 : memref<80x16xf32, #tpu.memory_space<vmem>>) target(%dma_start3A_563 : memref<10240x16xf32, #tpu.memory_space<vmem_shared>>) offsets(%dma_start3A_560 : memref<80xi32, #tpu.memory_space<vmem>>) semaphore(%arg24 : memref<!tpu.dma_semaphore, #tpu.memory_space<semaphore_mem>>) {add = true}
    %dma_wait3A_564 = arith.constant 123 : i32
    %dma_wait3A_565 = arith.constant 3 : i32
    %dma_wait3A_566 = arith.constant 0 : i32
    %dma_wait3A_567 = arith.constant 0 : i32
    %dma_wait3A_568 = tpu.memref_slice %arg9[%dma_wait3A_565, %dma_wait3A_566, %dma_wait3A_567] : memref<10x80x16xf32, #tpu.memory_space<vmem>> -> memref<1x80x16xf32, #tpu.memory_space<vmem>>
    %dma_wait3A_569 = tpu.memref_squeeze %dma_wait3A_568 : memref<1x80x16xf32, #tpu.memory_space<vmem>> -> memref<80x16xf32, #tpu.memory_space<vmem>>
    %dma_wait3A_570 = arith.constant 0 : i32
    %dma_wait3A_571 = tpu.memref_slice %arg7[%dma_wait3A_564, %dma_wait3A_570] : memref<125x80xi32, #tpu.memory_space<vmem>> -> memref<1x80xi32, #tpu.memory_space<vmem>>
    %dma_wait3A_572 = tpu.memref_squeeze %dma_wait3A_571 : memref<1x80xi32, #tpu.memory_space<vmem>> -> memref<80xi32, #tpu.memory_space<vmem>>
    %dma_wait3A_573 = arith.constant 0 : i32
    %dma_wait3A_574 = arith.constant 0 : i32
    %dma_wait3A_575 = tpu.memref_slice %arg11[%dma_wait3A_573, %dma_wait3A_574] : memref<10240x16xf32, #tpu.memory_space<vmem_shared>> -> memref<10240x16xf32, #tpu.memory_space<vmem_shared>>
    tpu.wait_indirect_dma semaphore(%arg15 : memref<!tpu.dma_semaphore, #tpu.memory_space<semaphore_mem>>) src(%dma_wait3A_575 : memref<10240x16xf32, #tpu.memory_space<vmem_shared>>) dst(%dma_wait3A_569 : memref<80x16xf32, #tpu.memory_space<vmem>>)
    %dma_start3A_576 = arith.constant 3 : i32
    %dma_start3A_577 = arith.constant 123 : i32
    %dma_start3A_578 = arith.constant 0 : i32
    %dma_start3A_579 = arith.constant 0 : i32
    %dma_start3A_580 = tpu.memref_slice %arg9[%dma_start3A_576, %dma_start3A_578, %dma_start3A_579] : memref<10x80x16xf32, #tpu.memory_space<vmem>> -> memref<1x80x16xf32, #tpu.memory_space<vmem>>
    %dma_start3A_581 = tpu.memref_squeeze %dma_start3A_580 : memref<1x80x16xf32, #tpu.memory_space<vmem>> -> memref<80x16xf32, #tpu.memory_space<vmem>>
    %dma_start3A_582 = arith.constant 0 : i32
    %dma_start3A_583 = tpu.memref_slice %arg8[%dma_start3A_577, %dma_start3A_582] : memref<125x80xi32, #tpu.memory_space<vmem>> -> memref<1x80xi32, #tpu.memory_space<vmem>>
    %dma_start3A_584 = tpu.memref_squeeze %dma_start3A_583 : memref<1x80xi32, #tpu.memory_space<vmem>> -> memref<80xi32, #tpu.memory_space<vmem>>
    %dma_start3A_585 = arith.constant 0 : i32
    %dma_start3A_586 = arith.constant 0 : i32
    %dma_start3A_587 = tpu.memref_slice %arg10[%dma_start3A_585, %dma_start3A_586] : memref<10240x16xf32, #tpu.memory_space<vmem_shared>> -> memref<10240x16xf32, #tpu.memory_space<vmem_shared>>
    tpu.enqueue_indirect_dma source(%dma_start3A_581 : memref<80x16xf32, #tpu.memory_space<vmem>>) target(%dma_start3A_587 : memref<10240x16xf32, #tpu.memory_space<vmem_shared>>) offsets(%dma_start3A_584 : memref<80xi32, #tpu.memory_space<vmem>>) semaphore(%arg25 : memref<!tpu.dma_semaphore, #tpu.memory_space<semaphore_mem>>) {add = true}
    %dma_wait3A_588 = arith.constant 124 : i32
    %dma_wait3A_589 = arith.constant 4 : i32
    %dma_wait3A_590 = arith.constant 0 : i32
    %dma_wait3A_591 = arith.constant 0 : i32
    %dma_wait3A_592 = tpu.memref_slice %arg9[%dma_wait3A_589, %dma_wait3A_590, %dma_wait3A_591] : memref<10x80x16xf32, #tpu.memory_space<vmem>> -> memref<1x80x16xf32, #tpu.memory_space<vmem>>
    %dma_wait3A_593 = tpu.memref_squeeze %dma_wait3A_592 : memref<1x80x16xf32, #tpu.memory_space<vmem>> -> memref<80x16xf32, #tpu.memory_space<vmem>>
    %dma_wait3A_594 = arith.constant 0 : i32
    %dma_wait3A_595 = tpu.memref_slice %arg7[%dma_wait3A_588, %dma_wait3A_594] : memref<125x80xi32, #tpu.memory_space<vmem>> -> memref<1x80xi32, #tpu.memory_space<vmem>>
    %dma_wait3A_596 = tpu.memref_squeeze %dma_wait3A_595 : memref<1x80xi32, #tpu.memory_space<vmem>> -> memref<80xi32, #tpu.memory_space<vmem>>
    %dma_wait3A_597 = arith.constant 0 : i32
    %dma_wait3A_598 = arith.constant 0 : i32
    %dma_wait3A_599 = tpu.memref_slice %arg11[%dma_wait3A_597, %dma_wait3A_598] : memref<10240x16xf32, #tpu.memory_space<vmem_shared>> -> memref<10240x16xf32, #tpu.memory_space<vmem_shared>>
    tpu.wait_indirect_dma semaphore(%arg16 : memref<!tpu.dma_semaphore, #tpu.memory_space<semaphore_mem>>) src(%dma_wait3A_599 : memref<10240x16xf32, #tpu.memory_space<vmem_shared>>) dst(%dma_wait3A_593 : memref<80x16xf32, #tpu.memory_space<vmem>>)
    %dma_start3A_600 = arith.constant 4 : i32
    %dma_start3A_601 = arith.constant 124 : i32
    %dma_start3A_602 = arith.constant 0 : i32
    %dma_start3A_603 = arith.constant 0 : i32
    %dma_start3A_604 = tpu.memref_slice %arg9[%dma_start3A_600, %dma_start3A_602, %dma_start3A_603] : memref<10x80x16xf32, #tpu.memory_space<vmem>> -> memref<1x80x16xf32, #tpu.memory_space<vmem>>
    %dma_start3A_605 = tpu.memref_squeeze %dma_start3A_604 : memref<1x80x16xf32, #tpu.memory_space<vmem>> -> memref<80x16xf32, #tpu.memory_space<vmem>>
    %dma_start3A_606 = arith.constant 0 : i32
    %dma_start3A_607 = tpu.memref_slice %arg8[%dma_start3A_601, %dma_start3A_606] : memref<125x80xi32, #tpu.memory_space<vmem>> -> memref<1x80xi32, #tpu.memory_space<vmem>>
    %dma_start3A_608 = tpu.memref_squeeze %dma_start3A_607 : memref<1x80xi32, #tpu.memory_space<vmem>> -> memref<80xi32, #tpu.memory_space<vmem>>
    %dma_start3A_609 = arith.constant 0 : i32
    %dma_start3A_610 = arith.constant 0 : i32
    %dma_start3A_611 = tpu.memref_slice %arg10[%dma_start3A_609, %dma_start3A_610] : memref<10240x16xf32, #tpu.memory_space<vmem_shared>> -> memref<10240x16xf32, #tpu.memory_space<vmem_shared>>
    tpu.enqueue_indirect_dma source(%dma_start3A_605 : memref<80x16xf32, #tpu.memory_space<vmem>>) target(%dma_start3A_611 : memref<10240x16xf32, #tpu.memory_space<vmem_shared>>) offsets(%dma_start3A_608 : memref<80xi32, #tpu.memory_space<vmem>>) semaphore(%arg26 : memref<!tpu.dma_semaphore, #tpu.memory_space<semaphore_mem>>) {add = true}
    %dma_wait3A_612 = arith.constant 5 : i32
    %dma_wait3A_613 = arith.constant 115 : i32
    %dma_wait3A_614 = arith.constant 0 : i32
    %dma_wait3A_615 = arith.constant 0 : i32
    %dma_wait3A_616 = tpu.memref_slice %arg9[%dma_wait3A_612, %dma_wait3A_614, %dma_wait3A_615] : memref<10x80x16xf32, #tpu.memory_space<vmem>> -> memref<1x80x16xf32, #tpu.memory_space<vmem>>
    %dma_wait3A_617 = tpu.memref_squeeze %dma_wait3A_616 : memref<1x80x16xf32, #tpu.memory_space<vmem>> -> memref<80x16xf32, #tpu.memory_space<vmem>>
    %dma_wait3A_618 = arith.constant 0 : i32
    %dma_wait3A_619 = tpu.memref_slice %arg8[%dma_wait3A_613, %dma_wait3A_618] : memref<125x80xi32, #tpu.memory_space<vmem>> -> memref<1x80xi32, #tpu.memory_space<vmem>>
    %dma_wait3A_620 = tpu.memref_squeeze %dma_wait3A_619 : memref<1x80xi32, #tpu.memory_space<vmem>> -> memref<80xi32, #tpu.memory_space<vmem>>
    %dma_wait3A_621 = arith.constant 0 : i32
    %dma_wait3A_622 = arith.constant 0 : i32
    %dma_wait3A_623 = tpu.memref_slice %arg10[%dma_wait3A_621, %dma_wait3A_622] : memref<10240x16xf32, #tpu.memory_space<vmem_shared>> -> memref<10240x16xf32, #tpu.memory_space<vmem_shared>>
    tpu.wait_indirect_dma semaphore(%arg27 : memref<!tpu.dma_semaphore, #tpu.memory_space<semaphore_mem>>) src(%dma_wait3A_617 : memref<80x16xf32, #tpu.memory_space<vmem>>) dst(%dma_wait3A_623 : memref<10240x16xf32, #tpu.memory_space<vmem_shared>>)
    %dma_wait3A_624 = arith.constant 6 : i32
    %dma_wait3A_625 = arith.constant 116 : i32
    %dma_wait3A_626 = arith.constant 0 : i32
    %dma_wait3A_627 = arith.constant 0 : i32
    %dma_wait3A_628 = tpu.memref_slice %arg9[%dma_wait3A_624, %dma_wait3A_626, %dma_wait3A_627] : memref<10x80x16xf32, #tpu.memory_space<vmem>> -> memref<1x80x16xf32, #tpu.memory_space<vmem>>
    %dma_wait3A_629 = tpu.memref_squeeze %dma_wait3A_628 : memref<1x80x16xf32, #tpu.memory_space<vmem>> -> memref<80x16xf32, #tpu.memory_space<vmem>>
    %dma_wait3A_630 = arith.constant 0 : i32
    %dma_wait3A_631 = tpu.memref_slice %arg8[%dma_wait3A_625, %dma_wait3A_630] : memref<125x80xi32, #tpu.memory_space<vmem>> -> memref<1x80xi32, #tpu.memory_space<vmem>>
    %dma_wait3A_632 = tpu.memref_squeeze %dma_wait3A_631 : memref<1x80xi32, #tpu.memory_space<vmem>> -> memref<80xi32, #tpu.memory_space<vmem>>
    %dma_wait3A_633 = arith.constant 0 : i32
    %dma_wait3A_634 = arith.constant 0 : i32
    %dma_wait3A_635 = tpu.memref_slice %arg10[%dma_wait3A_633, %dma_wait3A_634] : memref<10240x16xf32, #tpu.memory_space<vmem_shared>> -> memref<10240x16xf32, #tpu.memory_space<vmem_shared>>
    tpu.wait_indirect_dma semaphore(%arg28 : memref<!tpu.dma_semaphore, #tpu.memory_space<semaphore_mem>>) src(%dma_wait3A_629 : memref<80x16xf32, #tpu.memory_space<vmem>>) dst(%dma_wait3A_635 : memref<10240x16xf32, #tpu.memory_space<vmem_shared>>)
    %dma_wait3A_636 = arith.constant 7 : i32
    %dma_wait3A_637 = arith.constant 117 : i32
    %dma_wait3A_638 = arith.constant 0 : i32
    %dma_wait3A_639 = arith.constant 0 : i32
    %dma_wait3A_640 = tpu.memref_slice %arg9[%dma_wait3A_636, %dma_wait3A_638, %dma_wait3A_639] : memref<10x80x16xf32, #tpu.memory_space<vmem>> -> memref<1x80x16xf32, #tpu.memory_space<vmem>>
    %dma_wait3A_641 = tpu.memref_squeeze %dma_wait3A_640 : memref<1x80x16xf32, #tpu.memory_space<vmem>> -> memref<80x16xf32, #tpu.memory_space<vmem>>
    %dma_wait3A_642 = arith.constant 0 : i32
    %dma_wait3A_643 = tpu.memref_slice %arg8[%dma_wait3A_637, %dma_wait3A_642] : memref<125x80xi32, #tpu.memory_space<vmem>> -> memref<1x80xi32, #tpu.memory_space<vmem>>
    %dma_wait3A_644 = tpu.memref_squeeze %dma_wait3A_643 : memref<1x80xi32, #tpu.memory_space<vmem>> -> memref<80xi32, #tpu.memory_space<vmem>>
    %dma_wait3A_645 = arith.constant 0 : i32
    %dma_wait3A_646 = arith.constant 0 : i32
    %dma_wait3A_647 = tpu.memref_slice %arg10[%dma_wait3A_645, %dma_wait3A_646] : memref<10240x16xf32, #tpu.memory_space<vmem_shared>> -> memref<10240x16xf32, #tpu.memory_space<vmem_shared>>
    tpu.wait_indirect_dma semaphore(%arg29 : memref<!tpu.dma_semaphore, #tpu.memory_space<semaphore_mem>>) src(%dma_wait3A_641 : memref<80x16xf32, #tpu.memory_space<vmem>>) dst(%dma_wait3A_647 : memref<10240x16xf32, #tpu.memory_space<vmem_shared>>)
    %dma_wait3A_648 = arith.constant 8 : i32
    %dma_wait3A_649 = arith.constant 118 : i32
    %dma_wait3A_650 = arith.constant 0 : i32
    %dma_wait3A_651 = arith.constant 0 : i32
    %dma_wait3A_652 = tpu.memref_slice %arg9[%dma_wait3A_648, %dma_wait3A_650, %dma_wait3A_651] : memref<10x80x16xf32, #tpu.memory_space<vmem>> -> memref<1x80x16xf32, #tpu.memory_space<vmem>>
    %dma_wait3A_653 = tpu.memref_squeeze %dma_wait3A_652 : memref<1x80x16xf32, #tpu.memory_space<vmem>> -> memref<80x16xf32, #tpu.memory_space<vmem>>
    %dma_wait3A_654 = arith.constant 0 : i32
    %dma_wait3A_655 = tpu.memref_slice %arg8[%dma_wait3A_649, %dma_wait3A_654] : memref<125x80xi32, #tpu.memory_space<vmem>> -> memref<1x80xi32, #tpu.memory_space<vmem>>
    %dma_wait3A_656 = tpu.memref_squeeze %dma_wait3A_655 : memref<1x80xi32, #tpu.memory_space<vmem>> -> memref<80xi32, #tpu.memory_space<vmem>>
    %dma_wait3A_657 = arith.constant 0 : i32
    %dma_wait3A_658 = arith.constant 0 : i32
    %dma_wait3A_659 = tpu.memref_slice %arg10[%dma_wait3A_657, %dma_wait3A_658] : memref<10240x16xf32, #tpu.memory_space<vmem_shared>> -> memref<10240x16xf32, #tpu.memory_space<vmem_shared>>
    tpu.wait_indirect_dma semaphore(%arg30 : memref<!tpu.dma_semaphore, #tpu.memory_space<semaphore_mem>>) src(%dma_wait3A_653 : memref<80x16xf32, #tpu.memory_space<vmem>>) dst(%dma_wait3A_659 : memref<10240x16xf32, #tpu.memory_space<vmem_shared>>)
    %dma_wait3A_660 = arith.constant 9 : i32
    %dma_wait3A_661 = arith.constant 119 : i32
    %dma_wait3A_662 = arith.constant 0 : i32
    %dma_wait3A_663 = arith.constant 0 : i32
    %dma_wait3A_664 = tpu.memref_slice %arg9[%dma_wait3A_660, %dma_wait3A_662, %dma_wait3A_663] : memref<10x80x16xf32, #tpu.memory_space<vmem>> -> memref<1x80x16xf32, #tpu.memory_space<vmem>>
    %dma_wait3A_665 = tpu.memref_squeeze %dma_wait3A_664 : memref<1x80x16xf32, #tpu.memory_space<vmem>> -> memref<80x16xf32, #tpu.memory_space<vmem>>
    %dma_wait3A_666 = arith.constant 0 : i32
    %dma_wait3A_667 = tpu.memref_slice %arg8[%dma_wait3A_661, %dma_wait3A_666] : memref<125x80xi32, #tpu.memory_space<vmem>> -> memref<1x80xi32, #tpu.memory_space<vmem>>
    %dma_wait3A_668 = tpu.memref_squeeze %dma_wait3A_667 : memref<1x80xi32, #tpu.memory_space<vmem>> -> memref<80xi32, #tpu.memory_space<vmem>>
    %dma_wait3A_669 = arith.constant 0 : i32
    %dma_wait3A_670 = arith.constant 0 : i32
    %dma_wait3A_671 = tpu.memref_slice %arg10[%dma_wait3A_669, %dma_wait3A_670] : memref<10240x16xf32, #tpu.memory_space<vmem_shared>> -> memref<10240x16xf32, #tpu.memory_space<vmem_shared>>
    tpu.wait_indirect_dma semaphore(%arg31 : memref<!tpu.dma_semaphore, #tpu.memory_space<semaphore_mem>>) src(%dma_wait3A_665 : memref<80x16xf32, #tpu.memory_space<vmem>>) dst(%dma_wait3A_671 : memref<10240x16xf32, #tpu.memory_space<vmem_shared>>)
    %dma_wait3A_672 = arith.constant 0 : i32
    %dma_wait3A_673 = arith.constant 120 : i32
    %dma_wait3A_674 = arith.constant 0 : i32
    %dma_wait3A_675 = arith.constant 0 : i32
    %dma_wait3A_676 = tpu.memref_slice %arg9[%dma_wait3A_672, %dma_wait3A_674, %dma_wait3A_675] : memref<10x80x16xf32, #tpu.memory_space<vmem>> -> memref<1x80x16xf32, #tpu.memory_space<vmem>>
    %dma_wait3A_677 = tpu.memref_squeeze %dma_wait3A_676 : memref<1x80x16xf32, #tpu.memory_space<vmem>> -> memref<80x16xf32, #tpu.memory_space<vmem>>
    %dma_wait3A_678 = arith.constant 0 : i32
    %dma_wait3A_679 = tpu.memref_slice %arg8[%dma_wait3A_673, %dma_wait3A_678] : memref<125x80xi32, #tpu.memory_space<vmem>> -> memref<1x80xi32, #tpu.memory_space<vmem>>
    %dma_wait3A_680 = tpu.memref_squeeze %dma_wait3A_679 : memref<1x80xi32, #tpu.memory_space<vmem>> -> memref<80xi32, #tpu.memory_space<vmem>>
    %dma_wait3A_681 = arith.constant 0 : i32
    %dma_wait3A_682 = arith.constant 0 : i32
    %dma_wait3A_683 = tpu.memref_slice %arg10[%dma_wait3A_681, %dma_wait3A_682] : memref<10240x16xf32, #tpu.memory_space<vmem_shared>> -> memref<10240x16xf32, #tpu.memory_space<vmem_shared>>
    tpu.wait_indirect_dma semaphore(%arg22 : memref<!tpu.dma_semaphore, #tpu.memory_space<semaphore_mem>>) src(%dma_wait3A_677 : memref<80x16xf32, #tpu.memory_space<vmem>>) dst(%dma_wait3A_683 : memref<10240x16xf32, #tpu.memory_space<vmem_shared>>)
    %dma_wait3A_684 = arith.constant 1 : i32
    %dma_wait3A_685 = arith.constant 121 : i32
    %dma_wait3A_686 = arith.constant 0 : i32
    %dma_wait3A_687 = arith.constant 0 : i32
    %dma_wait3A_688 = tpu.memref_slice %arg9[%dma_wait3A_684, %dma_wait3A_686, %dma_wait3A_687] : memref<10x80x16xf32, #tpu.memory_space<vmem>> -> memref<1x80x16xf32, #tpu.memory_space<vmem>>
    %dma_wait3A_689 = tpu.memref_squeeze %dma_wait3A_688 : memref<1x80x16xf32, #tpu.memory_space<vmem>> -> memref<80x16xf32, #tpu.memory_space<vmem>>
    %dma_wait3A_690 = arith.constant 0 : i32
    %dma_wait3A_691 = tpu.memref_slice %arg8[%dma_wait3A_685, %dma_wait3A_690] : memref<125x80xi32, #tpu.memory_space<vmem>> -> memref<1x80xi32, #tpu.memory_space<vmem>>
    %dma_wait3A_692 = tpu.memref_squeeze %dma_wait3A_691 : memref<1x80xi32, #tpu.memory_space<vmem>> -> memref<80xi32, #tpu.memory_space<vmem>>
    %dma_wait3A_693 = arith.constant 0 : i32
    %dma_wait3A_694 = arith.constant 0 : i32
    %dma_wait3A_695 = tpu.memref_slice %arg10[%dma_wait3A_693, %dma_wait3A_694] : memref<10240x16xf32, #tpu.memory_space<vmem_shared>> -> memref<10240x16xf32, #tpu.memory_space<vmem_shared>>
    tpu.wait_indirect_dma semaphore(%arg23 : memref<!tpu.dma_semaphore, #tpu.memory_space<semaphore_mem>>) src(%dma_wait3A_689 : memref<80x16xf32, #tpu.memory_space<vmem>>) dst(%dma_wait3A_695 : memref<10240x16xf32, #tpu.memory_space<vmem_shared>>)
    %dma_wait3A_696 = arith.constant 2 : i32
    %dma_wait3A_697 = arith.constant 122 : i32
    %dma_wait3A_698 = arith.constant 0 : i32
    %dma_wait3A_699 = arith.constant 0 : i32
    %dma_wait3A_700 = tpu.memref_slice %arg9[%dma_wait3A_696, %dma_wait3A_698, %dma_wait3A_699] : memref<10x80x16xf32, #tpu.memory_space<vmem>> -> memref<1x80x16xf32, #tpu.memory_space<vmem>>
    %dma_wait3A_701 = tpu.memref_squeeze %dma_wait3A_700 : memref<1x80x16xf32, #tpu.memory_space<vmem>> -> memref<80x16xf32, #tpu.memory_space<vmem>>
    %dma_wait3A_702 = arith.constant 0 : i32
    %dma_wait3A_703 = tpu.memref_slice %arg8[%dma_wait3A_697, %dma_wait3A_702] : memref<125x80xi32, #tpu.memory_space<vmem>> -> memref<1x80xi32, #tpu.memory_space<vmem>>
    %dma_wait3A_704 = tpu.memref_squeeze %dma_wait3A_703 : memref<1x80xi32, #tpu.memory_space<vmem>> -> memref<80xi32, #tpu.memory_space<vmem>>
    %dma_wait3A_705 = arith.constant 0 : i32
    %dma_wait3A_706 = arith.constant 0 : i32
    %dma_wait3A_707 = tpu.memref_slice %arg10[%dma_wait3A_705, %dma_wait3A_706] : memref<10240x16xf32, #tpu.memory_space<vmem_shared>> -> memref<10240x16xf32, #tpu.memory_space<vmem_shared>>
    tpu.wait_indirect_dma semaphore(%arg24 : memref<!tpu.dma_semaphore, #tpu.memory_space<semaphore_mem>>) src(%dma_wait3A_701 : memref<80x16xf32, #tpu.memory_space<vmem>>) dst(%dma_wait3A_707 : memref<10240x16xf32, #tpu.memory_space<vmem_shared>>)
    %dma_wait3A_708 = arith.constant 3 : i32
    %dma_wait3A_709 = arith.constant 123 : i32
    %dma_wait3A_710 = arith.constant 0 : i32
    %dma_wait3A_711 = arith.constant 0 : i32
    %dma_wait3A_712 = tpu.memref_slice %arg9[%dma_wait3A_708, %dma_wait3A_710, %dma_wait3A_711] : memref<10x80x16xf32, #tpu.memory_space<vmem>> -> memref<1x80x16xf32, #tpu.memory_space<vmem>>
    %dma_wait3A_713 = tpu.memref_squeeze %dma_wait3A_712 : memref<1x80x16xf32, #tpu.memory_space<vmem>> -> memref<80x16xf32, #tpu.memory_space<vmem>>
    %dma_wait3A_714 = arith.constant 0 : i32
    %dma_wait3A_715 = tpu.memref_slice %arg8[%dma_wait3A_709, %dma_wait3A_714] : memref<125x80xi32, #tpu.memory_space<vmem>> -> memref<1x80xi32, #tpu.memory_space<vmem>>
    %dma_wait3A_716 = tpu.memref_squeeze %dma_wait3A_715 : memref<1x80xi32, #tpu.memory_space<vmem>> -> memref<80xi32, #tpu.memory_space<vmem>>
    %dma_wait3A_717 = arith.constant 0 : i32
    %dma_wait3A_718 = arith.constant 0 : i32
    %dma_wait3A_719 = tpu.memref_slice %arg10[%dma_wait3A_717, %dma_wait3A_718] : memref<10240x16xf32, #tpu.memory_space<vmem_shared>> -> memref<10240x16xf32, #tpu.memory_space<vmem_shared>>
    tpu.wait_indirect_dma semaphore(%arg25 : memref<!tpu.dma_semaphore, #tpu.memory_space<semaphore_mem>>) src(%dma_wait3A_713 : memref<80x16xf32, #tpu.memory_space<vmem>>) dst(%dma_wait3A_719 : memref<10240x16xf32, #tpu.memory_space<vmem_shared>>)
    %dma_wait3A_720 = arith.constant 4 : i32
    %dma_wait3A_721 = arith.constant 124 : i32
    %dma_wait3A_722 = arith.constant 0 : i32
    %dma_wait3A_723 = arith.constant 0 : i32
    %dma_wait3A_724 = tpu.memref_slice %arg9[%dma_wait3A_720, %dma_wait3A_722, %dma_wait3A_723] : memref<10x80x16xf32, #tpu.memory_space<vmem>> -> memref<1x80x16xf32, #tpu.memory_space<vmem>>
    %dma_wait3A_725 = tpu.memref_squeeze %dma_wait3A_724 : memref<1x80x16xf32, #tpu.memory_space<vmem>> -> memref<80x16xf32, #tpu.memory_space<vmem>>
    %dma_wait3A_726 = arith.constant 0 : i32
    %dma_wait3A_727 = tpu.memref_slice %arg8[%dma_wait3A_721, %dma_wait3A_726] : memref<125x80xi32, #tpu.memory_space<vmem>> -> memref<1x80xi32, #tpu.memory_space<vmem>>
    %dma_wait3A_728 = tpu.memref_squeeze %dma_wait3A_727 : memref<1x80xi32, #tpu.memory_space<vmem>> -> memref<80xi32, #tpu.memory_space<vmem>>
    %dma_wait3A_729 = arith.constant 0 : i32
    %dma_wait3A_730 = arith.constant 0 : i32
    %dma_wait3A_731 = tpu.memref_slice %arg10[%dma_wait3A_729, %dma_wait3A_730] : memref<10240x16xf32, #tpu.memory_space<vmem_shared>> -> memref<10240x16xf32, #tpu.memory_space<vmem_shared>>
    tpu.wait_indirect_dma semaphore(%arg26 : memref<!tpu.dma_semaphore, #tpu.memory_space<semaphore_mem>>) src(%dma_wait3A_725 : memref<80x16xf32, #tpu.memory_space<vmem>>) dst(%dma_wait3A_731 : memref<10240x16xf32, #tpu.memory_space<vmem_shared>>)
    %barrier3A_732 = arith.constant 0 : index
    tpu.barrier barrier_id(%barrier3A_732)
    %mul3A_733 = arith.constant 640 : i32
    %mul3A_734 = arith.muli %arg1, %mul3A_733 : i32
    %mul3A_735 = arith.constant 640 : i32
    %mul3A_736 = arith.muli %arg1, %mul3A_735 : i32
    "tpu.region"() ({
      %run_scoped3A = tpu.sem_alloc : memref<!tpu.dma_semaphore, #tpu.memory_space<semaphore_mem>>
      %dma_start3A_737 = arith.constant 0 : i32
      %dma_start3A_738 = tpu.memref_slice %arg6[%arg0, %mul3A_736, %dma_start3A_737] : memref<2x10240x16xf32, #tpu.memory_space<hbm>> -> memref<1x640x16xf32, #tpu.memory_space<hbm>>
      %dma_start3A_739 = tpu.memref_squeeze %dma_start3A_738 : memref<1x640x16xf32, #tpu.memory_space<hbm>> -> memref<640x16xf32, #tpu.memory_space<hbm>>
      %dma_start3A_740 = arith.constant 0 : i32
      %dma_start3A_741 = tpu.memref_slice %arg10[%mul3A_734, %dma_start3A_740] : memref<10240x16xf32, #tpu.memory_space<vmem_shared>> -> memref<640x16xf32, #tpu.memory_space<vmem_shared>>
      tpu.enqueue_dma source(%dma_start3A_741 : memref<640x16xf32, #tpu.memory_space<vmem_shared>>) target(%dma_start3A_739 : memref<640x16xf32, #tpu.memory_space<hbm>>) target_semaphore(%run_scoped3A : memref<!tpu.dma_semaphore, #tpu.memory_space<semaphore_mem>>)
      %dma_wait3A_742 = arith.constant 0 : i32
      %dma_wait3A_743 = tpu.memref_slice %arg6[%arg0, %mul3A_736, %dma_wait3A_742] : memref<2x10240x16xf32, #tpu.memory_space<hbm>> -> memref<1x640x16xf32, #tpu.memory_space<hbm>>
      %dma_wait3A_744 = tpu.memref_squeeze %dma_wait3A_743 : memref<1x640x16xf32, #tpu.memory_space<hbm>> -> memref<640x16xf32, #tpu.memory_space<hbm>>
      %dma_wait3A_745 = arith.constant 0 : i32
      %dma_wait3A_746 = tpu.memref_slice %arg10[%mul3A_734, %dma_wait3A_745] : memref<10240x16xf32, #tpu.memory_space<vmem_shared>> -> memref<640x16xf32, #tpu.memory_space<vmem_shared>>
      tpu.wait_dma2 semaphore(%run_scoped3A : memref<!tpu.dma_semaphore, #tpu.memory_space<semaphore_mem>>) src(%dma_wait3A_746 : memref<640x16xf32, #tpu.memory_space<vmem_shared>>) dst(%dma_wait3A_744 : memref<640x16xf32, #tpu.memory_space<hbm>>)
      tpu.yield
    }) : () -> ()
    return
  }
}

#map = affine_map<(d0, d1) -> (0, 0, 0)>
#map1 = affine_map<(d0, d1) -> (0, 0)>
module attributes {stable_mosaic.version = 14 : i64} {
  func.func @_prop(%arg0: i32, %arg1: i32, %arg2: memref<32x125x80xi32, #tpu.memory_space<hbm>>, %arg3: memref<32x125x80xi32, #tpu.memory_space<hbm>>, %arg4: memref<10240x16xf32, #tpu.memory_space<hbm>>, %arg5: memref<10240x16xf32, #tpu.memory_space<hbm>>, %arg6: memref<2x10240x16xf32, #tpu.memory_space<hbm>>, %arg7: memref<125x80xi32, #tpu.memory_space<vmem>>, %arg8: memref<125x80xi32, #tpu.memory_space<vmem>>, %arg9: memref<10x80x16xf32, #tpu.memory_space<vmem>>, %arg10: memref<10240x16xf32, #tpu.memory_space<vmem_shared>>, %arg11: memref<10240x16xf32, #tpu.memory_space<vmem_shared>>, %arg12: memref<!tpu.dma_semaphore, #tpu.memory_space<semaphore_mem>>, %arg13: memref<!tpu.dma_semaphore, #tpu.memory_space<semaphore_mem>>, %arg14: memref<!tpu.dma_semaphore, #tpu.memory_space<semaphore_mem>>, %arg15: memref<!tpu.dma_semaphore, #tpu.memory_space<semaphore_mem>>, %arg16: memref<!tpu.dma_semaphore, #tpu.memory_space<semaphore_mem>>, %arg17: memref<!tpu.dma_semaphore, #tpu.memory_space<semaphore_mem>>, %arg18: memref<!tpu.dma_semaphore, #tpu.memory_space<semaphore_mem>>, %arg19: memref<!tpu.dma_semaphore, #tpu.memory_space<semaphore_mem>>, %arg20: memref<!tpu.dma_semaphore, #tpu.memory_space<semaphore_mem>>, %arg21: memref<!tpu.dma_semaphore, #tpu.memory_space<semaphore_mem>>, %arg22: memref<!tpu.dma_semaphore, #tpu.memory_space<semaphore_mem>>, %arg23: memref<!tpu.dma_semaphore, #tpu.memory_space<semaphore_mem>>, %arg24: memref<!tpu.dma_semaphore, #tpu.memory_space<semaphore_mem>>, %arg25: memref<!tpu.dma_semaphore, #tpu.memory_space<semaphore_mem>>, %arg26: memref<!tpu.dma_semaphore, #tpu.memory_space<semaphore_mem>>, %arg27: memref<!tpu.dma_semaphore, #tpu.memory_space<semaphore_mem>>, %arg28: memref<!tpu.dma_semaphore, #tpu.memory_space<semaphore_mem>>, %arg29: memref<!tpu.dma_semaphore, #tpu.memory_space<semaphore_mem>>, %arg30: memref<!tpu.dma_semaphore, #tpu.memory_space<semaphore_mem>>, %arg31: memref<!tpu.dma_semaphore, #tpu.memory_space<semaphore_mem>>) attributes {dimension_semantics = [#tpu.dimension_semantics<core_parallel>, #tpu.dimension_semantics<subcore_parallel>], iteration_bounds = array<i64: 2, 16>, scalar_prefetch = 0 : i64, scratch_operands = 25 : i64, tpu.core_type = #tpu.core_type<sc_vector_subcore>, window_params = [{transform_indices = #map}, {transform_indices = #map}, {transform_indices = #map1}, {transform_indices = #map1}, {transform_indices = #map}]} {
    %mul3A = arith.constant 2 : i32
    %mul3A_0 = arith.muli %arg1, %mul3A : i32
    %add3A = arith.addi %mul3A_0, %arg0 : i32
    %mul3A_1 = arith.constant 640 : i32
    %mul3A_2 = arith.muli %arg1, %mul3A_1 : i32
    %mul3A_3 = arith.constant 640 : i32
    %mul3A_4 = arith.muli %arg1, %mul3A_3 : i32
    "tpu.region"() ({
      %run_scoped3A = tpu.sem_alloc : memref<!tpu.dma_semaphore, #tpu.memory_space<semaphore_mem>>
      %dma_start3A_737 = arith.constant 0 : i32
      %dma_start3A_738 = tpu.memref_slice %arg10[%mul3A_4, %dma_start3A_737] : memref<10240x16xf32, #tpu.memory_space<vmem_shared>> -> memref<640x16xf32, #tpu.memory_space<vmem_shared>>
      %dma_start3A_739 = arith.constant 0 : i32
      %dma_start3A_740 = tpu.memref_slice %arg5[%mul3A_2, %dma_start3A_739] : memref<10240x16xf32, #tpu.memory_space<hbm>> -> memref<640x16xf32, #tpu.memory_space<hbm>>
      tpu.enqueue_dma source(%dma_start3A_740 : memref<640x16xf32, #tpu.memory_space<hbm>>) target(%dma_start3A_738 : memref<640x16xf32, #tpu.memory_space<vmem_shared>>) target_semaphore(%run_scoped3A : memref<!tpu.dma_semaphore, #tpu.memory_space<semaphore_mem>>)
      %dma_wait3A_741 = arith.constant 0 : i32
      %dma_wait3A_742 = tpu.memref_slice %arg10[%mul3A_4, %dma_wait3A_741] : memref<10240x16xf32, #tpu.memory_space<vmem_shared>> -> memref<640x16xf32, #tpu.memory_space<vmem_shared>>
      %dma_wait3A_743 = arith.constant 0 : i32
      %dma_wait3A_744 = tpu.memref_slice %arg5[%mul3A_2, %dma_wait3A_743] : memref<10240x16xf32, #tpu.memory_space<hbm>> -> memref<640x16xf32, #tpu.memory_space<hbm>>
      tpu.wait_dma2 semaphore(%run_scoped3A : memref<!tpu.dma_semaphore, #tpu.memory_space<semaphore_mem>>) src(%dma_wait3A_744 : memref<640x16xf32, #tpu.memory_space<hbm>>) dst(%dma_wait3A_742 : memref<640x16xf32, #tpu.memory_space<vmem_shared>>)
      tpu.yield
    }) : () -> ()
    %mul3A_5 = arith.constant 640 : i32
    %mul3A_6 = arith.muli %arg1, %mul3A_5 : i32
    %mul3A_7 = arith.constant 640 : i32
    %mul3A_8 = arith.muli %arg1, %mul3A_7 : i32
    "tpu.region"() ({
      %run_scoped3A = tpu.sem_alloc : memref<!tpu.dma_semaphore, #tpu.memory_space<semaphore_mem>>
      %dma_start3A_737 = arith.constant 0 : i32
      %dma_start3A_738 = tpu.memref_slice %arg11[%mul3A_8, %dma_start3A_737] : memref<10240x16xf32, #tpu.memory_space<vmem_shared>> -> memref<640x16xf32, #tpu.memory_space<vmem_shared>>
      %dma_start3A_739 = arith.constant 0 : i32
      %dma_start3A_740 = tpu.memref_slice %arg4[%mul3A_6, %dma_start3A_739] : memref<10240x16xf32, #tpu.memory_space<hbm>> -> memref<640x16xf32, #tpu.memory_space<hbm>>
      tpu.enqueue_dma source(%dma_start3A_740 : memref<640x16xf32, #tpu.memory_space<hbm>>) target(%dma_start3A_738 : memref<640x16xf32, #tpu.memory_space<vmem_shared>>) target_semaphore(%run_scoped3A : memref<!tpu.dma_semaphore, #tpu.memory_space<semaphore_mem>>)
      %dma_wait3A_741 = arith.constant 0 : i32
      %dma_wait3A_742 = tpu.memref_slice %arg11[%mul3A_8, %dma_wait3A_741] : memref<10240x16xf32, #tpu.memory_space<vmem_shared>> -> memref<640x16xf32, #tpu.memory_space<vmem_shared>>
      %dma_wait3A_743 = arith.constant 0 : i32
      %dma_wait3A_744 = tpu.memref_slice %arg4[%mul3A_6, %dma_wait3A_743] : memref<10240x16xf32, #tpu.memory_space<hbm>> -> memref<640x16xf32, #tpu.memory_space<hbm>>
      tpu.wait_dma2 semaphore(%run_scoped3A : memref<!tpu.dma_semaphore, #tpu.memory_space<semaphore_mem>>) src(%dma_wait3A_744 : memref<640x16xf32, #tpu.memory_space<hbm>>) dst(%dma_wait3A_742 : memref<640x16xf32, #tpu.memory_space<vmem_shared>>)
      tpu.yield
    }) : () -> ()
    "tpu.region"() ({
      %run_scoped3A = tpu.sem_alloc : memref<!tpu.dma_semaphore, #tpu.memory_space<semaphore_mem>>
      %dma_start3A_737 = arith.constant 0 : i32
      %dma_start3A_738 = arith.constant 0 : i32
      %dma_start3A_739 = tpu.memref_slice %arg2[%add3A, %dma_start3A_737, %dma_start3A_738] : memref<32x125x80xi32, #tpu.memory_space<hbm>> -> memref<1x125x80xi32, #tpu.memory_space<hbm>>
      %dma_start3A_740 = tpu.memref_squeeze %dma_start3A_739 : memref<1x125x80xi32, #tpu.memory_space<hbm>> -> memref<125x80xi32, #tpu.memory_space<hbm>>
      %dma_start3A_741 = arith.constant 0 : i32
      %dma_start3A_742 = arith.constant 0 : i32
      %dma_start3A_743 = tpu.memref_slice %arg2[%add3A, %dma_start3A_741, %dma_start3A_742] : memref<32x125x80xi32, #tpu.memory_space<hbm>> -> memref<1x125x80xi32, #tpu.memory_space<hbm>>
      %dma_start3A_744 = tpu.memref_squeeze %dma_start3A_743 : memref<1x125x80xi32, #tpu.memory_space<hbm>> -> memref<125x80xi32, #tpu.memory_space<hbm>>
      tpu.enqueue_dma source(%dma_start3A_744 : memref<125x80xi32, #tpu.memory_space<hbm>>) target(%arg7 : memref<125x80xi32, #tpu.memory_space<vmem>>) target_semaphore(%run_scoped3A : memref<!tpu.dma_semaphore, #tpu.memory_space<semaphore_mem>>)
      %dma_wait3A_745 = arith.constant 0 : i32
      %dma_wait3A_746 = arith.constant 0 : i32
      %dma_wait3A_747 = tpu.memref_slice %arg2[%add3A, %dma_wait3A_745, %dma_wait3A_746] : memref<32x125x80xi32, #tpu.memory_space<hbm>> -> memref<1x125x80xi32, #tpu.memory_space<hbm>>
      %dma_wait3A_748 = tpu.memref_squeeze %dma_wait3A_747 : memref<1x125x80xi32, #tpu.memory_space<hbm>> -> memref<125x80xi32, #tpu.memory_space<hbm>>
      %dma_wait3A_749 = arith.constant 0 : i32
      %dma_wait3A_750 = arith.constant 0 : i32
      %dma_wait3A_751 = tpu.memref_slice %arg2[%add3A, %dma_wait3A_749, %dma_wait3A_750] : memref<32x125x80xi32, #tpu.memory_space<hbm>> -> memref<1x125x80xi32, #tpu.memory_space<hbm>>
      %dma_wait3A_752 = tpu.memref_squeeze %dma_wait3A_751 : memref<1x125x80xi32, #tpu.memory_space<hbm>> -> memref<125x80xi32, #tpu.memory_space<hbm>>
      tpu.wait_dma2 semaphore(%run_scoped3A : memref<!tpu.dma_semaphore, #tpu.memory_space<semaphore_mem>>) src(%dma_wait3A_752 : memref<125x80xi32, #tpu.memory_space<hbm>>) dst(%arg7 : memref<125x80xi32, #tpu.memory_space<vmem>>)
      tpu.yield
    }) : () -> ()
    "tpu.region"() ({
      %run_scoped3A = tpu.sem_alloc : memref<!tpu.dma_semaphore, #tpu.memory_space<semaphore_mem>>
      %dma_start3A_737 = arith.constant 0 : i32
      %dma_start3A_738 = arith.constant 0 : i32
      %dma_start3A_739 = tpu.memref_slice %arg3[%add3A, %dma_start3A_737, %dma_start3A_738] : memref<32x125x80xi32, #tpu.memory_space<hbm>> -> memref<1x125x80xi32, #tpu.memory_space<hbm>>
      %dma_start3A_740 = tpu.memref_squeeze %dma_start3A_739 : memref<1x125x80xi32, #tpu.memory_space<hbm>> -> memref<125x80xi32, #tpu.memory_space<hbm>>
      %dma_start3A_741 = arith.constant 0 : i32
      %dma_start3A_742 = arith.constant 0 : i32
      %dma_start3A_743 = tpu.memref_slice %arg3[%add3A, %dma_start3A_741, %dma_start3A_742] : memref<32x125x80xi32, #tpu.memory_space<hbm>> -> memref<1x125x80xi32, #tpu.memory_space<hbm>>
      %dma_start3A_744 = tpu.memref_squeeze %dma_start3A_743 : memref<1x125x80xi32, #tpu.memory_space<hbm>> -> memref<125x80xi32, #tpu.memory_space<hbm>>
      tpu.enqueue_dma source(%dma_start3A_744 : memref<125x80xi32, #tpu.memory_space<hbm>>) target(%arg8 : memref<125x80xi32, #tpu.memory_space<vmem>>) target_semaphore(%run_scoped3A : memref<!tpu.dma_semaphore, #tpu.memory_space<semaphore_mem>>)
      %dma_wait3A_745 = arith.constant 0 : i32
      %dma_wait3A_746 = arith.constant 0 : i32
      %dma_wait3A_747 = tpu.memref_slice %arg3[%add3A, %dma_wait3A_745, %dma_wait3A_746] : memref<32x125x80xi32, #tpu.memory_space<hbm>> -> memref<1x125x80xi32, #tpu.memory_space<hbm>>
      %dma_wait3A_748 = tpu.memref_squeeze %dma_wait3A_747 : memref<1x125x80xi32, #tpu.memory_space<hbm>> -> memref<125x80xi32, #tpu.memory_space<hbm>>
      %dma_wait3A_749 = arith.constant 0 : i32
      %dma_wait3A_750 = arith.constant 0 : i32
      %dma_wait3A_751 = tpu.memref_slice %arg3[%add3A, %dma_wait3A_749, %dma_wait3A_750] : memref<32x125x80xi32, #tpu.memory_space<hbm>> -> memref<1x125x80xi32, #tpu.memory_space<hbm>>
      %dma_wait3A_752 = tpu.memref_squeeze %dma_wait3A_751 : memref<1x125x80xi32, #tpu.memory_space<hbm>> -> memref<125x80xi32, #tpu.memory_space<hbm>>
      tpu.wait_dma2 semaphore(%run_scoped3A : memref<!tpu.dma_semaphore, #tpu.memory_space<semaphore_mem>>) src(%dma_wait3A_752 : memref<125x80xi32, #tpu.memory_space<hbm>>) dst(%arg8 : memref<125x80xi32, #tpu.memory_space<vmem>>)
      tpu.yield
    }) : () -> ()
    %barrier3A = arith.constant 0 : index
    tpu.barrier barrier_id(%barrier3A)
    %dma_start3A = arith.constant 0 : i32
    %dma_start3A_9 = arith.constant 0 : i32
    %dma_start3A_10 = arith.constant 0 : i32
    %dma_start3A_11 = arith.constant 0 : i32
    %dma_start3A_12 = tpu.memref_slice %arg9[%dma_start3A_9, %dma_start3A_10, %dma_start3A_11] : memref<10x80x16xf32, #tpu.memory_space<vmem>> -> memref<1x80x16xf32, #tpu.memory_space<vmem>>
    %dma_start3A_13 = tpu.memref_squeeze %dma_start3A_12 : memref<1x80x16xf32, #tpu.memory_space<vmem>> -> memref<80x16xf32, #tpu.memory_space<vmem>>
    %dma_start3A_14 = arith.constant 0 : i32
    %dma_start3A_15 = tpu.memref_slice %arg7[%dma_start3A, %dma_start3A_14] : memref<125x80xi32, #tpu.memory_space<vmem>> -> memref<1x80xi32, #tpu.memory_space<vmem>>
    %dma_start3A_16 = tpu.memref_squeeze %dma_start3A_15 : memref<1x80xi32, #tpu.memory_space<vmem>> -> memref<80xi32, #tpu.memory_space<vmem>>
    %dma_start3A_17 = arith.constant 0 : i32
    %dma_start3A_18 = arith.constant 0 : i32
    %dma_start3A_19 = tpu.memref_slice %arg11[%dma_start3A_17, %dma_start3A_18] : memref<10240x16xf32, #tpu.memory_space<vmem_shared>> -> memref<10240x16xf32, #tpu.memory_space<vmem_shared>>
    tpu.enqueue_indirect_dma source(%dma_start3A_19 : memref<10240x16xf32, #tpu.memory_space<vmem_shared>>) target(%dma_start3A_13 : memref<80x16xf32, #tpu.memory_space<vmem>>) offsets(%dma_start3A_16 : memref<80xi32, #tpu.memory_space<vmem>>) semaphore(%arg12 : memref<!tpu.dma_semaphore, #tpu.memory_space<semaphore_mem>>)
    %dma_start3A_20 = arith.constant 1 : i32
    %dma_start3A_21 = arith.constant 1 : i32
    %dma_start3A_22 = arith.constant 0 : i32
    %dma_start3A_23 = arith.constant 0 : i32
    %dma_start3A_24 = tpu.memref_slice %arg9[%dma_start3A_21, %dma_start3A_22, %dma_start3A_23] : memref<10x80x16xf32, #tpu.memory_space<vmem>> -> memref<1x80x16xf32, #tpu.memory_space<vmem>>
    %dma_start3A_25 = tpu.memref_squeeze %dma_start3A_24 : memref<1x80x16xf32, #tpu.memory_space<vmem>> -> memref<80x16xf32, #tpu.memory_space<vmem>>
    %dma_start3A_26 = arith.constant 0 : i32
    %dma_start3A_27 = tpu.memref_slice %arg7[%dma_start3A_20, %dma_start3A_26] : memref<125x80xi32, #tpu.memory_space<vmem>> -> memref<1x80xi32, #tpu.memory_space<vmem>>
    %dma_start3A_28 = tpu.memref_squeeze %dma_start3A_27 : memref<1x80xi32, #tpu.memory_space<vmem>> -> memref<80xi32, #tpu.memory_space<vmem>>
    %dma_start3A_29 = arith.constant 0 : i32
    %dma_start3A_30 = arith.constant 0 : i32
    %dma_start3A_31 = tpu.memref_slice %arg11[%dma_start3A_29, %dma_start3A_30] : memref<10240x16xf32, #tpu.memory_space<vmem_shared>> -> memref<10240x16xf32, #tpu.memory_space<vmem_shared>>
    tpu.enqueue_indirect_dma source(%dma_start3A_31 : memref<10240x16xf32, #tpu.memory_space<vmem_shared>>) target(%dma_start3A_25 : memref<80x16xf32, #tpu.memory_space<vmem>>) offsets(%dma_start3A_28 : memref<80xi32, #tpu.memory_space<vmem>>) semaphore(%arg13 : memref<!tpu.dma_semaphore, #tpu.memory_space<semaphore_mem>>)
    %dma_start3A_32 = arith.constant 2 : i32
    %dma_start3A_33 = arith.constant 2 : i32
    %dma_start3A_34 = arith.constant 0 : i32
    %dma_start3A_35 = arith.constant 0 : i32
    %dma_start3A_36 = tpu.memref_slice %arg9[%dma_start3A_33, %dma_start3A_34, %dma_start3A_35] : memref<10x80x16xf32, #tpu.memory_space<vmem>> -> memref<1x80x16xf32, #tpu.memory_space<vmem>>
    %dma_start3A_37 = tpu.memref_squeeze %dma_start3A_36 : memref<1x80x16xf32, #tpu.memory_space<vmem>> -> memref<80x16xf32, #tpu.memory_space<vmem>>
    %dma_start3A_38 = arith.constant 0 : i32
    %dma_start3A_39 = tpu.memref_slice %arg7[%dma_start3A_32, %dma_start3A_38] : memref<125x80xi32, #tpu.memory_space<vmem>> -> memref<1x80xi32, #tpu.memory_space<vmem>>
    %dma_start3A_40 = tpu.memref_squeeze %dma_start3A_39 : memref<1x80xi32, #tpu.memory_space<vmem>> -> memref<80xi32, #tpu.memory_space<vmem>>
    %dma_start3A_41 = arith.constant 0 : i32
    %dma_start3A_42 = arith.constant 0 : i32
    %dma_start3A_43 = tpu.memref_slice %arg11[%dma_start3A_41, %dma_start3A_42] : memref<10240x16xf32, #tpu.memory_space<vmem_shared>> -> memref<10240x16xf32, #tpu.memory_space<vmem_shared>>
    tpu.enqueue_indirect_dma source(%dma_start3A_43 : memref<10240x16xf32, #tpu.memory_space<vmem_shared>>) target(%dma_start3A_37 : memref<80x16xf32, #tpu.memory_space<vmem>>) offsets(%dma_start3A_40 : memref<80xi32, #tpu.memory_space<vmem>>) semaphore(%arg14 : memref<!tpu.dma_semaphore, #tpu.memory_space<semaphore_mem>>)
    %dma_start3A_44 = arith.constant 3 : i32
    %dma_start3A_45 = arith.constant 3 : i32
    %dma_start3A_46 = arith.constant 0 : i32
    %dma_start3A_47 = arith.constant 0 : i32
    %dma_start3A_48 = tpu.memref_slice %arg9[%dma_start3A_45, %dma_start3A_46, %dma_start3A_47] : memref<10x80x16xf32, #tpu.memory_space<vmem>> -> memref<1x80x16xf32, #tpu.memory_space<vmem>>
    %dma_start3A_49 = tpu.memref_squeeze %dma_start3A_48 : memref<1x80x16xf32, #tpu.memory_space<vmem>> -> memref<80x16xf32, #tpu.memory_space<vmem>>
    %dma_start3A_50 = arith.constant 0 : i32
    %dma_start3A_51 = tpu.memref_slice %arg7[%dma_start3A_44, %dma_start3A_50] : memref<125x80xi32, #tpu.memory_space<vmem>> -> memref<1x80xi32, #tpu.memory_space<vmem>>
    %dma_start3A_52 = tpu.memref_squeeze %dma_start3A_51 : memref<1x80xi32, #tpu.memory_space<vmem>> -> memref<80xi32, #tpu.memory_space<vmem>>
    %dma_start3A_53 = arith.constant 0 : i32
    %dma_start3A_54 = arith.constant 0 : i32
    %dma_start3A_55 = tpu.memref_slice %arg11[%dma_start3A_53, %dma_start3A_54] : memref<10240x16xf32, #tpu.memory_space<vmem_shared>> -> memref<10240x16xf32, #tpu.memory_space<vmem_shared>>
    tpu.enqueue_indirect_dma source(%dma_start3A_55 : memref<10240x16xf32, #tpu.memory_space<vmem_shared>>) target(%dma_start3A_49 : memref<80x16xf32, #tpu.memory_space<vmem>>) offsets(%dma_start3A_52 : memref<80xi32, #tpu.memory_space<vmem>>) semaphore(%arg15 : memref<!tpu.dma_semaphore, #tpu.memory_space<semaphore_mem>>)
    %dma_start3A_56 = arith.constant 4 : i32
    %dma_start3A_57 = arith.constant 4 : i32
    %dma_start3A_58 = arith.constant 0 : i32
    %dma_start3A_59 = arith.constant 0 : i32
    %dma_start3A_60 = tpu.memref_slice %arg9[%dma_start3A_57, %dma_start3A_58, %dma_start3A_59] : memref<10x80x16xf32, #tpu.memory_space<vmem>> -> memref<1x80x16xf32, #tpu.memory_space<vmem>>
    %dma_start3A_61 = tpu.memref_squeeze %dma_start3A_60 : memref<1x80x16xf32, #tpu.memory_space<vmem>> -> memref<80x16xf32, #tpu.memory_space<vmem>>
    %dma_start3A_62 = arith.constant 0 : i32
    %dma_start3A_63 = tpu.memref_slice %arg7[%dma_start3A_56, %dma_start3A_62] : memref<125x80xi32, #tpu.memory_space<vmem>> -> memref<1x80xi32, #tpu.memory_space<vmem>>
    %dma_start3A_64 = tpu.memref_squeeze %dma_start3A_63 : memref<1x80xi32, #tpu.memory_space<vmem>> -> memref<80xi32, #tpu.memory_space<vmem>>
    %dma_start3A_65 = arith.constant 0 : i32
    %dma_start3A_66 = arith.constant 0 : i32
    %dma_start3A_67 = tpu.memref_slice %arg11[%dma_start3A_65, %dma_start3A_66] : memref<10240x16xf32, #tpu.memory_space<vmem_shared>> -> memref<10240x16xf32, #tpu.memory_space<vmem_shared>>
    tpu.enqueue_indirect_dma source(%dma_start3A_67 : memref<10240x16xf32, #tpu.memory_space<vmem_shared>>) target(%dma_start3A_61 : memref<80x16xf32, #tpu.memory_space<vmem>>) offsets(%dma_start3A_64 : memref<80xi32, #tpu.memory_space<vmem>>) semaphore(%arg16 : memref<!tpu.dma_semaphore, #tpu.memory_space<semaphore_mem>>)
    %dma_wait3A = arith.constant 0 : i32
    %dma_wait3A_68 = arith.constant 0 : i32
    %dma_wait3A_69 = arith.constant 0 : i32
    %dma_wait3A_70 = arith.constant 0 : i32
    %dma_wait3A_71 = tpu.memref_slice %arg9[%dma_wait3A_68, %dma_wait3A_69, %dma_wait3A_70] : memref<10x80x16xf32, #tpu.memory_space<vmem>> -> memref<1x80x16xf32, #tpu.memory_space<vmem>>
    %dma_wait3A_72 = tpu.memref_squeeze %dma_wait3A_71 : memref<1x80x16xf32, #tpu.memory_space<vmem>> -> memref<80x16xf32, #tpu.memory_space<vmem>>
    %dma_wait3A_73 = arith.constant 0 : i32
    %dma_wait3A_74 = tpu.memref_slice %arg7[%dma_wait3A, %dma_wait3A_73] : memref<125x80xi32, #tpu.memory_space<vmem>> -> memref<1x80xi32, #tpu.memory_space<vmem>>
    %dma_wait3A_75 = tpu.memref_squeeze %dma_wait3A_74 : memref<1x80xi32, #tpu.memory_space<vmem>> -> memref<80xi32, #tpu.memory_space<vmem>>
    %dma_wait3A_76 = arith.constant 0 : i32
    %dma_wait3A_77 = arith.constant 0 : i32
    %dma_wait3A_78 = tpu.memref_slice %arg11[%dma_wait3A_76, %dma_wait3A_77] : memref<10240x16xf32, #tpu.memory_space<vmem_shared>> -> memref<10240x16xf32, #tpu.memory_space<vmem_shared>>
    tpu.wait_indirect_dma semaphore(%arg12 : memref<!tpu.dma_semaphore, #tpu.memory_space<semaphore_mem>>) src(%dma_wait3A_78 : memref<10240x16xf32, #tpu.memory_space<vmem_shared>>) dst(%dma_wait3A_72 : memref<80x16xf32, #tpu.memory_space<vmem>>)
    %dma_start3A_79 = arith.constant 0 : i32
    %dma_start3A_80 = arith.constant 0 : i32
    %dma_start3A_81 = arith.constant 0 : i32
    %dma_start3A_82 = arith.constant 0 : i32
    %dma_start3A_83 = tpu.memref_slice %arg9[%dma_start3A_79, %dma_start3A_81, %dma_start3A_82] : memref<10x80x16xf32, #tpu.memory_space<vmem>> -> memref<1x80x16xf32, #tpu.memory_space<vmem>>
    %dma_start3A_84 = tpu.memref_squeeze %dma_start3A_83 : memref<1x80x16xf32, #tpu.memory_space<vmem>> -> memref<80x16xf32, #tpu.memory_space<vmem>>
    %dma_start3A_85 = arith.constant 0 : i32
    %dma_start3A_86 = tpu.memref_slice %arg8[%dma_start3A_80, %dma_start3A_85] : memref<125x80xi32, #tpu.memory_space<vmem>> -> memref<1x80xi32, #tpu.memory_space<vmem>>
    %dma_start3A_87 = tpu.memref_squeeze %dma_start3A_86 : memref<1x80xi32, #tpu.memory_space<vmem>> -> memref<80xi32, #tpu.memory_space<vmem>>
    %dma_start3A_88 = arith.constant 0 : i32
    %dma_start3A_89 = arith.constant 0 : i32
    %dma_start3A_90 = tpu.memref_slice %arg10[%dma_start3A_88, %dma_start3A_89] : memref<10240x16xf32, #tpu.memory_space<vmem_shared>> -> memref<10240x16xf32, #tpu.memory_space<vmem_shared>>
    tpu.enqueue_indirect_dma source(%dma_start3A_84 : memref<80x16xf32, #tpu.memory_space<vmem>>) target(%dma_start3A_90 : memref<10240x16xf32, #tpu.memory_space<vmem_shared>>) offsets(%dma_start3A_87 : memref<80xi32, #tpu.memory_space<vmem>>) semaphore(%arg22 : memref<!tpu.dma_semaphore, #tpu.memory_space<semaphore_mem>>) {add = true}
    %dma_start3A_91 = arith.constant 5 : i32
    %dma_start3A_92 = arith.constant 5 : i32
    %dma_start3A_93 = arith.constant 0 : i32
    %dma_start3A_94 = arith.constant 0 : i32
    %dma_start3A_95 = tpu.memref_slice %arg9[%dma_start3A_92, %dma_start3A_93, %dma_start3A_94] : memref<10x80x16xf32, #tpu.memory_space<vmem>> -> memref<1x80x16xf32, #tpu.memory_space<vmem>>
    %dma_start3A_96 = tpu.memref_squeeze %dma_start3A_95 : memref<1x80x16xf32, #tpu.memory_space<vmem>> -> memref<80x16xf32, #tpu.memory_space<vmem>>
    %dma_start3A_97 = arith.constant 0 : i32
    %dma_start3A_98 = tpu.memref_slice %arg7[%dma_start3A_91, %dma_start3A_97] : memref<125x80xi32, #tpu.memory_space<vmem>> -> memref<1x80xi32, #tpu.memory_space<vmem>>
    %dma_start3A_99 = tpu.memref_squeeze %dma_start3A_98 : memref<1x80xi32, #tpu.memory_space<vmem>> -> memref<80xi32, #tpu.memory_space<vmem>>
    %dma_start3A_100 = arith.constant 0 : i32
    %dma_start3A_101 = arith.constant 0 : i32
    %dma_start3A_102 = tpu.memref_slice %arg11[%dma_start3A_100, %dma_start3A_101] : memref<10240x16xf32, #tpu.memory_space<vmem_shared>> -> memref<10240x16xf32, #tpu.memory_space<vmem_shared>>
    tpu.enqueue_indirect_dma source(%dma_start3A_102 : memref<10240x16xf32, #tpu.memory_space<vmem_shared>>) target(%dma_start3A_96 : memref<80x16xf32, #tpu.memory_space<vmem>>) offsets(%dma_start3A_99 : memref<80xi32, #tpu.memory_space<vmem>>) semaphore(%arg17 : memref<!tpu.dma_semaphore, #tpu.memory_space<semaphore_mem>>)
    %dma_wait3A_103 = arith.constant 1 : i32
    %dma_wait3A_104 = arith.constant 1 : i32
    %dma_wait3A_105 = arith.constant 0 : i32
    %dma_wait3A_106 = arith.constant 0 : i32
    %dma_wait3A_107 = tpu.memref_slice %arg9[%dma_wait3A_104, %dma_wait3A_105, %dma_wait3A_106] : memref<10x80x16xf32, #tpu.memory_space<vmem>> -> memref<1x80x16xf32, #tpu.memory_space<vmem>>
    %dma_wait3A_108 = tpu.memref_squeeze %dma_wait3A_107 : memref<1x80x16xf32, #tpu.memory_space<vmem>> -> memref<80x16xf32, #tpu.memory_space<vmem>>
    %dma_wait3A_109 = arith.constant 0 : i32
    %dma_wait3A_110 = tpu.memref_slice %arg7[%dma_wait3A_103, %dma_wait3A_109] : memref<125x80xi32, #tpu.memory_space<vmem>> -> memref<1x80xi32, #tpu.memory_space<vmem>>
    %dma_wait3A_111 = tpu.memref_squeeze %dma_wait3A_110 : memref<1x80xi32, #tpu.memory_space<vmem>> -> memref<80xi32, #tpu.memory_space<vmem>>
    %dma_wait3A_112 = arith.constant 0 : i32
    %dma_wait3A_113 = arith.constant 0 : i32
    %dma_wait3A_114 = tpu.memref_slice %arg11[%dma_wait3A_112, %dma_wait3A_113] : memref<10240x16xf32, #tpu.memory_space<vmem_shared>> -> memref<10240x16xf32, #tpu.memory_space<vmem_shared>>
    tpu.wait_indirect_dma semaphore(%arg13 : memref<!tpu.dma_semaphore, #tpu.memory_space<semaphore_mem>>) src(%dma_wait3A_114 : memref<10240x16xf32, #tpu.memory_space<vmem_shared>>) dst(%dma_wait3A_108 : memref<80x16xf32, #tpu.memory_space<vmem>>)
    %dma_start3A_115 = arith.constant 1 : i32
    %dma_start3A_116 = arith.constant 1 : i32
    %dma_start3A_117 = arith.constant 0 : i32
    %dma_start3A_118 = arith.constant 0 : i32
    %dma_start3A_119 = tpu.memref_slice %arg9[%dma_start3A_115, %dma_start3A_117, %dma_start3A_118] : memref<10x80x16xf32, #tpu.memory_space<vmem>> -> memref<1x80x16xf32, #tpu.memory_space<vmem>>
    %dma_start3A_120 = tpu.memref_squeeze %dma_start3A_119 : memref<1x80x16xf32, #tpu.memory_space<vmem>> -> memref<80x16xf32, #tpu.memory_space<vmem>>
    %dma_start3A_121 = arith.constant 0 : i32
    %dma_start3A_122 = tpu.memref_slice %arg8[%dma_start3A_116, %dma_start3A_121] : memref<125x80xi32, #tpu.memory_space<vmem>> -> memref<1x80xi32, #tpu.memory_space<vmem>>
    %dma_start3A_123 = tpu.memref_squeeze %dma_start3A_122 : memref<1x80xi32, #tpu.memory_space<vmem>> -> memref<80xi32, #tpu.memory_space<vmem>>
    %dma_start3A_124 = arith.constant 0 : i32
    %dma_start3A_125 = arith.constant 0 : i32
    %dma_start3A_126 = tpu.memref_slice %arg10[%dma_start3A_124, %dma_start3A_125] : memref<10240x16xf32, #tpu.memory_space<vmem_shared>> -> memref<10240x16xf32, #tpu.memory_space<vmem_shared>>
    tpu.enqueue_indirect_dma source(%dma_start3A_120 : memref<80x16xf32, #tpu.memory_space<vmem>>) target(%dma_start3A_126 : memref<10240x16xf32, #tpu.memory_space<vmem_shared>>) offsets(%dma_start3A_123 : memref<80xi32, #tpu.memory_space<vmem>>) semaphore(%arg23 : memref<!tpu.dma_semaphore, #tpu.memory_space<semaphore_mem>>) {add = true}
    %dma_start3A_127 = arith.constant 6 : i32
    %dma_start3A_128 = arith.constant 6 : i32
    %dma_start3A_129 = arith.constant 0 : i32
    %dma_start3A_130 = arith.constant 0 : i32
    %dma_start3A_131 = tpu.memref_slice %arg9[%dma_start3A_128, %dma_start3A_129, %dma_start3A_130] : memref<10x80x16xf32, #tpu.memory_space<vmem>> -> memref<1x80x16xf32, #tpu.memory_space<vmem>>
    %dma_start3A_132 = tpu.memref_squeeze %dma_start3A_131 : memref<1x80x16xf32, #tpu.memory_space<vmem>> -> memref<80x16xf32, #tpu.memory_space<vmem>>
    %dma_start3A_133 = arith.constant 0 : i32
    %dma_start3A_134 = tpu.memref_slice %arg7[%dma_start3A_127, %dma_start3A_133] : memref<125x80xi32, #tpu.memory_space<vmem>> -> memref<1x80xi32, #tpu.memory_space<vmem>>
    %dma_start3A_135 = tpu.memref_squeeze %dma_start3A_134 : memref<1x80xi32, #tpu.memory_space<vmem>> -> memref<80xi32, #tpu.memory_space<vmem>>
    %dma_start3A_136 = arith.constant 0 : i32
    %dma_start3A_137 = arith.constant 0 : i32
    %dma_start3A_138 = tpu.memref_slice %arg11[%dma_start3A_136, %dma_start3A_137] : memref<10240x16xf32, #tpu.memory_space<vmem_shared>> -> memref<10240x16xf32, #tpu.memory_space<vmem_shared>>
    tpu.enqueue_indirect_dma source(%dma_start3A_138 : memref<10240x16xf32, #tpu.memory_space<vmem_shared>>) target(%dma_start3A_132 : memref<80x16xf32, #tpu.memory_space<vmem>>) offsets(%dma_start3A_135 : memref<80xi32, #tpu.memory_space<vmem>>) semaphore(%arg18 : memref<!tpu.dma_semaphore, #tpu.memory_space<semaphore_mem>>)
    %dma_wait3A_139 = arith.constant 2 : i32
    %dma_wait3A_140 = arith.constant 2 : i32
    %dma_wait3A_141 = arith.constant 0 : i32
    %dma_wait3A_142 = arith.constant 0 : i32
    %dma_wait3A_143 = tpu.memref_slice %arg9[%dma_wait3A_140, %dma_wait3A_141, %dma_wait3A_142] : memref<10x80x16xf32, #tpu.memory_space<vmem>> -> memref<1x80x16xf32, #tpu.memory_space<vmem>>
    %dma_wait3A_144 = tpu.memref_squeeze %dma_wait3A_143 : memref<1x80x16xf32, #tpu.memory_space<vmem>> -> memref<80x16xf32, #tpu.memory_space<vmem>>
    %dma_wait3A_145 = arith.constant 0 : i32
    %dma_wait3A_146 = tpu.memref_slice %arg7[%dma_wait3A_139, %dma_wait3A_145] : memref<125x80xi32, #tpu.memory_space<vmem>> -> memref<1x80xi32, #tpu.memory_space<vmem>>
    %dma_wait3A_147 = tpu.memref_squeeze %dma_wait3A_146 : memref<1x80xi32, #tpu.memory_space<vmem>> -> memref<80xi32, #tpu.memory_space<vmem>>
    %dma_wait3A_148 = arith.constant 0 : i32
    %dma_wait3A_149 = arith.constant 0 : i32
    %dma_wait3A_150 = tpu.memref_slice %arg11[%dma_wait3A_148, %dma_wait3A_149] : memref<10240x16xf32, #tpu.memory_space<vmem_shared>> -> memref<10240x16xf32, #tpu.memory_space<vmem_shared>>
    tpu.wait_indirect_dma semaphore(%arg14 : memref<!tpu.dma_semaphore, #tpu.memory_space<semaphore_mem>>) src(%dma_wait3A_150 : memref<10240x16xf32, #tpu.memory_space<vmem_shared>>) dst(%dma_wait3A_144 : memref<80x16xf32, #tpu.memory_space<vmem>>)
    %dma_start3A_151 = arith.constant 2 : i32
    %dma_start3A_152 = arith.constant 2 : i32
    %dma_start3A_153 = arith.constant 0 : i32
    %dma_start3A_154 = arith.constant 0 : i32
    %dma_start3A_155 = tpu.memref_slice %arg9[%dma_start3A_151, %dma_start3A_153, %dma_start3A_154] : memref<10x80x16xf32, #tpu.memory_space<vmem>> -> memref<1x80x16xf32, #tpu.memory_space<vmem>>
    %dma_start3A_156 = tpu.memref_squeeze %dma_start3A_155 : memref<1x80x16xf32, #tpu.memory_space<vmem>> -> memref<80x16xf32, #tpu.memory_space<vmem>>
    %dma_start3A_157 = arith.constant 0 : i32
    %dma_start3A_158 = tpu.memref_slice %arg8[%dma_start3A_152, %dma_start3A_157] : memref<125x80xi32, #tpu.memory_space<vmem>> -> memref<1x80xi32, #tpu.memory_space<vmem>>
    %dma_start3A_159 = tpu.memref_squeeze %dma_start3A_158 : memref<1x80xi32, #tpu.memory_space<vmem>> -> memref<80xi32, #tpu.memory_space<vmem>>
    %dma_start3A_160 = arith.constant 0 : i32
    %dma_start3A_161 = arith.constant 0 : i32
    %dma_start3A_162 = tpu.memref_slice %arg10[%dma_start3A_160, %dma_start3A_161] : memref<10240x16xf32, #tpu.memory_space<vmem_shared>> -> memref<10240x16xf32, #tpu.memory_space<vmem_shared>>
    tpu.enqueue_indirect_dma source(%dma_start3A_156 : memref<80x16xf32, #tpu.memory_space<vmem>>) target(%dma_start3A_162 : memref<10240x16xf32, #tpu.memory_space<vmem_shared>>) offsets(%dma_start3A_159 : memref<80xi32, #tpu.memory_space<vmem>>) semaphore(%arg24 : memref<!tpu.dma_semaphore, #tpu.memory_space<semaphore_mem>>) {add = true}
    %dma_start3A_163 = arith.constant 7 : i32
    %dma_start3A_164 = arith.constant 7 : i32
    %dma_start3A_165 = arith.constant 0 : i32
    %dma_start3A_166 = arith.constant 0 : i32
    %dma_start3A_167 = tpu.memref_slice %arg9[%dma_start3A_164, %dma_start3A_165, %dma_start3A_166] : memref<10x80x16xf32, #tpu.memory_space<vmem>> -> memref<1x80x16xf32, #tpu.memory_space<vmem>>
    %dma_start3A_168 = tpu.memref_squeeze %dma_start3A_167 : memref<1x80x16xf32, #tpu.memory_space<vmem>> -> memref<80x16xf32, #tpu.memory_space<vmem>>
    %dma_start3A_169 = arith.constant 0 : i32
    %dma_start3A_170 = tpu.memref_slice %arg7[%dma_start3A_163, %dma_start3A_169] : memref<125x80xi32, #tpu.memory_space<vmem>> -> memref<1x80xi32, #tpu.memory_space<vmem>>
    %dma_start3A_171 = tpu.memref_squeeze %dma_start3A_170 : memref<1x80xi32, #tpu.memory_space<vmem>> -> memref<80xi32, #tpu.memory_space<vmem>>
    %dma_start3A_172 = arith.constant 0 : i32
    %dma_start3A_173 = arith.constant 0 : i32
    %dma_start3A_174 = tpu.memref_slice %arg11[%dma_start3A_172, %dma_start3A_173] : memref<10240x16xf32, #tpu.memory_space<vmem_shared>> -> memref<10240x16xf32, #tpu.memory_space<vmem_shared>>
    tpu.enqueue_indirect_dma source(%dma_start3A_174 : memref<10240x16xf32, #tpu.memory_space<vmem_shared>>) target(%dma_start3A_168 : memref<80x16xf32, #tpu.memory_space<vmem>>) offsets(%dma_start3A_171 : memref<80xi32, #tpu.memory_space<vmem>>) semaphore(%arg19 : memref<!tpu.dma_semaphore, #tpu.memory_space<semaphore_mem>>)
    %dma_wait3A_175 = arith.constant 3 : i32
    %dma_wait3A_176 = arith.constant 3 : i32
    %dma_wait3A_177 = arith.constant 0 : i32
    %dma_wait3A_178 = arith.constant 0 : i32
    %dma_wait3A_179 = tpu.memref_slice %arg9[%dma_wait3A_176, %dma_wait3A_177, %dma_wait3A_178] : memref<10x80x16xf32, #tpu.memory_space<vmem>> -> memref<1x80x16xf32, #tpu.memory_space<vmem>>
    %dma_wait3A_180 = tpu.memref_squeeze %dma_wait3A_179 : memref<1x80x16xf32, #tpu.memory_space<vmem>> -> memref<80x16xf32, #tpu.memory_space<vmem>>
    %dma_wait3A_181 = arith.constant 0 : i32
    %dma_wait3A_182 = tpu.memref_slice %arg7[%dma_wait3A_175, %dma_wait3A_181] : memref<125x80xi32, #tpu.memory_space<vmem>> -> memref<1x80xi32, #tpu.memory_space<vmem>>
    %dma_wait3A_183 = tpu.memref_squeeze %dma_wait3A_182 : memref<1x80xi32, #tpu.memory_space<vmem>> -> memref<80xi32, #tpu.memory_space<vmem>>
    %dma_wait3A_184 = arith.constant 0 : i32
    %dma_wait3A_185 = arith.constant 0 : i32
    %dma_wait3A_186 = tpu.memref_slice %arg11[%dma_wait3A_184, %dma_wait3A_185] : memref<10240x16xf32, #tpu.memory_space<vmem_shared>> -> memref<10240x16xf32, #tpu.memory_space<vmem_shared>>
    tpu.wait_indirect_dma semaphore(%arg15 : memref<!tpu.dma_semaphore, #tpu.memory_space<semaphore_mem>>) src(%dma_wait3A_186 : memref<10240x16xf32, #tpu.memory_space<vmem_shared>>) dst(%dma_wait3A_180 : memref<80x16xf32, #tpu.memory_space<vmem>>)
    %dma_start3A_187 = arith.constant 3 : i32
    %dma_start3A_188 = arith.constant 3 : i32
    %dma_start3A_189 = arith.constant 0 : i32
    %dma_start3A_190 = arith.constant 0 : i32
    %dma_start3A_191 = tpu.memref_slice %arg9[%dma_start3A_187, %dma_start3A_189, %dma_start3A_190] : memref<10x80x16xf32, #tpu.memory_space<vmem>> -> memref<1x80x16xf32, #tpu.memory_space<vmem>>
    %dma_start3A_192 = tpu.memref_squeeze %dma_start3A_191 : memref<1x80x16xf32, #tpu.memory_space<vmem>> -> memref<80x16xf32, #tpu.memory_space<vmem>>
    %dma_start3A_193 = arith.constant 0 : i32
    %dma_start3A_194 = tpu.memref_slice %arg8[%dma_start3A_188, %dma_start3A_193] : memref<125x80xi32, #tpu.memory_space<vmem>> -> memref<1x80xi32, #tpu.memory_space<vmem>>
    %dma_start3A_195 = tpu.memref_squeeze %dma_start3A_194 : memref<1x80xi32, #tpu.memory_space<vmem>> -> memref<80xi32, #tpu.memory_space<vmem>>
    %dma_start3A_196 = arith.constant 0 : i32
    %dma_start3A_197 = arith.constant 0 : i32
    %dma_start3A_198 = tpu.memref_slice %arg10[%dma_start3A_196, %dma_start3A_197] : memref<10240x16xf32, #tpu.memory_space<vmem_shared>> -> memref<10240x16xf32, #tpu.memory_space<vmem_shared>>
    tpu.enqueue_indirect_dma source(%dma_start3A_192 : memref<80x16xf32, #tpu.memory_space<vmem>>) target(%dma_start3A_198 : memref<10240x16xf32, #tpu.memory_space<vmem_shared>>) offsets(%dma_start3A_195 : memref<80xi32, #tpu.memory_space<vmem>>) semaphore(%arg25 : memref<!tpu.dma_semaphore, #tpu.memory_space<semaphore_mem>>) {add = true}
    %dma_start3A_199 = arith.constant 8 : i32
    %dma_start3A_200 = arith.constant 8 : i32
    %dma_start3A_201 = arith.constant 0 : i32
    %dma_start3A_202 = arith.constant 0 : i32
    %dma_start3A_203 = tpu.memref_slice %arg9[%dma_start3A_200, %dma_start3A_201, %dma_start3A_202] : memref<10x80x16xf32, #tpu.memory_space<vmem>> -> memref<1x80x16xf32, #tpu.memory_space<vmem>>
    %dma_start3A_204 = tpu.memref_squeeze %dma_start3A_203 : memref<1x80x16xf32, #tpu.memory_space<vmem>> -> memref<80x16xf32, #tpu.memory_space<vmem>>
    %dma_start3A_205 = arith.constant 0 : i32
    %dma_start3A_206 = tpu.memref_slice %arg7[%dma_start3A_199, %dma_start3A_205] : memref<125x80xi32, #tpu.memory_space<vmem>> -> memref<1x80xi32, #tpu.memory_space<vmem>>
    %dma_start3A_207 = tpu.memref_squeeze %dma_start3A_206 : memref<1x80xi32, #tpu.memory_space<vmem>> -> memref<80xi32, #tpu.memory_space<vmem>>
    %dma_start3A_208 = arith.constant 0 : i32
    %dma_start3A_209 = arith.constant 0 : i32
    %dma_start3A_210 = tpu.memref_slice %arg11[%dma_start3A_208, %dma_start3A_209] : memref<10240x16xf32, #tpu.memory_space<vmem_shared>> -> memref<10240x16xf32, #tpu.memory_space<vmem_shared>>
    tpu.enqueue_indirect_dma source(%dma_start3A_210 : memref<10240x16xf32, #tpu.memory_space<vmem_shared>>) target(%dma_start3A_204 : memref<80x16xf32, #tpu.memory_space<vmem>>) offsets(%dma_start3A_207 : memref<80xi32, #tpu.memory_space<vmem>>) semaphore(%arg20 : memref<!tpu.dma_semaphore, #tpu.memory_space<semaphore_mem>>)
    %dma_wait3A_211 = arith.constant 4 : i32
    %dma_wait3A_212 = arith.constant 4 : i32
    %dma_wait3A_213 = arith.constant 0 : i32
    %dma_wait3A_214 = arith.constant 0 : i32
    %dma_wait3A_215 = tpu.memref_slice %arg9[%dma_wait3A_212, %dma_wait3A_213, %dma_wait3A_214] : memref<10x80x16xf32, #tpu.memory_space<vmem>> -> memref<1x80x16xf32, #tpu.memory_space<vmem>>
    %dma_wait3A_216 = tpu.memref_squeeze %dma_wait3A_215 : memref<1x80x16xf32, #tpu.memory_space<vmem>> -> memref<80x16xf32, #tpu.memory_space<vmem>>
    %dma_wait3A_217 = arith.constant 0 : i32
    %dma_wait3A_218 = tpu.memref_slice %arg7[%dma_wait3A_211, %dma_wait3A_217] : memref<125x80xi32, #tpu.memory_space<vmem>> -> memref<1x80xi32, #tpu.memory_space<vmem>>
    %dma_wait3A_219 = tpu.memref_squeeze %dma_wait3A_218 : memref<1x80xi32, #tpu.memory_space<vmem>> -> memref<80xi32, #tpu.memory_space<vmem>>
    %dma_wait3A_220 = arith.constant 0 : i32
    %dma_wait3A_221 = arith.constant 0 : i32
    %dma_wait3A_222 = tpu.memref_slice %arg11[%dma_wait3A_220, %dma_wait3A_221] : memref<10240x16xf32, #tpu.memory_space<vmem_shared>> -> memref<10240x16xf32, #tpu.memory_space<vmem_shared>>
    tpu.wait_indirect_dma semaphore(%arg16 : memref<!tpu.dma_semaphore, #tpu.memory_space<semaphore_mem>>) src(%dma_wait3A_222 : memref<10240x16xf32, #tpu.memory_space<vmem_shared>>) dst(%dma_wait3A_216 : memref<80x16xf32, #tpu.memory_space<vmem>>)
    %dma_start3A_223 = arith.constant 4 : i32
    %dma_start3A_224 = arith.constant 4 : i32
    %dma_start3A_225 = arith.constant 0 : i32
    %dma_start3A_226 = arith.constant 0 : i32
    %dma_start3A_227 = tpu.memref_slice %arg9[%dma_start3A_223, %dma_start3A_225, %dma_start3A_226] : memref<10x80x16xf32, #tpu.memory_space<vmem>> -> memref<1x80x16xf32, #tpu.memory_space<vmem>>
    %dma_start3A_228 = tpu.memref_squeeze %dma_start3A_227 : memref<1x80x16xf32, #tpu.memory_space<vmem>> -> memref<80x16xf32, #tpu.memory_space<vmem>>
    %dma_start3A_229 = arith.constant 0 : i32
    %dma_start3A_230 = tpu.memref_slice %arg8[%dma_start3A_224, %dma_start3A_229] : memref<125x80xi32, #tpu.memory_space<vmem>> -> memref<1x80xi32, #tpu.memory_space<vmem>>
    %dma_start3A_231 = tpu.memref_squeeze %dma_start3A_230 : memref<1x80xi32, #tpu.memory_space<vmem>> -> memref<80xi32, #tpu.memory_space<vmem>>
    %dma_start3A_232 = arith.constant 0 : i32
    %dma_start3A_233 = arith.constant 0 : i32
    %dma_start3A_234 = tpu.memref_slice %arg10[%dma_start3A_232, %dma_start3A_233] : memref<10240x16xf32, #tpu.memory_space<vmem_shared>> -> memref<10240x16xf32, #tpu.memory_space<vmem_shared>>
    tpu.enqueue_indirect_dma source(%dma_start3A_228 : memref<80x16xf32, #tpu.memory_space<vmem>>) target(%dma_start3A_234 : memref<10240x16xf32, #tpu.memory_space<vmem_shared>>) offsets(%dma_start3A_231 : memref<80xi32, #tpu.memory_space<vmem>>) semaphore(%arg26 : memref<!tpu.dma_semaphore, #tpu.memory_space<semaphore_mem>>) {add = true}
    %dma_start3A_235 = arith.constant 9 : i32
    %dma_start3A_236 = arith.constant 9 : i32
    %dma_start3A_237 = arith.constant 0 : i32
    %dma_start3A_238 = arith.constant 0 : i32
    %dma_start3A_239 = tpu.memref_slice %arg9[%dma_start3A_236, %dma_start3A_237, %dma_start3A_238] : memref<10x80x16xf32, #tpu.memory_space<vmem>> -> memref<1x80x16xf32, #tpu.memory_space<vmem>>
    %dma_start3A_240 = tpu.memref_squeeze %dma_start3A_239 : memref<1x80x16xf32, #tpu.memory_space<vmem>> -> memref<80x16xf32, #tpu.memory_space<vmem>>
    %dma_start3A_241 = arith.constant 0 : i32
    %dma_start3A_242 = tpu.memref_slice %arg7[%dma_start3A_235, %dma_start3A_241] : memref<125x80xi32, #tpu.memory_space<vmem>> -> memref<1x80xi32, #tpu.memory_space<vmem>>
    %dma_start3A_243 = tpu.memref_squeeze %dma_start3A_242 : memref<1x80xi32, #tpu.memory_space<vmem>> -> memref<80xi32, #tpu.memory_space<vmem>>
    %dma_start3A_244 = arith.constant 0 : i32
    %dma_start3A_245 = arith.constant 0 : i32
    %dma_start3A_246 = tpu.memref_slice %arg11[%dma_start3A_244, %dma_start3A_245] : memref<10240x16xf32, #tpu.memory_space<vmem_shared>> -> memref<10240x16xf32, #tpu.memory_space<vmem_shared>>
    tpu.enqueue_indirect_dma source(%dma_start3A_246 : memref<10240x16xf32, #tpu.memory_space<vmem_shared>>) target(%dma_start3A_240 : memref<80x16xf32, #tpu.memory_space<vmem>>) offsets(%dma_start3A_243 : memref<80xi32, #tpu.memory_space<vmem>>) semaphore(%arg21 : memref<!tpu.dma_semaphore, #tpu.memory_space<semaphore_mem>>)
    %dma_wait3A_247 = arith.constant 5 : i32
    %dma_wait3A_248 = arith.constant 5 : i32
    %dma_wait3A_249 = arith.constant 0 : i32
    %dma_wait3A_250 = arith.constant 0 : i32
    %dma_wait3A_251 = tpu.memref_slice %arg9[%dma_wait3A_248, %dma_wait3A_249, %dma_wait3A_250] : memref<10x80x16xf32, #tpu.memory_space<vmem>> -> memref<1x80x16xf32, #tpu.memory_space<vmem>>
    %dma_wait3A_252 = tpu.memref_squeeze %dma_wait3A_251 : memref<1x80x16xf32, #tpu.memory_space<vmem>> -> memref<80x16xf32, #tpu.memory_space<vmem>>
    %dma_wait3A_253 = arith.constant 0 : i32
    %dma_wait3A_254 = tpu.memref_slice %arg7[%dma_wait3A_247, %dma_wait3A_253] : memref<125x80xi32, #tpu.memory_space<vmem>> -> memref<1x80xi32, #tpu.memory_space<vmem>>
    %dma_wait3A_255 = tpu.memref_squeeze %dma_wait3A_254 : memref<1x80xi32, #tpu.memory_space<vmem>> -> memref<80xi32, #tpu.memory_space<vmem>>
    %dma_wait3A_256 = arith.constant 0 : i32
    %dma_wait3A_257 = arith.constant 0 : i32
    %dma_wait3A_258 = tpu.memref_slice %arg11[%dma_wait3A_256, %dma_wait3A_257] : memref<10240x16xf32, #tpu.memory_space<vmem_shared>> -> memref<10240x16xf32, #tpu.memory_space<vmem_shared>>
    tpu.wait_indirect_dma semaphore(%arg17 : memref<!tpu.dma_semaphore, #tpu.memory_space<semaphore_mem>>) src(%dma_wait3A_258 : memref<10240x16xf32, #tpu.memory_space<vmem_shared>>) dst(%dma_wait3A_252 : memref<80x16xf32, #tpu.memory_space<vmem>>)
    %dma_start3A_259 = arith.constant 5 : i32
    %dma_start3A_260 = arith.constant 5 : i32
    %dma_start3A_261 = arith.constant 0 : i32
    %dma_start3A_262 = arith.constant 0 : i32
    %dma_start3A_263 = tpu.memref_slice %arg9[%dma_start3A_259, %dma_start3A_261, %dma_start3A_262] : memref<10x80x16xf32, #tpu.memory_space<vmem>> -> memref<1x80x16xf32, #tpu.memory_space<vmem>>
    %dma_start3A_264 = tpu.memref_squeeze %dma_start3A_263 : memref<1x80x16xf32, #tpu.memory_space<vmem>> -> memref<80x16xf32, #tpu.memory_space<vmem>>
    %dma_start3A_265 = arith.constant 0 : i32
    %dma_start3A_266 = tpu.memref_slice %arg8[%dma_start3A_260, %dma_start3A_265] : memref<125x80xi32, #tpu.memory_space<vmem>> -> memref<1x80xi32, #tpu.memory_space<vmem>>
    %dma_start3A_267 = tpu.memref_squeeze %dma_start3A_266 : memref<1x80xi32, #tpu.memory_space<vmem>> -> memref<80xi32, #tpu.memory_space<vmem>>
    %dma_start3A_268 = arith.constant 0 : i32
    %dma_start3A_269 = arith.constant 0 : i32
    %dma_start3A_270 = tpu.memref_slice %arg10[%dma_start3A_268, %dma_start3A_269] : memref<10240x16xf32, #tpu.memory_space<vmem_shared>> -> memref<10240x16xf32, #tpu.memory_space<vmem_shared>>
    tpu.enqueue_indirect_dma source(%dma_start3A_264 : memref<80x16xf32, #tpu.memory_space<vmem>>) target(%dma_start3A_270 : memref<10240x16xf32, #tpu.memory_space<vmem_shared>>) offsets(%dma_start3A_267 : memref<80xi32, #tpu.memory_space<vmem>>) semaphore(%arg27 : memref<!tpu.dma_semaphore, #tpu.memory_space<semaphore_mem>>) {add = true}
    %dma_wait3A_271 = arith.constant 0 : i32
    %dma_wait3A_272 = arith.constant 0 : i32
    %dma_wait3A_273 = arith.constant 0 : i32
    %dma_wait3A_274 = arith.constant 0 : i32
    %dma_wait3A_275 = tpu.memref_slice %arg9[%dma_wait3A_271, %dma_wait3A_273, %dma_wait3A_274] : memref<10x80x16xf32, #tpu.memory_space<vmem>> -> memref<1x80x16xf32, #tpu.memory_space<vmem>>
    %dma_wait3A_276 = tpu.memref_squeeze %dma_wait3A_275 : memref<1x80x16xf32, #tpu.memory_space<vmem>> -> memref<80x16xf32, #tpu.memory_space<vmem>>
    %dma_wait3A_277 = arith.constant 0 : i32
    %dma_wait3A_278 = tpu.memref_slice %arg8[%dma_wait3A_272, %dma_wait3A_277] : memref<125x80xi32, #tpu.memory_space<vmem>> -> memref<1x80xi32, #tpu.memory_space<vmem>>
    %dma_wait3A_279 = tpu.memref_squeeze %dma_wait3A_278 : memref<1x80xi32, #tpu.memory_space<vmem>> -> memref<80xi32, #tpu.memory_space<vmem>>
    %dma_wait3A_280 = arith.constant 0 : i32
    %dma_wait3A_281 = arith.constant 0 : i32
    %dma_wait3A_282 = tpu.memref_slice %arg10[%dma_wait3A_280, %dma_wait3A_281] : memref<10240x16xf32, #tpu.memory_space<vmem_shared>> -> memref<10240x16xf32, #tpu.memory_space<vmem_shared>>
    tpu.wait_indirect_dma semaphore(%arg22 : memref<!tpu.dma_semaphore, #tpu.memory_space<semaphore_mem>>) src(%dma_wait3A_276 : memref<80x16xf32, #tpu.memory_space<vmem>>) dst(%dma_wait3A_282 : memref<10240x16xf32, #tpu.memory_space<vmem_shared>>)
    %dma_start3A_283 = arith.constant 10 : i32
    %dma_start3A_284 = arith.constant 0 : i32
    %dma_start3A_285 = arith.constant 0 : i32
    %dma_start3A_286 = arith.constant 0 : i32
    %dma_start3A_287 = tpu.memref_slice %arg9[%dma_start3A_284, %dma_start3A_285, %dma_start3A_286] : memref<10x80x16xf32, #tpu.memory_space<vmem>> -> memref<1x80x16xf32, #tpu.memory_space<vmem>>
    %dma_start3A_288 = tpu.memref_squeeze %dma_start3A_287 : memref<1x80x16xf32, #tpu.memory_space<vmem>> -> memref<80x16xf32, #tpu.memory_space<vmem>>
    %dma_start3A_289 = arith.constant 0 : i32
    %dma_start3A_290 = tpu.memref_slice %arg7[%dma_start3A_283, %dma_start3A_289] : memref<125x80xi32, #tpu.memory_space<vmem>> -> memref<1x80xi32, #tpu.memory_space<vmem>>
    %dma_start3A_291 = tpu.memref_squeeze %dma_start3A_290 : memref<1x80xi32, #tpu.memory_space<vmem>> -> memref<80xi32, #tpu.memory_space<vmem>>
    %dma_start3A_292 = arith.constant 0 : i32
    %dma_start3A_293 = arith.constant 0 : i32
    %dma_start3A_294 = tpu.memref_slice %arg11[%dma_start3A_292, %dma_start3A_293] : memref<10240x16xf32, #tpu.memory_space<vmem_shared>> -> memref<10240x16xf32, #tpu.memory_space<vmem_shared>>
    tpu.enqueue_indirect_dma source(%dma_start3A_294 : memref<10240x16xf32, #tpu.memory_space<vmem_shared>>) target(%dma_start3A_288 : memref<80x16xf32, #tpu.memory_space<vmem>>) offsets(%dma_start3A_291 : memref<80xi32, #tpu.memory_space<vmem>>) semaphore(%arg12 : memref<!tpu.dma_semaphore, #tpu.memory_space<semaphore_mem>>)
    %dma_wait3A_295 = arith.constant 6 : i32
    %dma_wait3A_296 = arith.constant 6 : i32
    %dma_wait3A_297 = arith.constant 0 : i32
    %dma_wait3A_298 = arith.constant 0 : i32
    %dma_wait3A_299 = tpu.memref_slice %arg9[%dma_wait3A_296, %dma_wait3A_297, %dma_wait3A_298] : memref<10x80x16xf32, #tpu.memory_space<vmem>> -> memref<1x80x16xf32, #tpu.memory_space<vmem>>
    %dma_wait3A_300 = tpu.memref_squeeze %dma_wait3A_299 : memref<1x80x16xf32, #tpu.memory_space<vmem>> -> memref<80x16xf32, #tpu.memory_space<vmem>>
    %dma_wait3A_301 = arith.constant 0 : i32
    %dma_wait3A_302 = tpu.memref_slice %arg7[%dma_wait3A_295, %dma_wait3A_301] : memref<125x80xi32, #tpu.memory_space<vmem>> -> memref<1x80xi32, #tpu.memory_space<vmem>>
    %dma_wait3A_303 = tpu.memref_squeeze %dma_wait3A_302 : memref<1x80xi32, #tpu.memory_space<vmem>> -> memref<80xi32, #tpu.memory_space<vmem>>
    %dma_wait3A_304 = arith.constant 0 : i32
    %dma_wait3A_305 = arith.constant 0 : i32
    %dma_wait3A_306 = tpu.memref_slice %arg11[%dma_wait3A_304, %dma_wait3A_305] : memref<10240x16xf32, #tpu.memory_space<vmem_shared>> -> memref<10240x16xf32, #tpu.memory_space<vmem_shared>>
    tpu.wait_indirect_dma semaphore(%arg18 : memref<!tpu.dma_semaphore, #tpu.memory_space<semaphore_mem>>) src(%dma_wait3A_306 : memref<10240x16xf32, #tpu.memory_space<vmem_shared>>) dst(%dma_wait3A_300 : memref<80x16xf32, #tpu.memory_space<vmem>>)
    %dma_start3A_307 = arith.constant 6 : i32
    %dma_start3A_308 = arith.constant 6 : i32
    %dma_start3A_309 = arith.constant 0 : i32
    %dma_start3A_310 = arith.constant 0 : i32
    %dma_start3A_311 = tpu.memref_slice %arg9[%dma_start3A_307, %dma_start3A_309, %dma_start3A_310] : memref<10x80x16xf32, #tpu.memory_space<vmem>> -> memref<1x80x16xf32, #tpu.memory_space<vmem>>
    %dma_start3A_312 = tpu.memref_squeeze %dma_start3A_311 : memref<1x80x16xf32, #tpu.memory_space<vmem>> -> memref<80x16xf32, #tpu.memory_space<vmem>>
    %dma_start3A_313 = arith.constant 0 : i32
    %dma_start3A_314 = tpu.memref_slice %arg8[%dma_start3A_308, %dma_start3A_313] : memref<125x80xi32, #tpu.memory_space<vmem>> -> memref<1x80xi32, #tpu.memory_space<vmem>>
    %dma_start3A_315 = tpu.memref_squeeze %dma_start3A_314 : memref<1x80xi32, #tpu.memory_space<vmem>> -> memref<80xi32, #tpu.memory_space<vmem>>
    %dma_start3A_316 = arith.constant 0 : i32
    %dma_start3A_317 = arith.constant 0 : i32
    %dma_start3A_318 = tpu.memref_slice %arg10[%dma_start3A_316, %dma_start3A_317] : memref<10240x16xf32, #tpu.memory_space<vmem_shared>> -> memref<10240x16xf32, #tpu.memory_space<vmem_shared>>
    tpu.enqueue_indirect_dma source(%dma_start3A_312 : memref<80x16xf32, #tpu.memory_space<vmem>>) target(%dma_start3A_318 : memref<10240x16xf32, #tpu.memory_space<vmem_shared>>) offsets(%dma_start3A_315 : memref<80xi32, #tpu.memory_space<vmem>>) semaphore(%arg28 : memref<!tpu.dma_semaphore, #tpu.memory_space<semaphore_mem>>) {add = true}
    %dma_wait3A_319 = arith.constant 1 : i32
    %dma_wait3A_320 = arith.constant 1 : i32
    %dma_wait3A_321 = arith.constant 0 : i32
    %dma_wait3A_322 = arith.constant 0 : i32
    %dma_wait3A_323 = tpu.memref_slice %arg9[%dma_wait3A_319, %dma_wait3A_321, %dma_wait3A_322] : memref<10x80x16xf32, #tpu.memory_space<vmem>> -> memref<1x80x16xf32, #tpu.memory_space<vmem>>
    %dma_wait3A_324 = tpu.memref_squeeze %dma_wait3A_323 : memref<1x80x16xf32, #tpu.memory_space<vmem>> -> memref<80x16xf32, #tpu.memory_space<vmem>>
    %dma_wait3A_325 = arith.constant 0 : i32
    %dma_wait3A_326 = tpu.memref_slice %arg8[%dma_wait3A_320, %dma_wait3A_325] : memref<125x80xi32, #tpu.memory_space<vmem>> -> memref<1x80xi32, #tpu.memory_space<vmem>>
    %dma_wait3A_327 = tpu.memref_squeeze %dma_wait3A_326 : memref<1x80xi32, #tpu.memory_space<vmem>> -> memref<80xi32, #tpu.memory_space<vmem>>
    %dma_wait3A_328 = arith.constant 0 : i32
    %dma_wait3A_329 = arith.constant 0 : i32
    %dma_wait3A_330 = tpu.memref_slice %arg10[%dma_wait3A_328, %dma_wait3A_329] : memref<10240x16xf32, #tpu.memory_space<vmem_shared>> -> memref<10240x16xf32, #tpu.memory_space<vmem_shared>>
    tpu.wait_indirect_dma semaphore(%arg23 : memref<!tpu.dma_semaphore, #tpu.memory_space<semaphore_mem>>) src(%dma_wait3A_324 : memref<80x16xf32, #tpu.memory_space<vmem>>) dst(%dma_wait3A_330 : memref<10240x16xf32, #tpu.memory_space<vmem_shared>>)
    %dma_start3A_331 = arith.constant 11 : i32
    %dma_start3A_332 = arith.constant 1 : i32
    %dma_start3A_333 = arith.constant 0 : i32
    %dma_start3A_334 = arith.constant 0 : i32
    %dma_start3A_335 = tpu.memref_slice %arg9[%dma_start3A_332, %dma_start3A_333, %dma_start3A_334] : memref<10x80x16xf32, #tpu.memory_space<vmem>> -> memref<1x80x16xf32, #tpu.memory_space<vmem>>
    %dma_start3A_336 = tpu.memref_squeeze %dma_start3A_335 : memref<1x80x16xf32, #tpu.memory_space<vmem>> -> memref<80x16xf32, #tpu.memory_space<vmem>>
    %dma_start3A_337 = arith.constant 0 : i32
    %dma_start3A_338 = tpu.memref_slice %arg7[%dma_start3A_331, %dma_start3A_337] : memref<125x80xi32, #tpu.memory_space<vmem>> -> memref<1x80xi32, #tpu.memory_space<vmem>>
    %dma_start3A_339 = tpu.memref_squeeze %dma_start3A_338 : memref<1x80xi32, #tpu.memory_space<vmem>> -> memref<80xi32, #tpu.memory_space<vmem>>
    %dma_start3A_340 = arith.constant 0 : i32
    %dma_start3A_341 = arith.constant 0 : i32
    %dma_start3A_342 = tpu.memref_slice %arg11[%dma_start3A_340, %dma_start3A_341] : memref<10240x16xf32, #tpu.memory_space<vmem_shared>> -> memref<10240x16xf32, #tpu.memory_space<vmem_shared>>
    tpu.enqueue_indirect_dma source(%dma_start3A_342 : memref<10240x16xf32, #tpu.memory_space<vmem_shared>>) target(%dma_start3A_336 : memref<80x16xf32, #tpu.memory_space<vmem>>) offsets(%dma_start3A_339 : memref<80xi32, #tpu.memory_space<vmem>>) semaphore(%arg13 : memref<!tpu.dma_semaphore, #tpu.memory_space<semaphore_mem>>)
    %dma_wait3A_343 = arith.constant 7 : i32
    %dma_wait3A_344 = arith.constant 7 : i32
    %dma_wait3A_345 = arith.constant 0 : i32
    %dma_wait3A_346 = arith.constant 0 : i32
    %dma_wait3A_347 = tpu.memref_slice %arg9[%dma_wait3A_344, %dma_wait3A_345, %dma_wait3A_346] : memref<10x80x16xf32, #tpu.memory_space<vmem>> -> memref<1x80x16xf32, #tpu.memory_space<vmem>>
    %dma_wait3A_348 = tpu.memref_squeeze %dma_wait3A_347 : memref<1x80x16xf32, #tpu.memory_space<vmem>> -> memref<80x16xf32, #tpu.memory_space<vmem>>
    %dma_wait3A_349 = arith.constant 0 : i32
    %dma_wait3A_350 = tpu.memref_slice %arg7[%dma_wait3A_343, %dma_wait3A_349] : memref<125x80xi32, #tpu.memory_space<vmem>> -> memref<1x80xi32, #tpu.memory_space<vmem>>
    %dma_wait3A_351 = tpu.memref_squeeze %dma_wait3A_350 : memref<1x80xi32, #tpu.memory_space<vmem>> -> memref<80xi32, #tpu.memory_space<vmem>>
    %dma_wait3A_352 = arith.constant 0 : i32
    %dma_wait3A_353 = arith.constant 0 : i32
    %dma_wait3A_354 = tpu.memref_slice %arg11[%dma_wait3A_352, %dma_wait3A_353] : memref<10240x16xf32, #tpu.memory_space<vmem_shared>> -> memref<10240x16xf32, #tpu.memory_space<vmem_shared>>
    tpu.wait_indirect_dma semaphore(%arg19 : memref<!tpu.dma_semaphore, #tpu.memory_space<semaphore_mem>>) src(%dma_wait3A_354 : memref<10240x16xf32, #tpu.memory_space<vmem_shared>>) dst(%dma_wait3A_348 : memref<80x16xf32, #tpu.memory_space<vmem>>)
    %dma_start3A_355 = arith.constant 7 : i32
    %dma_start3A_356 = arith.constant 7 : i32
    %dma_start3A_357 = arith.constant 0 : i32
    %dma_start3A_358 = arith.constant 0 : i32
    %dma_start3A_359 = tpu.memref_slice %arg9[%dma_start3A_355, %dma_start3A_357, %dma_start3A_358] : memref<10x80x16xf32, #tpu.memory_space<vmem>> -> memref<1x80x16xf32, #tpu.memory_space<vmem>>
    %dma_start3A_360 = tpu.memref_squeeze %dma_start3A_359 : memref<1x80x16xf32, #tpu.memory_space<vmem>> -> memref<80x16xf32, #tpu.memory_space<vmem>>
    %dma_start3A_361 = arith.constant 0 : i32
    %dma_start3A_362 = tpu.memref_slice %arg8[%dma_start3A_356, %dma_start3A_361] : memref<125x80xi32, #tpu.memory_space<vmem>> -> memref<1x80xi32, #tpu.memory_space<vmem>>
    %dma_start3A_363 = tpu.memref_squeeze %dma_start3A_362 : memref<1x80xi32, #tpu.memory_space<vmem>> -> memref<80xi32, #tpu.memory_space<vmem>>
    %dma_start3A_364 = arith.constant 0 : i32
    %dma_start3A_365 = arith.constant 0 : i32
    %dma_start3A_366 = tpu.memref_slice %arg10[%dma_start3A_364, %dma_start3A_365] : memref<10240x16xf32, #tpu.memory_space<vmem_shared>> -> memref<10240x16xf32, #tpu.memory_space<vmem_shared>>
    tpu.enqueue_indirect_dma source(%dma_start3A_360 : memref<80x16xf32, #tpu.memory_space<vmem>>) target(%dma_start3A_366 : memref<10240x16xf32, #tpu.memory_space<vmem_shared>>) offsets(%dma_start3A_363 : memref<80xi32, #tpu.memory_space<vmem>>) semaphore(%arg29 : memref<!tpu.dma_semaphore, #tpu.memory_space<semaphore_mem>>) {add = true}
    %dma_wait3A_367 = arith.constant 2 : i32
    %dma_wait3A_368 = arith.constant 2 : i32
    %dma_wait3A_369 = arith.constant 0 : i32
    %dma_wait3A_370 = arith.constant 0 : i32
    %dma_wait3A_371 = tpu.memref_slice %arg9[%dma_wait3A_367, %dma_wait3A_369, %dma_wait3A_370] : memref<10x80x16xf32, #tpu.memory_space<vmem>> -> memref<1x80x16xf32, #tpu.memory_space<vmem>>
    %dma_wait3A_372 = tpu.memref_squeeze %dma_wait3A_371 : memref<1x80x16xf32, #tpu.memory_space<vmem>> -> memref<80x16xf32, #tpu.memory_space<vmem>>
    %dma_wait3A_373 = arith.constant 0 : i32
    %dma_wait3A_374 = tpu.memref_slice %arg8[%dma_wait3A_368, %dma_wait3A_373] : memref<125x80xi32, #tpu.memory_space<vmem>> -> memref<1x80xi32, #tpu.memory_space<vmem>>
    %dma_wait3A_375 = tpu.memref_squeeze %dma_wait3A_374 : memref<1x80xi32, #tpu.memory_space<vmem>> -> memref<80xi32, #tpu.memory_space<vmem>>
    %dma_wait3A_376 = arith.constant 0 : i32
    %dma_wait3A_377 = arith.constant 0 : i32
    %dma_wait3A_378 = tpu.memref_slice %arg10[%dma_wait3A_376, %dma_wait3A_377] : memref<10240x16xf32, #tpu.memory_space<vmem_shared>> -> memref<10240x16xf32, #tpu.memory_space<vmem_shared>>
    tpu.wait_indirect_dma semaphore(%arg24 : memref<!tpu.dma_semaphore, #tpu.memory_space<semaphore_mem>>) src(%dma_wait3A_372 : memref<80x16xf32, #tpu.memory_space<vmem>>) dst(%dma_wait3A_378 : memref<10240x16xf32, #tpu.memory_space<vmem_shared>>)
    %dma_start3A_379 = arith.constant 12 : i32
    %dma_start3A_380 = arith.constant 2 : i32
    %dma_start3A_381 = arith.constant 0 : i32
    %dma_start3A_382 = arith.constant 0 : i32
    %dma_start3A_383 = tpu.memref_slice %arg9[%dma_start3A_380, %dma_start3A_381, %dma_start3A_382] : memref<10x80x16xf32, #tpu.memory_space<vmem>> -> memref<1x80x16xf32, #tpu.memory_space<vmem>>
    %dma_start3A_384 = tpu.memref_squeeze %dma_start3A_383 : memref<1x80x16xf32, #tpu.memory_space<vmem>> -> memref<80x16xf32, #tpu.memory_space<vmem>>
    %dma_start3A_385 = arith.constant 0 : i32
    %dma_start3A_386 = tpu.memref_slice %arg7[%dma_start3A_379, %dma_start3A_385] : memref<125x80xi32, #tpu.memory_space<vmem>> -> memref<1x80xi32, #tpu.memory_space<vmem>>
    %dma_start3A_387 = tpu.memref_squeeze %dma_start3A_386 : memref<1x80xi32, #tpu.memory_space<vmem>> -> memref<80xi32, #tpu.memory_space<vmem>>
    %dma_start3A_388 = arith.constant 0 : i32
    %dma_start3A_389 = arith.constant 0 : i32
    %dma_start3A_390 = tpu.memref_slice %arg11[%dma_start3A_388, %dma_start3A_389] : memref<10240x16xf32, #tpu.memory_space<vmem_shared>> -> memref<10240x16xf32, #tpu.memory_space<vmem_shared>>
    tpu.enqueue_indirect_dma source(%dma_start3A_390 : memref<10240x16xf32, #tpu.memory_space<vmem_shared>>) target(%dma_start3A_384 : memref<80x16xf32, #tpu.memory_space<vmem>>) offsets(%dma_start3A_387 : memref<80xi32, #tpu.memory_space<vmem>>) semaphore(%arg14 : memref<!tpu.dma_semaphore, #tpu.memory_space<semaphore_mem>>)
    %dma_wait3A_391 = arith.constant 8 : i32
    %dma_wait3A_392 = arith.constant 8 : i32
    %dma_wait3A_393 = arith.constant 0 : i32
    %dma_wait3A_394 = arith.constant 0 : i32
    %dma_wait3A_395 = tpu.memref_slice %arg9[%dma_wait3A_392, %dma_wait3A_393, %dma_wait3A_394] : memref<10x80x16xf32, #tpu.memory_space<vmem>> -> memref<1x80x16xf32, #tpu.memory_space<vmem>>
    %dma_wait3A_396 = tpu.memref_squeeze %dma_wait3A_395 : memref<1x80x16xf32, #tpu.memory_space<vmem>> -> memref<80x16xf32, #tpu.memory_space<vmem>>
    %dma_wait3A_397 = arith.constant 0 : i32
    %dma_wait3A_398 = tpu.memref_slice %arg7[%dma_wait3A_391, %dma_wait3A_397] : memref<125x80xi32, #tpu.memory_space<vmem>> -> memref<1x80xi32, #tpu.memory_space<vmem>>
    %dma_wait3A_399 = tpu.memref_squeeze %dma_wait3A_398 : memref<1x80xi32, #tpu.memory_space<vmem>> -> memref<80xi32, #tpu.memory_space<vmem>>
    %dma_wait3A_400 = arith.constant 0 : i32
    %dma_wait3A_401 = arith.constant 0 : i32
    %dma_wait3A_402 = tpu.memref_slice %arg11[%dma_wait3A_400, %dma_wait3A_401] : memref<10240x16xf32, #tpu.memory_space<vmem_shared>> -> memref<10240x16xf32, #tpu.memory_space<vmem_shared>>
    tpu.wait_indirect_dma semaphore(%arg20 : memref<!tpu.dma_semaphore, #tpu.memory_space<semaphore_mem>>) src(%dma_wait3A_402 : memref<10240x16xf32, #tpu.memory_space<vmem_shared>>) dst(%dma_wait3A_396 : memref<80x16xf32, #tpu.memory_space<vmem>>)
    %dma_start3A_403 = arith.constant 8 : i32
    %dma_start3A_404 = arith.constant 8 : i32
    %dma_start3A_405 = arith.constant 0 : i32
    %dma_start3A_406 = arith.constant 0 : i32
    %dma_start3A_407 = tpu.memref_slice %arg9[%dma_start3A_403, %dma_start3A_405, %dma_start3A_406] : memref<10x80x16xf32, #tpu.memory_space<vmem>> -> memref<1x80x16xf32, #tpu.memory_space<vmem>>
    %dma_start3A_408 = tpu.memref_squeeze %dma_start3A_407 : memref<1x80x16xf32, #tpu.memory_space<vmem>> -> memref<80x16xf32, #tpu.memory_space<vmem>>
    %dma_start3A_409 = arith.constant 0 : i32
    %dma_start3A_410 = tpu.memref_slice %arg8[%dma_start3A_404, %dma_start3A_409] : memref<125x80xi32, #tpu.memory_space<vmem>> -> memref<1x80xi32, #tpu.memory_space<vmem>>
    %dma_start3A_411 = tpu.memref_squeeze %dma_start3A_410 : memref<1x80xi32, #tpu.memory_space<vmem>> -> memref<80xi32, #tpu.memory_space<vmem>>
    %dma_start3A_412 = arith.constant 0 : i32
    %dma_start3A_413 = arith.constant 0 : i32
    %dma_start3A_414 = tpu.memref_slice %arg10[%dma_start3A_412, %dma_start3A_413] : memref<10240x16xf32, #tpu.memory_space<vmem_shared>> -> memref<10240x16xf32, #tpu.memory_space<vmem_shared>>
    tpu.enqueue_indirect_dma source(%dma_start3A_408 : memref<80x16xf32, #tpu.memory_space<vmem>>) target(%dma_start3A_414 : memref<10240x16xf32, #tpu.memory_space<vmem_shared>>) offsets(%dma_start3A_411 : memref<80xi32, #tpu.memory_space<vmem>>) semaphore(%arg30 : memref<!tpu.dma_semaphore, #tpu.memory_space<semaphore_mem>>) {add = true}
    %dma_wait3A_415 = arith.constant 3 : i32
    %dma_wait3A_416 = arith.constant 3 : i32
    %dma_wait3A_417 = arith.constant 0 : i32
    %dma_wait3A_418 = arith.constant 0 : i32
    %dma_wait3A_419 = tpu.memref_slice %arg9[%dma_wait3A_415, %dma_wait3A_417, %dma_wait3A_418] : memref<10x80x16xf32, #tpu.memory_space<vmem>> -> memref<1x80x16xf32, #tpu.memory_space<vmem>>
    %dma_wait3A_420 = tpu.memref_squeeze %dma_wait3A_419 : memref<1x80x16xf32, #tpu.memory_space<vmem>> -> memref<80x16xf32, #tpu.memory_space<vmem>>
    %dma_wait3A_421 = arith.constant 0 : i32
    %dma_wait3A_422 = tpu.memref_slice %arg8[%dma_wait3A_416, %dma_wait3A_421] : memref<125x80xi32, #tpu.memory_space<vmem>> -> memref<1x80xi32, #tpu.memory_space<vmem>>
    %dma_wait3A_423 = tpu.memref_squeeze %dma_wait3A_422 : memref<1x80xi32, #tpu.memory_space<vmem>> -> memref<80xi32, #tpu.memory_space<vmem>>
    %dma_wait3A_424 = arith.constant 0 : i32
    %dma_wait3A_425 = arith.constant 0 : i32
    %dma_wait3A_426 = tpu.memref_slice %arg10[%dma_wait3A_424, %dma_wait3A_425] : memref<10240x16xf32, #tpu.memory_space<vmem_shared>> -> memref<10240x16xf32, #tpu.memory_space<vmem_shared>>
    tpu.wait_indirect_dma semaphore(%arg25 : memref<!tpu.dma_semaphore, #tpu.memory_space<semaphore_mem>>) src(%dma_wait3A_420 : memref<80x16xf32, #tpu.memory_space<vmem>>) dst(%dma_wait3A_426 : memref<10240x16xf32, #tpu.memory_space<vmem_shared>>)
    %dma_start3A_427 = arith.constant 13 : i32
    %dma_start3A_428 = arith.constant 3 : i32
    %dma_start3A_429 = arith.constant 0 : i32
    %dma_start3A_430 = arith.constant 0 : i32
    %dma_start3A_431 = tpu.memref_slice %arg9[%dma_start3A_428, %dma_start3A_429, %dma_start3A_430] : memref<10x80x16xf32, #tpu.memory_space<vmem>> -> memref<1x80x16xf32, #tpu.memory_space<vmem>>
    %dma_start3A_432 = tpu.memref_squeeze %dma_start3A_431 : memref<1x80x16xf32, #tpu.memory_space<vmem>> -> memref<80x16xf32, #tpu.memory_space<vmem>>
    %dma_start3A_433 = arith.constant 0 : i32
    %dma_start3A_434 = tpu.memref_slice %arg7[%dma_start3A_427, %dma_start3A_433] : memref<125x80xi32, #tpu.memory_space<vmem>> -> memref<1x80xi32, #tpu.memory_space<vmem>>
    %dma_start3A_435 = tpu.memref_squeeze %dma_start3A_434 : memref<1x80xi32, #tpu.memory_space<vmem>> -> memref<80xi32, #tpu.memory_space<vmem>>
    %dma_start3A_436 = arith.constant 0 : i32
    %dma_start3A_437 = arith.constant 0 : i32
    %dma_start3A_438 = tpu.memref_slice %arg11[%dma_start3A_436, %dma_start3A_437] : memref<10240x16xf32, #tpu.memory_space<vmem_shared>> -> memref<10240x16xf32, #tpu.memory_space<vmem_shared>>
    tpu.enqueue_indirect_dma source(%dma_start3A_438 : memref<10240x16xf32, #tpu.memory_space<vmem_shared>>) target(%dma_start3A_432 : memref<80x16xf32, #tpu.memory_space<vmem>>) offsets(%dma_start3A_435 : memref<80xi32, #tpu.memory_space<vmem>>) semaphore(%arg15 : memref<!tpu.dma_semaphore, #tpu.memory_space<semaphore_mem>>)
    %dma_wait3A_439 = arith.constant 9 : i32
    %dma_wait3A_440 = arith.constant 9 : i32
    %dma_wait3A_441 = arith.constant 0 : i32
    %dma_wait3A_442 = arith.constant 0 : i32
    %dma_wait3A_443 = tpu.memref_slice %arg9[%dma_wait3A_440, %dma_wait3A_441, %dma_wait3A_442] : memref<10x80x16xf32, #tpu.memory_space<vmem>> -> memref<1x80x16xf32, #tpu.memory_space<vmem>>
    %dma_wait3A_444 = tpu.memref_squeeze %dma_wait3A_443 : memref<1x80x16xf32, #tpu.memory_space<vmem>> -> memref<80x16xf32, #tpu.memory_space<vmem>>
    %dma_wait3A_445 = arith.constant 0 : i32
    %dma_wait3A_446 = tpu.memref_slice %arg7[%dma_wait3A_439, %dma_wait3A_445] : memref<125x80xi32, #tpu.memory_space<vmem>> -> memref<1x80xi32, #tpu.memory_space<vmem>>
    %dma_wait3A_447 = tpu.memref_squeeze %dma_wait3A_446 : memref<1x80xi32, #tpu.memory_space<vmem>> -> memref<80xi32, #tpu.memory_space<vmem>>
    %dma_wait3A_448 = arith.constant 0 : i32
    %dma_wait3A_449 = arith.constant 0 : i32
    %dma_wait3A_450 = tpu.memref_slice %arg11[%dma_wait3A_448, %dma_wait3A_449] : memref<10240x16xf32, #tpu.memory_space<vmem_shared>> -> memref<10240x16xf32, #tpu.memory_space<vmem_shared>>
    tpu.wait_indirect_dma semaphore(%arg21 : memref<!tpu.dma_semaphore, #tpu.memory_space<semaphore_mem>>) src(%dma_wait3A_450 : memref<10240x16xf32, #tpu.memory_space<vmem_shared>>) dst(%dma_wait3A_444 : memref<80x16xf32, #tpu.memory_space<vmem>>)
    %dma_start3A_451 = arith.constant 9 : i32
    %dma_start3A_452 = arith.constant 9 : i32
    %dma_start3A_453 = arith.constant 0 : i32
    %dma_start3A_454 = arith.constant 0 : i32
    %dma_start3A_455 = tpu.memref_slice %arg9[%dma_start3A_451, %dma_start3A_453, %dma_start3A_454] : memref<10x80x16xf32, #tpu.memory_space<vmem>> -> memref<1x80x16xf32, #tpu.memory_space<vmem>>
    %dma_start3A_456 = tpu.memref_squeeze %dma_start3A_455 : memref<1x80x16xf32, #tpu.memory_space<vmem>> -> memref<80x16xf32, #tpu.memory_space<vmem>>
    %dma_start3A_457 = arith.constant 0 : i32
    %dma_start3A_458 = tpu.memref_slice %arg8[%dma_start3A_452, %dma_start3A_457] : memref<125x80xi32, #tpu.memory_space<vmem>> -> memref<1x80xi32, #tpu.memory_space<vmem>>
    %dma_start3A_459 = tpu.memref_squeeze %dma_start3A_458 : memref<1x80xi32, #tpu.memory_space<vmem>> -> memref<80xi32, #tpu.memory_space<vmem>>
    %dma_start3A_460 = arith.constant 0 : i32
    %dma_start3A_461 = arith.constant 0 : i32
    %dma_start3A_462 = tpu.memref_slice %arg10[%dma_start3A_460, %dma_start3A_461] : memref<10240x16xf32, #tpu.memory_space<vmem_shared>> -> memref<10240x16xf32, #tpu.memory_space<vmem_shared>>
    tpu.enqueue_indirect_dma source(%dma_start3A_456 : memref<80x16xf32, #tpu.memory_space<vmem>>) target(%dma_start3A_462 : memref<10240x16xf32, #tpu.memory_space<vmem_shared>>) offsets(%dma_start3A_459 : memref<80xi32, #tpu.memory_space<vmem>>) semaphore(%arg31 : memref<!tpu.dma_semaphore, #tpu.memory_space<semaphore_mem>>) {add = true}
    %dma_wait3A_463 = arith.constant 4 : i32
    %dma_wait3A_464 = arith.constant 4 : i32
    %dma_wait3A_465 = arith.constant 0 : i32
    %dma_wait3A_466 = arith.constant 0 : i32
    %dma_wait3A_467 = tpu.memref_slice %arg9[%dma_wait3A_463, %dma_wait3A_465, %dma_wait3A_466] : memref<10x80x16xf32, #tpu.memory_space<vmem>> -> memref<1x80x16xf32, #tpu.memory_space<vmem>>
    %dma_wait3A_468 = tpu.memref_squeeze %dma_wait3A_467 : memref<1x80x16xf32, #tpu.memory_space<vmem>> -> memref<80x16xf32, #tpu.memory_space<vmem>>
    %dma_wait3A_469 = arith.constant 0 : i32
    %dma_wait3A_470 = tpu.memref_slice %arg8[%dma_wait3A_464, %dma_wait3A_469] : memref<125x80xi32, #tpu.memory_space<vmem>> -> memref<1x80xi32, #tpu.memory_space<vmem>>
    %dma_wait3A_471 = tpu.memref_squeeze %dma_wait3A_470 : memref<1x80xi32, #tpu.memory_space<vmem>> -> memref<80xi32, #tpu.memory_space<vmem>>
    %dma_wait3A_472 = arith.constant 0 : i32
    %dma_wait3A_473 = arith.constant 0 : i32
    %dma_wait3A_474 = tpu.memref_slice %arg10[%dma_wait3A_472, %dma_wait3A_473] : memref<10240x16xf32, #tpu.memory_space<vmem_shared>> -> memref<10240x16xf32, #tpu.memory_space<vmem_shared>>
    tpu.wait_indirect_dma semaphore(%arg26 : memref<!tpu.dma_semaphore, #tpu.memory_space<semaphore_mem>>) src(%dma_wait3A_468 : memref<80x16xf32, #tpu.memory_space<vmem>>) dst(%dma_wait3A_474 : memref<10240x16xf32, #tpu.memory_space<vmem_shared>>)
    %dma_start3A_475 = arith.constant 14 : i32
    %dma_start3A_476 = arith.constant 4 : i32
    %dma_start3A_477 = arith.constant 0 : i32
    %dma_start3A_478 = arith.constant 0 : i32
    %dma_start3A_479 = tpu.memref_slice %arg9[%dma_start3A_476, %dma_start3A_477, %dma_start3A_478] : memref<10x80x16xf32, #tpu.memory_space<vmem>> -> memref<1x80x16xf32, #tpu.memory_space<vmem>>
    %dma_start3A_480 = tpu.memref_squeeze %dma_start3A_479 : memref<1x80x16xf32, #tpu.memory_space<vmem>> -> memref<80x16xf32, #tpu.memory_space<vmem>>
    %dma_start3A_481 = arith.constant 0 : i32
    %dma_start3A_482 = tpu.memref_slice %arg7[%dma_start3A_475, %dma_start3A_481] : memref<125x80xi32, #tpu.memory_space<vmem>> -> memref<1x80xi32, #tpu.memory_space<vmem>>
    %dma_start3A_483 = tpu.memref_squeeze %dma_start3A_482 : memref<1x80xi32, #tpu.memory_space<vmem>> -> memref<80xi32, #tpu.memory_space<vmem>>
    %dma_start3A_484 = arith.constant 0 : i32
    %dma_start3A_485 = arith.constant 0 : i32
    %dma_start3A_486 = tpu.memref_slice %arg11[%dma_start3A_484, %dma_start3A_485] : memref<10240x16xf32, #tpu.memory_space<vmem_shared>> -> memref<10240x16xf32, #tpu.memory_space<vmem_shared>>
    tpu.enqueue_indirect_dma source(%dma_start3A_486 : memref<10240x16xf32, #tpu.memory_space<vmem_shared>>) target(%dma_start3A_480 : memref<80x16xf32, #tpu.memory_space<vmem>>) offsets(%dma_start3A_483 : memref<80xi32, #tpu.memory_space<vmem>>) semaphore(%arg16 : memref<!tpu.dma_semaphore, #tpu.memory_space<semaphore_mem>>)
    %scan3A = arith.constant 0 : i32
    %scan3A_487 = arith.constant 1 : i32
    %scan3A_488 = arith.constant 11 : i32
    %scan3A_489 = arith.addi %scan3A_487, %scan3A_488 : i32
    %scan3A_490 = arith.constant 1 : i32
    scf.for %scan3A_737 = %scan3A_487 to %scan3A_489 step %scan3A_490  : i32 {
      %mul3A_738 = arith.constant 10 : i32
      %mul3A_739 = arith.muli %scan3A_737, %mul3A_738 : i32
      %add3A_740 = arith.constant 0 : i32
      %add3A_741 = arith.addi %mul3A_739, %add3A_740 : i32
      %dma_wait3A_742 = arith.constant 0 : i32
      %dma_wait3A_743 = arith.constant 0 : i32
      %dma_wait3A_744 = arith.constant 0 : i32
      %dma_wait3A_745 = tpu.memref_slice %arg9[%dma_wait3A_742, %dma_wait3A_743, %dma_wait3A_744] : memref<10x80x16xf32, #tpu.memory_space<vmem>> -> memref<1x80x16xf32, #tpu.memory_space<vmem>>
      %dma_wait3A_746 = tpu.memref_squeeze %dma_wait3A_745 : memref<1x80x16xf32, #tpu.memory_space<vmem>> -> memref<80x16xf32, #tpu.memory_space<vmem>>
      %dma_wait3A_747 = arith.constant 0 : i32
      %dma_wait3A_748 = tpu.memref_slice %arg7[%add3A_741, %dma_wait3A_747] : memref<125x80xi32, #tpu.memory_space<vmem>> -> memref<1x80xi32, #tpu.memory_space<vmem>>
      %dma_wait3A_749 = tpu.memref_squeeze %dma_wait3A_748 : memref<1x80xi32, #tpu.memory_space<vmem>> -> memref<80xi32, #tpu.memory_space<vmem>>
      %dma_wait3A_750 = arith.constant 0 : i32
      %dma_wait3A_751 = arith.constant 0 : i32
      %dma_wait3A_752 = tpu.memref_slice %arg11[%dma_wait3A_750, %dma_wait3A_751] : memref<10240x16xf32, #tpu.memory_space<vmem_shared>> -> memref<10240x16xf32, #tpu.memory_space<vmem_shared>>
      tpu.wait_indirect_dma semaphore(%arg12 : memref<!tpu.dma_semaphore, #tpu.memory_space<semaphore_mem>>) src(%dma_wait3A_752 : memref<10240x16xf32, #tpu.memory_space<vmem_shared>>) dst(%dma_wait3A_746 : memref<80x16xf32, #tpu.memory_space<vmem>>)
      %dma_start3A_753 = arith.constant 0 : i32
      %dma_start3A_754 = arith.constant 0 : i32
      %dma_start3A_755 = arith.constant 0 : i32
      %dma_start3A_756 = tpu.memref_slice %arg9[%dma_start3A_753, %dma_start3A_754, %dma_start3A_755] : memref<10x80x16xf32, #tpu.memory_space<vmem>> -> memref<1x80x16xf32, #tpu.memory_space<vmem>>
      %dma_start3A_757 = tpu.memref_squeeze %dma_start3A_756 : memref<1x80x16xf32, #tpu.memory_space<vmem>> -> memref<80x16xf32, #tpu.memory_space<vmem>>
      %dma_start3A_758 = arith.constant 0 : i32
      %dma_start3A_759 = tpu.memref_slice %arg8[%add3A_741, %dma_start3A_758] : memref<125x80xi32, #tpu.memory_space<vmem>> -> memref<1x80xi32, #tpu.memory_space<vmem>>
      %dma_start3A_760 = tpu.memref_squeeze %dma_start3A_759 : memref<1x80xi32, #tpu.memory_space<vmem>> -> memref<80xi32, #tpu.memory_space<vmem>>
      %dma_start3A_761 = arith.constant 0 : i32
      %dma_start3A_762 = arith.constant 0 : i32
      %dma_start3A_763 = tpu.memref_slice %arg10[%dma_start3A_761, %dma_start3A_762] : memref<10240x16xf32, #tpu.memory_space<vmem_shared>> -> memref<10240x16xf32, #tpu.memory_space<vmem_shared>>
      tpu.enqueue_indirect_dma source(%dma_start3A_757 : memref<80x16xf32, #tpu.memory_space<vmem>>) target(%dma_start3A_763 : memref<10240x16xf32, #tpu.memory_space<vmem_shared>>) offsets(%dma_start3A_760 : memref<80xi32, #tpu.memory_space<vmem>>) semaphore(%arg22 : memref<!tpu.dma_semaphore, #tpu.memory_space<semaphore_mem>>) {add = true}
      %add3A_764 = arith.constant 5 : i32
      %add3A_765 = arith.addi %add3A_741, %add3A_764 : i32
      %sub3A = arith.constant 10 : i32
      %sub3A_766 = arith.subi %add3A_765, %sub3A : i32
      %dma_wait3A_767 = arith.constant 5 : i32
      %dma_wait3A_768 = arith.constant 0 : i32
      %dma_wait3A_769 = arith.constant 0 : i32
      %dma_wait3A_770 = tpu.memref_slice %arg9[%dma_wait3A_767, %dma_wait3A_768, %dma_wait3A_769] : memref<10x80x16xf32, #tpu.memory_space<vmem>> -> memref<1x80x16xf32, #tpu.memory_space<vmem>>
      %dma_wait3A_771 = tpu.memref_squeeze %dma_wait3A_770 : memref<1x80x16xf32, #tpu.memory_space<vmem>> -> memref<80x16xf32, #tpu.memory_space<vmem>>
      %dma_wait3A_772 = arith.constant 0 : i32
      %dma_wait3A_773 = tpu.memref_slice %arg8[%sub3A_766, %dma_wait3A_772] : memref<125x80xi32, #tpu.memory_space<vmem>> -> memref<1x80xi32, #tpu.memory_space<vmem>>
      %dma_wait3A_774 = tpu.memref_squeeze %dma_wait3A_773 : memref<1x80xi32, #tpu.memory_space<vmem>> -> memref<80xi32, #tpu.memory_space<vmem>>
      %dma_wait3A_775 = arith.constant 0 : i32
      %dma_wait3A_776 = arith.constant 0 : i32
      %dma_wait3A_777 = tpu.memref_slice %arg10[%dma_wait3A_775, %dma_wait3A_776] : memref<10240x16xf32, #tpu.memory_space<vmem_shared>> -> memref<10240x16xf32, #tpu.memory_space<vmem_shared>>
      tpu.wait_indirect_dma semaphore(%arg27 : memref<!tpu.dma_semaphore, #tpu.memory_space<semaphore_mem>>) src(%dma_wait3A_771 : memref<80x16xf32, #tpu.memory_space<vmem>>) dst(%dma_wait3A_777 : memref<10240x16xf32, #tpu.memory_space<vmem_shared>>)
      %add3A_778 = arith.constant 5 : i32
      %add3A_779 = arith.addi %add3A_741, %add3A_778 : i32
      %dma_start3A_780 = arith.constant 5 : i32
      %dma_start3A_781 = arith.constant 0 : i32
      %dma_start3A_782 = arith.constant 0 : i32
      %dma_start3A_783 = tpu.memref_slice %arg9[%dma_start3A_780, %dma_start3A_781, %dma_start3A_782] : memref<10x80x16xf32, #tpu.memory_space<vmem>> -> memref<1x80x16xf32, #tpu.memory_space<vmem>>
      %dma_start3A_784 = tpu.memref_squeeze %dma_start3A_783 : memref<1x80x16xf32, #tpu.memory_space<vmem>> -> memref<80x16xf32, #tpu.memory_space<vmem>>
      %dma_start3A_785 = arith.constant 0 : i32
      %dma_start3A_786 = tpu.memref_slice %arg7[%add3A_779, %dma_start3A_785] : memref<125x80xi32, #tpu.memory_space<vmem>> -> memref<1x80xi32, #tpu.memory_space<vmem>>
      %dma_start3A_787 = tpu.memref_squeeze %dma_start3A_786 : memref<1x80xi32, #tpu.memory_space<vmem>> -> memref<80xi32, #tpu.memory_space<vmem>>
      %dma_start3A_788 = arith.constant 0 : i32
      %dma_start3A_789 = arith.constant 0 : i32
      %dma_start3A_790 = tpu.memref_slice %arg11[%dma_start3A_788, %dma_start3A_789] : memref<10240x16xf32, #tpu.memory_space<vmem_shared>> -> memref<10240x16xf32, #tpu.memory_space<vmem_shared>>
      tpu.enqueue_indirect_dma source(%dma_start3A_790 : memref<10240x16xf32, #tpu.memory_space<vmem_shared>>) target(%dma_start3A_784 : memref<80x16xf32, #tpu.memory_space<vmem>>) offsets(%dma_start3A_787 : memref<80xi32, #tpu.memory_space<vmem>>) semaphore(%arg17 : memref<!tpu.dma_semaphore, #tpu.memory_space<semaphore_mem>>)
      %mul3A_791 = arith.constant 10 : i32
      %mul3A_792 = arith.muli %scan3A_737, %mul3A_791 : i32
      %add3A_793 = arith.constant 1 : i32
      %add3A_794 = arith.addi %mul3A_792, %add3A_793 : i32
      %dma_wait3A_795 = arith.constant 1 : i32
      %dma_wait3A_796 = arith.constant 0 : i32
      %dma_wait3A_797 = arith.constant 0 : i32
      %dma_wait3A_798 = tpu.memref_slice %arg9[%dma_wait3A_795, %dma_wait3A_796, %dma_wait3A_797] : memref<10x80x16xf32, #tpu.memory_space<vmem>> -> memref<1x80x16xf32, #tpu.memory_space<vmem>>
      %dma_wait3A_799 = tpu.memref_squeeze %dma_wait3A_798 : memref<1x80x16xf32, #tpu.memory_space<vmem>> -> memref<80x16xf32, #tpu.memory_space<vmem>>
      %dma_wait3A_800 = arith.constant 0 : i32
      %dma_wait3A_801 = tpu.memref_slice %arg7[%add3A_794, %dma_wait3A_800] : memref<125x80xi32, #tpu.memory_space<vmem>> -> memref<1x80xi32, #tpu.memory_space<vmem>>
      %dma_wait3A_802 = tpu.memref_squeeze %dma_wait3A_801 : memref<1x80xi32, #tpu.memory_space<vmem>> -> memref<80xi32, #tpu.memory_space<vmem>>
      %dma_wait3A_803 = arith.constant 0 : i32
      %dma_wait3A_804 = arith.constant 0 : i32
      %dma_wait3A_805 = tpu.memref_slice %arg11[%dma_wait3A_803, %dma_wait3A_804] : memref<10240x16xf32, #tpu.memory_space<vmem_shared>> -> memref<10240x16xf32, #tpu.memory_space<vmem_shared>>
      tpu.wait_indirect_dma semaphore(%arg13 : memref<!tpu.dma_semaphore, #tpu.memory_space<semaphore_mem>>) src(%dma_wait3A_805 : memref<10240x16xf32, #tpu.memory_space<vmem_shared>>) dst(%dma_wait3A_799 : memref<80x16xf32, #tpu.memory_space<vmem>>)
      %dma_start3A_806 = arith.constant 1 : i32
      %dma_start3A_807 = arith.constant 0 : i32
      %dma_start3A_808 = arith.constant 0 : i32
      %dma_start3A_809 = tpu.memref_slice %arg9[%dma_start3A_806, %dma_start3A_807, %dma_start3A_808] : memref<10x80x16xf32, #tpu.memory_space<vmem>> -> memref<1x80x16xf32, #tpu.memory_space<vmem>>
      %dma_start3A_810 = tpu.memref_squeeze %dma_start3A_809 : memref<1x80x16xf32, #tpu.memory_space<vmem>> -> memref<80x16xf32, #tpu.memory_space<vmem>>
      %dma_start3A_811 = arith.constant 0 : i32
      %dma_start3A_812 = tpu.memref_slice %arg8[%add3A_794, %dma_start3A_811] : memref<125x80xi32, #tpu.memory_space<vmem>> -> memref<1x80xi32, #tpu.memory_space<vmem>>
      %dma_start3A_813 = tpu.memref_squeeze %dma_start3A_812 : memref<1x80xi32, #tpu.memory_space<vmem>> -> memref<80xi32, #tpu.memory_space<vmem>>
      %dma_start3A_814 = arith.constant 0 : i32
      %dma_start3A_815 = arith.constant 0 : i32
      %dma_start3A_816 = tpu.memref_slice %arg10[%dma_start3A_814, %dma_start3A_815] : memref<10240x16xf32, #tpu.memory_space<vmem_shared>> -> memref<10240x16xf32, #tpu.memory_space<vmem_shared>>
      tpu.enqueue_indirect_dma source(%dma_start3A_810 : memref<80x16xf32, #tpu.memory_space<vmem>>) target(%dma_start3A_816 : memref<10240x16xf32, #tpu.memory_space<vmem_shared>>) offsets(%dma_start3A_813 : memref<80xi32, #tpu.memory_space<vmem>>) semaphore(%arg23 : memref<!tpu.dma_semaphore, #tpu.memory_space<semaphore_mem>>) {add = true}
      %add3A_817 = arith.constant 5 : i32
      %add3A_818 = arith.addi %add3A_794, %add3A_817 : i32
      %sub3A_819 = arith.constant 10 : i32
      %sub3A_820 = arith.subi %add3A_818, %sub3A_819 : i32
      %dma_wait3A_821 = arith.constant 6 : i32
      %dma_wait3A_822 = arith.constant 0 : i32
      %dma_wait3A_823 = arith.constant 0 : i32
      %dma_wait3A_824 = tpu.memref_slice %arg9[%dma_wait3A_821, %dma_wait3A_822, %dma_wait3A_823] : memref<10x80x16xf32, #tpu.memory_space<vmem>> -> memref<1x80x16xf32, #tpu.memory_space<vmem>>
      %dma_wait3A_825 = tpu.memref_squeeze %dma_wait3A_824 : memref<1x80x16xf32, #tpu.memory_space<vmem>> -> memref<80x16xf32, #tpu.memory_space<vmem>>
      %dma_wait3A_826 = arith.constant 0 : i32
      %dma_wait3A_827 = tpu.memref_slice %arg8[%sub3A_820, %dma_wait3A_826] : memref<125x80xi32, #tpu.memory_space<vmem>> -> memref<1x80xi32, #tpu.memory_space<vmem>>
      %dma_wait3A_828 = tpu.memref_squeeze %dma_wait3A_827 : memref<1x80xi32, #tpu.memory_space<vmem>> -> memref<80xi32, #tpu.memory_space<vmem>>
      %dma_wait3A_829 = arith.constant 0 : i32
      %dma_wait3A_830 = arith.constant 0 : i32
      %dma_wait3A_831 = tpu.memref_slice %arg10[%dma_wait3A_829, %dma_wait3A_830] : memref<10240x16xf32, #tpu.memory_space<vmem_shared>> -> memref<10240x16xf32, #tpu.memory_space<vmem_shared>>
      tpu.wait_indirect_dma semaphore(%arg28 : memref<!tpu.dma_semaphore, #tpu.memory_space<semaphore_mem>>) src(%dma_wait3A_825 : memref<80x16xf32, #tpu.memory_space<vmem>>) dst(%dma_wait3A_831 : memref<10240x16xf32, #tpu.memory_space<vmem_shared>>)
      %add3A_832 = arith.constant 5 : i32
      %add3A_833 = arith.addi %add3A_794, %add3A_832 : i32
      %dma_start3A_834 = arith.constant 6 : i32
      %dma_start3A_835 = arith.constant 0 : i32
      %dma_start3A_836 = arith.constant 0 : i32
      %dma_start3A_837 = tpu.memref_slice %arg9[%dma_start3A_834, %dma_start3A_835, %dma_start3A_836] : memref<10x80x16xf32, #tpu.memory_space<vmem>> -> memref<1x80x16xf32, #tpu.memory_space<vmem>>
      %dma_start3A_838 = tpu.memref_squeeze %dma_start3A_837 : memref<1x80x16xf32, #tpu.memory_space<vmem>> -> memref<80x16xf32, #tpu.memory_space<vmem>>
      %dma_start3A_839 = arith.constant 0 : i32
      %dma_start3A_840 = tpu.memref_slice %arg7[%add3A_833, %dma_start3A_839] : memref<125x80xi32, #tpu.memory_space<vmem>> -> memref<1x80xi32, #tpu.memory_space<vmem>>
      %dma_start3A_841 = tpu.memref_squeeze %dma_start3A_840 : memref<1x80xi32, #tpu.memory_space<vmem>> -> memref<80xi32, #tpu.memory_space<vmem>>
      %dma_start3A_842 = arith.constant 0 : i32
      %dma_start3A_843 = arith.constant 0 : i32
      %dma_start3A_844 = tpu.memref_slice %arg11[%dma_start3A_842, %dma_start3A_843] : memref<10240x16xf32, #tpu.memory_space<vmem_shared>> -> memref<10240x16xf32, #tpu.memory_space<vmem_shared>>
      tpu.enqueue_indirect_dma source(%dma_start3A_844 : memref<10240x16xf32, #tpu.memory_space<vmem_shared>>) target(%dma_start3A_838 : memref<80x16xf32, #tpu.memory_space<vmem>>) offsets(%dma_start3A_841 : memref<80xi32, #tpu.memory_space<vmem>>) semaphore(%arg18 : memref<!tpu.dma_semaphore, #tpu.memory_space<semaphore_mem>>)
      %mul3A_845 = arith.constant 10 : i32
      %mul3A_846 = arith.muli %scan3A_737, %mul3A_845 : i32
      %add3A_847 = arith.constant 2 : i32
      %add3A_848 = arith.addi %mul3A_846, %add3A_847 : i32
      %dma_wait3A_849 = arith.constant 2 : i32
      %dma_wait3A_850 = arith.constant 0 : i32
      %dma_wait3A_851 = arith.constant 0 : i32
      %dma_wait3A_852 = tpu.memref_slice %arg9[%dma_wait3A_849, %dma_wait3A_850, %dma_wait3A_851] : memref<10x80x16xf32, #tpu.memory_space<vmem>> -> memref<1x80x16xf32, #tpu.memory_space<vmem>>
      %dma_wait3A_853 = tpu.memref_squeeze %dma_wait3A_852 : memref<1x80x16xf32, #tpu.memory_space<vmem>> -> memref<80x16xf32, #tpu.memory_space<vmem>>
      %dma_wait3A_854 = arith.constant 0 : i32
      %dma_wait3A_855 = tpu.memref_slice %arg7[%add3A_848, %dma_wait3A_854] : memref<125x80xi32, #tpu.memory_space<vmem>> -> memref<1x80xi32, #tpu.memory_space<vmem>>
      %dma_wait3A_856 = tpu.memref_squeeze %dma_wait3A_855 : memref<1x80xi32, #tpu.memory_space<vmem>> -> memref<80xi32, #tpu.memory_space<vmem>>
      %dma_wait3A_857 = arith.constant 0 : i32
      %dma_wait3A_858 = arith.constant 0 : i32
      %dma_wait3A_859 = tpu.memref_slice %arg11[%dma_wait3A_857, %dma_wait3A_858] : memref<10240x16xf32, #tpu.memory_space<vmem_shared>> -> memref<10240x16xf32, #tpu.memory_space<vmem_shared>>
      tpu.wait_indirect_dma semaphore(%arg14 : memref<!tpu.dma_semaphore, #tpu.memory_space<semaphore_mem>>) src(%dma_wait3A_859 : memref<10240x16xf32, #tpu.memory_space<vmem_shared>>) dst(%dma_wait3A_853 : memref<80x16xf32, #tpu.memory_space<vmem>>)
      %dma_start3A_860 = arith.constant 2 : i32
      %dma_start3A_861 = arith.constant 0 : i32
      %dma_start3A_862 = arith.constant 0 : i32
      %dma_start3A_863 = tpu.memref_slice %arg9[%dma_start3A_860, %dma_start3A_861, %dma_start3A_862] : memref<10x80x16xf32, #tpu.memory_space<vmem>> -> memref<1x80x16xf32, #tpu.memory_space<vmem>>
      %dma_start3A_864 = tpu.memref_squeeze %dma_start3A_863 : memref<1x80x16xf32, #tpu.memory_space<vmem>> -> memref<80x16xf32, #tpu.memory_space<vmem>>
      %dma_start3A_865 = arith.constant 0 : i32
      %dma_start3A_866 = tpu.memref_slice %arg8[%add3A_848, %dma_start3A_865] : memref<125x80xi32, #tpu.memory_space<vmem>> -> memref<1x80xi32, #tpu.memory_space<vmem>>
      %dma_start3A_867 = tpu.memref_squeeze %dma_start3A_866 : memref<1x80xi32, #tpu.memory_space<vmem>> -> memref<80xi32, #tpu.memory_space<vmem>>
      %dma_start3A_868 = arith.constant 0 : i32
      %dma_start3A_869 = arith.constant 0 : i32
      %dma_start3A_870 = tpu.memref_slice %arg10[%dma_start3A_868, %dma_start3A_869] : memref<10240x16xf32, #tpu.memory_space<vmem_shared>> -> memref<10240x16xf32, #tpu.memory_space<vmem_shared>>
      tpu.enqueue_indirect_dma source(%dma_start3A_864 : memref<80x16xf32, #tpu.memory_space<vmem>>) target(%dma_start3A_870 : memref<10240x16xf32, #tpu.memory_space<vmem_shared>>) offsets(%dma_start3A_867 : memref<80xi32, #tpu.memory_space<vmem>>) semaphore(%arg24 : memref<!tpu.dma_semaphore, #tpu.memory_space<semaphore_mem>>) {add = true}
      %add3A_871 = arith.constant 5 : i32
      %add3A_872 = arith.addi %add3A_848, %add3A_871 : i32
      %sub3A_873 = arith.constant 10 : i32
      %sub3A_874 = arith.subi %add3A_872, %sub3A_873 : i32
      %dma_wait3A_875 = arith.constant 7 : i32
      %dma_wait3A_876 = arith.constant 0 : i32
      %dma_wait3A_877 = arith.constant 0 : i32
      %dma_wait3A_878 = tpu.memref_slice %arg9[%dma_wait3A_875, %dma_wait3A_876, %dma_wait3A_877] : memref<10x80x16xf32, #tpu.memory_space<vmem>> -> memref<1x80x16xf32, #tpu.memory_space<vmem>>
      %dma_wait3A_879 = tpu.memref_squeeze %dma_wait3A_878 : memref<1x80x16xf32, #tpu.memory_space<vmem>> -> memref<80x16xf32, #tpu.memory_space<vmem>>
      %dma_wait3A_880 = arith.constant 0 : i32
      %dma_wait3A_881 = tpu.memref_slice %arg8[%sub3A_874, %dma_wait3A_880] : memref<125x80xi32, #tpu.memory_space<vmem>> -> memref<1x80xi32, #tpu.memory_space<vmem>>
      %dma_wait3A_882 = tpu.memref_squeeze %dma_wait3A_881 : memref<1x80xi32, #tpu.memory_space<vmem>> -> memref<80xi32, #tpu.memory_space<vmem>>
      %dma_wait3A_883 = arith.constant 0 : i32
      %dma_wait3A_884 = arith.constant 0 : i32
      %dma_wait3A_885 = tpu.memref_slice %arg10[%dma_wait3A_883, %dma_wait3A_884] : memref<10240x16xf32, #tpu.memory_space<vmem_shared>> -> memref<10240x16xf32, #tpu.memory_space<vmem_shared>>
      tpu.wait_indirect_dma semaphore(%arg29 : memref<!tpu.dma_semaphore, #tpu.memory_space<semaphore_mem>>) src(%dma_wait3A_879 : memref<80x16xf32, #tpu.memory_space<vmem>>) dst(%dma_wait3A_885 : memref<10240x16xf32, #tpu.memory_space<vmem_shared>>)
      %add3A_886 = arith.constant 5 : i32
      %add3A_887 = arith.addi %add3A_848, %add3A_886 : i32
      %dma_start3A_888 = arith.constant 7 : i32
      %dma_start3A_889 = arith.constant 0 : i32
      %dma_start3A_890 = arith.constant 0 : i32
      %dma_start3A_891 = tpu.memref_slice %arg9[%dma_start3A_888, %dma_start3A_889, %dma_start3A_890] : memref<10x80x16xf32, #tpu.memory_space<vmem>> -> memref<1x80x16xf32, #tpu.memory_space<vmem>>
      %dma_start3A_892 = tpu.memref_squeeze %dma_start3A_891 : memref<1x80x16xf32, #tpu.memory_space<vmem>> -> memref<80x16xf32, #tpu.memory_space<vmem>>
      %dma_start3A_893 = arith.constant 0 : i32
      %dma_start3A_894 = tpu.memref_slice %arg7[%add3A_887, %dma_start3A_893] : memref<125x80xi32, #tpu.memory_space<vmem>> -> memref<1x80xi32, #tpu.memory_space<vmem>>
      %dma_start3A_895 = tpu.memref_squeeze %dma_start3A_894 : memref<1x80xi32, #tpu.memory_space<vmem>> -> memref<80xi32, #tpu.memory_space<vmem>>
      %dma_start3A_896 = arith.constant 0 : i32
      %dma_start3A_897 = arith.constant 0 : i32
      %dma_start3A_898 = tpu.memref_slice %arg11[%dma_start3A_896, %dma_start3A_897] : memref<10240x16xf32, #tpu.memory_space<vmem_shared>> -> memref<10240x16xf32, #tpu.memory_space<vmem_shared>>
      tpu.enqueue_indirect_dma source(%dma_start3A_898 : memref<10240x16xf32, #tpu.memory_space<vmem_shared>>) target(%dma_start3A_892 : memref<80x16xf32, #tpu.memory_space<vmem>>) offsets(%dma_start3A_895 : memref<80xi32, #tpu.memory_space<vmem>>) semaphore(%arg19 : memref<!tpu.dma_semaphore, #tpu.memory_space<semaphore_mem>>)
      %mul3A_899 = arith.constant 10 : i32
      %mul3A_900 = arith.muli %scan3A_737, %mul3A_899 : i32
      %add3A_901 = arith.constant 3 : i32
      %add3A_902 = arith.addi %mul3A_900, %add3A_901 : i32
      %dma_wait3A_903 = arith.constant 3 : i32
      %dma_wait3A_904 = arith.constant 0 : i32
      %dma_wait3A_905 = arith.constant 0 : i32
      %dma_wait3A_906 = tpu.memref_slice %arg9[%dma_wait3A_903, %dma_wait3A_904, %dma_wait3A_905] : memref<10x80x16xf32, #tpu.memory_space<vmem>> -> memref<1x80x16xf32, #tpu.memory_space<vmem>>
      %dma_wait3A_907 = tpu.memref_squeeze %dma_wait3A_906 : memref<1x80x16xf32, #tpu.memory_space<vmem>> -> memref<80x16xf32, #tpu.memory_space<vmem>>
      %dma_wait3A_908 = arith.constant 0 : i32
      %dma_wait3A_909 = tpu.memref_slice %arg7[%add3A_902, %dma_wait3A_908] : memref<125x80xi32, #tpu.memory_space<vmem>> -> memref<1x80xi32, #tpu.memory_space<vmem>>
      %dma_wait3A_910 = tpu.memref_squeeze %dma_wait3A_909 : memref<1x80xi32, #tpu.memory_space<vmem>> -> memref<80xi32, #tpu.memory_space<vmem>>
      %dma_wait3A_911 = arith.constant 0 : i32
      %dma_wait3A_912 = arith.constant 0 : i32
      %dma_wait3A_913 = tpu.memref_slice %arg11[%dma_wait3A_911, %dma_wait3A_912] : memref<10240x16xf32, #tpu.memory_space<vmem_shared>> -> memref<10240x16xf32, #tpu.memory_space<vmem_shared>>
      tpu.wait_indirect_dma semaphore(%arg15 : memref<!tpu.dma_semaphore, #tpu.memory_space<semaphore_mem>>) src(%dma_wait3A_913 : memref<10240x16xf32, #tpu.memory_space<vmem_shared>>) dst(%dma_wait3A_907 : memref<80x16xf32, #tpu.memory_space<vmem>>)
      %dma_start3A_914 = arith.constant 3 : i32
      %dma_start3A_915 = arith.constant 0 : i32
      %dma_start3A_916 = arith.constant 0 : i32
      %dma_start3A_917 = tpu.memref_slice %arg9[%dma_start3A_914, %dma_start3A_915, %dma_start3A_916] : memref<10x80x16xf32, #tpu.memory_space<vmem>> -> memref<1x80x16xf32, #tpu.memory_space<vmem>>
      %dma_start3A_918 = tpu.memref_squeeze %dma_start3A_917 : memref<1x80x16xf32, #tpu.memory_space<vmem>> -> memref<80x16xf32, #tpu.memory_space<vmem>>
      %dma_start3A_919 = arith.constant 0 : i32
      %dma_start3A_920 = tpu.memref_slice %arg8[%add3A_902, %dma_start3A_919] : memref<125x80xi32, #tpu.memory_space<vmem>> -> memref<1x80xi32, #tpu.memory_space<vmem>>
      %dma_start3A_921 = tpu.memref_squeeze %dma_start3A_920 : memref<1x80xi32, #tpu.memory_space<vmem>> -> memref<80xi32, #tpu.memory_space<vmem>>
      %dma_start3A_922 = arith.constant 0 : i32
      %dma_start3A_923 = arith.constant 0 : i32
      %dma_start3A_924 = tpu.memref_slice %arg10[%dma_start3A_922, %dma_start3A_923] : memref<10240x16xf32, #tpu.memory_space<vmem_shared>> -> memref<10240x16xf32, #tpu.memory_space<vmem_shared>>
      tpu.enqueue_indirect_dma source(%dma_start3A_918 : memref<80x16xf32, #tpu.memory_space<vmem>>) target(%dma_start3A_924 : memref<10240x16xf32, #tpu.memory_space<vmem_shared>>) offsets(%dma_start3A_921 : memref<80xi32, #tpu.memory_space<vmem>>) semaphore(%arg25 : memref<!tpu.dma_semaphore, #tpu.memory_space<semaphore_mem>>) {add = true}
      %add3A_925 = arith.constant 5 : i32
      %add3A_926 = arith.addi %add3A_902, %add3A_925 : i32
      %sub3A_927 = arith.constant 10 : i32
      %sub3A_928 = arith.subi %add3A_926, %sub3A_927 : i32
      %dma_wait3A_929 = arith.constant 8 : i32
      %dma_wait3A_930 = arith.constant 0 : i32
      %dma_wait3A_931 = arith.constant 0 : i32
      %dma_wait3A_932 = tpu.memref_slice %arg9[%dma_wait3A_929, %dma_wait3A_930, %dma_wait3A_931] : memref<10x80x16xf32, #tpu.memory_space<vmem>> -> memref<1x80x16xf32, #tpu.memory_space<vmem>>
      %dma_wait3A_933 = tpu.memref_squeeze %dma_wait3A_932 : memref<1x80x16xf32, #tpu.memory_space<vmem>> -> memref<80x16xf32, #tpu.memory_space<vmem>>
      %dma_wait3A_934 = arith.constant 0 : i32
      %dma_wait3A_935 = tpu.memref_slice %arg8[%sub3A_928, %dma_wait3A_934] : memref<125x80xi32, #tpu.memory_space<vmem>> -> memref<1x80xi32, #tpu.memory_space<vmem>>
      %dma_wait3A_936 = tpu.memref_squeeze %dma_wait3A_935 : memref<1x80xi32, #tpu.memory_space<vmem>> -> memref<80xi32, #tpu.memory_space<vmem>>
      %dma_wait3A_937 = arith.constant 0 : i32
      %dma_wait3A_938 = arith.constant 0 : i32
      %dma_wait3A_939 = tpu.memref_slice %arg10[%dma_wait3A_937, %dma_wait3A_938] : memref<10240x16xf32, #tpu.memory_space<vmem_shared>> -> memref<10240x16xf32, #tpu.memory_space<vmem_shared>>
      tpu.wait_indirect_dma semaphore(%arg30 : memref<!tpu.dma_semaphore, #tpu.memory_space<semaphore_mem>>) src(%dma_wait3A_933 : memref<80x16xf32, #tpu.memory_space<vmem>>) dst(%dma_wait3A_939 : memref<10240x16xf32, #tpu.memory_space<vmem_shared>>)
      %add3A_940 = arith.constant 5 : i32
      %add3A_941 = arith.addi %add3A_902, %add3A_940 : i32
      %dma_start3A_942 = arith.constant 8 : i32
      %dma_start3A_943 = arith.constant 0 : i32
      %dma_start3A_944 = arith.constant 0 : i32
      %dma_start3A_945 = tpu.memref_slice %arg9[%dma_start3A_942, %dma_start3A_943, %dma_start3A_944] : memref<10x80x16xf32, #tpu.memory_space<vmem>> -> memref<1x80x16xf32, #tpu.memory_space<vmem>>
      %dma_start3A_946 = tpu.memref_squeeze %dma_start3A_945 : memref<1x80x16xf32, #tpu.memory_space<vmem>> -> memref<80x16xf32, #tpu.memory_space<vmem>>
      %dma_start3A_947 = arith.constant 0 : i32
      %dma_start3A_948 = tpu.memref_slice %arg7[%add3A_941, %dma_start3A_947] : memref<125x80xi32, #tpu.memory_space<vmem>> -> memref<1x80xi32, #tpu.memory_space<vmem>>
      %dma_start3A_949 = tpu.memref_squeeze %dma_start3A_948 : memref<1x80xi32, #tpu.memory_space<vmem>> -> memref<80xi32, #tpu.memory_space<vmem>>
      %dma_start3A_950 = arith.constant 0 : i32
      %dma_start3A_951 = arith.constant 0 : i32
      %dma_start3A_952 = tpu.memref_slice %arg11[%dma_start3A_950, %dma_start3A_951] : memref<10240x16xf32, #tpu.memory_space<vmem_shared>> -> memref<10240x16xf32, #tpu.memory_space<vmem_shared>>
      tpu.enqueue_indirect_dma source(%dma_start3A_952 : memref<10240x16xf32, #tpu.memory_space<vmem_shared>>) target(%dma_start3A_946 : memref<80x16xf32, #tpu.memory_space<vmem>>) offsets(%dma_start3A_949 : memref<80xi32, #tpu.memory_space<vmem>>) semaphore(%arg20 : memref<!tpu.dma_semaphore, #tpu.memory_space<semaphore_mem>>)
      %mul3A_953 = arith.constant 10 : i32
      %mul3A_954 = arith.muli %scan3A_737, %mul3A_953 : i32
      %add3A_955 = arith.constant 4 : i32
      %add3A_956 = arith.addi %mul3A_954, %add3A_955 : i32
      %dma_wait3A_957 = arith.constant 4 : i32
      %dma_wait3A_958 = arith.constant 0 : i32
      %dma_wait3A_959 = arith.constant 0 : i32
      %dma_wait3A_960 = tpu.memref_slice %arg9[%dma_wait3A_957, %dma_wait3A_958, %dma_wait3A_959] : memref<10x80x16xf32, #tpu.memory_space<vmem>> -> memref<1x80x16xf32, #tpu.memory_space<vmem>>
      %dma_wait3A_961 = tpu.memref_squeeze %dma_wait3A_960 : memref<1x80x16xf32, #tpu.memory_space<vmem>> -> memref<80x16xf32, #tpu.memory_space<vmem>>
      %dma_wait3A_962 = arith.constant 0 : i32
      %dma_wait3A_963 = tpu.memref_slice %arg7[%add3A_956, %dma_wait3A_962] : memref<125x80xi32, #tpu.memory_space<vmem>> -> memref<1x80xi32, #tpu.memory_space<vmem>>
      %dma_wait3A_964 = tpu.memref_squeeze %dma_wait3A_963 : memref<1x80xi32, #tpu.memory_space<vmem>> -> memref<80xi32, #tpu.memory_space<vmem>>
      %dma_wait3A_965 = arith.constant 0 : i32
      %dma_wait3A_966 = arith.constant 0 : i32
      %dma_wait3A_967 = tpu.memref_slice %arg11[%dma_wait3A_965, %dma_wait3A_966] : memref<10240x16xf32, #tpu.memory_space<vmem_shared>> -> memref<10240x16xf32, #tpu.memory_space<vmem_shared>>
      tpu.wait_indirect_dma semaphore(%arg16 : memref<!tpu.dma_semaphore, #tpu.memory_space<semaphore_mem>>) src(%dma_wait3A_967 : memref<10240x16xf32, #tpu.memory_space<vmem_shared>>) dst(%dma_wait3A_961 : memref<80x16xf32, #tpu.memory_space<vmem>>)
      %dma_start3A_968 = arith.constant 4 : i32
      %dma_start3A_969 = arith.constant 0 : i32
      %dma_start3A_970 = arith.constant 0 : i32
      %dma_start3A_971 = tpu.memref_slice %arg9[%dma_start3A_968, %dma_start3A_969, %dma_start3A_970] : memref<10x80x16xf32, #tpu.memory_space<vmem>> -> memref<1x80x16xf32, #tpu.memory_space<vmem>>
      %dma_start3A_972 = tpu.memref_squeeze %dma_start3A_971 : memref<1x80x16xf32, #tpu.memory_space<vmem>> -> memref<80x16xf32, #tpu.memory_space<vmem>>
      %dma_start3A_973 = arith.constant 0 : i32
      %dma_start3A_974 = tpu.memref_slice %arg8[%add3A_956, %dma_start3A_973] : memref<125x80xi32, #tpu.memory_space<vmem>> -> memref<1x80xi32, #tpu.memory_space<vmem>>
      %dma_start3A_975 = tpu.memref_squeeze %dma_start3A_974 : memref<1x80xi32, #tpu.memory_space<vmem>> -> memref<80xi32, #tpu.memory_space<vmem>>
      %dma_start3A_976 = arith.constant 0 : i32
      %dma_start3A_977 = arith.constant 0 : i32
      %dma_start3A_978 = tpu.memref_slice %arg10[%dma_start3A_976, %dma_start3A_977] : memref<10240x16xf32, #tpu.memory_space<vmem_shared>> -> memref<10240x16xf32, #tpu.memory_space<vmem_shared>>
      tpu.enqueue_indirect_dma source(%dma_start3A_972 : memref<80x16xf32, #tpu.memory_space<vmem>>) target(%dma_start3A_978 : memref<10240x16xf32, #tpu.memory_space<vmem_shared>>) offsets(%dma_start3A_975 : memref<80xi32, #tpu.memory_space<vmem>>) semaphore(%arg26 : memref<!tpu.dma_semaphore, #tpu.memory_space<semaphore_mem>>) {add = true}
      %add3A_979 = arith.constant 5 : i32
      %add3A_980 = arith.addi %add3A_956, %add3A_979 : i32
      %sub3A_981 = arith.constant 10 : i32
      %sub3A_982 = arith.subi %add3A_980, %sub3A_981 : i32
      %dma_wait3A_983 = arith.constant 9 : i32
      %dma_wait3A_984 = arith.constant 0 : i32
      %dma_wait3A_985 = arith.constant 0 : i32
      %dma_wait3A_986 = tpu.memref_slice %arg9[%dma_wait3A_983, %dma_wait3A_984, %dma_wait3A_985] : memref<10x80x16xf32, #tpu.memory_space<vmem>> -> memref<1x80x16xf32, #tpu.memory_space<vmem>>
      %dma_wait3A_987 = tpu.memref_squeeze %dma_wait3A_986 : memref<1x80x16xf32, #tpu.memory_space<vmem>> -> memref<80x16xf32, #tpu.memory_space<vmem>>
      %dma_wait3A_988 = arith.constant 0 : i32
      %dma_wait3A_989 = tpu.memref_slice %arg8[%sub3A_982, %dma_wait3A_988] : memref<125x80xi32, #tpu.memory_space<vmem>> -> memref<1x80xi32, #tpu.memory_space<vmem>>
      %dma_wait3A_990 = tpu.memref_squeeze %dma_wait3A_989 : memref<1x80xi32, #tpu.memory_space<vmem>> -> memref<80xi32, #tpu.memory_space<vmem>>
      %dma_wait3A_991 = arith.constant 0 : i32
      %dma_wait3A_992 = arith.constant 0 : i32
      %dma_wait3A_993 = tpu.memref_slice %arg10[%dma_wait3A_991, %dma_wait3A_992] : memref<10240x16xf32, #tpu.memory_space<vmem_shared>> -> memref<10240x16xf32, #tpu.memory_space<vmem_shared>>
      tpu.wait_indirect_dma semaphore(%arg31 : memref<!tpu.dma_semaphore, #tpu.memory_space<semaphore_mem>>) src(%dma_wait3A_987 : memref<80x16xf32, #tpu.memory_space<vmem>>) dst(%dma_wait3A_993 : memref<10240x16xf32, #tpu.memory_space<vmem_shared>>)
      %add3A_994 = arith.constant 5 : i32
      %add3A_995 = arith.addi %add3A_956, %add3A_994 : i32
      %dma_start3A_996 = arith.constant 9 : i32
      %dma_start3A_997 = arith.constant 0 : i32
      %dma_start3A_998 = arith.constant 0 : i32
      %dma_start3A_999 = tpu.memref_slice %arg9[%dma_start3A_996, %dma_start3A_997, %dma_start3A_998] : memref<10x80x16xf32, #tpu.memory_space<vmem>> -> memref<1x80x16xf32, #tpu.memory_space<vmem>>
      %dma_start3A_1000 = tpu.memref_squeeze %dma_start3A_999 : memref<1x80x16xf32, #tpu.memory_space<vmem>> -> memref<80x16xf32, #tpu.memory_space<vmem>>
      %dma_start3A_1001 = arith.constant 0 : i32
      %dma_start3A_1002 = tpu.memref_slice %arg7[%add3A_995, %dma_start3A_1001] : memref<125x80xi32, #tpu.memory_space<vmem>> -> memref<1x80xi32, #tpu.memory_space<vmem>>
      %dma_start3A_1003 = tpu.memref_squeeze %dma_start3A_1002 : memref<1x80xi32, #tpu.memory_space<vmem>> -> memref<80xi32, #tpu.memory_space<vmem>>
      %dma_start3A_1004 = arith.constant 0 : i32
      %dma_start3A_1005 = arith.constant 0 : i32
      %dma_start3A_1006 = tpu.memref_slice %arg11[%dma_start3A_1004, %dma_start3A_1005] : memref<10240x16xf32, #tpu.memory_space<vmem_shared>> -> memref<10240x16xf32, #tpu.memory_space<vmem_shared>>
      tpu.enqueue_indirect_dma source(%dma_start3A_1006 : memref<10240x16xf32, #tpu.memory_space<vmem_shared>>) target(%dma_start3A_1000 : memref<80x16xf32, #tpu.memory_space<vmem>>) offsets(%dma_start3A_1003 : memref<80xi32, #tpu.memory_space<vmem>>) semaphore(%arg21 : memref<!tpu.dma_semaphore, #tpu.memory_space<semaphore_mem>>)
      %mul3A_1007 = arith.constant 10 : i32
      %mul3A_1008 = arith.muli %scan3A_737, %mul3A_1007 : i32
      %add3A_1009 = arith.constant 5 : i32
      %add3A_1010 = arith.addi %mul3A_1008, %add3A_1009 : i32
      %dma_wait3A_1011 = arith.constant 5 : i32
      %dma_wait3A_1012 = arith.constant 0 : i32
      %dma_wait3A_1013 = arith.constant 0 : i32
      %dma_wait3A_1014 = tpu.memref_slice %arg9[%dma_wait3A_1011, %dma_wait3A_1012, %dma_wait3A_1013] : memref<10x80x16xf32, #tpu.memory_space<vmem>> -> memref<1x80x16xf32, #tpu.memory_space<vmem>>
      %dma_wait3A_1015 = tpu.memref_squeeze %dma_wait3A_1014 : memref<1x80x16xf32, #tpu.memory_space<vmem>> -> memref<80x16xf32, #tpu.memory_space<vmem>>
      %dma_wait3A_1016 = arith.constant 0 : i32
      %dma_wait3A_1017 = tpu.memref_slice %arg7[%add3A_1010, %dma_wait3A_1016] : memref<125x80xi32, #tpu.memory_space<vmem>> -> memref<1x80xi32, #tpu.memory_space<vmem>>
      %dma_wait3A_1018 = tpu.memref_squeeze %dma_wait3A_1017 : memref<1x80xi32, #tpu.memory_space<vmem>> -> memref<80xi32, #tpu.memory_space<vmem>>
      %dma_wait3A_1019 = arith.constant 0 : i32
      %dma_wait3A_1020 = arith.constant 0 : i32
      %dma_wait3A_1021 = tpu.memref_slice %arg11[%dma_wait3A_1019, %dma_wait3A_1020] : memref<10240x16xf32, #tpu.memory_space<vmem_shared>> -> memref<10240x16xf32, #tpu.memory_space<vmem_shared>>
      tpu.wait_indirect_dma semaphore(%arg17 : memref<!tpu.dma_semaphore, #tpu.memory_space<semaphore_mem>>) src(%dma_wait3A_1021 : memref<10240x16xf32, #tpu.memory_space<vmem_shared>>) dst(%dma_wait3A_1015 : memref<80x16xf32, #tpu.memory_space<vmem>>)
      %dma_start3A_1022 = arith.constant 5 : i32
      %dma_start3A_1023 = arith.constant 0 : i32
      %dma_start3A_1024 = arith.constant 0 : i32
      %dma_start3A_1025 = tpu.memref_slice %arg9[%dma_start3A_1022, %dma_start3A_1023, %dma_start3A_1024] : memref<10x80x16xf32, #tpu.memory_space<vmem>> -> memref<1x80x16xf32, #tpu.memory_space<vmem>>
      %dma_start3A_1026 = tpu.memref_squeeze %dma_start3A_1025 : memref<1x80x16xf32, #tpu.memory_space<vmem>> -> memref<80x16xf32, #tpu.memory_space<vmem>>
      %dma_start3A_1027 = arith.constant 0 : i32
      %dma_start3A_1028 = tpu.memref_slice %arg8[%add3A_1010, %dma_start3A_1027] : memref<125x80xi32, #tpu.memory_space<vmem>> -> memref<1x80xi32, #tpu.memory_space<vmem>>
      %dma_start3A_1029 = tpu.memref_squeeze %dma_start3A_1028 : memref<1x80xi32, #tpu.memory_space<vmem>> -> memref<80xi32, #tpu.memory_space<vmem>>
      %dma_start3A_1030 = arith.constant 0 : i32
      %dma_start3A_1031 = arith.constant 0 : i32
      %dma_start3A_1032 = tpu.memref_slice %arg10[%dma_start3A_1030, %dma_start3A_1031] : memref<10240x16xf32, #tpu.memory_space<vmem_shared>> -> memref<10240x16xf32, #tpu.memory_space<vmem_shared>>
      tpu.enqueue_indirect_dma source(%dma_start3A_1026 : memref<80x16xf32, #tpu.memory_space<vmem>>) target(%dma_start3A_1032 : memref<10240x16xf32, #tpu.memory_space<vmem_shared>>) offsets(%dma_start3A_1029 : memref<80xi32, #tpu.memory_space<vmem>>) semaphore(%arg27 : memref<!tpu.dma_semaphore, #tpu.memory_space<semaphore_mem>>) {add = true}
      %add3A_1033 = arith.constant 5 : i32
      %add3A_1034 = arith.addi %add3A_1010, %add3A_1033 : i32
      %sub3A_1035 = arith.constant 10 : i32
      %sub3A_1036 = arith.subi %add3A_1034, %sub3A_1035 : i32
      %dma_wait3A_1037 = arith.constant 0 : i32
      %dma_wait3A_1038 = arith.constant 0 : i32
      %dma_wait3A_1039 = arith.constant 0 : i32
      %dma_wait3A_1040 = tpu.memref_slice %arg9[%dma_wait3A_1037, %dma_wait3A_1038, %dma_wait3A_1039] : memref<10x80x16xf32, #tpu.memory_space<vmem>> -> memref<1x80x16xf32, #tpu.memory_space<vmem>>
      %dma_wait3A_1041 = tpu.memref_squeeze %dma_wait3A_1040 : memref<1x80x16xf32, #tpu.memory_space<vmem>> -> memref<80x16xf32, #tpu.memory_space<vmem>>
      %dma_wait3A_1042 = arith.constant 0 : i32
      %dma_wait3A_1043 = tpu.memref_slice %arg8[%sub3A_1036, %dma_wait3A_1042] : memref<125x80xi32, #tpu.memory_space<vmem>> -> memref<1x80xi32, #tpu.memory_space<vmem>>
      %dma_wait3A_1044 = tpu.memref_squeeze %dma_wait3A_1043 : memref<1x80xi32, #tpu.memory_space<vmem>> -> memref<80xi32, #tpu.memory_space<vmem>>
      %dma_wait3A_1045 = arith.constant 0 : i32
      %dma_wait3A_1046 = arith.constant 0 : i32
      %dma_wait3A_1047 = tpu.memref_slice %arg10[%dma_wait3A_1045, %dma_wait3A_1046] : memref<10240x16xf32, #tpu.memory_space<vmem_shared>> -> memref<10240x16xf32, #tpu.memory_space<vmem_shared>>
      tpu.wait_indirect_dma semaphore(%arg22 : memref<!tpu.dma_semaphore, #tpu.memory_space<semaphore_mem>>) src(%dma_wait3A_1041 : memref<80x16xf32, #tpu.memory_space<vmem>>) dst(%dma_wait3A_1047 : memref<10240x16xf32, #tpu.memory_space<vmem_shared>>)
      %add3A_1048 = arith.constant 5 : i32
      %add3A_1049 = arith.addi %add3A_1010, %add3A_1048 : i32
      %dma_start3A_1050 = arith.constant 0 : i32
      %dma_start3A_1051 = arith.constant 0 : i32
      %dma_start3A_1052 = arith.constant 0 : i32
      %dma_start3A_1053 = tpu.memref_slice %arg9[%dma_start3A_1050, %dma_start3A_1051, %dma_start3A_1052] : memref<10x80x16xf32, #tpu.memory_space<vmem>> -> memref<1x80x16xf32, #tpu.memory_space<vmem>>
      %dma_start3A_1054 = tpu.memref_squeeze %dma_start3A_1053 : memref<1x80x16xf32, #tpu.memory_space<vmem>> -> memref<80x16xf32, #tpu.memory_space<vmem>>
      %dma_start3A_1055 = arith.constant 0 : i32
      %dma_start3A_1056 = tpu.memref_slice %arg7[%add3A_1049, %dma_start3A_1055] : memref<125x80xi32, #tpu.memory_space<vmem>> -> memref<1x80xi32, #tpu.memory_space<vmem>>
      %dma_start3A_1057 = tpu.memref_squeeze %dma_start3A_1056 : memref<1x80xi32, #tpu.memory_space<vmem>> -> memref<80xi32, #tpu.memory_space<vmem>>
      %dma_start3A_1058 = arith.constant 0 : i32
      %dma_start3A_1059 = arith.constant 0 : i32
      %dma_start3A_1060 = tpu.memref_slice %arg11[%dma_start3A_1058, %dma_start3A_1059] : memref<10240x16xf32, #tpu.memory_space<vmem_shared>> -> memref<10240x16xf32, #tpu.memory_space<vmem_shared>>
      tpu.enqueue_indirect_dma source(%dma_start3A_1060 : memref<10240x16xf32, #tpu.memory_space<vmem_shared>>) target(%dma_start3A_1054 : memref<80x16xf32, #tpu.memory_space<vmem>>) offsets(%dma_start3A_1057 : memref<80xi32, #tpu.memory_space<vmem>>) semaphore(%arg12 : memref<!tpu.dma_semaphore, #tpu.memory_space<semaphore_mem>>)
      %mul3A_1061 = arith.constant 10 : i32
      %mul3A_1062 = arith.muli %scan3A_737, %mul3A_1061 : i32
      %add3A_1063 = arith.constant 6 : i32
      %add3A_1064 = arith.addi %mul3A_1062, %add3A_1063 : i32
      %dma_wait3A_1065 = arith.constant 6 : i32
      %dma_wait3A_1066 = arith.constant 0 : i32
      %dma_wait3A_1067 = arith.constant 0 : i32
      %dma_wait3A_1068 = tpu.memref_slice %arg9[%dma_wait3A_1065, %dma_wait3A_1066, %dma_wait3A_1067] : memref<10x80x16xf32, #tpu.memory_space<vmem>> -> memref<1x80x16xf32, #tpu.memory_space<vmem>>
      %dma_wait3A_1069 = tpu.memref_squeeze %dma_wait3A_1068 : memref<1x80x16xf32, #tpu.memory_space<vmem>> -> memref<80x16xf32, #tpu.memory_space<vmem>>
      %dma_wait3A_1070 = arith.constant 0 : i32
      %dma_wait3A_1071 = tpu.memref_slice %arg7[%add3A_1064, %dma_wait3A_1070] : memref<125x80xi32, #tpu.memory_space<vmem>> -> memref<1x80xi32, #tpu.memory_space<vmem>>
      %dma_wait3A_1072 = tpu.memref_squeeze %dma_wait3A_1071 : memref<1x80xi32, #tpu.memory_space<vmem>> -> memref<80xi32, #tpu.memory_space<vmem>>
      %dma_wait3A_1073 = arith.constant 0 : i32
      %dma_wait3A_1074 = arith.constant 0 : i32
      %dma_wait3A_1075 = tpu.memref_slice %arg11[%dma_wait3A_1073, %dma_wait3A_1074] : memref<10240x16xf32, #tpu.memory_space<vmem_shared>> -> memref<10240x16xf32, #tpu.memory_space<vmem_shared>>
      tpu.wait_indirect_dma semaphore(%arg18 : memref<!tpu.dma_semaphore, #tpu.memory_space<semaphore_mem>>) src(%dma_wait3A_1075 : memref<10240x16xf32, #tpu.memory_space<vmem_shared>>) dst(%dma_wait3A_1069 : memref<80x16xf32, #tpu.memory_space<vmem>>)
      %dma_start3A_1076 = arith.constant 6 : i32
      %dma_start3A_1077 = arith.constant 0 : i32
      %dma_start3A_1078 = arith.constant 0 : i32
      %dma_start3A_1079 = tpu.memref_slice %arg9[%dma_start3A_1076, %dma_start3A_1077, %dma_start3A_1078] : memref<10x80x16xf32, #tpu.memory_space<vmem>> -> memref<1x80x16xf32, #tpu.memory_space<vmem>>
      %dma_start3A_1080 = tpu.memref_squeeze %dma_start3A_1079 : memref<1x80x16xf32, #tpu.memory_space<vmem>> -> memref<80x16xf32, #tpu.memory_space<vmem>>
      %dma_start3A_1081 = arith.constant 0 : i32
      %dma_start3A_1082 = tpu.memref_slice %arg8[%add3A_1064, %dma_start3A_1081] : memref<125x80xi32, #tpu.memory_space<vmem>> -> memref<1x80xi32, #tpu.memory_space<vmem>>
      %dma_start3A_1083 = tpu.memref_squeeze %dma_start3A_1082 : memref<1x80xi32, #tpu.memory_space<vmem>> -> memref<80xi32, #tpu.memory_space<vmem>>
      %dma_start3A_1084 = arith.constant 0 : i32
      %dma_start3A_1085 = arith.constant 0 : i32
      %dma_start3A_1086 = tpu.memref_slice %arg10[%dma_start3A_1084, %dma_start3A_1085] : memref<10240x16xf32, #tpu.memory_space<vmem_shared>> -> memref<10240x16xf32, #tpu.memory_space<vmem_shared>>
      tpu.enqueue_indirect_dma source(%dma_start3A_1080 : memref<80x16xf32, #tpu.memory_space<vmem>>) target(%dma_start3A_1086 : memref<10240x16xf32, #tpu.memory_space<vmem_shared>>) offsets(%dma_start3A_1083 : memref<80xi32, #tpu.memory_space<vmem>>) semaphore(%arg28 : memref<!tpu.dma_semaphore, #tpu.memory_space<semaphore_mem>>) {add = true}
      %add3A_1087 = arith.constant 5 : i32
      %add3A_1088 = arith.addi %add3A_1064, %add3A_1087 : i32
      %sub3A_1089 = arith.constant 10 : i32
      %sub3A_1090 = arith.subi %add3A_1088, %sub3A_1089 : i32
      %dma_wait3A_1091 = arith.constant 1 : i32
      %dma_wait3A_1092 = arith.constant 0 : i32
      %dma_wait3A_1093 = arith.constant 0 : i32
      %dma_wait3A_1094 = tpu.memref_slice %arg9[%dma_wait3A_1091, %dma_wait3A_1092, %dma_wait3A_1093] : memref<10x80x16xf32, #tpu.memory_space<vmem>> -> memref<1x80x16xf32, #tpu.memory_space<vmem>>
      %dma_wait3A_1095 = tpu.memref_squeeze %dma_wait3A_1094 : memref<1x80x16xf32, #tpu.memory_space<vmem>> -> memref<80x16xf32, #tpu.memory_space<vmem>>
      %dma_wait3A_1096 = arith.constant 0 : i32
      %dma_wait3A_1097 = tpu.memref_slice %arg8[%sub3A_1090, %dma_wait3A_1096] : memref<125x80xi32, #tpu.memory_space<vmem>> -> memref<1x80xi32, #tpu.memory_space<vmem>>
      %dma_wait3A_1098 = tpu.memref_squeeze %dma_wait3A_1097 : memref<1x80xi32, #tpu.memory_space<vmem>> -> memref<80xi32, #tpu.memory_space<vmem>>
      %dma_wait3A_1099 = arith.constant 0 : i32
      %dma_wait3A_1100 = arith.constant 0 : i32
      %dma_wait3A_1101 = tpu.memref_slice %arg10[%dma_wait3A_1099, %dma_wait3A_1100] : memref<10240x16xf32, #tpu.memory_space<vmem_shared>> -> memref<10240x16xf32, #tpu.memory_space<vmem_shared>>
      tpu.wait_indirect_dma semaphore(%arg23 : memref<!tpu.dma_semaphore, #tpu.memory_space<semaphore_mem>>) src(%dma_wait3A_1095 : memref<80x16xf32, #tpu.memory_space<vmem>>) dst(%dma_wait3A_1101 : memref<10240x16xf32, #tpu.memory_space<vmem_shared>>)
      %add3A_1102 = arith.constant 5 : i32
      %add3A_1103 = arith.addi %add3A_1064, %add3A_1102 : i32
      %dma_start3A_1104 = arith.constant 1 : i32
      %dma_start3A_1105 = arith.constant 0 : i32
      %dma_start3A_1106 = arith.constant 0 : i32
      %dma_start3A_1107 = tpu.memref_slice %arg9[%dma_start3A_1104, %dma_start3A_1105, %dma_start3A_1106] : memref<10x80x16xf32, #tpu.memory_space<vmem>> -> memref<1x80x16xf32, #tpu.memory_space<vmem>>
      %dma_start3A_1108 = tpu.memref_squeeze %dma_start3A_1107 : memref<1x80x16xf32, #tpu.memory_space<vmem>> -> memref<80x16xf32, #tpu.memory_space<vmem>>
      %dma_start3A_1109 = arith.constant 0 : i32
      %dma_start3A_1110 = tpu.memref_slice %arg7[%add3A_1103, %dma_start3A_1109] : memref<125x80xi32, #tpu.memory_space<vmem>> -> memref<1x80xi32, #tpu.memory_space<vmem>>
      %dma_start3A_1111 = tpu.memref_squeeze %dma_start3A_1110 : memref<1x80xi32, #tpu.memory_space<vmem>> -> memref<80xi32, #tpu.memory_space<vmem>>
      %dma_start3A_1112 = arith.constant 0 : i32
      %dma_start3A_1113 = arith.constant 0 : i32
      %dma_start3A_1114 = tpu.memref_slice %arg11[%dma_start3A_1112, %dma_start3A_1113] : memref<10240x16xf32, #tpu.memory_space<vmem_shared>> -> memref<10240x16xf32, #tpu.memory_space<vmem_shared>>
      tpu.enqueue_indirect_dma source(%dma_start3A_1114 : memref<10240x16xf32, #tpu.memory_space<vmem_shared>>) target(%dma_start3A_1108 : memref<80x16xf32, #tpu.memory_space<vmem>>) offsets(%dma_start3A_1111 : memref<80xi32, #tpu.memory_space<vmem>>) semaphore(%arg13 : memref<!tpu.dma_semaphore, #tpu.memory_space<semaphore_mem>>)
      %mul3A_1115 = arith.constant 10 : i32
      %mul3A_1116 = arith.muli %scan3A_737, %mul3A_1115 : i32
      %add3A_1117 = arith.constant 7 : i32
      %add3A_1118 = arith.addi %mul3A_1116, %add3A_1117 : i32
      %dma_wait3A_1119 = arith.constant 7 : i32
      %dma_wait3A_1120 = arith.constant 0 : i32
      %dma_wait3A_1121 = arith.constant 0 : i32
      %dma_wait3A_1122 = tpu.memref_slice %arg9[%dma_wait3A_1119, %dma_wait3A_1120, %dma_wait3A_1121] : memref<10x80x16xf32, #tpu.memory_space<vmem>> -> memref<1x80x16xf32, #tpu.memory_space<vmem>>
      %dma_wait3A_1123 = tpu.memref_squeeze %dma_wait3A_1122 : memref<1x80x16xf32, #tpu.memory_space<vmem>> -> memref<80x16xf32, #tpu.memory_space<vmem>>
      %dma_wait3A_1124 = arith.constant 0 : i32
      %dma_wait3A_1125 = tpu.memref_slice %arg7[%add3A_1118, %dma_wait3A_1124] : memref<125x80xi32, #tpu.memory_space<vmem>> -> memref<1x80xi32, #tpu.memory_space<vmem>>
      %dma_wait3A_1126 = tpu.memref_squeeze %dma_wait3A_1125 : memref<1x80xi32, #tpu.memory_space<vmem>> -> memref<80xi32, #tpu.memory_space<vmem>>
      %dma_wait3A_1127 = arith.constant 0 : i32
      %dma_wait3A_1128 = arith.constant 0 : i32
      %dma_wait3A_1129 = tpu.memref_slice %arg11[%dma_wait3A_1127, %dma_wait3A_1128] : memref<10240x16xf32, #tpu.memory_space<vmem_shared>> -> memref<10240x16xf32, #tpu.memory_space<vmem_shared>>
      tpu.wait_indirect_dma semaphore(%arg19 : memref<!tpu.dma_semaphore, #tpu.memory_space<semaphore_mem>>) src(%dma_wait3A_1129 : memref<10240x16xf32, #tpu.memory_space<vmem_shared>>) dst(%dma_wait3A_1123 : memref<80x16xf32, #tpu.memory_space<vmem>>)
      %dma_start3A_1130 = arith.constant 7 : i32
      %dma_start3A_1131 = arith.constant 0 : i32
      %dma_start3A_1132 = arith.constant 0 : i32
      %dma_start3A_1133 = tpu.memref_slice %arg9[%dma_start3A_1130, %dma_start3A_1131, %dma_start3A_1132] : memref<10x80x16xf32, #tpu.memory_space<vmem>> -> memref<1x80x16xf32, #tpu.memory_space<vmem>>
      %dma_start3A_1134 = tpu.memref_squeeze %dma_start3A_1133 : memref<1x80x16xf32, #tpu.memory_space<vmem>> -> memref<80x16xf32, #tpu.memory_space<vmem>>
      %dma_start3A_1135 = arith.constant 0 : i32
      %dma_start3A_1136 = tpu.memref_slice %arg8[%add3A_1118, %dma_start3A_1135] : memref<125x80xi32, #tpu.memory_space<vmem>> -> memref<1x80xi32, #tpu.memory_space<vmem>>
      %dma_start3A_1137 = tpu.memref_squeeze %dma_start3A_1136 : memref<1x80xi32, #tpu.memory_space<vmem>> -> memref<80xi32, #tpu.memory_space<vmem>>
      %dma_start3A_1138 = arith.constant 0 : i32
      %dma_start3A_1139 = arith.constant 0 : i32
      %dma_start3A_1140 = tpu.memref_slice %arg10[%dma_start3A_1138, %dma_start3A_1139] : memref<10240x16xf32, #tpu.memory_space<vmem_shared>> -> memref<10240x16xf32, #tpu.memory_space<vmem_shared>>
      tpu.enqueue_indirect_dma source(%dma_start3A_1134 : memref<80x16xf32, #tpu.memory_space<vmem>>) target(%dma_start3A_1140 : memref<10240x16xf32, #tpu.memory_space<vmem_shared>>) offsets(%dma_start3A_1137 : memref<80xi32, #tpu.memory_space<vmem>>) semaphore(%arg29 : memref<!tpu.dma_semaphore, #tpu.memory_space<semaphore_mem>>) {add = true}
      %add3A_1141 = arith.constant 5 : i32
      %add3A_1142 = arith.addi %add3A_1118, %add3A_1141 : i32
      %sub3A_1143 = arith.constant 10 : i32
      %sub3A_1144 = arith.subi %add3A_1142, %sub3A_1143 : i32
      %dma_wait3A_1145 = arith.constant 2 : i32
      %dma_wait3A_1146 = arith.constant 0 : i32
      %dma_wait3A_1147 = arith.constant 0 : i32
      %dma_wait3A_1148 = tpu.memref_slice %arg9[%dma_wait3A_1145, %dma_wait3A_1146, %dma_wait3A_1147] : memref<10x80x16xf32, #tpu.memory_space<vmem>> -> memref<1x80x16xf32, #tpu.memory_space<vmem>>
      %dma_wait3A_1149 = tpu.memref_squeeze %dma_wait3A_1148 : memref<1x80x16xf32, #tpu.memory_space<vmem>> -> memref<80x16xf32, #tpu.memory_space<vmem>>
      %dma_wait3A_1150 = arith.constant 0 : i32
      %dma_wait3A_1151 = tpu.memref_slice %arg8[%sub3A_1144, %dma_wait3A_1150] : memref<125x80xi32, #tpu.memory_space<vmem>> -> memref<1x80xi32, #tpu.memory_space<vmem>>
      %dma_wait3A_1152 = tpu.memref_squeeze %dma_wait3A_1151 : memref<1x80xi32, #tpu.memory_space<vmem>> -> memref<80xi32, #tpu.memory_space<vmem>>
      %dma_wait3A_1153 = arith.constant 0 : i32
      %dma_wait3A_1154 = arith.constant 0 : i32
      %dma_wait3A_1155 = tpu.memref_slice %arg10[%dma_wait3A_1153, %dma_wait3A_1154] : memref<10240x16xf32, #tpu.memory_space<vmem_shared>> -> memref<10240x16xf32, #tpu.memory_space<vmem_shared>>
      tpu.wait_indirect_dma semaphore(%arg24 : memref<!tpu.dma_semaphore, #tpu.memory_space<semaphore_mem>>) src(%dma_wait3A_1149 : memref<80x16xf32, #tpu.memory_space<vmem>>) dst(%dma_wait3A_1155 : memref<10240x16xf32, #tpu.memory_space<vmem_shared>>)
      %add3A_1156 = arith.constant 5 : i32
      %add3A_1157 = arith.addi %add3A_1118, %add3A_1156 : i32
      %dma_start3A_1158 = arith.constant 2 : i32
      %dma_start3A_1159 = arith.constant 0 : i32
      %dma_start3A_1160 = arith.constant 0 : i32
      %dma_start3A_1161 = tpu.memref_slice %arg9[%dma_start3A_1158, %dma_start3A_1159, %dma_start3A_1160] : memref<10x80x16xf32, #tpu.memory_space<vmem>> -> memref<1x80x16xf32, #tpu.memory_space<vmem>>
      %dma_start3A_1162 = tpu.memref_squeeze %dma_start3A_1161 : memref<1x80x16xf32, #tpu.memory_space<vmem>> -> memref<80x16xf32, #tpu.memory_space<vmem>>
      %dma_start3A_1163 = arith.constant 0 : i32
      %dma_start3A_1164 = tpu.memref_slice %arg7[%add3A_1157, %dma_start3A_1163] : memref<125x80xi32, #tpu.memory_space<vmem>> -> memref<1x80xi32, #tpu.memory_space<vmem>>
      %dma_start3A_1165 = tpu.memref_squeeze %dma_start3A_1164 : memref<1x80xi32, #tpu.memory_space<vmem>> -> memref<80xi32, #tpu.memory_space<vmem>>
      %dma_start3A_1166 = arith.constant 0 : i32
      %dma_start3A_1167 = arith.constant 0 : i32
      %dma_start3A_1168 = tpu.memref_slice %arg11[%dma_start3A_1166, %dma_start3A_1167] : memref<10240x16xf32, #tpu.memory_space<vmem_shared>> -> memref<10240x16xf32, #tpu.memory_space<vmem_shared>>
      tpu.enqueue_indirect_dma source(%dma_start3A_1168 : memref<10240x16xf32, #tpu.memory_space<vmem_shared>>) target(%dma_start3A_1162 : memref<80x16xf32, #tpu.memory_space<vmem>>) offsets(%dma_start3A_1165 : memref<80xi32, #tpu.memory_space<vmem>>) semaphore(%arg14 : memref<!tpu.dma_semaphore, #tpu.memory_space<semaphore_mem>>)
      %mul3A_1169 = arith.constant 10 : i32
      %mul3A_1170 = arith.muli %scan3A_737, %mul3A_1169 : i32
      %add3A_1171 = arith.constant 8 : i32
      %add3A_1172 = arith.addi %mul3A_1170, %add3A_1171 : i32
      %dma_wait3A_1173 = arith.constant 8 : i32
      %dma_wait3A_1174 = arith.constant 0 : i32
      %dma_wait3A_1175 = arith.constant 0 : i32
      %dma_wait3A_1176 = tpu.memref_slice %arg9[%dma_wait3A_1173, %dma_wait3A_1174, %dma_wait3A_1175] : memref<10x80x16xf32, #tpu.memory_space<vmem>> -> memref<1x80x16xf32, #tpu.memory_space<vmem>>
      %dma_wait3A_1177 = tpu.memref_squeeze %dma_wait3A_1176 : memref<1x80x16xf32, #tpu.memory_space<vmem>> -> memref<80x16xf32, #tpu.memory_space<vmem>>
      %dma_wait3A_1178 = arith.constant 0 : i32
      %dma_wait3A_1179 = tpu.memref_slice %arg7[%add3A_1172, %dma_wait3A_1178] : memref<125x80xi32, #tpu.memory_space<vmem>> -> memref<1x80xi32, #tpu.memory_space<vmem>>
      %dma_wait3A_1180 = tpu.memref_squeeze %dma_wait3A_1179 : memref<1x80xi32, #tpu.memory_space<vmem>> -> memref<80xi32, #tpu.memory_space<vmem>>
      %dma_wait3A_1181 = arith.constant 0 : i32
      %dma_wait3A_1182 = arith.constant 0 : i32
      %dma_wait3A_1183 = tpu.memref_slice %arg11[%dma_wait3A_1181, %dma_wait3A_1182] : memref<10240x16xf32, #tpu.memory_space<vmem_shared>> -> memref<10240x16xf32, #tpu.memory_space<vmem_shared>>
      tpu.wait_indirect_dma semaphore(%arg20 : memref<!tpu.dma_semaphore, #tpu.memory_space<semaphore_mem>>) src(%dma_wait3A_1183 : memref<10240x16xf32, #tpu.memory_space<vmem_shared>>) dst(%dma_wait3A_1177 : memref<80x16xf32, #tpu.memory_space<vmem>>)
      %dma_start3A_1184 = arith.constant 8 : i32
      %dma_start3A_1185 = arith.constant 0 : i32
      %dma_start3A_1186 = arith.constant 0 : i32
      %dma_start3A_1187 = tpu.memref_slice %arg9[%dma_start3A_1184, %dma_start3A_1185, %dma_start3A_1186] : memref<10x80x16xf32, #tpu.memory_space<vmem>> -> memref<1x80x16xf32, #tpu.memory_space<vmem>>
      %dma_start3A_1188 = tpu.memref_squeeze %dma_start3A_1187 : memref<1x80x16xf32, #tpu.memory_space<vmem>> -> memref<80x16xf32, #tpu.memory_space<vmem>>
      %dma_start3A_1189 = arith.constant 0 : i32
      %dma_start3A_1190 = tpu.memref_slice %arg8[%add3A_1172, %dma_start3A_1189] : memref<125x80xi32, #tpu.memory_space<vmem>> -> memref<1x80xi32, #tpu.memory_space<vmem>>
      %dma_start3A_1191 = tpu.memref_squeeze %dma_start3A_1190 : memref<1x80xi32, #tpu.memory_space<vmem>> -> memref<80xi32, #tpu.memory_space<vmem>>
      %dma_start3A_1192 = arith.constant 0 : i32
      %dma_start3A_1193 = arith.constant 0 : i32
      %dma_start3A_1194 = tpu.memref_slice %arg10[%dma_start3A_1192, %dma_start3A_1193] : memref<10240x16xf32, #tpu.memory_space<vmem_shared>> -> memref<10240x16xf32, #tpu.memory_space<vmem_shared>>
      tpu.enqueue_indirect_dma source(%dma_start3A_1188 : memref<80x16xf32, #tpu.memory_space<vmem>>) target(%dma_start3A_1194 : memref<10240x16xf32, #tpu.memory_space<vmem_shared>>) offsets(%dma_start3A_1191 : memref<80xi32, #tpu.memory_space<vmem>>) semaphore(%arg30 : memref<!tpu.dma_semaphore, #tpu.memory_space<semaphore_mem>>) {add = true}
      %add3A_1195 = arith.constant 5 : i32
      %add3A_1196 = arith.addi %add3A_1172, %add3A_1195 : i32
      %sub3A_1197 = arith.constant 10 : i32
      %sub3A_1198 = arith.subi %add3A_1196, %sub3A_1197 : i32
      %dma_wait3A_1199 = arith.constant 3 : i32
      %dma_wait3A_1200 = arith.constant 0 : i32
      %dma_wait3A_1201 = arith.constant 0 : i32
      %dma_wait3A_1202 = tpu.memref_slice %arg9[%dma_wait3A_1199, %dma_wait3A_1200, %dma_wait3A_1201] : memref<10x80x16xf32, #tpu.memory_space<vmem>> -> memref<1x80x16xf32, #tpu.memory_space<vmem>>
      %dma_wait3A_1203 = tpu.memref_squeeze %dma_wait3A_1202 : memref<1x80x16xf32, #tpu.memory_space<vmem>> -> memref<80x16xf32, #tpu.memory_space<vmem>>
      %dma_wait3A_1204 = arith.constant 0 : i32
      %dma_wait3A_1205 = tpu.memref_slice %arg8[%sub3A_1198, %dma_wait3A_1204] : memref<125x80xi32, #tpu.memory_space<vmem>> -> memref<1x80xi32, #tpu.memory_space<vmem>>
      %dma_wait3A_1206 = tpu.memref_squeeze %dma_wait3A_1205 : memref<1x80xi32, #tpu.memory_space<vmem>> -> memref<80xi32, #tpu.memory_space<vmem>>
      %dma_wait3A_1207 = arith.constant 0 : i32
      %dma_wait3A_1208 = arith.constant 0 : i32
      %dma_wait3A_1209 = tpu.memref_slice %arg10[%dma_wait3A_1207, %dma_wait3A_1208] : memref<10240x16xf32, #tpu.memory_space<vmem_shared>> -> memref<10240x16xf32, #tpu.memory_space<vmem_shared>>
      tpu.wait_indirect_dma semaphore(%arg25 : memref<!tpu.dma_semaphore, #tpu.memory_space<semaphore_mem>>) src(%dma_wait3A_1203 : memref<80x16xf32, #tpu.memory_space<vmem>>) dst(%dma_wait3A_1209 : memref<10240x16xf32, #tpu.memory_space<vmem_shared>>)
      %add3A_1210 = arith.constant 5 : i32
      %add3A_1211 = arith.addi %add3A_1172, %add3A_1210 : i32
      %dma_start3A_1212 = arith.constant 3 : i32
      %dma_start3A_1213 = arith.constant 0 : i32
      %dma_start3A_1214 = arith.constant 0 : i32
      %dma_start3A_1215 = tpu.memref_slice %arg9[%dma_start3A_1212, %dma_start3A_1213, %dma_start3A_1214] : memref<10x80x16xf32, #tpu.memory_space<vmem>> -> memref<1x80x16xf32, #tpu.memory_space<vmem>>
      %dma_start3A_1216 = tpu.memref_squeeze %dma_start3A_1215 : memref<1x80x16xf32, #tpu.memory_space<vmem>> -> memref<80x16xf32, #tpu.memory_space<vmem>>
      %dma_start3A_1217 = arith.constant 0 : i32
      %dma_start3A_1218 = tpu.memref_slice %arg7[%add3A_1211, %dma_start3A_1217] : memref<125x80xi32, #tpu.memory_space<vmem>> -> memref<1x80xi32, #tpu.memory_space<vmem>>
      %dma_start3A_1219 = tpu.memref_squeeze %dma_start3A_1218 : memref<1x80xi32, #tpu.memory_space<vmem>> -> memref<80xi32, #tpu.memory_space<vmem>>
      %dma_start3A_1220 = arith.constant 0 : i32
      %dma_start3A_1221 = arith.constant 0 : i32
      %dma_start3A_1222 = tpu.memref_slice %arg11[%dma_start3A_1220, %dma_start3A_1221] : memref<10240x16xf32, #tpu.memory_space<vmem_shared>> -> memref<10240x16xf32, #tpu.memory_space<vmem_shared>>
      tpu.enqueue_indirect_dma source(%dma_start3A_1222 : memref<10240x16xf32, #tpu.memory_space<vmem_shared>>) target(%dma_start3A_1216 : memref<80x16xf32, #tpu.memory_space<vmem>>) offsets(%dma_start3A_1219 : memref<80xi32, #tpu.memory_space<vmem>>) semaphore(%arg15 : memref<!tpu.dma_semaphore, #tpu.memory_space<semaphore_mem>>)
      %mul3A_1223 = arith.constant 10 : i32
      %mul3A_1224 = arith.muli %scan3A_737, %mul3A_1223 : i32
      %add3A_1225 = arith.constant 9 : i32
      %add3A_1226 = arith.addi %mul3A_1224, %add3A_1225 : i32
      %dma_wait3A_1227 = arith.constant 9 : i32
      %dma_wait3A_1228 = arith.constant 0 : i32
      %dma_wait3A_1229 = arith.constant 0 : i32
      %dma_wait3A_1230 = tpu.memref_slice %arg9[%dma_wait3A_1227, %dma_wait3A_1228, %dma_wait3A_1229] : memref<10x80x16xf32, #tpu.memory_space<vmem>> -> memref<1x80x16xf32, #tpu.memory_space<vmem>>
      %dma_wait3A_1231 = tpu.memref_squeeze %dma_wait3A_1230 : memref<1x80x16xf32, #tpu.memory_space<vmem>> -> memref<80x16xf32, #tpu.memory_space<vmem>>
      %dma_wait3A_1232 = arith.constant 0 : i32
      %dma_wait3A_1233 = tpu.memref_slice %arg7[%add3A_1226, %dma_wait3A_1232] : memref<125x80xi32, #tpu.memory_space<vmem>> -> memref<1x80xi32, #tpu.memory_space<vmem>>
      %dma_wait3A_1234 = tpu.memref_squeeze %dma_wait3A_1233 : memref<1x80xi32, #tpu.memory_space<vmem>> -> memref<80xi32, #tpu.memory_space<vmem>>
      %dma_wait3A_1235 = arith.constant 0 : i32
      %dma_wait3A_1236 = arith.constant 0 : i32
      %dma_wait3A_1237 = tpu.memref_slice %arg11[%dma_wait3A_1235, %dma_wait3A_1236] : memref<10240x16xf32, #tpu.memory_space<vmem_shared>> -> memref<10240x16xf32, #tpu.memory_space<vmem_shared>>
      tpu.wait_indirect_dma semaphore(%arg21 : memref<!tpu.dma_semaphore, #tpu.memory_space<semaphore_mem>>) src(%dma_wait3A_1237 : memref<10240x16xf32, #tpu.memory_space<vmem_shared>>) dst(%dma_wait3A_1231 : memref<80x16xf32, #tpu.memory_space<vmem>>)
      %dma_start3A_1238 = arith.constant 9 : i32
      %dma_start3A_1239 = arith.constant 0 : i32
      %dma_start3A_1240 = arith.constant 0 : i32
      %dma_start3A_1241 = tpu.memref_slice %arg9[%dma_start3A_1238, %dma_start3A_1239, %dma_start3A_1240] : memref<10x80x16xf32, #tpu.memory_space<vmem>> -> memref<1x80x16xf32, #tpu.memory_space<vmem>>
      %dma_start3A_1242 = tpu.memref_squeeze %dma_start3A_1241 : memref<1x80x16xf32, #tpu.memory_space<vmem>> -> memref<80x16xf32, #tpu.memory_space<vmem>>
      %dma_start3A_1243 = arith.constant 0 : i32
      %dma_start3A_1244 = tpu.memref_slice %arg8[%add3A_1226, %dma_start3A_1243] : memref<125x80xi32, #tpu.memory_space<vmem>> -> memref<1x80xi32, #tpu.memory_space<vmem>>
      %dma_start3A_1245 = tpu.memref_squeeze %dma_start3A_1244 : memref<1x80xi32, #tpu.memory_space<vmem>> -> memref<80xi32, #tpu.memory_space<vmem>>
      %dma_start3A_1246 = arith.constant 0 : i32
      %dma_start3A_1247 = arith.constant 0 : i32
      %dma_start3A_1248 = tpu.memref_slice %arg10[%dma_start3A_1246, %dma_start3A_1247] : memref<10240x16xf32, #tpu.memory_space<vmem_shared>> -> memref<10240x16xf32, #tpu.memory_space<vmem_shared>>
      tpu.enqueue_indirect_dma source(%dma_start3A_1242 : memref<80x16xf32, #tpu.memory_space<vmem>>) target(%dma_start3A_1248 : memref<10240x16xf32, #tpu.memory_space<vmem_shared>>) offsets(%dma_start3A_1245 : memref<80xi32, #tpu.memory_space<vmem>>) semaphore(%arg31 : memref<!tpu.dma_semaphore, #tpu.memory_space<semaphore_mem>>) {add = true}
      %add3A_1249 = arith.constant 5 : i32
      %add3A_1250 = arith.addi %add3A_1226, %add3A_1249 : i32
      %sub3A_1251 = arith.constant 10 : i32
      %sub3A_1252 = arith.subi %add3A_1250, %sub3A_1251 : i32
      %dma_wait3A_1253 = arith.constant 4 : i32
      %dma_wait3A_1254 = arith.constant 0 : i32
      %dma_wait3A_1255 = arith.constant 0 : i32
      %dma_wait3A_1256 = tpu.memref_slice %arg9[%dma_wait3A_1253, %dma_wait3A_1254, %dma_wait3A_1255] : memref<10x80x16xf32, #tpu.memory_space<vmem>> -> memref<1x80x16xf32, #tpu.memory_space<vmem>>
      %dma_wait3A_1257 = tpu.memref_squeeze %dma_wait3A_1256 : memref<1x80x16xf32, #tpu.memory_space<vmem>> -> memref<80x16xf32, #tpu.memory_space<vmem>>
      %dma_wait3A_1258 = arith.constant 0 : i32
      %dma_wait3A_1259 = tpu.memref_slice %arg8[%sub3A_1252, %dma_wait3A_1258] : memref<125x80xi32, #tpu.memory_space<vmem>> -> memref<1x80xi32, #tpu.memory_space<vmem>>
      %dma_wait3A_1260 = tpu.memref_squeeze %dma_wait3A_1259 : memref<1x80xi32, #tpu.memory_space<vmem>> -> memref<80xi32, #tpu.memory_space<vmem>>
      %dma_wait3A_1261 = arith.constant 0 : i32
      %dma_wait3A_1262 = arith.constant 0 : i32
      %dma_wait3A_1263 = tpu.memref_slice %arg10[%dma_wait3A_1261, %dma_wait3A_1262] : memref<10240x16xf32, #tpu.memory_space<vmem_shared>> -> memref<10240x16xf32, #tpu.memory_space<vmem_shared>>
      tpu.wait_indirect_dma semaphore(%arg26 : memref<!tpu.dma_semaphore, #tpu.memory_space<semaphore_mem>>) src(%dma_wait3A_1257 : memref<80x16xf32, #tpu.memory_space<vmem>>) dst(%dma_wait3A_1263 : memref<10240x16xf32, #tpu.memory_space<vmem_shared>>)
      %add3A_1264 = arith.constant 5 : i32
      %add3A_1265 = arith.addi %add3A_1226, %add3A_1264 : i32
      %dma_start3A_1266 = arith.constant 4 : i32
      %dma_start3A_1267 = arith.constant 0 : i32
      %dma_start3A_1268 = arith.constant 0 : i32
      %dma_start3A_1269 = tpu.memref_slice %arg9[%dma_start3A_1266, %dma_start3A_1267, %dma_start3A_1268] : memref<10x80x16xf32, #tpu.memory_space<vmem>> -> memref<1x80x16xf32, #tpu.memory_space<vmem>>
      %dma_start3A_1270 = tpu.memref_squeeze %dma_start3A_1269 : memref<1x80x16xf32, #tpu.memory_space<vmem>> -> memref<80x16xf32, #tpu.memory_space<vmem>>
      %dma_start3A_1271 = arith.constant 0 : i32
      %dma_start3A_1272 = tpu.memref_slice %arg7[%add3A_1265, %dma_start3A_1271] : memref<125x80xi32, #tpu.memory_space<vmem>> -> memref<1x80xi32, #tpu.memory_space<vmem>>
      %dma_start3A_1273 = tpu.memref_squeeze %dma_start3A_1272 : memref<1x80xi32, #tpu.memory_space<vmem>> -> memref<80xi32, #tpu.memory_space<vmem>>
      %dma_start3A_1274 = arith.constant 0 : i32
      %dma_start3A_1275 = arith.constant 0 : i32
      %dma_start3A_1276 = tpu.memref_slice %arg11[%dma_start3A_1274, %dma_start3A_1275] : memref<10240x16xf32, #tpu.memory_space<vmem_shared>> -> memref<10240x16xf32, #tpu.memory_space<vmem_shared>>
      tpu.enqueue_indirect_dma source(%dma_start3A_1276 : memref<10240x16xf32, #tpu.memory_space<vmem_shared>>) target(%dma_start3A_1270 : memref<80x16xf32, #tpu.memory_space<vmem>>) offsets(%dma_start3A_1273 : memref<80xi32, #tpu.memory_space<vmem>>) semaphore(%arg16 : memref<!tpu.dma_semaphore, #tpu.memory_space<semaphore_mem>>)
    }
    %scan3A_491 = arith.constant 11 : i32
    %dma_wait3A_492 = arith.constant 120 : i32
    %dma_wait3A_493 = arith.constant 0 : i32
    %dma_wait3A_494 = arith.constant 0 : i32
    %dma_wait3A_495 = arith.constant 0 : i32
    %dma_wait3A_496 = tpu.memref_slice %arg9[%dma_wait3A_493, %dma_wait3A_494, %dma_wait3A_495] : memref<10x80x16xf32, #tpu.memory_space<vmem>> -> memref<1x80x16xf32, #tpu.memory_space<vmem>>
    %dma_wait3A_497 = tpu.memref_squeeze %dma_wait3A_496 : memref<1x80x16xf32, #tpu.memory_space<vmem>> -> memref<80x16xf32, #tpu.memory_space<vmem>>
    %dma_wait3A_498 = arith.constant 0 : i32
    %dma_wait3A_499 = tpu.memref_slice %arg7[%dma_wait3A_492, %dma_wait3A_498] : memref<125x80xi32, #tpu.memory_space<vmem>> -> memref<1x80xi32, #tpu.memory_space<vmem>>
    %dma_wait3A_500 = tpu.memref_squeeze %dma_wait3A_499 : memref<1x80xi32, #tpu.memory_space<vmem>> -> memref<80xi32, #tpu.memory_space<vmem>>
    %dma_wait3A_501 = arith.constant 0 : i32
    %dma_wait3A_502 = arith.constant 0 : i32
    %dma_wait3A_503 = tpu.memref_slice %arg11[%dma_wait3A_501, %dma_wait3A_502] : memref<10240x16xf32, #tpu.memory_space<vmem_shared>> -> memref<10240x16xf32, #tpu.memory_space<vmem_shared>>
    tpu.wait_indirect_dma semaphore(%arg12 : memref<!tpu.dma_semaphore, #tpu.memory_space<semaphore_mem>>) src(%dma_wait3A_503 : memref<10240x16xf32, #tpu.memory_space<vmem_shared>>) dst(%dma_wait3A_497 : memref<80x16xf32, #tpu.memory_space<vmem>>)
    %dma_start3A_504 = arith.constant 0 : i32
    %dma_start3A_505 = arith.constant 120 : i32
    %dma_start3A_506 = arith.constant 0 : i32
    %dma_start3A_507 = arith.constant 0 : i32
    %dma_start3A_508 = tpu.memref_slice %arg9[%dma_start3A_504, %dma_start3A_506, %dma_start3A_507] : memref<10x80x16xf32, #tpu.memory_space<vmem>> -> memref<1x80x16xf32, #tpu.memory_space<vmem>>
    %dma_start3A_509 = tpu.memref_squeeze %dma_start3A_508 : memref<1x80x16xf32, #tpu.memory_space<vmem>> -> memref<80x16xf32, #tpu.memory_space<vmem>>
    %dma_start3A_510 = arith.constant 0 : i32
    %dma_start3A_511 = tpu.memref_slice %arg8[%dma_start3A_505, %dma_start3A_510] : memref<125x80xi32, #tpu.memory_space<vmem>> -> memref<1x80xi32, #tpu.memory_space<vmem>>
    %dma_start3A_512 = tpu.memref_squeeze %dma_start3A_511 : memref<1x80xi32, #tpu.memory_space<vmem>> -> memref<80xi32, #tpu.memory_space<vmem>>
    %dma_start3A_513 = arith.constant 0 : i32
    %dma_start3A_514 = arith.constant 0 : i32
    %dma_start3A_515 = tpu.memref_slice %arg10[%dma_start3A_513, %dma_start3A_514] : memref<10240x16xf32, #tpu.memory_space<vmem_shared>> -> memref<10240x16xf32, #tpu.memory_space<vmem_shared>>
    tpu.enqueue_indirect_dma source(%dma_start3A_509 : memref<80x16xf32, #tpu.memory_space<vmem>>) target(%dma_start3A_515 : memref<10240x16xf32, #tpu.memory_space<vmem_shared>>) offsets(%dma_start3A_512 : memref<80xi32, #tpu.memory_space<vmem>>) semaphore(%arg22 : memref<!tpu.dma_semaphore, #tpu.memory_space<semaphore_mem>>) {add = true}
    %dma_wait3A_516 = arith.constant 121 : i32
    %dma_wait3A_517 = arith.constant 1 : i32
    %dma_wait3A_518 = arith.constant 0 : i32
    %dma_wait3A_519 = arith.constant 0 : i32
    %dma_wait3A_520 = tpu.memref_slice %arg9[%dma_wait3A_517, %dma_wait3A_518, %dma_wait3A_519] : memref<10x80x16xf32, #tpu.memory_space<vmem>> -> memref<1x80x16xf32, #tpu.memory_space<vmem>>
    %dma_wait3A_521 = tpu.memref_squeeze %dma_wait3A_520 : memref<1x80x16xf32, #tpu.memory_space<vmem>> -> memref<80x16xf32, #tpu.memory_space<vmem>>
    %dma_wait3A_522 = arith.constant 0 : i32
    %dma_wait3A_523 = tpu.memref_slice %arg7[%dma_wait3A_516, %dma_wait3A_522] : memref<125x80xi32, #tpu.memory_space<vmem>> -> memref<1x80xi32, #tpu.memory_space<vmem>>
    %dma_wait3A_524 = tpu.memref_squeeze %dma_wait3A_523 : memref<1x80xi32, #tpu.memory_space<vmem>> -> memref<80xi32, #tpu.memory_space<vmem>>
    %dma_wait3A_525 = arith.constant 0 : i32
    %dma_wait3A_526 = arith.constant 0 : i32
    %dma_wait3A_527 = tpu.memref_slice %arg11[%dma_wait3A_525, %dma_wait3A_526] : memref<10240x16xf32, #tpu.memory_space<vmem_shared>> -> memref<10240x16xf32, #tpu.memory_space<vmem_shared>>
    tpu.wait_indirect_dma semaphore(%arg13 : memref<!tpu.dma_semaphore, #tpu.memory_space<semaphore_mem>>) src(%dma_wait3A_527 : memref<10240x16xf32, #tpu.memory_space<vmem_shared>>) dst(%dma_wait3A_521 : memref<80x16xf32, #tpu.memory_space<vmem>>)
    %dma_start3A_528 = arith.constant 1 : i32
    %dma_start3A_529 = arith.constant 121 : i32
    %dma_start3A_530 = arith.constant 0 : i32
    %dma_start3A_531 = arith.constant 0 : i32
    %dma_start3A_532 = tpu.memref_slice %arg9[%dma_start3A_528, %dma_start3A_530, %dma_start3A_531] : memref<10x80x16xf32, #tpu.memory_space<vmem>> -> memref<1x80x16xf32, #tpu.memory_space<vmem>>
    %dma_start3A_533 = tpu.memref_squeeze %dma_start3A_532 : memref<1x80x16xf32, #tpu.memory_space<vmem>> -> memref<80x16xf32, #tpu.memory_space<vmem>>
    %dma_start3A_534 = arith.constant 0 : i32
    %dma_start3A_535 = tpu.memref_slice %arg8[%dma_start3A_529, %dma_start3A_534] : memref<125x80xi32, #tpu.memory_space<vmem>> -> memref<1x80xi32, #tpu.memory_space<vmem>>
    %dma_start3A_536 = tpu.memref_squeeze %dma_start3A_535 : memref<1x80xi32, #tpu.memory_space<vmem>> -> memref<80xi32, #tpu.memory_space<vmem>>
    %dma_start3A_537 = arith.constant 0 : i32
    %dma_start3A_538 = arith.constant 0 : i32
    %dma_start3A_539 = tpu.memref_slice %arg10[%dma_start3A_537, %dma_start3A_538] : memref<10240x16xf32, #tpu.memory_space<vmem_shared>> -> memref<10240x16xf32, #tpu.memory_space<vmem_shared>>
    tpu.enqueue_indirect_dma source(%dma_start3A_533 : memref<80x16xf32, #tpu.memory_space<vmem>>) target(%dma_start3A_539 : memref<10240x16xf32, #tpu.memory_space<vmem_shared>>) offsets(%dma_start3A_536 : memref<80xi32, #tpu.memory_space<vmem>>) semaphore(%arg23 : memref<!tpu.dma_semaphore, #tpu.memory_space<semaphore_mem>>) {add = true}
    %dma_wait3A_540 = arith.constant 122 : i32
    %dma_wait3A_541 = arith.constant 2 : i32
    %dma_wait3A_542 = arith.constant 0 : i32
    %dma_wait3A_543 = arith.constant 0 : i32
    %dma_wait3A_544 = tpu.memref_slice %arg9[%dma_wait3A_541, %dma_wait3A_542, %dma_wait3A_543] : memref<10x80x16xf32, #tpu.memory_space<vmem>> -> memref<1x80x16xf32, #tpu.memory_space<vmem>>
    %dma_wait3A_545 = tpu.memref_squeeze %dma_wait3A_544 : memref<1x80x16xf32, #tpu.memory_space<vmem>> -> memref<80x16xf32, #tpu.memory_space<vmem>>
    %dma_wait3A_546 = arith.constant 0 : i32
    %dma_wait3A_547 = tpu.memref_slice %arg7[%dma_wait3A_540, %dma_wait3A_546] : memref<125x80xi32, #tpu.memory_space<vmem>> -> memref<1x80xi32, #tpu.memory_space<vmem>>
    %dma_wait3A_548 = tpu.memref_squeeze %dma_wait3A_547 : memref<1x80xi32, #tpu.memory_space<vmem>> -> memref<80xi32, #tpu.memory_space<vmem>>
    %dma_wait3A_549 = arith.constant 0 : i32
    %dma_wait3A_550 = arith.constant 0 : i32
    %dma_wait3A_551 = tpu.memref_slice %arg11[%dma_wait3A_549, %dma_wait3A_550] : memref<10240x16xf32, #tpu.memory_space<vmem_shared>> -> memref<10240x16xf32, #tpu.memory_space<vmem_shared>>
    tpu.wait_indirect_dma semaphore(%arg14 : memref<!tpu.dma_semaphore, #tpu.memory_space<semaphore_mem>>) src(%dma_wait3A_551 : memref<10240x16xf32, #tpu.memory_space<vmem_shared>>) dst(%dma_wait3A_545 : memref<80x16xf32, #tpu.memory_space<vmem>>)
    %dma_start3A_552 = arith.constant 2 : i32
    %dma_start3A_553 = arith.constant 122 : i32
    %dma_start3A_554 = arith.constant 0 : i32
    %dma_start3A_555 = arith.constant 0 : i32
    %dma_start3A_556 = tpu.memref_slice %arg9[%dma_start3A_552, %dma_start3A_554, %dma_start3A_555] : memref<10x80x16xf32, #tpu.memory_space<vmem>> -> memref<1x80x16xf32, #tpu.memory_space<vmem>>
    %dma_start3A_557 = tpu.memref_squeeze %dma_start3A_556 : memref<1x80x16xf32, #tpu.memory_space<vmem>> -> memref<80x16xf32, #tpu.memory_space<vmem>>
    %dma_start3A_558 = arith.constant 0 : i32
    %dma_start3A_559 = tpu.memref_slice %arg8[%dma_start3A_553, %dma_start3A_558] : memref<125x80xi32, #tpu.memory_space<vmem>> -> memref<1x80xi32, #tpu.memory_space<vmem>>
    %dma_start3A_560 = tpu.memref_squeeze %dma_start3A_559 : memref<1x80xi32, #tpu.memory_space<vmem>> -> memref<80xi32, #tpu.memory_space<vmem>>
    %dma_start3A_561 = arith.constant 0 : i32
    %dma_start3A_562 = arith.constant 0 : i32
    %dma_start3A_563 = tpu.memref_slice %arg10[%dma_start3A_561, %dma_start3A_562] : memref<10240x16xf32, #tpu.memory_space<vmem_shared>> -> memref<10240x16xf32, #tpu.memory_space<vmem_shared>>
    tpu.enqueue_indirect_dma source(%dma_start3A_557 : memref<80x16xf32, #tpu.memory_space<vmem>>) target(%dma_start3A_563 : memref<10240x16xf32, #tpu.memory_space<vmem_shared>>) offsets(%dma_start3A_560 : memref<80xi32, #tpu.memory_space<vmem>>) semaphore(%arg24 : memref<!tpu.dma_semaphore, #tpu.memory_space<semaphore_mem>>) {add = true}
    %dma_wait3A_564 = arith.constant 123 : i32
    %dma_wait3A_565 = arith.constant 3 : i32
    %dma_wait3A_566 = arith.constant 0 : i32
    %dma_wait3A_567 = arith.constant 0 : i32
    %dma_wait3A_568 = tpu.memref_slice %arg9[%dma_wait3A_565, %dma_wait3A_566, %dma_wait3A_567] : memref<10x80x16xf32, #tpu.memory_space<vmem>> -> memref<1x80x16xf32, #tpu.memory_space<vmem>>
    %dma_wait3A_569 = tpu.memref_squeeze %dma_wait3A_568 : memref<1x80x16xf32, #tpu.memory_space<vmem>> -> memref<80x16xf32, #tpu.memory_space<vmem>>
    %dma_wait3A_570 = arith.constant 0 : i32
    %dma_wait3A_571 = tpu.memref_slice %arg7[%dma_wait3A_564, %dma_wait3A_570] : memref<125x80xi32, #tpu.memory_space<vmem>> -> memref<1x80xi32, #tpu.memory_space<vmem>>
    %dma_wait3A_572 = tpu.memref_squeeze %dma_wait3A_571 : memref<1x80xi32, #tpu.memory_space<vmem>> -> memref<80xi32, #tpu.memory_space<vmem>>
    %dma_wait3A_573 = arith.constant 0 : i32
    %dma_wait3A_574 = arith.constant 0 : i32
    %dma_wait3A_575 = tpu.memref_slice %arg11[%dma_wait3A_573, %dma_wait3A_574] : memref<10240x16xf32, #tpu.memory_space<vmem_shared>> -> memref<10240x16xf32, #tpu.memory_space<vmem_shared>>
    tpu.wait_indirect_dma semaphore(%arg15 : memref<!tpu.dma_semaphore, #tpu.memory_space<semaphore_mem>>) src(%dma_wait3A_575 : memref<10240x16xf32, #tpu.memory_space<vmem_shared>>) dst(%dma_wait3A_569 : memref<80x16xf32, #tpu.memory_space<vmem>>)
    %dma_start3A_576 = arith.constant 3 : i32
    %dma_start3A_577 = arith.constant 123 : i32
    %dma_start3A_578 = arith.constant 0 : i32
    %dma_start3A_579 = arith.constant 0 : i32
    %dma_start3A_580 = tpu.memref_slice %arg9[%dma_start3A_576, %dma_start3A_578, %dma_start3A_579] : memref<10x80x16xf32, #tpu.memory_space<vmem>> -> memref<1x80x16xf32, #tpu.memory_space<vmem>>
    %dma_start3A_581 = tpu.memref_squeeze %dma_start3A_580 : memref<1x80x16xf32, #tpu.memory_space<vmem>> -> memref<80x16xf32, #tpu.memory_space<vmem>>
    %dma_start3A_582 = arith.constant 0 : i32
    %dma_start3A_583 = tpu.memref_slice %arg8[%dma_start3A_577, %dma_start3A_582] : memref<125x80xi32, #tpu.memory_space<vmem>> -> memref<1x80xi32, #tpu.memory_space<vmem>>
    %dma_start3A_584 = tpu.memref_squeeze %dma_start3A_583 : memref<1x80xi32, #tpu.memory_space<vmem>> -> memref<80xi32, #tpu.memory_space<vmem>>
    %dma_start3A_585 = arith.constant 0 : i32
    %dma_start3A_586 = arith.constant 0 : i32
    %dma_start3A_587 = tpu.memref_slice %arg10[%dma_start3A_585, %dma_start3A_586] : memref<10240x16xf32, #tpu.memory_space<vmem_shared>> -> memref<10240x16xf32, #tpu.memory_space<vmem_shared>>
    tpu.enqueue_indirect_dma source(%dma_start3A_581 : memref<80x16xf32, #tpu.memory_space<vmem>>) target(%dma_start3A_587 : memref<10240x16xf32, #tpu.memory_space<vmem_shared>>) offsets(%dma_start3A_584 : memref<80xi32, #tpu.memory_space<vmem>>) semaphore(%arg25 : memref<!tpu.dma_semaphore, #tpu.memory_space<semaphore_mem>>) {add = true}
    %dma_wait3A_588 = arith.constant 124 : i32
    %dma_wait3A_589 = arith.constant 4 : i32
    %dma_wait3A_590 = arith.constant 0 : i32
    %dma_wait3A_591 = arith.constant 0 : i32
    %dma_wait3A_592 = tpu.memref_slice %arg9[%dma_wait3A_589, %dma_wait3A_590, %dma_wait3A_591] : memref<10x80x16xf32, #tpu.memory_space<vmem>> -> memref<1x80x16xf32, #tpu.memory_space<vmem>>
    %dma_wait3A_593 = tpu.memref_squeeze %dma_wait3A_592 : memref<1x80x16xf32, #tpu.memory_space<vmem>> -> memref<80x16xf32, #tpu.memory_space<vmem>>
    %dma_wait3A_594 = arith.constant 0 : i32
    %dma_wait3A_595 = tpu.memref_slice %arg7[%dma_wait3A_588, %dma_wait3A_594] : memref<125x80xi32, #tpu.memory_space<vmem>> -> memref<1x80xi32, #tpu.memory_space<vmem>>
    %dma_wait3A_596 = tpu.memref_squeeze %dma_wait3A_595 : memref<1x80xi32, #tpu.memory_space<vmem>> -> memref<80xi32, #tpu.memory_space<vmem>>
    %dma_wait3A_597 = arith.constant 0 : i32
    %dma_wait3A_598 = arith.constant 0 : i32
    %dma_wait3A_599 = tpu.memref_slice %arg11[%dma_wait3A_597, %dma_wait3A_598] : memref<10240x16xf32, #tpu.memory_space<vmem_shared>> -> memref<10240x16xf32, #tpu.memory_space<vmem_shared>>
    tpu.wait_indirect_dma semaphore(%arg16 : memref<!tpu.dma_semaphore, #tpu.memory_space<semaphore_mem>>) src(%dma_wait3A_599 : memref<10240x16xf32, #tpu.memory_space<vmem_shared>>) dst(%dma_wait3A_593 : memref<80x16xf32, #tpu.memory_space<vmem>>)
    %dma_start3A_600 = arith.constant 4 : i32
    %dma_start3A_601 = arith.constant 124 : i32
    %dma_start3A_602 = arith.constant 0 : i32
    %dma_start3A_603 = arith.constant 0 : i32
    %dma_start3A_604 = tpu.memref_slice %arg9[%dma_start3A_600, %dma_start3A_602, %dma_start3A_603] : memref<10x80x16xf32, #tpu.memory_space<vmem>> -> memref<1x80x16xf32, #tpu.memory_space<vmem>>
    %dma_start3A_605 = tpu.memref_squeeze %dma_start3A_604 : memref<1x80x16xf32, #tpu.memory_space<vmem>> -> memref<80x16xf32, #tpu.memory_space<vmem>>
    %dma_start3A_606 = arith.constant 0 : i32
    %dma_start3A_607 = tpu.memref_slice %arg8[%dma_start3A_601, %dma_start3A_606] : memref<125x80xi32, #tpu.memory_space<vmem>> -> memref<1x80xi32, #tpu.memory_space<vmem>>
    %dma_start3A_608 = tpu.memref_squeeze %dma_start3A_607 : memref<1x80xi32, #tpu.memory_space<vmem>> -> memref<80xi32, #tpu.memory_space<vmem>>
    %dma_start3A_609 = arith.constant 0 : i32
    %dma_start3A_610 = arith.constant 0 : i32
    %dma_start3A_611 = tpu.memref_slice %arg10[%dma_start3A_609, %dma_start3A_610] : memref<10240x16xf32, #tpu.memory_space<vmem_shared>> -> memref<10240x16xf32, #tpu.memory_space<vmem_shared>>
    tpu.enqueue_indirect_dma source(%dma_start3A_605 : memref<80x16xf32, #tpu.memory_space<vmem>>) target(%dma_start3A_611 : memref<10240x16xf32, #tpu.memory_space<vmem_shared>>) offsets(%dma_start3A_608 : memref<80xi32, #tpu.memory_space<vmem>>) semaphore(%arg26 : memref<!tpu.dma_semaphore, #tpu.memory_space<semaphore_mem>>) {add = true}
    %dma_wait3A_612 = arith.constant 5 : i32
    %dma_wait3A_613 = arith.constant 115 : i32
    %dma_wait3A_614 = arith.constant 0 : i32
    %dma_wait3A_615 = arith.constant 0 : i32
    %dma_wait3A_616 = tpu.memref_slice %arg9[%dma_wait3A_612, %dma_wait3A_614, %dma_wait3A_615] : memref<10x80x16xf32, #tpu.memory_space<vmem>> -> memref<1x80x16xf32, #tpu.memory_space<vmem>>
    %dma_wait3A_617 = tpu.memref_squeeze %dma_wait3A_616 : memref<1x80x16xf32, #tpu.memory_space<vmem>> -> memref<80x16xf32, #tpu.memory_space<vmem>>
    %dma_wait3A_618 = arith.constant 0 : i32
    %dma_wait3A_619 = tpu.memref_slice %arg8[%dma_wait3A_613, %dma_wait3A_618] : memref<125x80xi32, #tpu.memory_space<vmem>> -> memref<1x80xi32, #tpu.memory_space<vmem>>
    %dma_wait3A_620 = tpu.memref_squeeze %dma_wait3A_619 : memref<1x80xi32, #tpu.memory_space<vmem>> -> memref<80xi32, #tpu.memory_space<vmem>>
    %dma_wait3A_621 = arith.constant 0 : i32
    %dma_wait3A_622 = arith.constant 0 : i32
    %dma_wait3A_623 = tpu.memref_slice %arg10[%dma_wait3A_621, %dma_wait3A_622] : memref<10240x16xf32, #tpu.memory_space<vmem_shared>> -> memref<10240x16xf32, #tpu.memory_space<vmem_shared>>
    tpu.wait_indirect_dma semaphore(%arg27 : memref<!tpu.dma_semaphore, #tpu.memory_space<semaphore_mem>>) src(%dma_wait3A_617 : memref<80x16xf32, #tpu.memory_space<vmem>>) dst(%dma_wait3A_623 : memref<10240x16xf32, #tpu.memory_space<vmem_shared>>)
    %dma_wait3A_624 = arith.constant 6 : i32
    %dma_wait3A_625 = arith.constant 116 : i32
    %dma_wait3A_626 = arith.constant 0 : i32
    %dma_wait3A_627 = arith.constant 0 : i32
    %dma_wait3A_628 = tpu.memref_slice %arg9[%dma_wait3A_624, %dma_wait3A_626, %dma_wait3A_627] : memref<10x80x16xf32, #tpu.memory_space<vmem>> -> memref<1x80x16xf32, #tpu.memory_space<vmem>>
    %dma_wait3A_629 = tpu.memref_squeeze %dma_wait3A_628 : memref<1x80x16xf32, #tpu.memory_space<vmem>> -> memref<80x16xf32, #tpu.memory_space<vmem>>
    %dma_wait3A_630 = arith.constant 0 : i32
    %dma_wait3A_631 = tpu.memref_slice %arg8[%dma_wait3A_625, %dma_wait3A_630] : memref<125x80xi32, #tpu.memory_space<vmem>> -> memref<1x80xi32, #tpu.memory_space<vmem>>
    %dma_wait3A_632 = tpu.memref_squeeze %dma_wait3A_631 : memref<1x80xi32, #tpu.memory_space<vmem>> -> memref<80xi32, #tpu.memory_space<vmem>>
    %dma_wait3A_633 = arith.constant 0 : i32
    %dma_wait3A_634 = arith.constant 0 : i32
    %dma_wait3A_635 = tpu.memref_slice %arg10[%dma_wait3A_633, %dma_wait3A_634] : memref<10240x16xf32, #tpu.memory_space<vmem_shared>> -> memref<10240x16xf32, #tpu.memory_space<vmem_shared>>
    tpu.wait_indirect_dma semaphore(%arg28 : memref<!tpu.dma_semaphore, #tpu.memory_space<semaphore_mem>>) src(%dma_wait3A_629 : memref<80x16xf32, #tpu.memory_space<vmem>>) dst(%dma_wait3A_635 : memref<10240x16xf32, #tpu.memory_space<vmem_shared>>)
    %dma_wait3A_636 = arith.constant 7 : i32
    %dma_wait3A_637 = arith.constant 117 : i32
    %dma_wait3A_638 = arith.constant 0 : i32
    %dma_wait3A_639 = arith.constant 0 : i32
    %dma_wait3A_640 = tpu.memref_slice %arg9[%dma_wait3A_636, %dma_wait3A_638, %dma_wait3A_639] : memref<10x80x16xf32, #tpu.memory_space<vmem>> -> memref<1x80x16xf32, #tpu.memory_space<vmem>>
    %dma_wait3A_641 = tpu.memref_squeeze %dma_wait3A_640 : memref<1x80x16xf32, #tpu.memory_space<vmem>> -> memref<80x16xf32, #tpu.memory_space<vmem>>
    %dma_wait3A_642 = arith.constant 0 : i32
    %dma_wait3A_643 = tpu.memref_slice %arg8[%dma_wait3A_637, %dma_wait3A_642] : memref<125x80xi32, #tpu.memory_space<vmem>> -> memref<1x80xi32, #tpu.memory_space<vmem>>
    %dma_wait3A_644 = tpu.memref_squeeze %dma_wait3A_643 : memref<1x80xi32, #tpu.memory_space<vmem>> -> memref<80xi32, #tpu.memory_space<vmem>>
    %dma_wait3A_645 = arith.constant 0 : i32
    %dma_wait3A_646 = arith.constant 0 : i32
    %dma_wait3A_647 = tpu.memref_slice %arg10[%dma_wait3A_645, %dma_wait3A_646] : memref<10240x16xf32, #tpu.memory_space<vmem_shared>> -> memref<10240x16xf32, #tpu.memory_space<vmem_shared>>
    tpu.wait_indirect_dma semaphore(%arg29 : memref<!tpu.dma_semaphore, #tpu.memory_space<semaphore_mem>>) src(%dma_wait3A_641 : memref<80x16xf32, #tpu.memory_space<vmem>>) dst(%dma_wait3A_647 : memref<10240x16xf32, #tpu.memory_space<vmem_shared>>)
    %dma_wait3A_648 = arith.constant 8 : i32
    %dma_wait3A_649 = arith.constant 118 : i32
    %dma_wait3A_650 = arith.constant 0 : i32
    %dma_wait3A_651 = arith.constant 0 : i32
    %dma_wait3A_652 = tpu.memref_slice %arg9[%dma_wait3A_648, %dma_wait3A_650, %dma_wait3A_651] : memref<10x80x16xf32, #tpu.memory_space<vmem>> -> memref<1x80x16xf32, #tpu.memory_space<vmem>>
    %dma_wait3A_653 = tpu.memref_squeeze %dma_wait3A_652 : memref<1x80x16xf32, #tpu.memory_space<vmem>> -> memref<80x16xf32, #tpu.memory_space<vmem>>
    %dma_wait3A_654 = arith.constant 0 : i32
    %dma_wait3A_655 = tpu.memref_slice %arg8[%dma_wait3A_649, %dma_wait3A_654] : memref<125x80xi32, #tpu.memory_space<vmem>> -> memref<1x80xi32, #tpu.memory_space<vmem>>
    %dma_wait3A_656 = tpu.memref_squeeze %dma_wait3A_655 : memref<1x80xi32, #tpu.memory_space<vmem>> -> memref<80xi32, #tpu.memory_space<vmem>>
    %dma_wait3A_657 = arith.constant 0 : i32
    %dma_wait3A_658 = arith.constant 0 : i32
    %dma_wait3A_659 = tpu.memref_slice %arg10[%dma_wait3A_657, %dma_wait3A_658] : memref<10240x16xf32, #tpu.memory_space<vmem_shared>> -> memref<10240x16xf32, #tpu.memory_space<vmem_shared>>
    tpu.wait_indirect_dma semaphore(%arg30 : memref<!tpu.dma_semaphore, #tpu.memory_space<semaphore_mem>>) src(%dma_wait3A_653 : memref<80x16xf32, #tpu.memory_space<vmem>>) dst(%dma_wait3A_659 : memref<10240x16xf32, #tpu.memory_space<vmem_shared>>)
    %dma_wait3A_660 = arith.constant 9 : i32
    %dma_wait3A_661 = arith.constant 119 : i32
    %dma_wait3A_662 = arith.constant 0 : i32
    %dma_wait3A_663 = arith.constant 0 : i32
    %dma_wait3A_664 = tpu.memref_slice %arg9[%dma_wait3A_660, %dma_wait3A_662, %dma_wait3A_663] : memref<10x80x16xf32, #tpu.memory_space<vmem>> -> memref<1x80x16xf32, #tpu.memory_space<vmem>>
    %dma_wait3A_665 = tpu.memref_squeeze %dma_wait3A_664 : memref<1x80x16xf32, #tpu.memory_space<vmem>> -> memref<80x16xf32, #tpu.memory_space<vmem>>
    %dma_wait3A_666 = arith.constant 0 : i32
    %dma_wait3A_667 = tpu.memref_slice %arg8[%dma_wait3A_661, %dma_wait3A_666] : memref<125x80xi32, #tpu.memory_space<vmem>> -> memref<1x80xi32, #tpu.memory_space<vmem>>
    %dma_wait3A_668 = tpu.memref_squeeze %dma_wait3A_667 : memref<1x80xi32, #tpu.memory_space<vmem>> -> memref<80xi32, #tpu.memory_space<vmem>>
    %dma_wait3A_669 = arith.constant 0 : i32
    %dma_wait3A_670 = arith.constant 0 : i32
    %dma_wait3A_671 = tpu.memref_slice %arg10[%dma_wait3A_669, %dma_wait3A_670] : memref<10240x16xf32, #tpu.memory_space<vmem_shared>> -> memref<10240x16xf32, #tpu.memory_space<vmem_shared>>
    tpu.wait_indirect_dma semaphore(%arg31 : memref<!tpu.dma_semaphore, #tpu.memory_space<semaphore_mem>>) src(%dma_wait3A_665 : memref<80x16xf32, #tpu.memory_space<vmem>>) dst(%dma_wait3A_671 : memref<10240x16xf32, #tpu.memory_space<vmem_shared>>)
    %dma_wait3A_672 = arith.constant 0 : i32
    %dma_wait3A_673 = arith.constant 120 : i32
    %dma_wait3A_674 = arith.constant 0 : i32
    %dma_wait3A_675 = arith.constant 0 : i32
    %dma_wait3A_676 = tpu.memref_slice %arg9[%dma_wait3A_672, %dma_wait3A_674, %dma_wait3A_675] : memref<10x80x16xf32, #tpu.memory_space<vmem>> -> memref<1x80x16xf32, #tpu.memory_space<vmem>>
    %dma_wait3A_677 = tpu.memref_squeeze %dma_wait3A_676 : memref<1x80x16xf32, #tpu.memory_space<vmem>> -> memref<80x16xf32, #tpu.memory_space<vmem>>
    %dma_wait3A_678 = arith.constant 0 : i32
    %dma_wait3A_679 = tpu.memref_slice %arg8[%dma_wait3A_673, %dma_wait3A_678] : memref<125x80xi32, #tpu.memory_space<vmem>> -> memref<1x80xi32, #tpu.memory_space<vmem>>
    %dma_wait3A_680 = tpu.memref_squeeze %dma_wait3A_679 : memref<1x80xi32, #tpu.memory_space<vmem>> -> memref<80xi32, #tpu.memory_space<vmem>>
    %dma_wait3A_681 = arith.constant 0 : i32
    %dma_wait3A_682 = arith.constant 0 : i32
    %dma_wait3A_683 = tpu.memref_slice %arg10[%dma_wait3A_681, %dma_wait3A_682] : memref<10240x16xf32, #tpu.memory_space<vmem_shared>> -> memref<10240x16xf32, #tpu.memory_space<vmem_shared>>
    tpu.wait_indirect_dma semaphore(%arg22 : memref<!tpu.dma_semaphore, #tpu.memory_space<semaphore_mem>>) src(%dma_wait3A_677 : memref<80x16xf32, #tpu.memory_space<vmem>>) dst(%dma_wait3A_683 : memref<10240x16xf32, #tpu.memory_space<vmem_shared>>)
    %dma_wait3A_684 = arith.constant 1 : i32
    %dma_wait3A_685 = arith.constant 121 : i32
    %dma_wait3A_686 = arith.constant 0 : i32
    %dma_wait3A_687 = arith.constant 0 : i32
    %dma_wait3A_688 = tpu.memref_slice %arg9[%dma_wait3A_684, %dma_wait3A_686, %dma_wait3A_687] : memref<10x80x16xf32, #tpu.memory_space<vmem>> -> memref<1x80x16xf32, #tpu.memory_space<vmem>>
    %dma_wait3A_689 = tpu.memref_squeeze %dma_wait3A_688 : memref<1x80x16xf32, #tpu.memory_space<vmem>> -> memref<80x16xf32, #tpu.memory_space<vmem>>
    %dma_wait3A_690 = arith.constant 0 : i32
    %dma_wait3A_691 = tpu.memref_slice %arg8[%dma_wait3A_685, %dma_wait3A_690] : memref<125x80xi32, #tpu.memory_space<vmem>> -> memref<1x80xi32, #tpu.memory_space<vmem>>
    %dma_wait3A_692 = tpu.memref_squeeze %dma_wait3A_691 : memref<1x80xi32, #tpu.memory_space<vmem>> -> memref<80xi32, #tpu.memory_space<vmem>>
    %dma_wait3A_693 = arith.constant 0 : i32
    %dma_wait3A_694 = arith.constant 0 : i32
    %dma_wait3A_695 = tpu.memref_slice %arg10[%dma_wait3A_693, %dma_wait3A_694] : memref<10240x16xf32, #tpu.memory_space<vmem_shared>> -> memref<10240x16xf32, #tpu.memory_space<vmem_shared>>
    tpu.wait_indirect_dma semaphore(%arg23 : memref<!tpu.dma_semaphore, #tpu.memory_space<semaphore_mem>>) src(%dma_wait3A_689 : memref<80x16xf32, #tpu.memory_space<vmem>>) dst(%dma_wait3A_695 : memref<10240x16xf32, #tpu.memory_space<vmem_shared>>)
    %dma_wait3A_696 = arith.constant 2 : i32
    %dma_wait3A_697 = arith.constant 122 : i32
    %dma_wait3A_698 = arith.constant 0 : i32
    %dma_wait3A_699 = arith.constant 0 : i32
    %dma_wait3A_700 = tpu.memref_slice %arg9[%dma_wait3A_696, %dma_wait3A_698, %dma_wait3A_699] : memref<10x80x16xf32, #tpu.memory_space<vmem>> -> memref<1x80x16xf32, #tpu.memory_space<vmem>>
    %dma_wait3A_701 = tpu.memref_squeeze %dma_wait3A_700 : memref<1x80x16xf32, #tpu.memory_space<vmem>> -> memref<80x16xf32, #tpu.memory_space<vmem>>
    %dma_wait3A_702 = arith.constant 0 : i32
    %dma_wait3A_703 = tpu.memref_slice %arg8[%dma_wait3A_697, %dma_wait3A_702] : memref<125x80xi32, #tpu.memory_space<vmem>> -> memref<1x80xi32, #tpu.memory_space<vmem>>
    %dma_wait3A_704 = tpu.memref_squeeze %dma_wait3A_703 : memref<1x80xi32, #tpu.memory_space<vmem>> -> memref<80xi32, #tpu.memory_space<vmem>>
    %dma_wait3A_705 = arith.constant 0 : i32
    %dma_wait3A_706 = arith.constant 0 : i32
    %dma_wait3A_707 = tpu.memref_slice %arg10[%dma_wait3A_705, %dma_wait3A_706] : memref<10240x16xf32, #tpu.memory_space<vmem_shared>> -> memref<10240x16xf32, #tpu.memory_space<vmem_shared>>
    tpu.wait_indirect_dma semaphore(%arg24 : memref<!tpu.dma_semaphore, #tpu.memory_space<semaphore_mem>>) src(%dma_wait3A_701 : memref<80x16xf32, #tpu.memory_space<vmem>>) dst(%dma_wait3A_707 : memref<10240x16xf32, #tpu.memory_space<vmem_shared>>)
    %dma_wait3A_708 = arith.constant 3 : i32
    %dma_wait3A_709 = arith.constant 123 : i32
    %dma_wait3A_710 = arith.constant 0 : i32
    %dma_wait3A_711 = arith.constant 0 : i32
    %dma_wait3A_712 = tpu.memref_slice %arg9[%dma_wait3A_708, %dma_wait3A_710, %dma_wait3A_711] : memref<10x80x16xf32, #tpu.memory_space<vmem>> -> memref<1x80x16xf32, #tpu.memory_space<vmem>>
    %dma_wait3A_713 = tpu.memref_squeeze %dma_wait3A_712 : memref<1x80x16xf32, #tpu.memory_space<vmem>> -> memref<80x16xf32, #tpu.memory_space<vmem>>
    %dma_wait3A_714 = arith.constant 0 : i32
    %dma_wait3A_715 = tpu.memref_slice %arg8[%dma_wait3A_709, %dma_wait3A_714] : memref<125x80xi32, #tpu.memory_space<vmem>> -> memref<1x80xi32, #tpu.memory_space<vmem>>
    %dma_wait3A_716 = tpu.memref_squeeze %dma_wait3A_715 : memref<1x80xi32, #tpu.memory_space<vmem>> -> memref<80xi32, #tpu.memory_space<vmem>>
    %dma_wait3A_717 = arith.constant 0 : i32
    %dma_wait3A_718 = arith.constant 0 : i32
    %dma_wait3A_719 = tpu.memref_slice %arg10[%dma_wait3A_717, %dma_wait3A_718] : memref<10240x16xf32, #tpu.memory_space<vmem_shared>> -> memref<10240x16xf32, #tpu.memory_space<vmem_shared>>
    tpu.wait_indirect_dma semaphore(%arg25 : memref<!tpu.dma_semaphore, #tpu.memory_space<semaphore_mem>>) src(%dma_wait3A_713 : memref<80x16xf32, #tpu.memory_space<vmem>>) dst(%dma_wait3A_719 : memref<10240x16xf32, #tpu.memory_space<vmem_shared>>)
    %dma_wait3A_720 = arith.constant 4 : i32
    %dma_wait3A_721 = arith.constant 124 : i32
    %dma_wait3A_722 = arith.constant 0 : i32
    %dma_wait3A_723 = arith.constant 0 : i32
    %dma_wait3A_724 = tpu.memref_slice %arg9[%dma_wait3A_720, %dma_wait3A_722, %dma_wait3A_723] : memref<10x80x16xf32, #tpu.memory_space<vmem>> -> memref<1x80x16xf32, #tpu.memory_space<vmem>>
    %dma_wait3A_725 = tpu.memref_squeeze %dma_wait3A_724 : memref<1x80x16xf32, #tpu.memory_space<vmem>> -> memref<80x16xf32, #tpu.memory_space<vmem>>
    %dma_wait3A_726 = arith.constant 0 : i32
    %dma_wait3A_727 = tpu.memref_slice %arg8[%dma_wait3A_721, %dma_wait3A_726] : memref<125x80xi32, #tpu.memory_space<vmem>> -> memref<1x80xi32, #tpu.memory_space<vmem>>
    %dma_wait3A_728 = tpu.memref_squeeze %dma_wait3A_727 : memref<1x80xi32, #tpu.memory_space<vmem>> -> memref<80xi32, #tpu.memory_space<vmem>>
    %dma_wait3A_729 = arith.constant 0 : i32
    %dma_wait3A_730 = arith.constant 0 : i32
    %dma_wait3A_731 = tpu.memref_slice %arg10[%dma_wait3A_729, %dma_wait3A_730] : memref<10240x16xf32, #tpu.memory_space<vmem_shared>> -> memref<10240x16xf32, #tpu.memory_space<vmem_shared>>
    tpu.wait_indirect_dma semaphore(%arg26 : memref<!tpu.dma_semaphore, #tpu.memory_space<semaphore_mem>>) src(%dma_wait3A_725 : memref<80x16xf32, #tpu.memory_space<vmem>>) dst(%dma_wait3A_731 : memref<10240x16xf32, #tpu.memory_space<vmem_shared>>)
    %barrier3A_732 = arith.constant 0 : index
    tpu.barrier barrier_id(%barrier3A_732)
    %mul3A_733 = arith.constant 640 : i32
    %mul3A_734 = arith.muli %arg1, %mul3A_733 : i32
    %mul3A_735 = arith.constant 640 : i32
    %mul3A_736 = arith.muli %arg1, %mul3A_735 : i32
    "tpu.region"() ({
      %run_scoped3A = tpu.sem_alloc : memref<!tpu.dma_semaphore, #tpu.memory_space<semaphore_mem>>
      %dma_start3A_737 = arith.constant 0 : i32
      %dma_start3A_738 = tpu.memref_slice %arg6[%arg0, %mul3A_736, %dma_start3A_737] : memref<2x10240x16xf32, #tpu.memory_space<hbm>> -> memref<1x640x16xf32, #tpu.memory_space<hbm>>
      %dma_start3A_739 = tpu.memref_squeeze %dma_start3A_738 : memref<1x640x16xf32, #tpu.memory_space<hbm>> -> memref<640x16xf32, #tpu.memory_space<hbm>>
      %dma_start3A_740 = arith.constant 0 : i32
      %dma_start3A_741 = tpu.memref_slice %arg10[%mul3A_734, %dma_start3A_740] : memref<10240x16xf32, #tpu.memory_space<vmem_shared>> -> memref<640x16xf32, #tpu.memory_space<vmem_shared>>
      tpu.enqueue_dma source(%dma_start3A_741 : memref<640x16xf32, #tpu.memory_space<vmem_shared>>) target(%dma_start3A_739 : memref<640x16xf32, #tpu.memory_space<hbm>>) target_semaphore(%run_scoped3A : memref<!tpu.dma_semaphore, #tpu.memory_space<semaphore_mem>>)
      %dma_wait3A_742 = arith.constant 0 : i32
      %dma_wait3A_743 = tpu.memref_slice %arg6[%arg0, %mul3A_736, %dma_wait3A_742] : memref<2x10240x16xf32, #tpu.memory_space<hbm>> -> memref<1x640x16xf32, #tpu.memory_space<hbm>>
      %dma_wait3A_744 = tpu.memref_squeeze %dma_wait3A_743 : memref<1x640x16xf32, #tpu.memory_space<hbm>> -> memref<640x16xf32, #tpu.memory_space<hbm>>
      %dma_wait3A_745 = arith.constant 0 : i32
      %dma_wait3A_746 = tpu.memref_slice %arg10[%mul3A_734, %dma_wait3A_745] : memref<10240x16xf32, #tpu.memory_space<vmem_shared>> -> memref<640x16xf32, #tpu.memory_space<vmem_shared>>
      tpu.wait_dma2 semaphore(%run_scoped3A : memref<!tpu.dma_semaphore, #tpu.memory_space<semaphore_mem>>) src(%dma_wait3A_746 : memref<640x16xf32, #tpu.memory_space<vmem_shared>>) dst(%dma_wait3A_744 : memref<640x16xf32, #tpu.memory_space<hbm>>)
      tpu.yield
    }) : () -> ()
    return
  }
}

module attributes {stable_mosaic.version = 14 : i64} {
  func.func @body(%arg0: i32, %arg1: memref<1024x128xf32, #tpu.memory_space<vmem>>, %arg2: memref<128x32xf32, #tpu.memory_space<vmem>>, %arg3: memref<32x16xf32, #tpu.memory_space<vmem>>, %arg4: memref<32x1024xf32, #tpu.memory_space<vmem>>, %arg5: memref<1024x16xf32, #tpu.memory_space<vmem>>, %arg6: memref<1024x16xf32, #tpu.memory_space<vmem>>) attributes {dimension_semantics = [#tpu.dimension_semantics<arbitrary>], iteration_bounds = array<i64: 10>, scalar_prefetch = 0 : i64, scratch_operands = 0 : i64, tpu.core_type = #tpu.core_type<tc>, window_params = [{transform_indices = @transform_0, window_bounds = array<i64: 1024, 128>}, {pipeline_mode = #tpu.pipeline_mode<synchronous>, transform_indices = @transform_1, window_bounds = array<i64: 128, 32>}, {pipeline_mode = #tpu.pipeline_mode<synchronous>, transform_indices = @transform_2, window_bounds = array<i64: 32, 16>}, {transform_indices = @transform_3, window_bounds = array<i64: 32, 1024>}, {transform_indices = @transform_4, window_bounds = array<i64: 1024, 16>}, {transform_indices = @transform_5, window_bounds = array<i64: 1024, 16>}]} {
    %get3A = arith.constant 0 : index
    %get3A_0 = arith.constant 0 : index
    %get3A_1 = vector.load %arg2[%get3A, %get3A_0] : memref<128x32xf32, #tpu.memory_space<vmem>>, vector<128x32xf32>
    %get3A_2 = arith.constant 0 : index
    %get3A_3 = arith.constant 0 : index
    %get3A_4 = vector.load %arg3[%get3A_2, %get3A_3] : memref<32x16xf32, #tpu.memory_space<vmem>>, vector<32x16xf32>
    %dot_general3A = arith.constant dense<0.000000e+00> : vector<128x16xf32>
    %dot_general3A_5 = tpu.matmul %get3A_1, %get3A_4, %dot_general3A {dimension_numbers = #tpu.dot_dimension_numbers<[1], [0], [0], [1], [0, 0, 1, 1], [], []>, transpose_lhs_hint = false} : vector<128x32xf32>, vector<32x16xf32>, vector<128x16xf32> -> vector<128x16xf32>
    %get3A_6 = arith.constant 0 : index
    %get3A_7 = arith.constant 0 : index
    %get3A_8 = vector.load %arg1[%get3A_6, %get3A_7] : memref<1024x128xf32, #tpu.memory_space<vmem>>, vector<1024x128xf32>
    %dot_general3A_9 = arith.constant dense<0.000000e+00> : vector<1024x16xf32>
    %dot_general3A_10 = tpu.matmul %get3A_8, %dot_general3A_5, %dot_general3A_9 {dimension_numbers = #tpu.dot_dimension_numbers<[1], [0], [0], [1], [0, 0, 1, 1], [], []>, transpose_lhs_hint = false} : vector<1024x128xf32>, vector<128x16xf32>, vector<1024x16xf32> -> vector<1024x16xf32>
    %get3A_11 = arith.constant 0 : index
    %get3A_12 = arith.constant 0 : index
    %get3A_13 = vector.load %arg4[%get3A_11, %get3A_12] : memref<32x1024xf32, #tpu.memory_space<vmem>>, vector<32x1024xf32>
    %reduce_sum3A = arith.constant dense<0.000000e+00> : vector<1024xf32>
    %reduce_sum3A_14 = vector.multi_reduction <add>, %get3A_13, %reduce_sum3A [0] : vector<32x1024xf32> to vector<1024xf32>
    %add3A = arith.constant 1.000000e+00 : f32
    %add3A_15 = vector.broadcast %add3A : f32 to vector<1024xf32>
    %add3A_16 = arith.addf %add3A_15, %reduce_sum3A_14 : vector<1024xf32>
    %rsqrt3A = math.rsqrt %add3A_16 : vector<1024xf32>
    %broadcast_in_dim3A = vector.shape_cast %rsqrt3A : vector<1024xf32> to vector<1024x1xf32>
    %mul3A = vector.broadcast %broadcast_in_dim3A : vector<1024x1xf32> to vector<1024x16xf32>
    %mul3A_17 = arith.mulf %dot_general3A_10, %mul3A : vector<1024x16xf32>
    %swap3A = arith.constant 0 : index
    %swap3A_18 = arith.constant 0 : index
    %swap3A_19 = vector.load %arg5[%swap3A, %swap3A_18] : memref<1024x16xf32, #tpu.memory_space<vmem>>, vector<1024x16xf32>
    tpu.vector_store %arg5[%swap3A, %swap3A_18], %mul3A_17 {strides = array<i32>} : memref<1024x16xf32, #tpu.memory_space<vmem>>, vector<1024x16xf32>,
    %broadcast_in_dim3A_20 = vector.shape_cast %rsqrt3A : vector<1024xf32> to vector<1024x1xf32>
    %broadcast_in_dim3A_21 = vector.shape_cast %broadcast_in_dim3A_20 : vector<1024x1xf32> to vector<1024x1xf32>
    %broadcast_in_dim3A_22 = vector.broadcast %broadcast_in_dim3A_21 : vector<1024x1xf32> to vector<1024x16xf32>
    %swap3A_23 = arith.constant 0 : index
    %swap3A_24 = arith.constant 0 : index
    %swap3A_25 = vector.load %arg6[%swap3A_23, %swap3A_24] : memref<1024x16xf32, #tpu.memory_space<vmem>>, vector<1024x16xf32>
    tpu.vector_store %arg6[%swap3A_23, %swap3A_24], %broadcast_in_dim3A_22 {strides = array<i32>} : memref<1024x16xf32, #tpu.memory_space<vmem>>, vector<1024x16xf32>,
    return
  }
  func.func @transform_0(%arg0: i32) -> (i32, i32) {
    %c0_i32 = arith.constant 0 : i32
    %c0_i32_0 = arith.constant 0 : i32
    return %arg0, %c0_i32 : i32, i32
  }
  func.func @transform_1(%arg0: i32) -> (i32, i32) {
    %c0_i32 = arith.constant 0 : i32
    %c0_i32_0 = arith.constant 0 : i32
    %c0_i32_1 = arith.constant 0 : i32
    return %c0_i32, %c0_i32_0 : i32, i32
  }
  func.func @transform_2(%arg0: i32) -> (i32, i32) {
    %c0_i32 = arith.constant 0 : i32
    %c0_i32_0 = arith.constant 0 : i32
    %c0_i32_1 = arith.constant 0 : i32
    return %c0_i32, %c0_i32_0 : i32, i32
  }
  func.func @transform_3(%arg0: i32) -> (i32, i32) {
    %c0_i32 = arith.constant 0 : i32
    %c0_i32_0 = arith.constant 0 : i32
    return %c0_i32, %arg0 : i32, i32
  }
  func.func @transform_4(%arg0: i32) -> (i32, i32) {
    %c0_i32 = arith.constant 0 : i32
    %c0_i32_0 = arith.constant 0 : i32
    return %arg0, %c0_i32 : i32, i32
  }
  func.func @transform_5(%arg0: i32) -> (i32, i32) {
    %c0_i32 = arith.constant 0 : i32
    %c0_i32_0 = arith.constant 0 : i32
    return %arg0, %c0_i32 : i32, i32
  }
}

module attributes {stable_mosaic.version = 14 : i64} {
  func.func @body(%arg0: i32, %arg1: memref<2x1024x16xf32, #tpu.memory_space<vmem>>, %arg2: memref<1024x16xf32, #tpu.memory_space<vmem>>, %arg3: memref<1024x16xf32, #tpu.memory_space<vmem>>, %arg4: memref<1024x16xf32, #tpu.memory_space<vmem>>) attributes {dimension_semantics = [#tpu.dimension_semantics<arbitrary>], iteration_bounds = array<i64: 10>, scalar_prefetch = 0 : i64, scratch_operands = 0 : i64, tpu.core_type = #tpu.core_type<tc>, window_params = [{transform_indices = @transform_0, window_bounds = array<i64: 2, 1024, 16>}, {transform_indices = @transform_1, window_bounds = array<i64: 1024, 16>}, {transform_indices = @transform_2, window_bounds = array<i64: 1024, 16>}, {transform_indices = @transform_3, window_bounds = array<i64: 1024, 16>}]} {
    %get3A = arith.constant 0 : index
    %get3A_0 = arith.constant 0 : index
    %get3A_1 = vector.load %arg3[%get3A, %get3A_0] : memref<1024x16xf32, #tpu.memory_space<vmem>>, vector<1024x16xf32>
    %mul3A = arith.mulf %get3A_1, %get3A_1 : vector<1024x16xf32>
    %get3A_2 = arith.constant 0 : index
    %get3A_3 = arith.constant 0 : index
    %get3A_4 = arith.constant 0 : index
    %get3A_5 = vector.load %arg1[%get3A_2, %get3A_3, %get3A_4] : memref<2x1024x16xf32, #tpu.memory_space<vmem>>, vector<1x1024x16xf32>
    %get3A_6 = vector.shape_cast %get3A_5 : vector<1x1024x16xf32> to vector<1024x16xf32>
    %get3A_7 = arith.constant 1 : index
    %get3A_8 = arith.constant 0 : index
    %get3A_9 = arith.constant 0 : index
    %get3A_10 = vector.load %arg1[%get3A_7, %get3A_8, %get3A_9] : memref<2x1024x16xf32, #tpu.memory_space<vmem>>, vector<1x1024x16xf32>
    %get3A_11 = vector.shape_cast %get3A_10 : vector<1x1024x16xf32> to vector<1024x16xf32>
    %add3A = arith.addf %get3A_6, %get3A_11 : vector<1024x16xf32>
    %get3A_12 = arith.constant 0 : index
    %get3A_13 = arith.constant 0 : index
    %get3A_14 = vector.load %arg2[%get3A_12, %get3A_13] : memref<1024x16xf32, #tpu.memory_space<vmem>>, vector<1024x16xf32>
    %add3A_15 = arith.addf %add3A, %get3A_14 : vector<1024x16xf32>
    %mul3A_16 = arith.mulf %add3A_15, %mul3A : vector<1024x16xf32>
    %swap3A = arith.constant 0 : index
    %swap3A_17 = arith.constant 0 : index
    %swap3A_18 = vector.load %arg4[%swap3A, %swap3A_17] : memref<1024x16xf32, #tpu.memory_space<vmem>>, vector<1024x16xf32>
    tpu.vector_store %arg4[%swap3A, %swap3A_17], %mul3A_16 {strides = array<i32>} : memref<1024x16xf32, #tpu.memory_space<vmem>>, vector<1024x16xf32>,
    return
  }
  func.func @transform_0(%arg0: i32) -> (i32, i32, i32) {
    %c0_i32 = arith.constant 0 : i32
    %c0_i32_0 = arith.constant 0 : i32
    %c0_i32_1 = arith.constant 0 : i32
    return %c0_i32, %arg0, %c0_i32_0 : i32, i32, i32
  }
  func.func @transform_1(%arg0: i32) -> (i32, i32) {
    %c0_i32 = arith.constant 0 : i32
    %c0_i32_0 = arith.constant 0 : i32
    return %arg0, %c0_i32 : i32, i32
  }
  func.func @transform_2(%arg0: i32) -> (i32, i32) {
    %c0_i32 = arith.constant 0 : i32
    %c0_i32_0 = arith.constant 0 : i32
    return %arg0, %c0_i32 : i32, i32
  }
  func.func @transform_3(%arg0: i32) -> (i32, i32) {
    %c0_i32 = arith.constant 0 : i32
    %c0_i32_0 = arith.constant 0 : i32
    return %arg0, %c0_i32 : i32, i32
  }
}

module attributes {stable_mosaic.version = 14 : i64} {
  func.func @body(%arg0: i32, %arg1: memref<2x10240x16xf32, #tpu.memory_space<vmem>>, %arg2: memref<10240x16xf32, #tpu.memory_space<vmem>>, %arg3: memref<10240x16xf32, #tpu.memory_space<vmem>>, %arg4: memref<400x10000xf32, #tpu.memory_space<vmem>>, %arg5: memref<10240x16xf32, #tpu.memory_space<vmem>>, %arg6: memref<10240x16xf32, #tpu.memory_space<vmem>>) attributes {dimension_semantics = [#tpu.dimension_semantics<arbitrary>], iteration_bounds = array<i64: 25>, scalar_prefetch = 0 : i64, scratch_operands = 1 : i64, tpu.core_type = #tpu.core_type<tc>, window_params = [{pipeline_mode = #tpu.pipeline_mode<synchronous>, transform_indices = @transform_0, window_bounds = array<i64: 2, 10240, 16>}, {pipeline_mode = #tpu.pipeline_mode<synchronous>, transform_indices = @transform_1, window_bounds = array<i64: 10240, 16>}, {pipeline_mode = #tpu.pipeline_mode<synchronous>, transform_indices = @transform_2, window_bounds = array<i64: 10240, 16>}, {transform_indices = @transform_3, window_bounds = array<i64: 400, 10000>}, {pipeline_mode = #tpu.pipeline_mode<synchronous>, transform_indices = @transform_4, window_bounds = array<i64: 10240, 16>}]} {
    %eq3A = arith.constant 0 : i32
    %eq3A_0 = arith.cmpi eq, %arg0, %eq3A : i32
    %convert_element_type3A = arith.extui %eq3A_0 : i1 to i32
    %cond3A = arith.constant 0 : i32
    %cond3A_1 = arith.cmpi ne, %convert_element_type3A, %cond3A : i32
    scf.if %cond3A_1 {
      %get3A_19 = arith.constant 0 : index
      %get3A_20 = arith.constant 0 : index
      %get3A_21 = arith.constant 0 : index
      %get3A_22 = vector.load %arg1[%get3A_19, %get3A_20, %get3A_21] : memref<2x10240x16xf32, #tpu.memory_space<vmem>>, vector<1x10240x16xf32>
      %get3A_23 = vector.shape_cast %get3A_22 : vector<1x10240x16xf32> to vector<10240x16xf32>
      %get3A_24 = arith.constant 1 : index
      %get3A_25 = arith.constant 0 : index
      %get3A_26 = arith.constant 0 : index
      %get3A_27 = vector.load %arg1[%get3A_24, %get3A_25, %get3A_26] : memref<2x10240x16xf32, #tpu.memory_space<vmem>>, vector<1x10240x16xf32>
      %get3A_28 = vector.shape_cast %get3A_27 : vector<1x10240x16xf32> to vector<10240x16xf32>
      %add3A_29 = arith.addf %get3A_23, %get3A_28 : vector<10240x16xf32>
      %get3A_30 = arith.constant 0 : index
      %get3A_31 = arith.constant 0 : index
      %get3A_32 = vector.load %arg2[%get3A_30, %get3A_31] : memref<10240x16xf32, #tpu.memory_space<vmem>>, vector<10240x16xf32>
      %add3A_33 = arith.addf %add3A_29, %get3A_32 : vector<10240x16xf32>
      %get3A_34 = arith.constant 0 : index
      %get3A_35 = arith.constant 0 : index
      %get3A_36 = vector.load %arg3[%get3A_34, %get3A_35] : memref<10240x16xf32, #tpu.memory_space<vmem>>, vector<10240x16xf32>
      %mul3A_37 = arith.mulf %add3A_33, %get3A_36 : vector<10240x16xf32>
      %swap3A_38 = arith.constant 0 : index
      %swap3A_39 = arith.constant 0 : index
      %swap3A_40 = vector.load %arg6[%swap3A_38, %swap3A_39] : memref<10240x16xf32, #tpu.memory_space<vmem>>, vector<10240x16xf32>
      tpu.vector_store %arg6[%swap3A_38, %swap3A_39], %mul3A_37 {strides = array<i32>} : memref<10240x16xf32, #tpu.memory_space<vmem>>, vector<10240x16xf32>,
      %swap3A_41 = arith.constant 0 : index
      %swap3A_42 = arith.constant 0 : index
      %swap3A_43 = vector.load %arg5[%swap3A_41, %swap3A_42] : memref<10240x16xf32, #tpu.memory_space<vmem>>, vector<10240x16xf32>
      tpu.vector_store %arg5[%swap3A_41, %swap3A_42], %mul3A_37 {strides = array<i32>} : memref<10240x16xf32, #tpu.memory_space<vmem>>, vector<10240x16xf32>,
    } else {
    }
    %mul3A = arith.constant 400 : i32
    %mul3A_2 = arith.muli %arg0, %mul3A : i32
    %get3A = arith.index_cast %mul3A_2 : i32 to index
    %get3A_3 = arith.constant 0 : index
    %get3A_4 = vector.load %arg6[%get3A, %get3A_3] : memref<10240x16xf32, #tpu.memory_space<vmem>>, vector<400x16xf32>
    %get3A_5 = arith.constant 0 : index
    %get3A_6 = arith.constant 0 : index
    %get3A_7 = vector.load %arg6[%get3A_5, %get3A_6] : memref<10240x16xf32, #tpu.memory_space<vmem>>, vector<10000x16xf32>
    %dot_general3A = arith.constant dense<0.000000e+00> : vector<400x10000xf32>
    %dot_general3A_8 = tpu.matmul %get3A_4, %get3A_7, %dot_general3A {dimension_numbers = #tpu.dot_dimension_numbers<[1], [1], [0], [0], [0, 0, 1, 0], [], []>, transpose_lhs_hint = false} : vector<400x16xf32>, vector<10000x16xf32>, vector<400x10000xf32> -> vector<400x10000xf32>
    %mul3A_9 = arith.constant 5.000000e-01 : f32
    %mul3A_10 = vector.broadcast %mul3A_9 : f32 to vector<400x10000xf32>
    %mul3A_11 = arith.mulf %mul3A_10, %dot_general3A_8 : vector<400x10000xf32>
    %tanh3A = math.tanh %mul3A_11 : vector<400x10000xf32>
    %mul3A_12 = arith.constant 5.000000e-01 : f32
    %mul3A_13 = vector.broadcast %mul3A_12 : f32 to vector<400x10000xf32>
    %mul3A_14 = arith.mulf %mul3A_13, %tanh3A : vector<400x10000xf32>
    %add3A = arith.constant 5.000000e-01 : f32
    %add3A_15 = vector.broadcast %add3A : f32 to vector<400x10000xf32>
    %add3A_16 = arith.addf %add3A_15, %mul3A_14 : vector<400x10000xf32>
    %swap3A = arith.constant 0 : index
    %swap3A_17 = arith.constant 0 : index
    %swap3A_18 = vector.load %arg4[%swap3A, %swap3A_17] : memref<400x10000xf32, #tpu.memory_space<vmem>>, vector<400x10000xf32>
    tpu.vector_store %arg4[%swap3A, %swap3A_17], %add3A_16 {strides = array<i32>} : memref<400x10000xf32, #tpu.memory_space<vmem>>, vector<400x10000xf32>,
    return
  }
  func.func @transform_0(%arg0: i32) -> (i32, i32, i32) {
    %c0_i32 = arith.constant 0 : i32
    %c0_i32_0 = arith.constant 0 : i32
    %c0_i32_1 = arith.constant 0 : i32
    %c0_i32_2 = arith.constant 0 : i32
    return %c0_i32, %c0_i32_0, %c0_i32_1 : i32, i32, i32
  }
  func.func @transform_1(%arg0: i32) -> (i32, i32) {
    %c0_i32 = arith.constant 0 : i32
    %c0_i32_0 = arith.constant 0 : i32
    %c0_i32_1 = arith.constant 0 : i32
    return %c0_i32, %c0_i32_0 : i32, i32
  }
  func.func @transform_2(%arg0: i32) -> (i32, i32) {
    %c0_i32 = arith.constant 0 : i32
    %c0_i32_0 = arith.constant 0 : i32
    %c0_i32_1 = arith.constant 0 : i32
    return %c0_i32, %c0_i32_0 : i32, i32
  }
  func.func @transform_3(%arg0: i32) -> (i32, i32) {
    %c0_i32 = arith.constant 0 : i32
    %c0_i32_0 = arith.constant 0 : i32
    return %arg0, %c0_i32 : i32, i32
  }
  func.func @transform_4(%arg0: i32) -> (i32, i32) {
    %c0_i32 = arith.constant 0 : i32
    %c0_i32_0 = arith.constant 0 : i32
    %c0_i32_1 = arith.constant 0 : i32
    return %c0_i32, %c0_i32_0 : i32, i32
  }
}

</mosaic_0001>

<sc_bundles>
// kernel: kernel.11.cloned.1.call-start
scs
__scs_entry_jumppad:
0x0: {  	(pc) =	sbr.rel $0x88, $3  }
0x1: {  	(tag) =	ssettag $0x0;
	lr =	simm.s32 $0x1  }
0x2: {  	[smem:$0x3F9D] =	sst lr;
	_ =	strace $0xD0000000  }
0x3: {  	_ = 	snop  }
0x4: {  	_ = 	snop  }
0x5: {  	_ = 	snop  }
0x6: {  	_ = 	snop  }
0x7: {  	_ = 	snop  }
__scs_overlays_trampoline_lowered:
0x8: {  	[smem:$0x3FAC] =	sst s0  }
0x9: {  	[smem:$0x3FAD] =	sst s1  }
0xa: {  	[smem:$0x3FAE] =	sst s2  }
0xb: {  	[smem:$0x3FAF] =	sst s3  }
0xc: {  	[smem:$0x3FB0] =	sst s4  }
0xd: {  	[smem:$0x3FB1] =	sst s5  }
0xe: {  	[smem:$0x3FB2] =	sst s6  }
0xf: {  	[smem:$0x3FB3] =	sst s7  }
0x10: {  	[smem:$0x3FB4] =	sst s8  }
0x11: {  	[smem:$0x3FB5] =	sst s9;
	s0 =	simm.s32 @!p0 $0x0  }
0x12: {  	s1 =	sld [smem:$0x3F9B];
	s0 =	simm.s32 @p0 $0x1  }
0x13: {  	[smem:$0x3FB6] =	sst s0;
	s0 =	simm.s32 @!p1 $0x0  }
0x14: {  	s2 =	sld [smem:$0x3F9A];
	s0 =	simm.s32 @p1 $0x1  }
0x15: {  	[smem:$0x3FB7] =	sst s0;
	s0 =	simm.s32 @!p2 $0x0  }
0x16: {  	s3 =	sld [smem:$0x3FDB];
	s0 =	simm.s32 @p2 $0x1  }
0x17: {  	s4 =	simm.s32 $0x1BF5;
	[smem:$0x3FB9] =	sst s0  }
0x18: {  	s0 =	sld [smem:$0x3F9C];
	_ =	swait.ge [sflag:s4], $0x0  }
0x19: {  	s7 =	sld [smem:$0x3F9D]  }
0x1a: {  	s8 =	sadd.s32 $0xFFFFE003, lr  }
0x1b: {  	s9 =	sadd.s32 $0xFFFFFEF7, lr;
	s5 =	simm.s32 $0xFFFFFFFF;
	p2 =	slt.u32 s8, $0xFFFFF086  }
0x1c: {  	p1 =	slt.u32 s9, $0xF7A;
	s5 =	simm.s32 @!p2 $0x0  }
0x1d: {  	s5 =	simm.s32 @p1 $0x1;
	p0 =	seq.s32 s7, s2  }
0x1e: {  	s7 =	smul.u32 @!p0 $0xF7A, s2;
	p2 =	seq.s32 @!p0 s5, $0x0  }
0x1f: {  	s9 =	smul.u32 $0xF7A, s1;
	s8 =	simm.s32 @!p0 $0x1BF5;
	p2 =	por !p2, p0  }
0x20: {  	[sflag:s8] =	ssyncset.s32 @!p0 $0xFFFFF086;
	s6 =	sadd.s32 @!p0 s3, s7;
	s7 =	simm.s32 @!p0 $0x108  }
0x21: {  	s3 =	sadd.s32 s3, s9;
	s6 =	sadd.s32 @!p0 $0x88, s6;
	s7 =	simm.s32 @p2 $0x1082  }
0x22: {  	[simem:s7], [sflag:s8] =	dma.local @!p0 [hbm:s6], $0xF7A  }
0x23: {  	s9 =	sor.u32 $0xD0000000, s2;
	s6 =	simm.s32 $0x108;
	_ =	swait.ge @!p0 [sflag:s8], $0x0  }
0x24: {  	s3 =	sadd.s32 $0x88, s3;
	s6 =	simm.s32 @!p1 $0x1082;
	[sflag:s4] =	ssyncset.s32 $0xFFFFF086  }
0x25: {  	[simem:s6], [sflag:s4] =	dma.local [hbm:s3], $0xF7A  }
0x26: {  	[smem:$0x3F9D] =	sst s1;
	(tag) =	ssettag s2;
	_ =	strace s9  }
0x27: {  	s1 =	sld [smem:$0x3FAD]  }
0x28: {  	s2 =	sld [smem:$0x3FAE]  }
0x29: {  	s4 =	sld [smem:$0x3FB0]  }
0x2a: {  	p0 =	seq.s32 s5, $0x0;
	s5 =	sld [smem:$0x3FB1]  }
0x2b: {  	s6 =	sld [smem:$0x3FB2]  }
0x2c: {  	s7 =	sld [smem:$0x3FB3]  }
0x2d: {  	s3 =	simm.s32 $0x108;
	s8 =	sld [smem:$0x3FB4]  }
0x2e: {  	s3 =	simm.s32 @!p0 $0x1082;
	s9 =	sld [smem:$0x3FB5]  }
0x2f: {  	lr =	sadd.s32 s0, s3;
	s0 =	sld [smem:$0x3FAC]  }
0x30: {  	s3 =	sld [smem:$0x3FAF]  }
0x31: {  	[smem:$0x3FB8] =	sst s10  }
0x32: {  	s10 =	sld [smem:$0x3FB6];
	_ =	sdelay $0x3  }
0x33: {  	p0 =	seq.s32 s10, $0x1;
	s10 =	sld [smem:$0x3FB8];
	_ =	sdelay $0x3  }
0x34: {  	[smem:$0x3FB8] =	sst s10  }
0x35: {  	s10 =	sld [smem:$0x3FB7];
	_ =	sdelay $0x3  }
0x36: {  	p1 =	seq.s32 s10, $0x1;
	s10 =	sld [smem:$0x3FB8];
	_ =	sdelay $0x3  }
0x37: {  	[smem:$0x3FB8] =	sst s10  }
0x38: {  	s10 =	sld [smem:$0x3FB9]  }
0x39: {  	_ = 	snop;
	(pc) =	sbr.ind lr, $3  }
0x3a: {  	_ = 	snop  }
0x3b: {  	_ = 	snop  }
0x3c: {  	p2 =	seq.s32 s10, $0x1;
	s10 =	sld [smem:$0x3FB8]  }
0x3d: {  	_ =	shalt  }
0x3e: {  	_ =	shalt  }
0x3f: {  	_ =	shalt  }
0x40: {  	_ =	shalt  }
0x41: {  	_ =	shalt  }
0x42: {  	_ =	shalt  }
0x43: {  	_ =	shalt  }
0x44: {  	_ =	shalt  }
0x45: {  	_ =	shalt  }
0x46: {  	_ =	shalt  }
0x47: {  	_ =	shalt  }
0x48: {  	_ =	shalt  }
0x49: {  	_ =	shalt  }
0x4a: {  	_ =	shalt  }
0x4b: {  	_ =	shalt  }
0x4c: {  	_ =	shalt  }
0x4d: {  	_ =	shalt  }
0x4e: {  	_ =	shalt  }
0x4f: {  	_ =	shalt  }
0x50: {  	_ =	shalt  }
0x51: {  	_ =	shalt  }
0x52: {  	_ =	shalt  }
0x53: {  	_ =	shalt  }
0x54: {  	_ =	shalt  }
0x55: {  	_ =	shalt  }
0x56: {  	_ =	shalt  }
0x57: {  	_ =	shalt  }
0x58: {  	_ =	shalt  }
0x59: {  	_ =	shalt  }
0x5a: {  	_ =	shalt  }
0x5b: {  	_ =	shalt  }
0x5c: {  	_ =	shalt  }
0x5d: {  	_ =	shalt  }
0x5e: {  	_ =	shalt  }
0x5f: {  	_ =	shalt  }
0x60: {  	_ =	shalt  }
0x61: {  	_ =	shalt  }
0x62: {  	_ =	shalt  }
0x63: {  	_ =	shalt  }
0x64: {  	_ =	shalt  }
0x65: {  	_ =	shalt  }
0x66: {  	_ =	shalt  }
0x67: {  	_ =	shalt  }
0x68: {  	_ =	shalt  }
0x69: {  	_ =	shalt  }
0x6a: {  	_ =	shalt  }
0x6b: {  	_ =	shalt  }
0x6c: {  	_ =	shalt  }
0x6d: {  	_ =	shalt  }
0x6e: {  	_ =	shalt  }
0x6f: {  	_ =	shalt  }
0x70: {  	_ =	shalt  }
0x71: {  	_ =	shalt  }
0x72: {  	_ =	shalt  }
0x73: {  	_ =	shalt  }
0x74: {  	_ =	shalt  }
0x75: {  	_ =	shalt  }
0x76: {  	_ =	shalt  }
0x77: {  	_ =	shalt  }
0x78: {  	_ =	shalt  }
0x79: {  	_ =	shalt  }
0x7a: {  	_ =	shalt  }
0x7b: {  	_ =	shalt  }
0x7c: {  	_ =	shalt  }
0x7d: {  	_ =	shalt  }
0x7e: {  	_ =	shalt  }
0x7f: {  	_ =	shalt  }
0x80: {  	_ =	shalt  }
0x81: {  	_ =	shalt  }
0x82: {  	_ =	shalt  }
0x83: {  	_ =	shalt  }
0x84: {  	_ =	shalt  }
0x85: {  	_ =	shalt  }
0x86: {  	_ =	shalt  }
0x87: {  	_ =	shalt  }
.Lfunc_end0:
.L_simem_size_0:
called_computation.1_lowered:
.L_overlay_start_0:
0x88: {  	s2 =	sld [smem:$0x3FD9]  }
0x89: {  	s3 =	sld [smem:$0x3FFE];
	_ =	sdelay $0x1  }
0x8a: {  	s1 =	srdreg.scid  }
0x8b: {  	s0 =	sand.u32 $0x1, s1  }
0x8c: {  	s14 =	sshll.u32 s0, $0xA;
	s2 =	sadd.s32 s3, s2  }
0x8d: {  	s2 =	sadd.s32 s2, s14  }
0x8e: {  	[smem:$0x3FC4] =	sst s2  }
0x8f: {  	_ = 	snop  }
0x90: {  	s2 =	sld [smem:$0x3FD0];
	_ =	sdelay $0x2  }
0x91: {  	s15 =	simm.s32 $0xA;
	s4 =	simm.s32 $0x10  }
0x92: {  	[smem:s4], [sflag:s15] =	dma.local [hbm:s2], $0x1  }
0x93: {  	_ =	swait.eq [sflag:s15], $0x1  }
0x94: {  	[sflag:s15] =	ssyncset.done $0x0  }
0x95: {  	[sflag:s15] =	ssyncadd.s32 $0xFFFFFFFF  }
0x96: {  	s16 =	sld [smem:$0x10];
	(tm) =	ssettm $0x1  }
0x97: {  	s17 =	sld [smem:$0x3FFB];
	_ =	sdelay $0x3  }
0x98: {  	_ =	strace s17  }
0x99: {  	s3 =	sld [smem:$0x3FFC];
	_ =	sdelay $0x3  }
0x9a: {  	_ =	strace s3  }
0x9b: {  	s3 =	sld [smem:$0x3FFD];
	_ =	sdelay $0x3  }
0x9c: {  	_ =	strace s3  }
0x9d: {  	_ =	strace $0x8FFFFFFF  }
0x9e: {  	s18 =	sld [smem:$0x3FDB];
	_ =	sdelay $0x1  }
0x9f: {  	s19 =	simm.s32 $_scs_section_size  }
0xa0: {  	s5 =	simm.s32 $_size__tile_overlayer_lowered;
	s6 =	simm.s32 $_tile_overlayer_lowered  }
0xa1: {  	s22 =	simm.s32 $0x1BFF;
	s21 =	sshll.u32 s6, $0x1;
	s3 =	sadd.s32 s19, s18  }
0xa2: {  	s7 =	simm.s32 $0x0;
	s20 =	sshll.u32 s5, $0x1;
	s5 =	sadd.s32 s21, s3  }
0xa3: {  	[timem:s7], [sflag:s22] =	dma.local [hbm:s5], s20  }
0xa4: {  	_ =	swait.ge [sflag:s22], s20  }
0xa5: {  	s4 =	ssub.s32 $0x0, s20;
	[sflag:s22] =	ssyncset.done $0x0  }
0xa6: {  	[sflag:s22] =	ssyncadd.s32 s4;
	_ =	sdelay $0x1  }
0xa7: {  	s23 =	simm.s32 $0x1B8B  }
0xa8: {  	_ =	swait.ge [sflag:s23], $0x1  }
0xa9: {  	[sflag:s23] =	ssyncset.done $0x0  }
0xaa: {  	s25 =	simm.s32 $0x1B8E;
	s24 =	sld [smem:$0x3FFE];
	[sflag:s23] =	ssyncadd.s32 $0xFFFFFFFF  }
0xab: {  	s26 =	simm.s32 $execute0_lowered;
	[smem:$0x3FD2] =	sst s25  }
0xac: {  	s5 =	sshll.u32 s26, $0x1;
	_ =	strace $0x80000049;
	[dreg:$0x1] =	wrdreg $0xFFFFFFFF  }
0xad: {  	s28 =	simm.s32 $_size_execute0_lowered;
	s3 =	sadd.s32 s3, s5;
	[dreg:$0x0] =	wrdreg $0x0  }
0xae: {  	s5 =	sshll.u32 s28, $0x1;
	[dreg:$0x2] =	wrdreg s3  }
0xaf: {  	[dreg:$0x3] =	wrdreg s5  }
0xb0: {  	[dreg:$0x4] =	wrdreg $0xC0  }
0xb1: {  	_ =	task [dreg:s7], $0x5FFFF  }
0xb2: {  	[dreg:$0x1] =	wrdreg $0xFFFFFFFF  }
0xb3: {  	[dreg:$0x0] =	wrdreg $0x60  }
0xb4: {  	[dreg:$0x2] =	wrdreg s24  }
0xb5: {  	[dreg:$0x3] =	wrdreg s16  }
0xb6: {  	[dreg:$0x4] =	wrdreg $0x80200  }
0xb7: {  	[dreg:$0x5] =	wrdreg $0xA8200  }
0xb8: {  	[dreg:$0x6] =	wrdreg $0x9  }
0xb9: {  	_ =	task.clear_ibuf [dreg:s7], $0x7FFFF;
	_ =	strace $0x90000049  }
0xba: {  	s29 =	simm.s32 $0x9;
	_ =	strace $0x8000004B  }
0xbb: {  	_ =	swait.ge [sflag:s29], $0x1  }
0xbc: {  	[sflag:s29] =	ssyncadd.s32 $0xFFFFFFFF  }
0xbd: {  	_ =	strace $0x9000004B  }
0xbe: {  	_ =	sfence  }
0xbf: {  	s30 =	sld [smem:$0x0];
	_ =	sdelay $0x2  }
0xc0: {  	s31 =	sshll.u32 s1, $0xD;
	s1 =	sshrl.u32 s1, $0x2  }
0xc1: {  	s3 =	sand.u32 $0x4000, s31;
	s1 =	sadd.s32 s1, s30  }
0xc2: {  	s0 =	sor.u32 s3, s0;
	s1 =	sshll.u32 s1, $0x11  }
0xc3: {  	s0 =	sor.u32 s1, s0  }
0xc4: {  	s0 =	sadd.s32 $0x8F2B, s0  }
0xc5: {  	[sflag:s0] =	ssyncadd.remote.s32 $0x1  }
0xc6: {  	_ =	sfence.sel $0xFFFF  }
0xc7: {  	[dreg:$0x0] =	wrdreg $0xFFFFFFFF;
	(pc) =	sbr.abs _section_cstart, $3  }
0xc8: {  	[dreg:$0x1] =	wrdreg $0xFFFFFFFF  }
0xc9: {  	_ =	task.clear_ibuf [dreg:s7], $0x2FFFF;
	_ =	strace $0x9FFFFFFF  }
0xca: {  	(tm) =	ssettm $0x7FFFFFFF  }
0xcb: {  	_ =	shalt  }
tec
execute0_lowered:
.L_overlay_start_1:
0x0: {  	(tag) =	ssettag $0x1  }
0x1: {  	s0 =	rddreg [dreg:$0x0]  }
0x2: {  	s1 =	srdreg.scid;
	s4 =	rddreg [dreg:$0x1]  }
0x3: {  	s11 =	stileid.u32;
	s2 =	rddreg [dreg:$0x2]  }
0x4: {  	s7 =	simm.s32 $0x0;
	s16 =	simm.s32 $0x50;
	s30 =	simm.s32 $0x6720  }
0x5: {  	s21 =	simm.s32 $0x5;
	s31 =	simm.s32 $0x6;
	s15 =	simm.s32 $0x7  }
0x6: {  	s14 =	simm.s32 $0xA;
	s12 =	simm.s32 $0x10;
	s13 =	simm.s32 $0x12  }
0x7: {  	s17 =	simm.s32 $0x13;
	s18 =	simm.s32 $0x14;
	s1 =	sand.u32 $0x1, s1  }
0x8: {  	s3 =	sshll.u32 s11, $0x1;
	s6 =	smul.u32 $0x2800, s11;
	[smem:$0x7FF] =	sst s7  }
0x9: {  	s23 =	sshll.u32 s11, $0x6;
	s11 =	simm.s32 $0xE;
	s5 =	sor.u32 s1, s3  }
0xa: {  	s3 =	rddreg [dreg:$0x3];
	s22 =	smul.u32 $0x28000, s1;
	_ =	strace $0x8000004A  }
0xb: {  	s1 =	ssub.s32 $0x2, s1;
	s19 =	sor.u32 $0x1C15, s23;
	s5 =	smul.u32 $0x4E2, s5  }
0xc: {  	s8 =	sshrl.u32 s6, $0x3;
	s10 =	sshrl.u32 s1, $0x1;
	s24 =	sadd.s32 s6, s2  }
0xd: {  	[dreg:$0x6] =	wrdreg s19;
	s7 =	sadd.s32 s6, s22;
	s9 =	sadd.s32 s8, s0  }
0xe: {  	s1 =	ssub.s32 s1, s10;
	s6 =	sadd.s32 s6, s3;
	s4 =	sadd.s32 s4, s8  }
0xf: {  	s22 =	sshrl.u32 s24, $0x3;
	s8 =	simm.s32 $0x8;
	s10 =	simm.s32 $0x9  }
0x10: {  	s5 =	sadd.s32 s5, s0;
	s7 =	sshrl.u32 s7, $0x3;
	[dreg:$0x7] =	wrdreg s4  }
0x11: {  	s9 =	sadd.s32 $0x3D400, s9;
	s28 =	smax.u32 s1, $0x1;
	[dreg:$0xc] =	wrdreg s22  }
0x12: {  	s29 =	sshrl.u32 s6, $0x3;
	s4 =	simm.s32 $0xF;
	[dreg:$0x5] =	wrdreg s9  }
0x13: {  	s6 =	simm.s32 $0x11;
	s1 =	simm.s32 $0x0;
	[dreg:$0xb] =	wrdreg s28  }
0x14: {  	s0 =	sadd.s32 s7, s0;
	s25 =	sadd.s32 $0xB600, s5;
	[dreg:$0xd] =	wrdreg s29  }
0x15: {  	s26 =	sadd.s32 $0x1800, s5;
	s5 =	simm.s32 $0xB;
	[dreg:$0x8] =	wrdreg s25  }
0x16: {  	s7 =	simm.s32 $0xC;
	[dreg:$0x9] =	wrdreg s26;
	s0 =	sadd.s32 $0x42400, s0  }
0x17: {  	s9 =	simm.s32 $0xD;
	s25 =	simm.s32 $0x6C20;
	[dreg:$0xa] =	wrdreg s0  }
.LBB2_1:
0x18: {  	[dreg:$0xe] =	wrdreg s1  }
0x19: {  	s24 =	simm.s32 $0x15;
	s20 =	rddreg [dreg:$0x5]  }
0x1a: {  	[spmem:s22], [sflag:s19] =	dma.local [hbm:s20], $0x500  }
0x1b: {  	_ =	swait.ge [sflag:s24], $0x500  }
0x1c: {  	[sflag:s24] =	ssyncset.done $0x0;
	s23 =	rddreg [dreg:$0x7]  }
0x1d: {  	s26 =	rddreg [dreg:$0xd];
	[sflag:s24] =	ssyncadd.s32 $0xFFFFFB00  }
0x1e: {  	[spmem:s26], [sflag:s19] =	dma.local [hbm:s23], $0x500  }
0x1f: {  	_ =	swait.ge [sflag:s24], $0x500  }
0x20: {  	[sflag:s24] =	ssyncset.done $0x0  }
0x21: {  	s28 =	simm.s32 $0x0;
	s29 =	rddreg [dreg:$0x8];
	[sflag:s24] =	ssyncadd.s32 $0xFFFFFB00  }
0x22: {  	[tilespmem:s28], [sflag:$0x15] =	stream.linear.gather [hbm4b:s29+s28], $0x2710, $0x38;
	[tilespmem:$0xD020] =	vst v63  }
0x23: {  	_ =	swait.ge [sflag:s24], $0x2710  }
0x24: {  	[sflag:s24] =	ssyncset.done $0x0  }
0x25: {  	s26 =	simm.s32 $0x2710;
	s0 =	rddreg [dreg:$0x9];
	[sflag:s24] =	ssyncadd.s32 $0xFFFFD8F0  }
0x26: {  	[tilespmem:s26], [sflag:$0x15] =	stream.linear.gather [hbm4b:s0+s28], $0x2710, $0x38;
	[tilespmem:$0xD020] =	vst v63  }
0x27: {  	_ =	swait.ge [sflag:s24], $0x2710  }
0x28: {  	[sflag:s24] =	ssyncset.done $0x0  }
0x29: {  	[sflag:s24] =	ssyncadd.s32 $0xFFFFD8F0  }
0x2a: {  	s22 =	simm.s32 $0x4E20;
	[bflag:$0x0] =	sbarrier.arrive $0xFFFF  }
0x2b: {  	[tilespmem:s22], [sflag:$0x1] =	stream.indirect.gather [spmem:s3], $0x10, s28, s16, $0xb8;
	[tilespmem:$0xD020] =	vst v63  }
0x2c: {  	s0 =	simm.s32 $0x5320  }
0x2d: {  	[tilespmem:s0], [sflag:$0x2] =	stream.indirect.gather [spmem:s3], $0x10, s16, s16, $0xb8;
	[tilespmem:$0xD020] =	vst v63  }
0x2e: {  	s1 =	simm.s32 $0xA0;
	s19 =	simm.s32 $0x5820  }
0x2f: {  	[tilespmem:s19], [sflag:$0x3] =	stream.indirect.gather [spmem:s3], $0x10, s1, s16, $0xb8;
	[tilespmem:$0xD020] =	vst v63  }
0x30: {  	s20 =	simm.s32 $0xF0;
	s28 =	simm.s32 $0x5D20  }
0x31: {  	[tilespmem:s28], [sflag:$0x4] =	stream.indirect.gather [spmem:s3], $0x10, s20, s16, $0xb8;
	[tilespmem:$0xD020] =	vst v63  }
0x32: {  	s29 =	simm.s32 $0x140;
	s28 =	simm.s32 $0x6220;
	s20 =	simm.s32 $0x1  }
0x33: {  	[tilespmem:s28], [sflag:$0x5] =	stream.indirect.gather [spmem:s3], $0x10, s29, s16, $0xb8;
	[tilespmem:$0xD020] =	vst v63  }
0x34: {  	_ =	swait.ge [sflag:s20], $0x500  }
0x35: {  	[sflag:s20] =	ssyncset.done $0x0  }
0x36: {  	[sflag:s20] =	ssyncadd.s32 $0xFFFFFB00  }
0x37: {  	[spmem:s2] =	stream.indirect.scatter.add.f32 [tilespmem:s22], [sflag:$0xB], $0x10, s26, s16, $0xb8;
	[tilespmem:$0xD020] =	vst v63  }
0x38: {  	s0 =	simm.s32 $0x190;
	s29 =	simm.s32 $0x2  }
0x39: {  	[tilespmem:s30], [sflag:$0x6] =	stream.indirect.gather [spmem:s3], $0x10, s0, s16, $0xb8;
	[tilespmem:$0xD020] =	vst v63  }
0x3a: {  	_ =	swait.ge [sflag:s29], $0x500  }
0x3b: {  	[sflag:s29] =	ssyncset.done $0x0  }
0x3c: {  	s23 =	simm.s32 $0x5320;
	s26 =	simm.s32 $0x2760;
	[sflag:s29] =	ssyncadd.s32 $0xFFFFFB00  }
0x3d: {  	[spmem:s2] =	stream.indirect.scatter.add.f32 [tilespmem:s23], [sflag:$0xC], $0x10, s26, s16, $0xb8;
	[tilespmem:$0xD020] =	vst v63  }
0x3e: {  	s0 =	simm.s32 $0x1E0  }
0x3f: {  	[tilespmem:s25], [sflag:$0x7] =	stream.indirect.gather [spmem:s3], $0x10, s0, s16, $0xb8;
	[tilespmem:$0xD020] =	vst v63  }
0x40: {  	s0 =	simm.s32 $0x3  }
0x41: {  	_ =	swait.ge [sflag:s0], $0x500  }
0x42: {  	[sflag:s0] =	ssyncset.done $0x0  }
0x43: {  	s24 =	simm.s32 $0x5820;
	s26 =	simm.s32 $0x27B0;
	[sflag:s0] =	ssyncadd.s32 $0xFFFFFB00  }
0x44: {  	[spmem:s2] =	stream.indirect.scatter.add.f32 [tilespmem:s24], [sflag:$0xD], $0x10, s26, s16, $0xb8;
	[tilespmem:$0xD020] =	vst v63  }
0x45: {  	s26 =	simm.s32 $0x230;
	s24 =	simm.s32 $0x7120  }
0x46: {  	[tilespmem:s24], [sflag:$0x8] =	stream.indirect.gather [spmem:s3], $0x10, s26, s16, $0xb8;
	[tilespmem:$0xD020] =	vst v63  }
0x47: {  	s26 =	simm.s32 $0x4  }
0x48: {  	_ =	swait.ge [sflag:s26], $0x500  }
0x49: {  	[sflag:s26] =	ssyncset.done $0x0  }
0x4a: {  	s1 =	simm.s32 $0x5D20;
	s19 =	simm.s32 $0x2800;
	[sflag:s26] =	ssyncadd.s32 $0xFFFFFB00  }
0x4b: {  	[spmem:s2] =	stream.indirect.scatter.add.f32 [tilespmem:s1], [sflag:$0xE], $0x10, s19, s16, $0xb8;
	[tilespmem:$0xD020] =	vst v63  }
0x4c: {  	s19 =	simm.s32 $0x280;
	s1 =	simm.s32 $0x7620  }
0x4d: {  	[tilespmem:s1], [sflag:$0x9] =	stream.indirect.gather [spmem:s3], $0x10, s19, s16, $0xb8;
	[tilespmem:$0xD020] =	vst v63  }
0x4e: {  	_ =	swait.ge [sflag:s21], $0x500  }
0x4f: {  	[sflag:s21] =	ssyncset.done $0x0  }
0x50: {  	s1 =	simm.s32 $0x2850;
	[sflag:s21] =	ssyncadd.s32 $0xFFFFFB00  }
0x51: {  	[spmem:s2] =	stream.indirect.scatter.add.f32 [tilespmem:s28], [sflag:$0xF], $0x10, s1, s16, $0xb8;
	[tilespmem:$0xD020] =	vst v63  }
0x52: {  	s19 =	simm.s32 $0x2D0;
	s1 =	simm.s32 $0x7B20  }
0x53: {  	[tilespmem:s1], [sflag:$0xA] =	stream.indirect.gather [spmem:s3], $0x10, s19, s16, $0xb8;
	[tilespmem:$0xD020] =	vst v63  }
0x54: {  	_ =	swait.ge [sflag:s31], $0x500  }
0x55: {  	[sflag:s31] =	ssyncset.done $0x0  }
0x56: {  	s1 =	simm.s32 $0x28A0;
	[sflag:s31] =	ssyncadd.s32 $0xFFFFFB00  }
0x57: {  	[spmem:s2] =	stream.indirect.scatter.add.f32 [tilespmem:s30], [sflag:$0x10], $0x10, s1, s16, $0xb8;
	[tilespmem:$0xD020] =	vst v63  }
0x58: {  	_ =	swait.ge [sflag:s5], $0x500  }
0x59: {  	[sflag:s5] =	ssyncset.done $0x0  }
0x5a: {  	s1 =	simm.s32 $0x320;
	[sflag:s5] =	ssyncadd.s32 $0xFFFFFB00  }
0x5b: {  	[tilespmem:s22], [sflag:$0x1] =	stream.indirect.gather [spmem:s3], $0x10, s1, s16, $0xb8;
	[tilespmem:$0xD020] =	vst v63  }
0x5c: {  	_ =	swait.ge [sflag:s15], $0x500  }
0x5d: {  	[sflag:s15] =	ssyncset.done $0x0  }
0x5e: {  	s1 =	simm.s32 $0x28F0;
	[sflag:s15] =	ssyncadd.s32 $0xFFFFFB00  }
0x5f: {  	[spmem:s2] =	stream.indirect.scatter.add.f32 [tilespmem:s25], [sflag:$0x11], $0x10, s1, s16, $0xb8;
	[tilespmem:$0xD020] =	vst v63  }
0x60: {  	_ =	swait.ge [sflag:s7], $0x500  }
0x61: {  	[sflag:s7] =	ssyncset.done $0x0  }
0x62: {  	s23 =	simm.s32 $0x5320;
	s1 =	simm.s32 $0x370;
	[sflag:s7] =	ssyncadd.s32 $0xFFFFFB00  }
0x63: {  	[tilespmem:s23], [sflag:$0x2] =	stream.indirect.gather [spmem:s3], $0x10, s1, s16, $0xb8;
	[tilespmem:$0xD020] =	vst v63  }
0x64: {  	_ =	swait.ge [sflag:s8], $0x500  }
0x65: {  	[sflag:s8] =	ssyncset.done $0x0  }
0x66: {  	s24 =	simm.s32 $0x7120;
	s1 =	simm.s32 $0x2940;
	[sflag:s8] =	ssyncadd.s32 $0xFFFFFB00  }
0x67: {  	[spmem:s2] =	stream.indirect.scatter.add.f32 [tilespmem:s24], [sflag:$0x12], $0x10, s1, s16, $0xb8;
	[tilespmem:$0xD020] =	vst v63  }
0x68: {  	_ =	swait.ge [sflag:s9], $0x500  }
0x69: {  	[sflag:s9] =	ssyncset.done $0x0  }
0x6a: {  	s23 =	simm.s32 $0x3C0;
	s24 =	simm.s32 $0x5820;
	[sflag:s9] =	ssyncadd.s32 $0xFFFFFB00  }
0x6b: {  	[tilespmem:s24], [sflag:$0x3] =	stream.indirect.gather [spmem:s3], $0x10, s23, s16, $0xb8;
	[tilespmem:$0xD020] =	vst v63  }
0x6c: {  	_ =	swait.ge [sflag:s10], $0x500  }
0x6d: {  	[sflag:s10] =	ssyncset.done $0x0  }
0x6e: {  	s1 =	simm.s32 $0x2990;
	s23 =	simm.s32 $0x7620;
	[sflag:s10] =	ssyncadd.s32 $0xFFFFFB00  }
0x6f: {  	[spmem:s2] =	stream.indirect.scatter.add.f32 [tilespmem:s23], [sflag:$0x13], $0x10, s1, s16, $0xb8;
	[tilespmem:$0xD020] =	vst v63  }
0x70: {  	_ =	swait.ge [sflag:s11], $0x500  }
0x71: {  	[sflag:s11] =	ssyncset.done $0x0  }
0x72: {  	s23 =	simm.s32 $0x410;
	s1 =	simm.s32 $0x5D20;
	[sflag:s11] =	ssyncadd.s32 $0xFFFFFB00  }
0x73: {  	[tilespmem:s1], [sflag:$0x4] =	stream.indirect.gather [spmem:s3], $0x10, s23, s16, $0xb8;
	[tilespmem:$0xD020] =	vst v63  }
0x74: {  	_ =	swait.ge [sflag:s14], $0x500  }
0x75: {  	[sflag:s14] =	ssyncset.done $0x0  }
0x76: {  	s19 =	simm.s32 $0x29E0;
	s23 =	simm.s32 $0x7B20;
	[sflag:s14] =	ssyncadd.s32 $0xFFFFFB00  }
0x77: {  	[spmem:s2] =	stream.indirect.scatter.add.f32 [tilespmem:s23], [sflag:$0x14], $0x10, s19, s16, $0xb8;
	[tilespmem:$0xD020] =	vst v63  }
0x78: {  	_ =	swait.ge [sflag:s4], $0x500  }
0x79: {  	[sflag:s4] =	ssyncset.done $0x0  }
0x7a: {  	s23 =	simm.s32 $0x460;
	[sflag:s4] =	ssyncadd.s32 $0xFFFFFB00  }
0x7b: {  	[tilespmem:s28], [sflag:$0x5] =	stream.indirect.gather [spmem:s3], $0x10, s23, s16, $0xb8;
	[tilespmem:$0xD020] =	vst v63  }
0x7c: {  	_ =	swait.ge [sflag:s20], $0x500  }
0x7d: {  	[sflag:s20] =	ssyncset.done $0x0  }
0x7e: {  	s19 =	simm.s32 $0x2A30;
	[sflag:s20] =	ssyncadd.s32 $0xFFFFFB00  }
0x7f: {  	[spmem:s2] =	stream.indirect.scatter.add.f32 [tilespmem:s22], [sflag:$0xB], $0x10, s19, s16, $0xb8;
	[tilespmem:$0xD020] =	vst v63  }
0x80: {  	_ =	swait.ge [sflag:s12], $0x500  }
0x81: {  	[sflag:s12] =	ssyncset.done $0x0  }
0x82: {  	s23 =	simm.s32 $0x4B0;
	[sflag:s12] =	ssyncadd.s32 $0xFFFFFB00  }
0x83: {  	[tilespmem:s30], [sflag:$0x6] =	stream.indirect.gather [spmem:s3], $0x10, s23, s16, $0xb8;
	[tilespmem:$0xD020] =	vst v63  }
0x84: {  	_ =	swait.ge [sflag:s29], $0x500  }
0x85: {  	[sflag:s29] =	ssyncset.done $0x0  }
0x86: {  	s19 =	simm.s32 $0x2A80;
	s23 =	simm.s32 $0x5320;
	[sflag:s29] =	ssyncadd.s32 $0xFFFFFB00  }
0x87: {  	[spmem:s2] =	stream.indirect.scatter.add.f32 [tilespmem:s23], [sflag:$0xC], $0x10, s19, s16, $0xb8;
	[tilespmem:$0xD020] =	vst v63  }
0x88: {  	_ =	swait.ge [sflag:s6], $0x500  }
0x89: {  	[sflag:s6] =	ssyncset.done $0x0  }
0x8a: {  	s29 =	simm.s32 $0x500;
	[sflag:s6] =	ssyncadd.s32 $0xFFFFFB00  }
0x8b: {  	[tilespmem:s25], [sflag:$0x7] =	stream.indirect.gather [spmem:s3], $0x10, s29, s16, $0xb8;
	[tilespmem:$0xD020] =	vst v63  }
0x8c: {  	_ =	swait.ge [sflag:s0], $0x500  }
0x8d: {  	[sflag:s0] =	ssyncset.done $0x0  }
0x8e: {  	[sflag:s0] =	ssyncadd.s32 $0xFFFFFB00;
	s0 =	simm.s32 $0x2AD0  }
0x8f: {  	[spmem:s2] =	stream.indirect.scatter.add.f32 [tilespmem:s24], [sflag:$0xD], $0x10, s0, s16, $0xb8;
	[tilespmem:$0xD020] =	vst v63  }
0x90: {  	_ =	swait.ge [sflag:s13], $0x500  }
0x91: {  	[sflag:s13] =	ssyncset.done $0x0  }
0x92: {  	s19 =	simm.s32 $0x550;
	s29 =	simm.s32 $0x7120;
	[sflag:s13] =	ssyncadd.s32 $0xFFFFFB00  }
0x93: {  	[tilespmem:s29], [sflag:$0x8] =	stream.indirect.gather [spmem:s3], $0x10, s19, s16, $0xb8;
	[tilespmem:$0xD020] =	vst v63  }
0x94: {  	_ =	swait.ge [sflag:s26], $0x500  }
0x95: {  	[sflag:s26] =	ssyncset.done $0x0  }
0x96: {  	s0 =	simm.s32 $0x2B20;
	[sflag:s26] =	ssyncadd.s32 $0xFFFFFB00  }
0x97: {  	[spmem:s2] =	stream.indirect.scatter.add.f32 [tilespmem:s1], [sflag:$0xE], $0x10, s0, s16, $0xb8;
	[tilespmem:$0xD020] =	vst v63  }
0x98: {  	_ =	swait.ge [sflag:s17], $0x500  }
0x99: {  	[sflag:s17] =	ssyncset.done $0x0  }
0x9a: {  	s19 =	simm.s32 $0x7620;
	s1 =	simm.s32 $0x5A0;
	[sflag:s17] =	ssyncadd.s32 $0xFFFFFB00  }
0x9b: {  	[tilespmem:s19], [sflag:$0x9] =	stream.indirect.gather [spmem:s3], $0x10, s1, s16, $0xb8;
	[tilespmem:$0xD020] =	vst v63  }
0x9c: {  	_ =	swait.ge [sflag:s21], $0x500  }
0x9d: {  	[sflag:s21] =	ssyncset.done $0x0  }
0x9e: {  	s26 =	simm.s32 $0x2B70;
	[sflag:s21] =	ssyncadd.s32 $0xFFFFFB00  }
0x9f: {  	[spmem:s2] =	stream.indirect.scatter.add.f32 [tilespmem:s28], [sflag:$0xF], $0x10, s26, s16, $0xb8;
	[tilespmem:$0xD020] =	vst v63  }
0xa0: {  	_ =	swait.ge [sflag:s18], $0x500  }
0xa1: {  	[sflag:s18] =	ssyncset.done $0x0  }
0xa2: {  	s1 =	simm.s32 $0x7B20;
	s28 =	simm.s32 $0x5F0;
	[sflag:s18] =	ssyncadd.s32 $0xFFFFFB00  }
0xa3: {  	[tilespmem:s1], [sflag:$0xA] =	stream.indirect.gather [spmem:s3], $0x10, s28, s16, $0xb8;
	[tilespmem:$0xD020] =	vst v63  }
0xa4: {  	_ =	swait.ge [sflag:s31], $0x500  }
0xa5: {  	[sflag:s31] =	ssyncset.done $0x0  }
0xa6: {  	s26 =	simm.s32 $0x2BC0;
	[sflag:s31] =	ssyncadd.s32 $0xFFFFFB00  }
0xa7: {  	[spmem:s2] =	stream.indirect.scatter.add.f32 [tilespmem:s30], [sflag:$0x10], $0x10, s26, s16, $0xb8;
	[tilespmem:$0xD020] =	vst v63  }
0xa8: {  	_ =	swait.ge [sflag:s5], $0x500  }
0xa9: {  	[sflag:s5] =	ssyncset.done $0x0  }
0xaa: {  	s28 =	simm.s32 $0x640;
	[sflag:s5] =	ssyncadd.s32 $0xFFFFFB00  }
0xab: {  	[tilespmem:s22], [sflag:$0x1] =	stream.indirect.gather [spmem:s3], $0x10, s28, s16, $0xb8;
	[tilespmem:$0xD020] =	vst v63  }
0xac: {  	_ =	swait.ge [sflag:s15], $0x500  }
0xad: {  	[sflag:s15] =	ssyncset.done $0x0  }
0xae: {  	s26 =	simm.s32 $0x2C10;
	[sflag:s15] =	ssyncadd.s32 $0xFFFFFB00  }
0xaf: {  	[spmem:s2] =	stream.indirect.scatter.add.f32 [tilespmem:s25], [sflag:$0x11], $0x10, s26, s16, $0xb8;
	[tilespmem:$0xD020] =	vst v63  }
0xb0: {  	_ =	swait.ge [sflag:s7], $0x500  }
0xb1: {  	[sflag:s7] =	ssyncset.done $0x0  }
0xb2: {  	s28 =	simm.s32 $0x690;
	[sflag:s7] =	ssyncadd.s32 $0xFFFFFB00  }
0xb3: {  	[tilespmem:s23], [sflag:$0x2] =	stream.indirect.gather [spmem:s3], $0x10, s28, s16, $0xb8;
	[tilespmem:$0xD020] =	vst v63  }
0xb4: {  	_ =	swait.ge [sflag:s8], $0x500  }
0xb5: {  	[sflag:s8] =	ssyncset.done $0x0  }
0xb6: {  	s29 =	simm.s32 $0x7120;
	s22 =	simm.s32 $0x2C60;
	[sflag:s8] =	ssyncadd.s32 $0xFFFFFB00  }
0xb7: {  	[spmem:s2] =	stream.indirect.scatter.add.f32 [tilespmem:s29], [sflag:$0x12], $0x10, s22, s16, $0xb8;
	[tilespmem:$0xD020] =	vst v63  }
0xb8: {  	_ =	swait.ge [sflag:s9], $0x500  }
0xb9: {  	[sflag:s9] =	ssyncset.done $0x0  }
0xba: {  	s24 =	simm.s32 $0x5820;
	s23 =	simm.s32 $0x6E0;
	[sflag:s9] =	ssyncadd.s32 $0xFFFFFB00  }
0xbb: {  	[tilespmem:s24], [sflag:$0x3] =	stream.indirect.gather [spmem:s3], $0x10, s23, s16, $0xb8;
	[tilespmem:$0xD020] =	vst v63  }
0xbc: {  	_ =	swait.ge [sflag:s10], $0x500  }
0xbd: {  	[sflag:s10] =	ssyncset.done $0x0  }
0xbe: {  	s26 =	simm.s32 $0x2CB0;
	[sflag:s10] =	ssyncadd.s32 $0xFFFFFB00  }
0xbf: {  	[spmem:s2] =	stream.indirect.scatter.add.f32 [tilespmem:s19], [sflag:$0x13], $0x10, s26, s16, $0xb8;
	[tilespmem:$0xD020] =	vst v63  }
0xc0: {  	_ =	swait.ge [sflag:s11], $0x500  }
0xc1: {  	[sflag:s11] =	ssyncset.done $0x0  }
0xc2: {  	s0 =	simm.s32 $0x5D20;
	s28 =	simm.s32 $0x730;
	[sflag:s11] =	ssyncadd.s32 $0xFFFFFB00  }
0xc3: {  	[tilespmem:s0], [sflag:$0x4] =	stream.indirect.gather [spmem:s3], $0x10, s28, s16, $0xb8;
	[tilespmem:$0xD020] =	vst v63  }
0xc4: {  	_ =	swait.ge [sflag:s14], $0x500  }
0xc5: {  	[sflag:s14] =	ssyncset.done $0x0  }
0xc6: {  	s29 =	simm.s32 $0x2D00;
	[sflag:s14] =	ssyncadd.s32 $0xFFFFFB00  }
0xc7: {  	[spmem:s2] =	stream.indirect.scatter.add.f32 [tilespmem:s1], [sflag:$0x14], $0x10, s29, s16, $0xb8;
	[tilespmem:$0xD020] =	vst v63  }
0xc8: {  	_ =	swait.ge [sflag:s4], $0x500  }
0xc9: {  	[sflag:s4] =	ssyncset.done $0x0  }
0xca: {  	s20 =	simm.s32 $0xC80;
	s22 =	simm.s32 $0x780;
	[sflag:s4] =	ssyncadd.s32 $0xFFFFFB00  }
.LBB2_2:
0xcb: {  	s1 =	simm.s32 $0x6220  }
0xcc: {  	[tilespmem:s1], [sflag:$0x5] =	stream.indirect.gather [spmem:s3], $0x10, s22, s16, $0xb8;
	[tilespmem:$0xD020] =	vst v63  }
0xcd: {  	s19 =	simm.s32 $0x1;
	s22 =	smov.u32 s20  }
0xce: {  	p0 =	sne.s32 s20, $0x7D00;
	s20 =	sadd.s32 $0xC80, s20;
	_ =	swait.ge [sflag:s19], $0x500  }
0xcf: {  	s22 =	sshra.s32 s22, $0x2;
	[sflag:s19] =	ssyncset.done $0x0  }
0xd0: {  	s28 =	simm.s32 $0x4E20;
	s24 =	sadd.s32 $0x2A30, s22;
	[sflag:s19] =	ssyncadd.s32 $0xFFFFFB00  }
0xd1: {  	[spmem:s2] =	stream.indirect.scatter.add.f32 [tilespmem:s28], [sflag:$0xB], $0x10, s24, s16, $0xb8;
	[tilespmem:$0xD020] =	vst v63  }
0xd2: {  	_ =	swait.ge [sflag:s12], $0x500  }
0xd3: {  	[sflag:s12] =	ssyncset.done $0x0  }
0xd4: {  	s19 =	simm.s32 $0x2;
	s24 =	sadd.s32 $0x4B0, s22;
	[sflag:s12] =	ssyncadd.s32 $0xFFFFFB00  }
0xd5: {  	[tilespmem:s30], [sflag:$0x6] =	stream.indirect.gather [spmem:s3], $0x10, s24, s16, $0xb8;
	[tilespmem:$0xD020] =	vst v63  }
0xd6: {  	_ =	swait.ge [sflag:s19], $0x500  }
0xd7: {  	[sflag:s19] =	ssyncset.done $0x0  }
0xd8: {  	s23 =	simm.s32 $0x5320;
	s24 =	sadd.s32 $0x2A80, s22;
	[sflag:s19] =	ssyncadd.s32 $0xFFFFFB00  }
0xd9: {  	[spmem:s2] =	stream.indirect.scatter.add.f32 [tilespmem:s23], [sflag:$0xC], $0x10, s24, s16, $0xb8;
	[tilespmem:$0xD020] =	vst v63  }
0xda: {  	_ =	swait.ge [sflag:s6], $0x500  }
0xdb: {  	[sflag:s6] =	ssyncset.done $0x0  }
0xdc: {  	s0 =	simm.s32 $0x3;
	s24 =	sadd.s32 $0x500, s22;
	[sflag:s6] =	ssyncadd.s32 $0xFFFFFB00  }
0xdd: {  	[tilespmem:s25], [sflag:$0x7] =	stream.indirect.gather [spmem:s3], $0x10, s24, s16, $0xb8;
	[tilespmem:$0xD020] =	vst v63  }
0xde: {  	_ =	swait.ge [sflag:s0], $0x500  }
0xdf: {  	[sflag:s0] =	ssyncset.done $0x0  }
0xe0: {  	s19 =	simm.s32 $0x5820;
	s24 =	sadd.s32 $0x2AD0, s22;
	[sflag:s0] =	ssyncadd.s32 $0xFFFFFB00  }
0xe1: {  	[spmem:s2] =	stream.indirect.scatter.add.f32 [tilespmem:s19], [sflag:$0xD], $0x10, s24, s16, $0xb8;
	[tilespmem:$0xD020] =	vst v63  }
0xe2: {  	_ =	swait.ge [sflag:s13], $0x500  }
0xe3: {  	s29 =	simm.s32 $0x7120;
	[sflag:s13] =	ssyncset.done $0x0  }
0xe4: {  	s0 =	simm.s32 $0x4;
	s24 =	sadd.s32 $0x550, s22;
	[sflag:s13] =	ssyncadd.s32 $0xFFFFFB00  }
0xe5: {  	[tilespmem:s29], [sflag:$0x8] =	stream.indirect.gather [spmem:s3], $0x10, s24, s16, $0xb8;
	[tilespmem:$0xD020] =	vst v63  }
0xe6: {  	_ =	swait.ge [sflag:s0], $0x500  }
0xe7: {  	s30 =	simm.s32 $0x5D20;
	[sflag:s0] =	ssyncset.done $0x0  }
0xe8: {  	s25 =	simm.s32 $0x6720;
	s24 =	sadd.s32 $0x2B20, s22;
	[sflag:s0] =	ssyncadd.s32 $0xFFFFFB00  }
0xe9: {  	[spmem:s2] =	stream.indirect.scatter.add.f32 [tilespmem:s30], [sflag:$0xE], $0x10, s24, s16, $0xb8;
	[tilespmem:$0xD020] =	vst v63  }
0xea: {  	_ =	swait.ge [sflag:s17], $0x500  }
0xeb: {  	[sflag:s17] =	ssyncset.done $0x0  }
0xec: {  	s0 =	simm.s32 $0x7620;
	s24 =	sadd.s32 $0x5A0, s22;
	[sflag:s17] =	ssyncadd.s32 $0xFFFFFB00  }
0xed: {  	[tilespmem:s0], [sflag:$0x9] =	stream.indirect.gather [spmem:s3], $0x10, s24, s16, $0xb8;
	[tilespmem:$0xD020] =	vst v63  }
0xee: {  	_ =	swait.ge [sflag:s21], $0x500  }
0xef: {  	[sflag:s21] =	ssyncset.done $0x0  }
0xf0: {  	s24 =	sadd.s32 $0x2B70, s22;
	[sflag:s21] =	ssyncadd.s32 $0xFFFFFB00  }
0xf1: {  	[spmem:s2] =	stream.indirect.scatter.add.f32 [tilespmem:s1], [sflag:$0xF], $0x10, s24, s16, $0xb8;
	[tilespmem:$0xD020] =	vst v63  }
0xf2: {  	_ =	swait.ge [sflag:s18], $0x500  }
0xf3: {  	[sflag:s18] =	ssyncset.done $0x0  }
0xf4: {  	s26 =	simm.s32 $0x7B20;
	s24 =	sadd.s32 $0x5F0, s22;
	[sflag:s18] =	ssyncadd.s32 $0xFFFFFB00  }
0xf5: {  	[tilespmem:s26], [sflag:$0xA] =	stream.indirect.gather [spmem:s3], $0x10, s24, s16, $0xb8;
	[tilespmem:$0xD020] =	vst v63  }
0xf6: {  	_ =	swait.ge [sflag:s31], $0x500  }
0xf7: {  	[sflag:s31] =	ssyncset.done $0x0  }
0xf8: {  	s24 =	sadd.s32 $0x2BC0, s22;
	[sflag:s31] =	ssyncadd.s32 $0xFFFFFB00  }
0xf9: {  	[spmem:s2] =	stream.indirect.scatter.add.f32 [tilespmem:s25], [sflag:$0x10], $0x10, s24, s16, $0xb8;
	[tilespmem:$0xD020] =	vst v63  }
0xfa: {  	s25 =	simm.s32 $0x6C20  }
0xfb: {  	_ =	swait.ge [sflag:s5], $0x500  }
0xfc: {  	[sflag:s5] =	ssyncset.done $0x0  }
0xfd: {  	s1 =	simm.s32 $0x4E20;
	s24 =	sadd.s32 $0x640, s22;
	[sflag:s5] =	ssyncadd.s32 $0xFFFFFB00  }
0xfe: {  	[tilespmem:s28], [sflag:$0x1] =	stream.indirect.gather [spmem:s3], $0x10, s24, s16, $0xb8;
	[tilespmem:$0xD020] =	vst v63  }
0xff: {  	_ =	swait.ge [sflag:s15], $0x500  }
0x100: {  	[sflag:s15] =	ssyncset.done $0x0  }
0x101: {  	s24 =	sadd.s32 $0x2C10, s22;
	[sflag:s15] =	ssyncadd.s32 $0xFFFFFB00  }
0x102: {  	[spmem:s2] =	stream.indirect.scatter.add.f32 [tilespmem:s25], [sflag:$0x11], $0x10, s24, s16, $0xb8;
	[tilespmem:$0xD020] =	vst v63  }
0x103: {  	_ =	swait.ge [sflag:s7], $0x500  }
0x104: {  	[sflag:s7] =	ssyncset.done $0x0  }
0x105: {  	s28 =	simm.s32 $0x5320;
	s24 =	sadd.s32 $0x690, s22;
	[sflag:s7] =	ssyncadd.s32 $0xFFFFFB00  }
0x106: {  	[tilespmem:s23], [sflag:$0x2] =	stream.indirect.gather [spmem:s3], $0x10, s24, s16, $0xb8;
	[tilespmem:$0xD020] =	vst v63  }
0x107: {  	_ =	swait.ge [sflag:s8], $0x500  }
0x108: {  	[sflag:s8] =	ssyncset.done $0x0  }
0x109: {  	s24 =	sadd.s32 $0x2C60, s22;
	[sflag:s8] =	ssyncadd.s32 $0xFFFFFB00  }
0x10a: {  	[spmem:s2] =	stream.indirect.scatter.add.f32 [tilespmem:s29], [sflag:$0x12], $0x10, s24, s16, $0xb8;
	[tilespmem:$0xD020] =	vst v63  }
0x10b: {  	_ =	swait.ge [sflag:s9], $0x500  }
0x10c: {  	[sflag:s9] =	ssyncset.done $0x0  }
0x10d: {  	s23 =	simm.s32 $0x5820;
	s24 =	sadd.s32 $0x6E0, s22;
	[sflag:s9] =	ssyncadd.s32 $0xFFFFFB00  }
0x10e: {  	[tilespmem:s19], [sflag:$0x3] =	stream.indirect.gather [spmem:s3], $0x10, s24, s16, $0xb8;
	[tilespmem:$0xD020] =	vst v63  }
0x10f: {  	_ =	swait.ge [sflag:s10], $0x500  }
0x110: {  	[sflag:s10] =	ssyncset.done $0x0  }
0x111: {  	s24 =	sadd.s32 $0x2CB0, s22;
	[sflag:s10] =	ssyncadd.s32 $0xFFFFFB00  }
0x112: {  	[spmem:s2] =	stream.indirect.scatter.add.f32 [tilespmem:s0], [sflag:$0x13], $0x10, s24, s16, $0xb8;
	[tilespmem:$0xD020] =	vst v63  }
0x113: {  	_ =	swait.ge [sflag:s11], $0x500  }
0x114: {  	[sflag:s11] =	ssyncset.done $0x0  }
0x115: {  	s24 =	sadd.s32 $0x730, s22;
	[sflag:s11] =	ssyncadd.s32 $0xFFFFFB00  }
0x116: {  	[tilespmem:s30], [sflag:$0x4] =	stream.indirect.gather [spmem:s3], $0x10, s24, s16, $0xb8;
	[tilespmem:$0xD020] =	vst v63  }
0x117: {  	s19 =	simm.s32 $0x5D20;
	s30 =	simm.s32 $0x6720  }
0x118: {  	_ =	swait.ge [sflag:s14], $0x500  }
0x119: {  	[sflag:s14] =	ssyncset.done $0x0  }
.Ltmp0:
0x11a: {  	s24 =	sadd.s32 $0x2D00, s22;
	[sflag:s14] =	ssyncadd.s32 $0xFFFFFB00;
	(pc) =	sbr.rel @p0 .LBB2_2-.Ltmp0, $4  }
0x11b: {  	[spmem:s2] =	stream.indirect.scatter.add.f32 [tilespmem:s26], [sflag:$0x14], $0x10, s24, s16, $0xb8;
	[tilespmem:$0xD020] =	vst v63  }
0x11c: {  	_ =	swait.ge [sflag:s4], $0x500  }
0x11d: {  	[sflag:s4] =	ssyncset.done $0x0  }
0x11e: {  	s22 =	sadd.s32 $0x780, s22;
	[sflag:s4] =	ssyncadd.s32 $0xFFFFFB00  }
0x11f: {  	s20 =	simm.s32 $0x6220;
	s29 =	simm.s32 $0x1  }
0x120: {  	[tilespmem:s20], [sflag:$0x5] =	stream.indirect.gather [spmem:s3], $0x10, s22, s16, $0xb8;
	[tilespmem:$0xD020] =	vst v63  }
0x121: {  	_ =	swait.ge [sflag:s29], $0x500  }
0x122: {  	[sflag:s29] =	ssyncset.done $0x0  }
0x123: {  	s0 =	simm.s32 $0x4C90;
	s24 =	simm.s32 $0x2;
	[sflag:s29] =	ssyncadd.s32 $0xFFFFFB00  }
0x124: {  	[spmem:s2] =	stream.indirect.scatter.add.f32 [tilespmem:s1], [sflag:$0xB], $0x10, s0, s16, $0xb8;
	[tilespmem:$0xD020] =	vst v63  }
0x125: {  	_ =	swait.ge [sflag:s24], $0x500  }
0x126: {  	[sflag:s24] =	ssyncset.done $0x0  }
0x127: {  	s26 =	simm.s32 $0x4CE0;
	s0 =	simm.s32 $0x3;
	[sflag:s24] =	ssyncadd.s32 $0xFFFFFB00  }
0x128: {  	[spmem:s2] =	stream.indirect.scatter.add.f32 [tilespmem:s28], [sflag:$0xC], $0x10, s26, s16, $0xb8;
	[tilespmem:$0xD020] =	vst v63  }
0x129: {  	_ =	swait.ge [sflag:s0], $0x500  }
0x12a: {  	[sflag:s0] =	ssyncset.done $0x0  }
0x12b: {  	s29 =	simm.s32 $0x4;
	s28 =	simm.s32 $0x4D30;
	[sflag:s0] =	ssyncadd.s32 $0xFFFFFB00  }
0x12c: {  	[spmem:s2] =	stream.indirect.scatter.add.f32 [tilespmem:s23], [sflag:$0xD], $0x10, s28, s16, $0xb8;
	[tilespmem:$0xD020] =	vst v63  }
0x12d: {  	_ =	swait.ge [sflag:s29], $0x500  }
0x12e: {  	[sflag:s29] =	ssyncset.done $0x0  }
0x12f: {  	s0 =	simm.s32 $0x4D80;
	[sflag:s29] =	ssyncadd.s32 $0xFFFFFB00  }
0x130: {  	[spmem:s2] =	stream.indirect.scatter.add.f32 [tilespmem:s19], [sflag:$0xE], $0x10, s0, s16, $0xb8;
	[tilespmem:$0xD020] =	vst v63  }
0x131: {  	_ =	swait.ge [sflag:s21], $0x500  }
0x132: {  	[sflag:s21] =	ssyncset.done $0x0  }
0x133: {  	s22 =	simm.s32 $0x4DD0;
	[sflag:s21] =	ssyncadd.s32 $0xFFFFFB00  }
0x134: {  	[spmem:s2] =	stream.indirect.scatter.add.f32 [tilespmem:s20], [sflag:$0xF], $0x10, s22, s16, $0xb8;
	[tilespmem:$0xD020] =	vst v63  }
0x135: {  	_ =	swait.ge [sflag:s12], $0x500  }
0x136: {  	[sflag:s12] =	ssyncset.done $0x0  }
0x137: {  	[sflag:s12] =	ssyncadd.s32 $0xFFFFFB00  }
0x138: {  	_ =	swait.ge [sflag:s6], $0x500  }
0x139: {  	[sflag:s6] =	ssyncset.done $0x0  }
0x13a: {  	[sflag:s6] =	ssyncadd.s32 $0xFFFFFB00  }
0x13b: {  	_ =	swait.ge [sflag:s13], $0x500  }
0x13c: {  	[sflag:s13] =	ssyncset.done $0x0  }
0x13d: {  	[sflag:s13] =	ssyncadd.s32 $0xFFFFFB00  }
0x13e: {  	_ =	swait.ge [sflag:s17], $0x500  }
0x13f: {  	[sflag:s17] =	ssyncset.done $0x0  }
0x140: {  	[sflag:s17] =	ssyncadd.s32 $0xFFFFFB00  }
0x141: {  	_ =	swait.ge [sflag:s18], $0x500  }
0x142: {  	[sflag:s18] =	ssyncset.done $0x0  }
0x143: {  	[sflag:s18] =	ssyncadd.s32 $0xFFFFFB00  }
0x144: {  	_ =	swait.ge [sflag:s5], $0x500  }
0x145: {  	[sflag:s5] =	ssyncset.done $0x0  }
0x146: {  	[sflag:s5] =	ssyncadd.s32 $0xFFFFFB00  }
0x147: {  	_ =	swait.ge [sflag:s7], $0x500  }
0x148: {  	[sflag:s7] =	ssyncset.done $0x0  }
0x149: {  	[sflag:s7] =	ssyncadd.s32 $0xFFFFFB00  }
0x14a: {  	_ =	swait.ge [sflag:s9], $0x500  }
0x14b: {  	[sflag:s9] =	ssyncset.done $0x0  }
0x14c: {  	[sflag:s9] =	ssyncadd.s32 $0xFFFFFB00  }
0x14d: {  	_ =	swait.ge [sflag:s11], $0x500  }
0x14e: {  	[sflag:s11] =	ssyncset.done $0x0  }
0x14f: {  	[sflag:s11] =	ssyncadd.s32 $0xFFFFFB00  }
0x150: {  	_ =	swait.ge [sflag:s4], $0x500  }
0x151: {  	[sflag:s4] =	ssyncset.done $0x0  }
0x152: {  	[sflag:s4] =	ssyncadd.s32 $0xFFFFFB00  }
0x153: {  	[bflag:$0x0] =	sbarrier.arrive $0xFFFF  }
0x154: {  	s19 =	rddreg [dreg:$0x6]  }
0x155: {  	s23 =	rddreg [dreg:$0xa]  }
0x156: {  	s24 =	simm.s32 $0x15;
	s22 =	rddreg [dreg:$0xc]  }
0x157: {  	[hbm:s23], [sflag:s19] =	dma.local [spmem:s22], $0x500  }
0x158: {  	_ =	swait.ge [sflag:s24], $0x500  }
0x159: {  	s26 =	rddreg [dreg:$0xe]  }
0x15a: {  	s28 =	rddreg [dreg:$0xb];
	s1 =	sadd.s32 $0x1, s26  }
0x15b: {  	p0 =	sne.s32 s1, s28  }
.Ltmp1:
0x15c: {  	_ = 	snop;
	(pc) =	sbr.rel @p0 .LBB2_1-.Ltmp1, $3  }
0x15d: {  	_ =	sdelay $0x1  }
0x15e: {  	s29 =	simm.s32 $0x15;
	[sflag:s24] =	ssyncset.done $0x0  }
0x15f: {  	[sflag:s29] =	ssyncadd.s32 $0xFFFFFB00  }
0x160: {  	_ =	sfence.sel $0x180000  }
0x161: {  	[bflag:$0x0] =	sbarrier.arrive $0xFFFF  }
0x162: {  	_ =	strace $0x9000004A  }
0x163: {  	s0 =	stileid.u32;
	[bflag:$0x2] =	sbarrier.arrive $0xFFFF  }
0x164: {  	p0 =	sne.s32 s0, $0x0;
	s0 =	rddreg [dreg:$0x4]  }
0x165: {  	s0 =	sadd.s32 @!p0 $0x100000, s0  }
0x166: {  	[sflag:s0] =	ssyncadd.tile.s32 @!p0 $0x1;
	_ =	shalt  }
.Lfunc_end2:
_tile_overlayer_lowered:
.L_overlay_start_2:
0x167: {  	(tag) =	ssettag $0x2  }
0x168: {  	s0 =	rddreg [dreg:$0x0];
	s2 =	stileid.u32  }
0x169: {  	s1 =	rddreg [dreg:$0x1];
	p0 =	sne.s32 s2, $0x0  }
0x16a: {  	s3 =	rddreg [dreg:$0x2];
	[bflag:$0x3] =	sbarrier.arrive $0xFFFF;
	s2 =	simm.s32 @!p0 $0x1C15  }
0x16b: {  	[timem:s3], [sflag:s2] =	dma.local @!p0 [hbm:s0], s1  }
0x16c: {  	s0 =	simm.s32 @!p0 $0x15  }
0x16d: {  	_ =	swait.ge @!p0 [sflag:s0], s1  }
0x16e: {  	s1 =	ssub.s32 @!p0 $0x0, s1;
	[sflag:s0] =	ssyncset.done @!p0 $0x0  }
0x16f: {  	[sflag:s0] =	ssyncadd.s32 @!p0 s1  }
0x170: {  	[bflag:$0x3] =	sbarrier.arrive $0xFFFF  }
0x171: {  	_ =	shalt  }

// kernel: kernel.14.cloned.1.call-start
scs
__scs_entry_jumppad:
0x0: {  	(pc) =	sbr.rel $0x88, $3  }
0x1: {  	(tag) =	ssettag $0x0;
	lr =	simm.s32 $0x1  }
0x2: {  	[smem:$0x3F9D] =	sst lr;
	_ =	strace $0xD0000000  }
0x3: {  	_ = 	snop  }
0x4: {  	_ = 	snop  }
0x5: {  	_ = 	snop  }
0x6: {  	_ = 	snop  }
0x7: {  	_ = 	snop  }
__scs_overlays_trampoline_lowered:
0x8: {  	[smem:$0x3FAC] =	sst s0  }
0x9: {  	[smem:$0x3FAD] =	sst s1  }
0xa: {  	[smem:$0x3FAE] =	sst s2  }
0xb: {  	[smem:$0x3FAF] =	sst s3  }
0xc: {  	[smem:$0x3FB0] =	sst s4  }
0xd: {  	[smem:$0x3FB1] =	sst s5  }
0xe: {  	[smem:$0x3FB2] =	sst s6  }
0xf: {  	[smem:$0x3FB3] =	sst s7  }
0x10: {  	[smem:$0x3FB4] =	sst s8  }
0x11: {  	[smem:$0x3FB5] =	sst s9;
	s0 =	simm.s32 @!p0 $0x0  }
0x12: {  	s1 =	sld [smem:$0x3F9B];
	s0 =	simm.s32 @p0 $0x1  }
0x13: {  	[smem:$0x3FB6] =	sst s0;
	s0 =	simm.s32 @!p1 $0x0  }
0x14: {  	s2 =	sld [smem:$0x3F9A];
	s0 =	simm.s32 @p1 $0x1  }
0x15: {  	[smem:$0x3FB7] =	sst s0;
	s0 =	simm.s32 @!p2 $0x0  }
0x16: {  	s3 =	sld [smem:$0x3FDB];
	s0 =	simm.s32 @p2 $0x1  }
0x17: {  	s4 =	simm.s32 $0x1BF5;
	[smem:$0x3FB9] =	sst s0  }
0x18: {  	s0 =	sld [smem:$0x3F9C];
	_ =	swait.ge [sflag:s4], $0x0  }
0x19: {  	s7 =	sld [smem:$0x3F9D]  }
0x1a: {  	s8 =	sadd.s32 $0xFFFFE003, lr  }
0x1b: {  	s9 =	sadd.s32 $0xFFFFFEF7, lr;
	s5 =	simm.s32 $0xFFFFFFFF;
	p2 =	slt.u32 s8, $0xFFFFF086  }
0x1c: {  	p1 =	slt.u32 s9, $0xF7A;
	s5 =	simm.s32 @!p2 $0x0  }
0x1d: {  	s5 =	simm.s32 @p1 $0x1;
	p0 =	seq.s32 s7, s2  }
0x1e: {  	s7 =	smul.u32 @!p0 $0xF7A, s2;
	p2 =	seq.s32 @!p0 s5, $0x0  }
0x1f: {  	s9 =	smul.u32 $0xF7A, s1;
	s8 =	simm.s32 @!p0 $0x1BF5;
	p2 =	por !p2, p0  }
0x20: {  	[sflag:s8] =	ssyncset.s32 @!p0 $0xFFFFF086;
	s6 =	sadd.s32 @!p0 s3, s7;
	s7 =	simm.s32 @!p0 $0x108  }
0x21: {  	s3 =	sadd.s32 s3, s9;
	s6 =	sadd.s32 @!p0 $0x88, s6;
	s7 =	simm.s32 @p2 $0x1082  }
0x22: {  	[simem:s7], [sflag:s8] =	dma.local @!p0 [hbm:s6], $0xF7A  }
0x23: {  	s9 =	sor.u32 $0xD0000000, s2;
	s6 =	simm.s32 $0x108;
	_ =	swait.ge @!p0 [sflag:s8], $0x0  }
0x24: {  	s3 =	sadd.s32 $0x88, s3;
	s6 =	simm.s32 @!p1 $0x1082;
	[sflag:s4] =	ssyncset.s32 $0xFFFFF086  }
0x25: {  	[simem:s6], [sflag:s4] =	dma.local [hbm:s3], $0xF7A  }
0x26: {  	[smem:$0x3F9D] =	sst s1;
	(tag) =	ssettag s2;
	_ =	strace s9  }
0x27: {  	s1 =	sld [smem:$0x3FAD]  }
0x28: {  	s2 =	sld [smem:$0x3FAE]  }
0x29: {  	s4 =	sld [smem:$0x3FB0]  }
0x2a: {  	p0 =	seq.s32 s5, $0x0;
	s5 =	sld [smem:$0x3FB1]  }
0x2b: {  	s6 =	sld [smem:$0x3FB2]  }
0x2c: {  	s7 =	sld [smem:$0x3FB3]  }
0x2d: {  	s3 =	simm.s32 $0x108;
	s8 =	sld [smem:$0x3FB4]  }
0x2e: {  	s3 =	simm.s32 @!p0 $0x1082;
	s9 =	sld [smem:$0x3FB5]  }
0x2f: {  	lr =	sadd.s32 s0, s3;
	s0 =	sld [smem:$0x3FAC]  }
0x30: {  	s3 =	sld [smem:$0x3FAF]  }
0x31: {  	[smem:$0x3FB8] =	sst s10  }
0x32: {  	s10 =	sld [smem:$0x3FB6];
	_ =	sdelay $0x3  }
0x33: {  	p0 =	seq.s32 s10, $0x1;
	s10 =	sld [smem:$0x3FB8];
	_ =	sdelay $0x3  }
0x34: {  	[smem:$0x3FB8] =	sst s10  }
0x35: {  	s10 =	sld [smem:$0x3FB7];
	_ =	sdelay $0x3  }
0x36: {  	p1 =	seq.s32 s10, $0x1;
	s10 =	sld [smem:$0x3FB8];
	_ =	sdelay $0x3  }
0x37: {  	[smem:$0x3FB8] =	sst s10  }
0x38: {  	s10 =	sld [smem:$0x3FB9]  }
0x39: {  	_ = 	snop;
	(pc) =	sbr.ind lr, $3  }
0x3a: {  	_ = 	snop  }
0x3b: {  	_ = 	snop  }
0x3c: {  	p2 =	seq.s32 s10, $0x1;
	s10 =	sld [smem:$0x3FB8]  }
0x3d: {  	_ =	shalt  }
0x3e: {  	_ =	shalt  }
0x3f: {  	_ =	shalt  }
0x40: {  	_ =	shalt  }
0x41: {  	_ =	shalt  }
0x42: {  	_ =	shalt  }
0x43: {  	_ =	shalt  }
0x44: {  	_ =	shalt  }
0x45: {  	_ =	shalt  }
0x46: {  	_ =	shalt  }
0x47: {  	_ =	shalt  }
0x48: {  	_ =	shalt  }
0x49: {  	_ =	shalt  }
0x4a: {  	_ =	shalt  }
0x4b: {  	_ =	shalt  }
0x4c: {  	_ =	shalt  }
0x4d: {  	_ =	shalt  }
0x4e: {  	_ =	shalt  }
0x4f: {  	_ =	shalt  }
0x50: {  	_ =	shalt  }
0x51: {  	_ =	shalt  }
0x52: {  	_ =	shalt  }
0x53: {  	_ =	shalt  }
0x54: {  	_ =	shalt  }
0x55: {  	_ =	shalt  }
0x56: {  	_ =	shalt  }
0x57: {  	_ =	shalt  }
0x58: {  	_ =	shalt  }
0x59: {  	_ =	shalt  }
0x5a: {  	_ =	shalt  }
0x5b: {  	_ =	shalt  }
0x5c: {  	_ =	shalt  }
0x5d: {  	_ =	shalt  }
0x5e: {  	_ =	shalt  }
0x5f: {  	_ =	shalt  }
0x60: {  	_ =	shalt  }
0x61: {  	_ =	shalt  }
0x62: {  	_ =	shalt  }
0x63: {  	_ =	shalt  }
0x64: {  	_ =	shalt  }
0x65: {  	_ =	shalt  }
0x66: {  	_ =	shalt  }
0x67: {  	_ =	shalt  }
0x68: {  	_ =	shalt  }
0x69: {  	_ =	shalt  }
0x6a: {  	_ =	shalt  }
0x6b: {  	_ =	shalt  }
0x6c: {  	_ =	shalt  }
0x6d: {  	_ =	shalt  }
0x6e: {  	_ =	shalt  }
0x6f: {  	_ =	shalt  }
0x70: {  	_ =	shalt  }
0x71: {  	_ =	shalt  }
0x72: {  	_ =	shalt  }
0x73: {  	_ =	shalt  }
0x74: {  	_ =	shalt  }
0x75: {  	_ =	shalt  }
0x76: {  	_ =	shalt  }
0x77: {  	_ =	shalt  }
0x78: {  	_ =	shalt  }
0x79: {  	_ =	shalt  }
0x7a: {  	_ =	shalt  }
0x7b: {  	_ =	shalt  }
0x7c: {  	_ =	shalt  }
0x7d: {  	_ =	shalt  }
0x7e: {  	_ =	shalt  }
0x7f: {  	_ =	shalt  }
0x80: {  	_ =	shalt  }
0x81: {  	_ =	shalt  }
0x82: {  	_ =	shalt  }
0x83: {  	_ =	shalt  }
0x84: {  	_ =	shalt  }
0x85: {  	_ =	shalt  }
0x86: {  	_ =	shalt  }
0x87: {  	_ =	shalt  }
.Lfunc_end0:
.L_simem_size_0:
called_computation.2_lowered:
.L_overlay_start_0:
0x88: {  	s2 =	sld [smem:$0x3FD9]  }
0x89: {  	s3 =	sld [smem:$0x3FFE];
	_ =	sdelay $0x1  }
0x8a: {  	s1 =	srdreg.scid  }
0x8b: {  	s0 =	sand.u32 $0x1, s1  }
0x8c: {  	s14 =	sshll.u32 s0, $0xA;
	s2 =	sadd.s32 s3, s2  }
0x8d: {  	s2 =	sadd.s32 s2, s14  }
0x8e: {  	[smem:$0x3FC4] =	sst s2  }
0x8f: {  	_ = 	snop  }
0x90: {  	s2 =	sld [smem:$0x3FD0];
	_ =	sdelay $0x2  }
0x91: {  	s15 =	simm.s32 $0xA;
	s4 =	simm.s32 $0x10  }
0x92: {  	[smem:s4], [sflag:s15] =	dma.local [hbm:s2], $0x1  }
0x93: {  	_ =	swait.eq [sflag:s15], $0x1  }
0x94: {  	[sflag:s15] =	ssyncset.done $0x0  }
0x95: {  	[sflag:s15] =	ssyncadd.s32 $0xFFFFFFFF  }
0x96: {  	s16 =	sld [smem:$0x10];
	(tm) =	ssettm $0x1  }
0x97: {  	s17 =	sld [smem:$0x3FFB];
	_ =	sdelay $0x3  }
0x98: {  	_ =	strace s17  }
0x99: {  	s3 =	sld [smem:$0x3FFC];
	_ =	sdelay $0x3  }
0x9a: {  	_ =	strace s3  }
0x9b: {  	s3 =	sld [smem:$0x3FFD];
	_ =	sdelay $0x3  }
0x9c: {  	_ =	strace s3  }
0x9d: {  	_ =	strace $0x8FFFFFFF  }
0x9e: {  	s18 =	sld [smem:$0x3FDB];
	_ =	sdelay $0x1  }
0x9f: {  	s19 =	simm.s32 $_scs_section_size  }
0xa0: {  	s5 =	simm.s32 $_size__tile_overlayer_lowered;
	s6 =	simm.s32 $_tile_overlayer_lowered  }
0xa1: {  	s22 =	simm.s32 $0x1BFF;
	s21 =	sshll.u32 s6, $0x1;
	s3 =	sadd.s32 s19, s18  }
0xa2: {  	s7 =	simm.s32 $0x0;
	s20 =	sshll.u32 s5, $0x1;
	s5 =	sadd.s32 s21, s3  }
0xa3: {  	[timem:s7], [sflag:s22] =	dma.local [hbm:s5], s20  }
0xa4: {  	_ =	swait.ge [sflag:s22], s20  }
0xa5: {  	s4 =	ssub.s32 $0x0, s20;
	[sflag:s22] =	ssyncset.done $0x0  }
0xa6: {  	[sflag:s22] =	ssyncadd.s32 s4;
	_ =	sdelay $0x1  }
0xa7: {  	s23 =	simm.s32 $0x1B8B  }
0xa8: {  	_ =	swait.ge [sflag:s23], $0x1  }
0xa9: {  	[sflag:s23] =	ssyncset.done $0x0  }
0xaa: {  	s25 =	simm.s32 $0x1B8E;
	s24 =	sld [smem:$0x3FFE];
	[sflag:s23] =	ssyncadd.s32 $0xFFFFFFFF  }
0xab: {  	s26 =	simm.s32 $execute0_lowered;
	[smem:$0x3FD2] =	sst s25  }
0xac: {  	s5 =	sshll.u32 s26, $0x1;
	_ =	strace $0x8000004C;
	[dreg:$0x1] =	wrdreg $0xFFFFFFFF  }
0xad: {  	s28 =	simm.s32 $_size_execute0_lowered;
	s3 =	sadd.s32 s3, s5;
	[dreg:$0x0] =	wrdreg $0x0  }
0xae: {  	s5 =	sshll.u32 s28, $0x1;
	[dreg:$0x2] =	wrdreg s3  }
0xaf: {  	[dreg:$0x3] =	wrdreg s5  }
0xb0: {  	[dreg:$0x4] =	wrdreg $0xC0  }
0xb1: {  	_ =	task [dreg:s7], $0x5FFFF  }
0xb2: {  	[dreg:$0x1] =	wrdreg $0xFFFFFFFF  }
0xb3: {  	[dreg:$0x0] =	wrdreg $0x60  }
0xb4: {  	[dreg:$0x2] =	wrdreg s24  }
0xb5: {  	[dreg:$0x3] =	wrdreg s16  }
0xb6: {  	[dreg:$0x4] =	wrdreg $0x80200  }
0xb7: {  	[dreg:$0x5] =	wrdreg $0xA8200  }
0xb8: {  	[dreg:$0x6] =	wrdreg $0x9  }
0xb9: {  	_ =	task.clear_ibuf [dreg:s7], $0x7FFFF;
	_ =	strace $0x9000004C  }
0xba: {  	s29 =	simm.s32 $0x9;
	_ =	strace $0x8000004E  }
0xbb: {  	_ =	swait.ge [sflag:s29], $0x1  }
0xbc: {  	[sflag:s29] =	ssyncadd.s32 $0xFFFFFFFF  }
0xbd: {  	_ =	strace $0x9000004E  }
0xbe: {  	_ =	sfence  }
0xbf: {  	s30 =	sld [smem:$0x0];
	_ =	sdelay $0x2  }
0xc0: {  	s31 =	sshll.u32 s1, $0xD;
	s1 =	sshrl.u32 s1, $0x2  }
0xc1: {  	s3 =	sand.u32 $0x4000, s31;
	s1 =	sadd.s32 s1, s30  }
0xc2: {  	s0 =	sor.u32 s3, s0;
	s1 =	sshll.u32 s1, $0x11  }
0xc3: {  	s0 =	sor.u32 s1, s0  }
0xc4: {  	s0 =	sadd.s32 $0x8F2B, s0  }
0xc5: {  	[sflag:s0] =	ssyncadd.remote.s32 $0x1  }
0xc6: {  	_ =	sfence.sel $0xFFFF  }
0xc7: {  	[dreg:$0x0] =	wrdreg $0xFFFFFFFF;
	(pc) =	sbr.abs _section_cstart, $3  }
0xc8: {  	[dreg:$0x1] =	wrdreg $0xFFFFFFFF  }
0xc9: {  	_ =	task.clear_ibuf [dreg:s7], $0x2FFFF;
	_ =	strace $0x9FFFFFFF  }
0xca: {  	(tm) =	ssettm $0x7FFFFFFF  }
0xcb: {  	_ =	shalt  }
tec
execute0_lowered:
.L_overlay_start_1:
0x0: {  	(tag) =	ssettag $0x1  }
0x1: {  	s0 =	rddreg [dreg:$0x0]  }
0x2: {  	s1 =	rddreg [dreg:$0x1]  }
0x3: {  	s3 =	srdreg.scid;
	s10 =	stileid.u32  }
0x4: {  	s2 =	rddreg [dreg:$0x2];
	s6 =	simm.s32 $0x0;
	s16 =	simm.s32 $0x50  }
0x5: {  	s30 =	simm.s32 $0x6720;
	s31 =	simm.s32 $0x6;
	s15 =	simm.s32 $0xC  }
0x6: {  	s11 =	simm.s32 $0xE;
	s14 =	simm.s32 $0xA;
	s12 =	simm.s32 $0x10  }
0x7: {  	s13 =	simm.s32 $0x12;
	s4 =	sand.u32 $0x1, s3;
	s3 =	rddreg [dreg:$0x3]  }
0x8: {  	s17 =	simm.s32 $0x13;
	s5 =	sshll.u32 s10, $0x1;
	[smem:$0x7FF] =	sst s6  }
0x9: {  	s18 =	smul.u32 $0x2800, s10;
	s22 =	sshll.u32 s10, $0x6;
	s10 =	simm.s32 $0x9  }
0xa: {  	s6 =	simm.s32 $0x11;
	s5 =	sor.u32 s4, s5;
	_ =	strace $0x8000004D  }
0xb: {  	s7 =	ssub.s32 $0x2, s4;
	s4 =	smul.u32 $0x28000, s4;
	s19 =	sor.u32 $0x1C15, s22  }
0xc: {  	s5 =	smul.u32 $0x4E2, s5;
	s8 =	sshrl.u32 s18, $0x3;
	s9 =	sshrl.u32 s7, $0x1  }
0xd: {  	s20 =	sadd.s32 s18, s2;
	s23 =	sadd.s32 s18, s3;
	[dreg:$0x6] =	wrdreg s19  }
0xe: {  	s7 =	ssub.s32 s7, s9;
	s4 =	sadd.s32 s18, s4;
	s22 =	sshrl.u32 s20, $0x3  }
0xf: {  	s29 =	sshrl.u32 s23, $0x3;
	s9 =	simm.s32 $0xD;
	s18 =	simm.s32 $0x14  }
0x10: {  	s5 =	sadd.s32 s5, s0;
	s0 =	sadd.s32 s8, s0;
	[dreg:$0xd] =	wrdreg s29  }
0x11: {  	s25 =	sshrl.u32 s4, $0x3;
	s28 =	smax.u32 s7, $0x1;
	[dreg:$0xc] =	wrdreg s22  }
0x12: {  	s7 =	simm.s32 $0x7;
	s21 =	sadd.s32 $0x3D400, s0;
	[dreg:$0xb] =	wrdreg s28  }
0x13: {  	s8 =	simm.s32 $0x8;
	s0 =	sadd.s32 $0x6A400, s0;
	[dreg:$0x5] =	wrdreg s21  }
0x14: {  	s4 =	simm.s32 $0xF;
	s24 =	sadd.s32 $0xB600, s5;
	[dreg:$0x7] =	wrdreg s0  }
0x15: {  	s26 =	sadd.s32 $0x1800, s5;
	s5 =	simm.s32 $0xB;
	[dreg:$0x8] =	wrdreg s24  }
0x16: {  	[dreg:$0x9] =	wrdreg s26;
	s0 =	sadd.s32 s1, s25;
	s25 =	simm.s32 $0x6C20  }
0x17: {  	s21 =	simm.s32 $0x5;
	s1 =	simm.s32 $0x0;
	[dreg:$0xa] =	wrdreg s0  }
.LBB2_1:
0x18: {  	[dreg:$0xe] =	wrdreg s1  }
0x19: {  	s24 =	simm.s32 $0x15;
	s20 =	rddreg [dreg:$0x5]  }
0x1a: {  	[spmem:s22], [sflag:s19] =	dma.local [hbm:s20], $0x500  }
0x1b: {  	_ =	swait.ge [sflag:s24], $0x500  }
0x1c: {  	[sflag:s24] =	ssyncset.done $0x0;
	s23 =	rddreg [dreg:$0x7]  }
0x1d: {  	s26 =	rddreg [dreg:$0xd];
	[sflag:s24] =	ssyncadd.s32 $0xFFFFFB00  }
0x1e: {  	[spmem:s26], [sflag:s19] =	dma.local [hbm:s23], $0x500  }
0x1f: {  	_ =	swait.ge [sflag:s24], $0x500  }
0x20: {  	[sflag:s24] =	ssyncset.done $0x0  }
0x21: {  	s28 =	simm.s32 $0x0;
	s29 =	rddreg [dreg:$0x8];
	[sflag:s24] =	ssyncadd.s32 $0xFFFFFB00  }
0x22: {  	[tilespmem:s28], [sflag:$0x15] =	stream.linear.gather [hbm4b:s29+s28], $0x2710, $0x38;
	[tilespmem:$0xD020] =	vst v63  }
0x23: {  	_ =	swait.ge [sflag:s24], $0x2710  }
0x24: {  	[sflag:s24] =	ssyncset.done $0x0  }
0x25: {  	s26 =	simm.s32 $0x2710;
	s0 =	rddreg [dreg:$0x9];
	[sflag:s24] =	ssyncadd.s32 $0xFFFFD8F0  }
0x26: {  	[tilespmem:s26], [sflag:$0x15] =	stream.linear.gather [hbm4b:s0+s28], $0x2710, $0x38;
	[tilespmem:$0xD020] =	vst v63  }
0x27: {  	_ =	swait.ge [sflag:s24], $0x2710  }
0x28: {  	[sflag:s24] =	ssyncset.done $0x0  }
0x29: {  	[sflag:s24] =	ssyncadd.s32 $0xFFFFD8F0  }
0x2a: {  	s22 =	simm.s32 $0x4E20;
	[bflag:$0x0] =	sbarrier.arrive $0xFFFF  }
0x2b: {  	[tilespmem:s22], [sflag:$0x1] =	stream.indirect.gather [spmem:s3], $0x10, s28, s16, $0xb8;
	[tilespmem:$0xD020] =	vst v63  }
0x2c: {  	s0 =	simm.s32 $0x5320  }
0x2d: {  	[tilespmem:s0], [sflag:$0x2] =	stream.indirect.gather [spmem:s3], $0x10, s16, s16, $0xb8;
	[tilespmem:$0xD020] =	vst v63  }
0x2e: {  	s1 =	simm.s32 $0xA0;
	s19 =	simm.s32 $0x5820  }
0x2f: {  	[tilespmem:s19], [sflag:$0x3] =	stream.indirect.gather [spmem:s3], $0x10, s1, s16, $0xb8;
	[tilespmem:$0xD020] =	vst v63  }
0x30: {  	s20 =	simm.s32 $0xF0;
	s28 =	simm.s32 $0x5D20  }
0x31: {  	[tilespmem:s28], [sflag:$0x4] =	stream.indirect.gather [spmem:s3], $0x10, s20, s16, $0xb8;
	[tilespmem:$0xD020] =	vst v63  }
0x32: {  	s29 =	simm.s32 $0x140;
	s28 =	simm.s32 $0x6220;
	s20 =	simm.s32 $0x1  }
0x33: {  	[tilespmem:s28], [sflag:$0x5] =	stream.indirect.gather [spmem:s3], $0x10, s29, s16, $0xb8;
	[tilespmem:$0xD020] =	vst v63  }
0x34: {  	_ =	swait.ge [sflag:s20], $0x500  }
0x35: {  	[sflag:s20] =	ssyncset.done $0x0  }
0x36: {  	[sflag:s20] =	ssyncadd.s32 $0xFFFFFB00  }
0x37: {  	[spmem:s2] =	stream.indirect.scatter.add.f32 [tilespmem:s22], [sflag:$0xB], $0x10, s26, s16, $0xb8;
	[tilespmem:$0xD020] =	vst v63  }
0x38: {  	s0 =	simm.s32 $0x190;
	s29 =	simm.s32 $0x2  }
0x39: {  	[tilespmem:s30], [sflag:$0x6] =	stream.indirect.gather [spmem:s3], $0x10, s0, s16, $0xb8;
	[tilespmem:$0xD020] =	vst v63  }
0x3a: {  	_ =	swait.ge [sflag:s29], $0x500  }
0x3b: {  	[sflag:s29] =	ssyncset.done $0x0  }
0x3c: {  	s23 =	simm.s32 $0x5320;
	s26 =	simm.s32 $0x2760;
	[sflag:s29] =	ssyncadd.s32 $0xFFFFFB00  }
0x3d: {  	[spmem:s2] =	stream.indirect.scatter.add.f32 [tilespmem:s23], [sflag:$0xC], $0x10, s26, s16, $0xb8;
	[tilespmem:$0xD020] =	vst v63  }
0x3e: {  	s0 =	simm.s32 $0x1E0  }
0x3f: {  	[tilespmem:s25], [sflag:$0x7] =	stream.indirect.gather [spmem:s3], $0x10, s0, s16, $0xb8;
	[tilespmem:$0xD020] =	vst v63  }
0x40: {  	s0 =	simm.s32 $0x3  }
0x41: {  	_ =	swait.ge [sflag:s0], $0x500  }
0x42: {  	[sflag:s0] =	ssyncset.done $0x0  }
0x43: {  	s24 =	simm.s32 $0x5820;
	s26 =	simm.s32 $0x27B0;
	[sflag:s0] =	ssyncadd.s32 $0xFFFFFB00  }
0x44: {  	[spmem:s2] =	stream.indirect.scatter.add.f32 [tilespmem:s24], [sflag:$0xD], $0x10, s26, s16, $0xb8;
	[tilespmem:$0xD020] =	vst v63  }
0x45: {  	s26 =	simm.s32 $0x230;
	s24 =	simm.s32 $0x7120  }
0x46: {  	[tilespmem:s24], [sflag:$0x8] =	stream.indirect.gather [spmem:s3], $0x10, s26, s16, $0xb8;
	[tilespmem:$0xD020] =	vst v63  }
0x47: {  	s26 =	simm.s32 $0x4  }
0x48: {  	_ =	swait.ge [sflag:s26], $0x500  }
0x49: {  	[sflag:s26] =	ssyncset.done $0x0  }
0x4a: {  	s1 =	simm.s32 $0x5D20;
	s19 =	simm.s32 $0x2800;
	[sflag:s26] =	ssyncadd.s32 $0xFFFFFB00  }
0x4b: {  	[spmem:s2] =	stream.indirect.scatter.add.f32 [tilespmem:s1], [sflag:$0xE], $0x10, s19, s16, $0xb8;
	[tilespmem:$0xD020] =	vst v63  }
0x4c: {  	s19 =	simm.s32 $0x280;
	s1 =	simm.s32 $0x7620  }
0x4d: {  	[tilespmem:s1], [sflag:$0x9] =	stream.indirect.gather [spmem:s3], $0x10, s19, s16, $0xb8;
	[tilespmem:$0xD020] =	vst v63  }
0x4e: {  	_ =	swait.ge [sflag:s21], $0x500  }
0x4f: {  	[sflag:s21] =	ssyncset.done $0x0  }
0x50: {  	s1 =	simm.s32 $0x2850;
	[sflag:s21] =	ssyncadd.s32 $0xFFFFFB00  }
0x51: {  	[spmem:s2] =	stream.indirect.scatter.add.f32 [tilespmem:s28], [sflag:$0xF], $0x10, s1, s16, $0xb8;
	[tilespmem:$0xD020] =	vst v63  }
0x52: {  	s19 =	simm.s32 $0x2D0;
	s1 =	simm.s32 $0x7B20  }
0x53: {  	[tilespmem:s1], [sflag:$0xA] =	stream.indirect.gather [spmem:s3], $0x10, s19, s16, $0xb8;
	[tilespmem:$0xD020] =	vst v63  }
0x54: {  	_ =	swait.ge [sflag:s31], $0x500  }
0x55: {  	[sflag:s31] =	ssyncset.done $0x0  }
0x56: {  	s1 =	simm.s32 $0x28A0;
	[sflag:s31] =	ssyncadd.s32 $0xFFFFFB00  }
0x57: {  	[spmem:s2] =	stream.indirect.scatter.add.f32 [tilespmem:s30], [sflag:$0x10], $0x10, s1, s16, $0xb8;
	[tilespmem:$0xD020] =	vst v63  }
0x58: {  	_ =	swait.ge [sflag:s5], $0x500  }
0x59: {  	[sflag:s5] =	ssyncset.done $0x0  }
0x5a: {  	s1 =	simm.s32 $0x320;
	[sflag:s5] =	ssyncadd.s32 $0xFFFFFB00  }
0x5b: {  	[tilespmem:s22], [sflag:$0x1] =	stream.indirect.gather [spmem:s3], $0x10, s1, s16, $0xb8;
	[tilespmem:$0xD020] =	vst v63  }
0x5c: {  	_ =	swait.ge [sflag:s7], $0x500  }
0x5d: {  	[sflag:s7] =	ssyncset.done $0x0  }
0x5e: {  	s1 =	simm.s32 $0x28F0;
	[sflag:s7] =	ssyncadd.s32 $0xFFFFFB00  }
0x5f: {  	[spmem:s2] =	stream.indirect.scatter.add.f32 [tilespmem:s25], [sflag:$0x11], $0x10, s1, s16, $0xb8;
	[tilespmem:$0xD020] =	vst v63  }
0x60: {  	_ =	swait.ge [sflag:s15], $0x500  }
0x61: {  	[sflag:s15] =	ssyncset.done $0x0  }
0x62: {  	s23 =	simm.s32 $0x5320;
	s1 =	simm.s32 $0x370;
	[sflag:s15] =	ssyncadd.s32 $0xFFFFFB00  }
0x63: {  	[tilespmem:s23], [sflag:$0x2] =	stream.indirect.gather [spmem:s3], $0x10, s1, s16, $0xb8;
	[tilespmem:$0xD020] =	vst v63  }
0x64: {  	_ =	swait.ge [sflag:s8], $0x500  }
0x65: {  	[sflag:s8] =	ssyncset.done $0x0  }
0x66: {  	s24 =	simm.s32 $0x7120;
	s1 =	simm.s32 $0x2940;
	[sflag:s8] =	ssyncadd.s32 $0xFFFFFB00  }
0x67: {  	[spmem:s2] =	stream.indirect.scatter.add.f32 [tilespmem:s24], [sflag:$0x12], $0x10, s1, s16, $0xb8;
	[tilespmem:$0xD020] =	vst v63  }
0x68: {  	_ =	swait.ge [sflag:s9], $0x500  }
0x69: {  	[sflag:s9] =	ssyncset.done $0x0  }
0x6a: {  	s23 =	simm.s32 $0x3C0;
	s24 =	simm.s32 $0x5820;
	[sflag:s9] =	ssyncadd.s32 $0xFFFFFB00  }
0x6b: {  	[tilespmem:s24], [sflag:$0x3] =	stream.indirect.gather [spmem:s3], $0x10, s23, s16, $0xb8;
	[tilespmem:$0xD020] =	vst v63  }
0x6c: {  	_ =	swait.ge [sflag:s10], $0x500  }
0x6d: {  	[sflag:s10] =	ssyncset.done $0x0  }
0x6e: {  	s1 =	simm.s32 $0x2990;
	s23 =	simm.s32 $0x7620;
	[sflag:s10] =	ssyncadd.s32 $0xFFFFFB00  }
0x6f: {  	[spmem:s2] =	stream.indirect.scatter.add.f32 [tilespmem:s23], [sflag:$0x13], $0x10, s1, s16, $0xb8;
	[tilespmem:$0xD020] =	vst v63  }
0x70: {  	_ =	swait.ge [sflag:s11], $0x500  }
0x71: {  	[sflag:s11] =	ssyncset.done $0x0  }
0x72: {  	s23 =	simm.s32 $0x410;
	s1 =	simm.s32 $0x5D20;
	[sflag:s11] =	ssyncadd.s32 $0xFFFFFB00  }
0x73: {  	[tilespmem:s1], [sflag:$0x4] =	stream.indirect.gather [spmem:s3], $0x10, s23, s16, $0xb8;
	[tilespmem:$0xD020] =	vst v63  }
0x74: {  	_ =	swait.ge [sflag:s14], $0x500  }
0x75: {  	[sflag:s14] =	ssyncset.done $0x0  }
0x76: {  	s19 =	simm.s32 $0x29E0;
	s23 =	simm.s32 $0x7B20;
	[sflag:s14] =	ssyncadd.s32 $0xFFFFFB00  }
0x77: {  	[spmem:s2] =	stream.indirect.scatter.add.f32 [tilespmem:s23], [sflag:$0x14], $0x10, s19, s16, $0xb8;
	[tilespmem:$0xD020] =	vst v63  }
0x78: {  	_ =	swait.ge [sflag:s4], $0x500  }
0x79: {  	[sflag:s4] =	ssyncset.done $0x0  }
0x7a: {  	s23 =	simm.s32 $0x460;
	[sflag:s4] =	ssyncadd.s32 $0xFFFFFB00  }
0x7b: {  	[tilespmem:s28], [sflag:$0x5] =	stream.indirect.gather [spmem:s3], $0x10, s23, s16, $0xb8;
	[tilespmem:$0xD020] =	vst v63  }
0x7c: {  	_ =	swait.ge [sflag:s20], $0x500  }
0x7d: {  	[sflag:s20] =	ssyncset.done $0x0  }
0x7e: {  	s19 =	simm.s32 $0x2A30;
	[sflag:s20] =	ssyncadd.s32 $0xFFFFFB00  }
0x7f: {  	[spmem:s2] =	stream.indirect.scatter.add.f32 [tilespmem:s22], [sflag:$0xB], $0x10, s19, s16, $0xb8;
	[tilespmem:$0xD020] =	vst v63  }
0x80: {  	_ =	swait.ge [sflag:s12], $0x500  }
0x81: {  	[sflag:s12] =	ssyncset.done $0x0  }
0x82: {  	s23 =	simm.s32 $0x4B0;
	[sflag:s12] =	ssyncadd.s32 $0xFFFFFB00  }
0x83: {  	[tilespmem:s30], [sflag:$0x6] =	stream.indirect.gather [spmem:s3], $0x10, s23, s16, $0xb8;
	[tilespmem:$0xD020] =	vst v63  }
0x84: {  	_ =	swait.ge [sflag:s29], $0x500  }
0x85: {  	[sflag:s29] =	ssyncset.done $0x0  }
0x86: {  	s19 =	simm.s32 $0x2A80;
	s23 =	simm.s32 $0x5320;
	[sflag:s29] =	ssyncadd.s32 $0xFFFFFB00  }
0x87: {  	[spmem:s2] =	stream.indirect.scatter.add.f32 [tilespmem:s23], [sflag:$0xC], $0x10, s19, s16, $0xb8;
	[tilespmem:$0xD020] =	vst v63  }
0x88: {  	_ =	swait.ge [sflag:s6], $0x500  }
0x89: {  	[sflag:s6] =	ssyncset.done $0x0  }
0x8a: {  	s29 =	simm.s32 $0x500;
	[sflag:s6] =	ssyncadd.s32 $0xFFFFFB00  }
0x8b: {  	[tilespmem:s25], [sflag:$0x7] =	stream.indirect.gather [spmem:s3], $0x10, s29, s16, $0xb8;
	[tilespmem:$0xD020] =	vst v63  }
0x8c: {  	_ =	swait.ge [sflag:s0], $0x500  }
0x8d: {  	[sflag:s0] =	ssyncset.done $0x0  }
0x8e: {  	[sflag:s0] =	ssyncadd.s32 $0xFFFFFB00;
	s0 =	simm.s32 $0x2AD0  }
0x8f: {  	[spmem:s2] =	stream.indirect.scatter.add.f32 [tilespmem:s24], [sflag:$0xD], $0x10, s0, s16, $0xb8;
	[tilespmem:$0xD020] =	vst v63  }
0x90: {  	_ =	swait.ge [sflag:s13], $0x500  }
0x91: {  	[sflag:s13] =	ssyncset.done $0x0  }
0x92: {  	s19 =	simm.s32 $0x550;
	s29 =	simm.s32 $0x7120;
	[sflag:s13] =	ssyncadd.s32 $0xFFFFFB00  }
0x93: {  	[tilespmem:s29], [sflag:$0x8] =	stream.indirect.gather [spmem:s3], $0x10, s19, s16, $0xb8;
	[tilespmem:$0xD020] =	vst v63  }
0x94: {  	_ =	swait.ge [sflag:s26], $0x500  }
0x95: {  	[sflag:s26] =	ssyncset.done $0x0  }
0x96: {  	s0 =	simm.s32 $0x2B20;
	[sflag:s26] =	ssyncadd.s32 $0xFFFFFB00  }
0x97: {  	[spmem:s2] =	stream.indirect.scatter.add.f32 [tilespmem:s1], [sflag:$0xE], $0x10, s0, s16, $0xb8;
	[tilespmem:$0xD020] =	vst v63  }
0x98: {  	_ =	swait.ge [sflag:s17], $0x500  }
0x99: {  	[sflag:s17] =	ssyncset.done $0x0  }
0x9a: {  	s19 =	simm.s32 $0x7620;
	s1 =	simm.s32 $0x5A0;
	[sflag:s17] =	ssyncadd.s32 $0xFFFFFB00  }
0x9b: {  	[tilespmem:s19], [sflag:$0x9] =	stream.indirect.gather [spmem:s3], $0x10, s1, s16, $0xb8;
	[tilespmem:$0xD020] =	vst v63  }
0x9c: {  	_ =	swait.ge [sflag:s21], $0x500  }
0x9d: {  	[sflag:s21] =	ssyncset.done $0x0  }
0x9e: {  	s26 =	simm.s32 $0x2B70;
	[sflag:s21] =	ssyncadd.s32 $0xFFFFFB00  }
0x9f: {  	[spmem:s2] =	stream.indirect.scatter.add.f32 [tilespmem:s28], [sflag:$0xF], $0x10, s26, s16, $0xb8;
	[tilespmem:$0xD020] =	vst v63  }
0xa0: {  	_ =	swait.ge [sflag:s18], $0x500  }
0xa1: {  	[sflag:s18] =	ssyncset.done $0x0  }
0xa2: {  	s1 =	simm.s32 $0x7B20;
	s28 =	simm.s32 $0x5F0;
	[sflag:s18] =	ssyncadd.s32 $0xFFFFFB00  }
0xa3: {  	[tilespmem:s1], [sflag:$0xA] =	stream.indirect.gather [spmem:s3], $0x10, s28, s16, $0xb8;
	[tilespmem:$0xD020] =	vst v63  }
0xa4: {  	_ =	swait.ge [sflag:s31], $0x500  }
0xa5: {  	[sflag:s31] =	ssyncset.done $0x0  }
0xa6: {  	s26 =	simm.s32 $0x2BC0;
	[sflag:s31] =	ssyncadd.s32 $0xFFFFFB00  }
0xa7: {  	[spmem:s2] =	stream.indirect.scatter.add.f32 [tilespmem:s30], [sflag:$0x10], $0x10, s26, s16, $0xb8;
	[tilespmem:$0xD020] =	vst v63  }
0xa8: {  	_ =	swait.ge [sflag:s5], $0x500  }
0xa9: {  	[sflag:s5] =	ssyncset.done $0x0  }
0xaa: {  	s28 =	simm.s32 $0x640;
	[sflag:s5] =	ssyncadd.s32 $0xFFFFFB00  }
0xab: {  	[tilespmem:s22], [sflag:$0x1] =	stream.indirect.gather [spmem:s3], $0x10, s28, s16, $0xb8;
	[tilespmem:$0xD020] =	vst v63  }
0xac: {  	_ =	swait.ge [sflag:s7], $0x500  }
0xad: {  	[sflag:s7] =	ssyncset.done $0x0  }
0xae: {  	s26 =	simm.s32 $0x2C10;
	[sflag:s7] =	ssyncadd.s32 $0xFFFFFB00  }
0xaf: {  	[spmem:s2] =	stream.indirect.scatter.add.f32 [tilespmem:s25], [sflag:$0x11], $0x10, s26, s16, $0xb8;
	[tilespmem:$0xD020] =	vst v63  }
0xb0: {  	_ =	swait.ge [sflag:s15], $0x500  }
0xb1: {  	[sflag:s15] =	ssyncset.done $0x0  }
0xb2: {  	s28 =	simm.s32 $0x690;
	[sflag:s15] =	ssyncadd.s32 $0xFFFFFB00  }
0xb3: {  	[tilespmem:s23], [sflag:$0x2] =	stream.indirect.gather [spmem:s3], $0x10, s28, s16, $0xb8;
	[tilespmem:$0xD020] =	vst v63  }
0xb4: {  	_ =	swait.ge [sflag:s8], $0x500  }
0xb5: {  	[sflag:s8] =	ssyncset.done $0x0  }
0xb6: {  	s29 =	simm.s32 $0x7120;
	s22 =	simm.s32 $0x2C60;
	[sflag:s8] =	ssyncadd.s32 $0xFFFFFB00  }
0xb7: {  	[spmem:s2] =	stream.indirect.scatter.add.f32 [tilespmem:s29], [sflag:$0x12], $0x10, s22, s16, $0xb8;
	[tilespmem:$0xD020] =	vst v63  }
0xb8: {  	_ =	swait.ge [sflag:s9], $0x500  }
0xb9: {  	[sflag:s9] =	ssyncset.done $0x0  }
0xba: {  	s24 =	simm.s32 $0x5820;
	s23 =	simm.s32 $0x6E0;
	[sflag:s9] =	ssyncadd.s32 $0xFFFFFB00  }
0xbb: {  	[tilespmem:s24], [sflag:$0x3] =	stream.indirect.gather [spmem:s3], $0x10, s23, s16, $0xb8;
	[tilespmem:$0xD020] =	vst v63  }
0xbc: {  	_ =	swait.ge [sflag:s10], $0x500  }
0xbd: {  	[sflag:s10] =	ssyncset.done $0x0  }
0xbe: {  	s26 =	simm.s32 $0x2CB0;
	[sflag:s10] =	ssyncadd.s32 $0xFFFFFB00  }
0xbf: {  	[spmem:s2] =	stream.indirect.scatter.add.f32 [tilespmem:s19], [sflag:$0x13], $0x10, s26, s16, $0xb8;
	[tilespmem:$0xD020] =	vst v63  }
0xc0: {  	_ =	swait.ge [sflag:s11], $0x500  }
0xc1: {  	[sflag:s11] =	ssyncset.done $0x0  }
0xc2: {  	s0 =	simm.s32 $0x5D20;
	s28 =	simm.s32 $0x730;
	[sflag:s11] =	ssyncadd.s32 $0xFFFFFB00  }
0xc3: {  	[tilespmem:s0], [sflag:$0x4] =	stream.indirect.gather [spmem:s3], $0x10, s28, s16, $0xb8;
	[tilespmem:$0xD020] =	vst v63  }
0xc4: {  	_ =	swait.ge [sflag:s14], $0x500  }
0xc5: {  	[sflag:s14] =	ssyncset.done $0x0  }
0xc6: {  	s29 =	simm.s32 $0x2D00;
	[sflag:s14] =	ssyncadd.s32 $0xFFFFFB00  }
0xc7: {  	[spmem:s2] =	stream.indirect.scatter.add.f32 [tilespmem:s1], [sflag:$0x14], $0x10, s29, s16, $0xb8;
	[tilespmem:$0xD020] =	vst v63  }
0xc8: {  	_ =	swait.ge [sflag:s4], $0x500  }
0xc9: {  	[sflag:s4] =	ssyncset.done $0x0  }
0xca: {  	s20 =	simm.s32 $0xC80;
	s22 =	simm.s32 $0x780;
	[sflag:s4] =	ssyncadd.s32 $0xFFFFFB00  }
.LBB2_2:
0xcb: {  	s1 =	simm.s32 $0x6220  }
0xcc: {  	[tilespmem:s1], [sflag:$0x5] =	stream.indirect.gather [spmem:s3], $0x10, s22, s16, $0xb8;
	[tilespmem:$0xD020] =	vst v63  }
0xcd: {  	s19 =	simm.s32 $0x1;
	s22 =	smov.u32 s20  }
0xce: {  	p0 =	sne.s32 s20, $0x7D00;
	s20 =	sadd.s32 $0xC80, s20;
	_ =	swait.ge [sflag:s19], $0x500  }
0xcf: {  	s22 =	sshra.s32 s22, $0x2;
	[sflag:s19] =	ssyncset.done $0x0  }
0xd0: {  	s28 =	simm.s32 $0x4E20;
	s24 =	sadd.s32 $0x2A30, s22;
	[sflag:s19] =	ssyncadd.s32 $0xFFFFFB00  }
0xd1: {  	[spmem:s2] =	stream.indirect.scatter.add.f32 [tilespmem:s28], [sflag:$0xB], $0x10, s24, s16, $0xb8;
	[tilespmem:$0xD020] =	vst v63  }
0xd2: {  	_ =	swait.ge [sflag:s12], $0x500  }
0xd3: {  	[sflag:s12] =	ssyncset.done $0x0  }
0xd4: {  	s19 =	simm.s32 $0x2;
	s24 =	sadd.s32 $0x4B0, s22;
	[sflag:s12] =	ssyncadd.s32 $0xFFFFFB00  }
0xd5: {  	[tilespmem:s30], [sflag:$0x6] =	stream.indirect.gather [spmem:s3], $0x10, s24, s16, $0xb8;
	[tilespmem:$0xD020] =	vst v63  }
0xd6: {  	_ =	swait.ge [sflag:s19], $0x500  }
0xd7: {  	[sflag:s19] =	ssyncset.done $0x0  }
0xd8: {  	s23 =	simm.s32 $0x5320;
	s24 =	sadd.s32 $0x2A80, s22;
	[sflag:s19] =	ssyncadd.s32 $0xFFFFFB00  }
0xd9: {  	[spmem:s2] =	stream.indirect.scatter.add.f32 [tilespmem:s23], [sflag:$0xC], $0x10, s24, s16, $0xb8;
	[tilespmem:$0xD020] =	vst v63  }
0xda: {  	_ =	swait.ge [sflag:s6], $0x500  }
0xdb: {  	[sflag:s6] =	ssyncset.done $0x0  }
0xdc: {  	s0 =	simm.s32 $0x3;
	s24 =	sadd.s32 $0x500, s22;
	[sflag:s6] =	ssyncadd.s32 $0xFFFFFB00  }
0xdd: {  	[tilespmem:s25], [sflag:$0x7] =	stream.indirect.gather [spmem:s3], $0x10, s24, s16, $0xb8;
	[tilespmem:$0xD020] =	vst v63  }
0xde: {  	_ =	swait.ge [sflag:s0], $0x500  }
0xdf: {  	[sflag:s0] =	ssyncset.done $0x0  }
0xe0: {  	s19 =	simm.s32 $0x5820;
	s24 =	sadd.s32 $0x2AD0, s22;
	[sflag:s0] =	ssyncadd.s32 $0xFFFFFB00  }
0xe1: {  	[spmem:s2] =	stream.indirect.scatter.add.f32 [tilespmem:s19], [sflag:$0xD], $0x10, s24, s16, $0xb8;
	[tilespmem:$0xD020] =	vst v63  }
0xe2: {  	_ =	swait.ge [sflag:s13], $0x500  }
0xe3: {  	s29 =	simm.s32 $0x7120;
	[sflag:s13] =	ssyncset.done $0x0  }
0xe4: {  	s0 =	simm.s32 $0x4;
	s24 =	sadd.s32 $0x550, s22;
	[sflag:s13] =	ssyncadd.s32 $0xFFFFFB00  }
0xe5: {  	[tilespmem:s29], [sflag:$0x8] =	stream.indirect.gather [spmem:s3], $0x10, s24, s16, $0xb8;
	[tilespmem:$0xD020] =	vst v63  }
0xe6: {  	_ =	swait.ge [sflag:s0], $0x500  }
0xe7: {  	s30 =	simm.s32 $0x5D20;
	[sflag:s0] =	ssyncset.done $0x0  }
0xe8: {  	s25 =	simm.s32 $0x6720;
	s24 =	sadd.s32 $0x2B20, s22;
	[sflag:s0] =	ssyncadd.s32 $0xFFFFFB00  }
0xe9: {  	[spmem:s2] =	stream.indirect.scatter.add.f32 [tilespmem:s30], [sflag:$0xE], $0x10, s24, s16, $0xb8;
	[tilespmem:$0xD020] =	vst v63  }
0xea: {  	_ =	swait.ge [sflag:s17], $0x500  }
0xeb: {  	[sflag:s17] =	ssyncset.done $0x0  }
0xec: {  	s0 =	simm.s32 $0x7620;
	s24 =	sadd.s32 $0x5A0, s22;
	[sflag:s17] =	ssyncadd.s32 $0xFFFFFB00  }
0xed: {  	[tilespmem:s0], [sflag:$0x9] =	stream.indirect.gather [spmem:s3], $0x10, s24, s16, $0xb8;
	[tilespmem:$0xD020] =	vst v63  }
0xee: {  	_ =	swait.ge [sflag:s21], $0x500  }
0xef: {  	[sflag:s21] =	ssyncset.done $0x0  }
0xf0: {  	s24 =	sadd.s32 $0x2B70, s22;
	[sflag:s21] =	ssyncadd.s32 $0xFFFFFB00  }
0xf1: {  	[spmem:s2] =	stream.indirect.scatter.add.f32 [tilespmem:s1], [sflag:$0xF], $0x10, s24, s16, $0xb8;
	[tilespmem:$0xD020] =	vst v63  }
0xf2: {  	_ =	swait.ge [sflag:s18], $0x500  }
0xf3: {  	[sflag:s18] =	ssyncset.done $0x0  }
0xf4: {  	s26 =	simm.s32 $0x7B20;
	s24 =	sadd.s32 $0x5F0, s22;
	[sflag:s18] =	ssyncadd.s32 $0xFFFFFB00  }
0xf5: {  	[tilespmem:s26], [sflag:$0xA] =	stream.indirect.gather [spmem:s3], $0x10, s24, s16, $0xb8;
	[tilespmem:$0xD020] =	vst v63  }
0xf6: {  	_ =	swait.ge [sflag:s31], $0x500  }
0xf7: {  	[sflag:s31] =	ssyncset.done $0x0  }
0xf8: {  	s24 =	sadd.s32 $0x2BC0, s22;
	[sflag:s31] =	ssyncadd.s32 $0xFFFFFB00  }
0xf9: {  	[spmem:s2] =	stream.indirect.scatter.add.f32 [tilespmem:s25], [sflag:$0x10], $0x10, s24, s16, $0xb8;
	[tilespmem:$0xD020] =	vst v63  }
0xfa: {  	s25 =	simm.s32 $0x6C20  }
0xfb: {  	_ =	swait.ge [sflag:s5], $0x500  }
0xfc: {  	[sflag:s5] =	ssyncset.done $0x0  }
0xfd: {  	s1 =	simm.s32 $0x4E20;
	s24 =	sadd.s32 $0x640, s22;
	[sflag:s5] =	ssyncadd.s32 $0xFFFFFB00  }
0xfe: {  	[tilespmem:s28], [sflag:$0x1] =	stream.indirect.gather [spmem:s3], $0x10, s24, s16, $0xb8;
	[tilespmem:$0xD020] =	vst v63  }
0xff: {  	_ =	swait.ge [sflag:s7], $0x500  }
0x100: {  	[sflag:s7] =	ssyncset.done $0x0  }
0x101: {  	s24 =	sadd.s32 $0x2C10, s22;
	[sflag:s7] =	ssyncadd.s32 $0xFFFFFB00  }
0x102: {  	[spmem:s2] =	stream.indirect.scatter.add.f32 [tilespmem:s25], [sflag:$0x11], $0x10, s24, s16, $0xb8;
	[tilespmem:$0xD020] =	vst v63  }
0x103: {  	_ =	swait.ge [sflag:s15], $0x500  }
0x104: {  	[sflag:s15] =	ssyncset.done $0x0  }
0x105: {  	s28 =	simm.s32 $0x5320;
	s24 =	sadd.s32 $0x690, s22;
	[sflag:s15] =	ssyncadd.s32 $0xFFFFFB00  }
0x106: {  	[tilespmem:s23], [sflag:$0x2] =	stream.indirect.gather [spmem:s3], $0x10, s24, s16, $0xb8;
	[tilespmem:$0xD020] =	vst v63  }
0x107: {  	_ =	swait.ge [sflag:s8], $0x500  }
0x108: {  	[sflag:s8] =	ssyncset.done $0x0  }
0x109: {  	s24 =	sadd.s32 $0x2C60, s22;
	[sflag:s8] =	ssyncadd.s32 $0xFFFFFB00  }
0x10a: {  	[spmem:s2] =	stream.indirect.scatter.add.f32 [tilespmem:s29], [sflag:$0x12], $0x10, s24, s16, $0xb8;
	[tilespmem:$0xD020] =	vst v63  }
0x10b: {  	_ =	swait.ge [sflag:s9], $0x500  }
0x10c: {  	[sflag:s9] =	ssyncset.done $0x0  }
0x10d: {  	s23 =	simm.s32 $0x5820;
	s24 =	sadd.s32 $0x6E0, s22;
	[sflag:s9] =	ssyncadd.s32 $0xFFFFFB00  }
0x10e: {  	[tilespmem:s19], [sflag:$0x3] =	stream.indirect.gather [spmem:s3], $0x10, s24, s16, $0xb8;
	[tilespmem:$0xD020] =	vst v63  }
0x10f: {  	_ =	swait.ge [sflag:s10], $0x500  }
0x110: {  	[sflag:s10] =	ssyncset.done $0x0  }
0x111: {  	s24 =	sadd.s32 $0x2CB0, s22;
	[sflag:s10] =	ssyncadd.s32 $0xFFFFFB00  }
0x112: {  	[spmem:s2] =	stream.indirect.scatter.add.f32 [tilespmem:s0], [sflag:$0x13], $0x10, s24, s16, $0xb8;
	[tilespmem:$0xD020] =	vst v63  }
0x113: {  	_ =	swait.ge [sflag:s11], $0x500  }
0x114: {  	[sflag:s11] =	ssyncset.done $0x0  }
0x115: {  	s24 =	sadd.s32 $0x730, s22;
	[sflag:s11] =	ssyncadd.s32 $0xFFFFFB00  }
0x116: {  	[tilespmem:s30], [sflag:$0x4] =	stream.indirect.gather [spmem:s3], $0x10, s24, s16, $0xb8;
	[tilespmem:$0xD020] =	vst v63  }
0x117: {  	s19 =	simm.s32 $0x5D20;
	s30 =	simm.s32 $0x6720  }
0x118: {  	_ =	swait.ge [sflag:s14], $0x500  }
0x119: {  	[sflag:s14] =	ssyncset.done $0x0  }
.Ltmp0:
0x11a: {  	s24 =	sadd.s32 $0x2D00, s22;
	[sflag:s14] =	ssyncadd.s32 $0xFFFFFB00;
	(pc) =	sbr.rel @p0 .LBB2_2-.Ltmp0, $4  }
0x11b: {  	[spmem:s2] =	stream.indirect.scatter.add.f32 [tilespmem:s26], [sflag:$0x14], $0x10, s24, s16, $0xb8;
	[tilespmem:$0xD020] =	vst v63  }
0x11c: {  	_ =	swait.ge [sflag:s4], $0x500  }
0x11d: {  	[sflag:s4] =	ssyncset.done $0x0  }
0x11e: {  	s22 =	sadd.s32 $0x780, s22;
	[sflag:s4] =	ssyncadd.s32 $0xFFFFFB00  }
0x11f: {  	s20 =	simm.s32 $0x6220;
	s29 =	simm.s32 $0x1  }
0x120: {  	[tilespmem:s20], [sflag:$0x5] =	stream.indirect.gather [spmem:s3], $0x10, s22, s16, $0xb8;
	[tilespmem:$0xD020] =	vst v63  }
0x121: {  	_ =	swait.ge [sflag:s29], $0x500  }
0x122: {  	[sflag:s29] =	ssyncset.done $0x0  }
0x123: {  	s0 =	simm.s32 $0x4C90;
	s24 =	simm.s32 $0x2;
	[sflag:s29] =	ssyncadd.s32 $0xFFFFFB00  }
0x124: {  	[spmem:s2] =	stream.indirect.scatter.add.f32 [tilespmem:s1], [sflag:$0xB], $0x10, s0, s16, $0xb8;
	[tilespmem:$0xD020] =	vst v63  }
0x125: {  	_ =	swait.ge [sflag:s24], $0x500  }
0x126: {  	[sflag:s24] =	ssyncset.done $0x0  }
0x127: {  	s26 =	simm.s32 $0x4CE0;
	s0 =	simm.s32 $0x3;
	[sflag:s24] =	ssyncadd.s32 $0xFFFFFB00  }
0x128: {  	[spmem:s2] =	stream.indirect.scatter.add.f32 [tilespmem:s28], [sflag:$0xC], $0x10, s26, s16, $0xb8;
	[tilespmem:$0xD020] =	vst v63  }
0x129: {  	_ =	swait.ge [sflag:s0], $0x500  }
0x12a: {  	[sflag:s0] =	ssyncset.done $0x0  }
0x12b: {  	s29 =	simm.s32 $0x4;
	s28 =	simm.s32 $0x4D30;
	[sflag:s0] =	ssyncadd.s32 $0xFFFFFB00  }
0x12c: {  	[spmem:s2] =	stream.indirect.scatter.add.f32 [tilespmem:s23], [sflag:$0xD], $0x10, s28, s16, $0xb8;
	[tilespmem:$0xD020] =	vst v63  }
0x12d: {  	_ =	swait.ge [sflag:s29], $0x500  }
0x12e: {  	[sflag:s29] =	ssyncset.done $0x0  }
0x12f: {  	s0 =	simm.s32 $0x4D80;
	[sflag:s29] =	ssyncadd.s32 $0xFFFFFB00  }
0x130: {  	[spmem:s2] =	stream.indirect.scatter.add.f32 [tilespmem:s19], [sflag:$0xE], $0x10, s0, s16, $0xb8;
	[tilespmem:$0xD020] =	vst v63  }
0x131: {  	_ =	swait.ge [sflag:s21], $0x500  }
0x132: {  	[sflag:s21] =	ssyncset.done $0x0  }
0x133: {  	s22 =	simm.s32 $0x4DD0;
	[sflag:s21] =	ssyncadd.s32 $0xFFFFFB00  }
0x134: {  	[spmem:s2] =	stream.indirect.scatter.add.f32 [tilespmem:s20], [sflag:$0xF], $0x10, s22, s16, $0xb8;
	[tilespmem:$0xD020] =	vst v63  }
0x135: {  	_ =	swait.ge [sflag:s12], $0x500  }
0x136: {  	[sflag:s12] =	ssyncset.done $0x0  }
0x137: {  	[sflag:s12] =	ssyncadd.s32 $0xFFFFFB00  }
0x138: {  	_ =	swait.ge [sflag:s6], $0x500  }
0x139: {  	[sflag:s6] =	ssyncset.done $0x0  }
0x13a: {  	[sflag:s6] =	ssyncadd.s32 $0xFFFFFB00  }
0x13b: {  	_ =	swait.ge [sflag:s13], $0x500  }
0x13c: {  	[sflag:s13] =	ssyncset.done $0x0  }
0x13d: {  	[sflag:s13] =	ssyncadd.s32 $0xFFFFFB00  }
0x13e: {  	_ =	swait.ge [sflag:s17], $0x500  }
0x13f: {  	[sflag:s17] =	ssyncset.done $0x0  }
0x140: {  	[sflag:s17] =	ssyncadd.s32 $0xFFFFFB00  }
0x141: {  	_ =	swait.ge [sflag:s18], $0x500  }
0x142: {  	[sflag:s18] =	ssyncset.done $0x0  }
0x143: {  	[sflag:s18] =	ssyncadd.s32 $0xFFFFFB00  }
0x144: {  	_ =	swait.ge [sflag:s5], $0x500  }
0x145: {  	[sflag:s5] =	ssyncset.done $0x0  }
0x146: {  	[sflag:s5] =	ssyncadd.s32 $0xFFFFFB00  }
0x147: {  	_ =	swait.ge [sflag:s15], $0x500  }
0x148: {  	[sflag:s15] =	ssyncset.done $0x0  }
0x149: {  	[sflag:s15] =	ssyncadd.s32 $0xFFFFFB00  }
0x14a: {  	_ =	swait.ge [sflag:s9], $0x500  }
0x14b: {  	[sflag:s9] =	ssyncset.done $0x0  }
0x14c: {  	[sflag:s9] =	ssyncadd.s32 $0xFFFFFB00  }
0x14d: {  	_ =	swait.ge [sflag:s11], $0x500  }
0x14e: {  	[sflag:s11] =	ssyncset.done $0x0  }
0x14f: {  	[sflag:s11] =	ssyncadd.s32 $0xFFFFFB00  }
0x150: {  	_ =	swait.ge [sflag:s4], $0x500  }
0x151: {  	[sflag:s4] =	ssyncset.done $0x0  }
0x152: {  	[sflag:s4] =	ssyncadd.s32 $0xFFFFFB00  }
0x153: {  	[bflag:$0x0] =	sbarrier.arrive $0xFFFF  }
0x154: {  	s19 =	rddreg [dreg:$0x6]  }
0x155: {  	s23 =	rddreg [dreg:$0xa]  }
0x156: {  	s24 =	simm.s32 $0x15;
	s22 =	rddreg [dreg:$0xc]  }
0x157: {  	[hbm:s23], [sflag:s19] =	dma.local [spmem:s22], $0x500  }
0x158: {  	_ =	swait.ge [sflag:s24], $0x500  }
0x159: {  	s26 =	rddreg [dreg:$0xe]  }
0x15a: {  	s28 =	rddreg [dreg:$0xb];
	s1 =	sadd.s32 $0x1, s26  }
0x15b: {  	p0 =	sne.s32 s1, s28  }
.Ltmp1:
0x15c: {  	_ = 	snop;
	(pc) =	sbr.rel @p0 .LBB2_1-.Ltmp1, $3  }
0x15d: {  	_ =	sdelay $0x1  }
0x15e: {  	s29 =	simm.s32 $0x15;
	[sflag:s24] =	ssyncset.done $0x0  }
0x15f: {  	[sflag:s29] =	ssyncadd.s32 $0xFFFFFB00  }
0x160: {  	_ =	sfence.sel $0x180000  }
0x161: {  	[bflag:$0x0] =	sbarrier.arrive $0xFFFF  }
0x162: {  	_ =	strace $0x9000004D  }
0x163: {  	s0 =	stileid.u32;
	[bflag:$0x2] =	sbarrier.arrive $0xFFFF  }
0x164: {  	p0 =	sne.s32 s0, $0x0;
	s0 =	rddreg [dreg:$0x4]  }
0x165: {  	s0 =	sadd.s32 @!p0 $0x100000, s0  }
0x166: {  	[sflag:s0] =	ssyncadd.tile.s32 @!p0 $0x1;
	_ =	shalt  }
.Lfunc_end2:
_tile_overlayer_lowered:
.L_overlay_start_2:
0x167: {  	(tag) =	ssettag $0x2  }
0x168: {  	s0 =	rddreg [dreg:$0x0];
	s2 =	stileid.u32  }
0x169: {  	s1 =	rddreg [dreg:$0x1];
	p0 =	sne.s32 s2, $0x0  }
0x16a: {  	s3 =	rddreg [dreg:$0x2];
	[bflag:$0x3] =	sbarrier.arrive $0xFFFF;
	s2 =	simm.s32 @!p0 $0x1C15  }
0x16b: {  	[timem:s3], [sflag:s2] =	dma.local @!p0 [hbm:s0], s1  }
0x16c: {  	s0 =	simm.s32 @!p0 $0x15  }
0x16d: {  	_ =	swait.ge @!p0 [sflag:s0], s1  }
0x16e: {  	s1 =	ssub.s32 @!p0 $0x0, s1;
	[sflag:s0] =	ssyncset.done @!p0 $0x0  }
0x16f: {  	[sflag:s0] =	ssyncadd.s32 @!p0 s1  }
0x170: {  	[bflag:$0x3] =	sbarrier.arrive $0xFFFF  }
0x171: {  	_ =	shalt  }

// kernel: kernel.8.cloned.1.call-start
scs
__scs_entry_jumppad:
0x0: {  	(pc) =	sbr.rel $0x88, $3  }
0x1: {  	(tag) =	ssettag $0x0;
	lr =	simm.s32 $0x1  }
0x2: {  	[smem:$0x3F9D] =	sst lr;
	_ =	strace $0xD0000000  }
0x3: {  	_ = 	snop  }
0x4: {  	_ = 	snop  }
0x5: {  	_ = 	snop  }
0x6: {  	_ = 	snop  }
0x7: {  	_ = 	snop  }
__scs_overlays_trampoline_lowered:
0x8: {  	[smem:$0x3FAC] =	sst s0  }
0x9: {  	[smem:$0x3FAD] =	sst s1  }
0xa: {  	[smem:$0x3FAE] =	sst s2  }
0xb: {  	[smem:$0x3FAF] =	sst s3  }
0xc: {  	[smem:$0x3FB0] =	sst s4  }
0xd: {  	[smem:$0x3FB1] =	sst s5  }
0xe: {  	[smem:$0x3FB2] =	sst s6  }
0xf: {  	[smem:$0x3FB3] =	sst s7  }
0x10: {  	[smem:$0x3FB4] =	sst s8  }
0x11: {  	[smem:$0x3FB5] =	sst s9;
	s0 =	simm.s32 @!p0 $0x0  }
0x12: {  	s1 =	sld [smem:$0x3F9B];
	s0 =	simm.s32 @p0 $0x1  }
0x13: {  	[smem:$0x3FB6] =	sst s0;
	s0 =	simm.s32 @!p1 $0x0  }
0x14: {  	s2 =	sld [smem:$0x3F9A];
	s0 =	simm.s32 @p1 $0x1  }
0x15: {  	[smem:$0x3FB7] =	sst s0;
	s0 =	simm.s32 @!p2 $0x0  }
0x16: {  	s3 =	sld [smem:$0x3FDB];
	s0 =	simm.s32 @p2 $0x1  }
0x17: {  	s4 =	simm.s32 $0x1BF5;
	[smem:$0x3FB9] =	sst s0  }
0x18: {  	s0 =	sld [smem:$0x3F9C];
	_ =	swait.ge [sflag:s4], $0x0  }
0x19: {  	s7 =	sld [smem:$0x3F9D]  }
0x1a: {  	s8 =	sadd.s32 $0xFFFFE003, lr  }
0x1b: {  	s9 =	sadd.s32 $0xFFFFFEF7, lr;
	s5 =	simm.s32 $0xFFFFFFFF;
	p2 =	slt.u32 s8, $0xFFFFF086  }
0x1c: {  	p1 =	slt.u32 s9, $0xF7A;
	s5 =	simm.s32 @!p2 $0x0  }
0x1d: {  	s5 =	simm.s32 @p1 $0x1;
	p0 =	seq.s32 s7, s2  }
0x1e: {  	s7 =	smul.u32 @!p0 $0xF7A, s2;
	p2 =	seq.s32 @!p0 s5, $0x0  }
0x1f: {  	s9 =	smul.u32 $0xF7A, s1;
	s8 =	simm.s32 @!p0 $0x1BF5;
	p2 =	por !p2, p0  }
0x20: {  	[sflag:s8] =	ssyncset.s32 @!p0 $0xFFFFF086;
	s6 =	sadd.s32 @!p0 s3, s7;
	s7 =	simm.s32 @!p0 $0x108  }
0x21: {  	s3 =	sadd.s32 s3, s9;
	s6 =	sadd.s32 @!p0 $0x88, s6;
	s7 =	simm.s32 @p2 $0x1082  }
0x22: {  	[simem:s7], [sflag:s8] =	dma.local @!p0 [hbm:s6], $0xF7A  }
0x23: {  	s9 =	sor.u32 $0xD0000000, s2;
	s6 =	simm.s32 $0x108;
	_ =	swait.ge @!p0 [sflag:s8], $0x0  }
0x24: {  	s3 =	sadd.s32 $0x88, s3;
	s6 =	simm.s32 @!p1 $0x1082;
	[sflag:s4] =	ssyncset.s32 $0xFFFFF086  }
0x25: {  	[simem:s6], [sflag:s4] =	dma.local [hbm:s3], $0xF7A  }
0x26: {  	[smem:$0x3F9D] =	sst s1;
	(tag) =	ssettag s2;
	_ =	strace s9  }
0x27: {  	s1 =	sld [smem:$0x3FAD]  }
0x28: {  	s2 =	sld [smem:$0x3FAE]  }
0x29: {  	s4 =	sld [smem:$0x3FB0]  }
0x2a: {  	p0 =	seq.s32 s5, $0x0;
	s5 =	sld [smem:$0x3FB1]  }
0x2b: {  	s6 =	sld [smem:$0x3FB2]  }
0x2c: {  	s7 =	sld [smem:$0x3FB3]  }
0x2d: {  	s3 =	simm.s32 $0x108;
	s8 =	sld [smem:$0x3FB4]  }
0x2e: {  	s3 =	simm.s32 @!p0 $0x1082;
	s9 =	sld [smem:$0x3FB5]  }
0x2f: {  	lr =	sadd.s32 s0, s3;
	s0 =	sld [smem:$0x3FAC]  }
0x30: {  	s3 =	sld [smem:$0x3FAF]  }
0x31: {  	[smem:$0x3FB8] =	sst s10  }
0x32: {  	s10 =	sld [smem:$0x3FB6];
	_ =	sdelay $0x3  }
0x33: {  	p0 =	seq.s32 s10, $0x1;
	s10 =	sld [smem:$0x3FB8];
	_ =	sdelay $0x3  }
0x34: {  	[smem:$0x3FB8] =	sst s10  }
0x35: {  	s10 =	sld [smem:$0x3FB7];
	_ =	sdelay $0x3  }
0x36: {  	p1 =	seq.s32 s10, $0x1;
	s10 =	sld [smem:$0x3FB8];
	_ =	sdelay $0x3  }
0x37: {  	[smem:$0x3FB8] =	sst s10  }
0x38: {  	s10 =	sld [smem:$0x3FB9]  }
0x39: {  	_ = 	snop;
	(pc) =	sbr.ind lr, $3  }
0x3a: {  	_ = 	snop  }
0x3b: {  	_ = 	snop  }
0x3c: {  	p2 =	seq.s32 s10, $0x1;
	s10 =	sld [smem:$0x3FB8]  }
0x3d: {  	_ =	shalt  }
0x3e: {  	_ =	shalt  }
0x3f: {  	_ =	shalt  }
0x40: {  	_ =	shalt  }
0x41: {  	_ =	shalt  }
0x42: {  	_ =	shalt  }
0x43: {  	_ =	shalt  }
0x44: {  	_ =	shalt  }
0x45: {  	_ =	shalt  }
0x46: {  	_ =	shalt  }
0x47: {  	_ =	shalt  }
0x48: {  	_ =	shalt  }
0x49: {  	_ =	shalt  }
0x4a: {  	_ =	shalt  }
0x4b: {  	_ =	shalt  }
0x4c: {  	_ =	shalt  }
0x4d: {  	_ =	shalt  }
0x4e: {  	_ =	shalt  }
0x4f: {  	_ =	shalt  }
0x50: {  	_ =	shalt  }
0x51: {  	_ =	shalt  }
0x52: {  	_ =	shalt  }
0x53: {  	_ =	shalt  }
0x54: {  	_ =	shalt  }
0x55: {  	_ =	shalt  }
0x56: {  	_ =	shalt  }
0x57: {  	_ =	shalt  }
0x58: {  	_ =	shalt  }
0x59: {  	_ =	shalt  }
0x5a: {  	_ =	shalt  }
0x5b: {  	_ =	shalt  }
0x5c: {  	_ =	shalt  }
0x5d: {  	_ =	shalt  }
0x5e: {  	_ =	shalt  }
0x5f: {  	_ =	shalt  }
0x60: {  	_ =	shalt  }
0x61: {  	_ =	shalt  }
0x62: {  	_ =	shalt  }
0x63: {  	_ =	shalt  }
0x64: {  	_ =	shalt  }
0x65: {  	_ =	shalt  }
0x66: {  	_ =	shalt  }
0x67: {  	_ =	shalt  }
0x68: {  	_ =	shalt  }
0x69: {  	_ =	shalt  }
0x6a: {  	_ =	shalt  }
0x6b: {  	_ =	shalt  }
0x6c: {  	_ =	shalt  }
0x6d: {  	_ =	shalt  }
0x6e: {  	_ =	shalt  }
0x6f: {  	_ =	shalt  }
0x70: {  	_ =	shalt  }
0x71: {  	_ =	shalt  }
0x72: {  	_ =	shalt  }
0x73: {  	_ =	shalt  }
0x74: {  	_ =	shalt  }
0x75: {  	_ =	shalt  }
0x76: {  	_ =	shalt  }
0x77: {  	_ =	shalt  }
0x78: {  	_ =	shalt  }
0x79: {  	_ =	shalt  }
0x7a: {  	_ =	shalt  }
0x7b: {  	_ =	shalt  }
0x7c: {  	_ =	shalt  }
0x7d: {  	_ =	shalt  }
0x7e: {  	_ =	shalt  }
0x7f: {  	_ =	shalt  }
0x80: {  	_ =	shalt  }
0x81: {  	_ =	shalt  }
0x82: {  	_ =	shalt  }
0x83: {  	_ =	shalt  }
0x84: {  	_ =	shalt  }
0x85: {  	_ =	shalt  }
0x86: {  	_ =	shalt  }
0x87: {  	_ =	shalt  }
.Lfunc_end0:
.L_simem_size_0:
called_computation_lowered:
.L_overlay_start_0:
0x88: {  	s2 =	sld [smem:$0x3FD9]  }
0x89: {  	s3 =	sld [smem:$0x3FFE];
	_ =	sdelay $0x1  }
0x8a: {  	s1 =	srdreg.scid  }
0x8b: {  	s0 =	sand.u32 $0x1, s1  }
0x8c: {  	s14 =	sshll.u32 s0, $0xA;
	s2 =	sadd.s32 s3, s2  }
0x8d: {  	s2 =	sadd.s32 s2, s14  }
0x8e: {  	[smem:$0x3FC4] =	sst s2  }
0x8f: {  	_ = 	snop  }
0x90: {  	s2 =	sld [smem:$0x3FD0];
	_ =	sdelay $0x2  }
0x91: {  	s15 =	simm.s32 $0xA;
	s4 =	simm.s32 $0x10  }
0x92: {  	[smem:s4], [sflag:s15] =	dma.local [hbm:s2], $0x1  }
0x93: {  	_ =	swait.eq [sflag:s15], $0x1  }
0x94: {  	[sflag:s15] =	ssyncset.done $0x0  }
0x95: {  	s16 =	sld [smem:$0x10];
	[sflag:s15] =	ssyncadd.s32 $0xFFFFFFFF  }
0x96: {  	s17 =	sld [smem:$0x11];
	(tm) =	ssettm $0x1  }
0x97: {  	s18 =	sld [smem:$0x3FFB];
	_ =	sdelay $0x3  }
0x98: {  	_ =	strace s18  }
0x99: {  	s4 =	sld [smem:$0x3FFC];
	_ =	sdelay $0x3  }
0x9a: {  	_ =	strace s4  }
0x9b: {  	s4 =	sld [smem:$0x3FFD];
	_ =	sdelay $0x3  }
0x9c: {  	_ =	strace s4  }
0x9d: {  	_ =	strace $0x8FFFFFFF  }
0x9e: {  	s19 =	sld [smem:$0x3FDB];
	_ =	sdelay $0x1  }
0x9f: {  	s5 =	simm.s32 $_scs_section_size  }
0xa0: {  	s6 =	simm.s32 $_size__tile_overlayer_lowered;
	s7 =	simm.s32 $_tile_overlayer_lowered  }
0xa1: {  	s22 =	simm.s32 $0x1BFF;
	s21 =	sshll.u32 s7, $0x1;
	s4 =	sadd.s32 s5, s19  }
0xa2: {  	s8 =	simm.s32 $0x0;
	s20 =	sshll.u32 s6, $0x1;
	s6 =	sadd.s32 s21, s4  }
0xa3: {  	[timem:s8], [sflag:s22] =	dma.local [hbm:s6], s20  }
0xa4: {  	_ =	swait.ge [sflag:s22], s20  }
0xa5: {  	s5 =	ssub.s32 $0x0, s20;
	[sflag:s22] =	ssyncset.done $0x0  }
0xa6: {  	[sflag:s22] =	ssyncadd.s32 s5;
	_ =	sdelay $0x1  }
0xa7: {  	s23 =	simm.s32 $0x1B8B  }
0xa8: {  	_ =	swait.ge [sflag:s23], $0x1  }
0xa9: {  	[sflag:s23] =	ssyncset.done $0x0  }
0xaa: {  	s25 =	simm.s32 $0x1B8E;
	s24 =	sld [smem:$0x3FFE];
	[sflag:s23] =	ssyncadd.s32 $0xFFFFFFFF  }
0xab: {  	s26 =	simm.s32 $execute0_lowered;
	[smem:$0x3FD2] =	sst s25  }
0xac: {  	s6 =	sshll.u32 s26, $0x1;
	_ =	strace $0x80000046;
	[dreg:$0x1] =	wrdreg $0xFFFFFFFF  }
0xad: {  	s28 =	simm.s32 $_size_execute0_lowered;
	s4 =	sadd.s32 s4, s6;
	[dreg:$0x0] =	wrdreg $0x0  }
0xae: {  	s6 =	sshll.u32 s28, $0x1;
	[dreg:$0x2] =	wrdreg s4  }
0xaf: {  	[dreg:$0x3] =	wrdreg s6  }
0xb0: {  	[dreg:$0x4] =	wrdreg $0xC0  }
0xb1: {  	_ =	task [dreg:s8], $0x5FFFF  }
0xb2: {  	[dreg:$0x1] =	wrdreg $0xFFFFFFFF  }
0xb3: {  	[dreg:$0x0] =	wrdreg $0x60  }
0xb4: {  	[dreg:$0x2] =	wrdreg s24  }
0xb5: {  	[dreg:$0x3] =	wrdreg s17  }
0xb6: {  	[dreg:$0x4] =	wrdreg s16  }
0xb7: {  	[dreg:$0x5] =	wrdreg $0x9  }
0xb8: {  	_ =	task.clear_ibuf [dreg:s8], $0x6FFFF;
	_ =	strace $0x90000046  }
0xb9: {  	s29 =	simm.s32 $0x9;
	_ =	strace $0x80000048  }
0xba: {  	_ =	swait.ge [sflag:s29], $0x1  }
0xbb: {  	[sflag:s29] =	ssyncadd.s32 $0xFFFFFFFF  }
0xbc: {  	_ =	strace $0x90000048  }
0xbd: {  	_ =	sfence  }
0xbe: {  	s30 =	sld [smem:$0x0];
	_ =	sdelay $0x2  }
0xbf: {  	s31 =	sshll.u32 s1, $0xD;
	s1 =	sshrl.u32 s1, $0x2  }
0xc0: {  	s3 =	sand.u32 $0x4000, s31;
	s1 =	sadd.s32 s1, s30  }
0xc1: {  	s0 =	sor.u32 s3, s0;
	s1 =	sshll.u32 s1, $0x11  }
0xc2: {  	s0 =	sor.u32 s1, s0  }
0xc3: {  	s0 =	sadd.s32 $0x8F2B, s0  }
0xc4: {  	[sflag:s0] =	ssyncadd.remote.s32 $0x1  }
0xc5: {  	_ =	sfence.sel $0xFFFF  }
0xc6: {  	[dreg:$0x0] =	wrdreg $0xFFFFFFFF;
	(pc) =	sbr.abs _section_cstart, $3  }
0xc7: {  	[dreg:$0x1] =	wrdreg $0xFFFFFFFF  }
0xc8: {  	_ =	task.clear_ibuf [dreg:s8], $0x2FFFF;
	_ =	strace $0x9FFFFFFF  }
0xc9: {  	(tm) =	ssettm $0x7FFFFFFF  }
tec
execute0_lowered:
.L_overlay_start_1:
0x0: {  	(tag) =	ssettag $0x1  }
0x1: {  	s4 =	rddreg [dreg:$0x0]  }
0x2: {  	s2 =	rddreg [dreg:$0x1]  }
0x3: {  	s1 =	srdreg.scid;
	s0 =	stileid.u32  }
0x4: {  	s5 =	rddreg [dreg:$0x2];
	s6 =	sand.u32 $0x1, s1;
	s3 =	sshll.u32 s0, $0x1  }
0x5: {  	s1 =	rddreg [dreg:$0x3];
	s7 =	sor.u32 s6, s3  }
0x6: {  	s3 =	simm.s32 $0x0;
	s6 =	ssub.s32 $0x2, s6;
	s8 =	smul.u32 $0x4E2, s7  }
0x7: {  	[smem:$0x7FF] =	sst s3;
	s9 =	sshrl.u32 s6, $0x1;
	s7 =	smul.u32 $0x500, s7  }
0x8: {  	_ =	strace $0x80000047;
	s6 =	ssub.s32 s6, s9;
	s9 =	simm.s32 $0x0  }
0x9: {  	s4 =	sadd.s32 s8, s4;
	s5 =	sadd.s32 s5, s7;
	s6 =	smax.u32 s6, $0x1  }
0xa: {  	v0 =	vimm.f32 $1.000000000e+00;
	s7 =	simm.s32 $0x2710;
	s8 =	simm.s32 $0x1;
	s4 =	sadd.s32 $0x1800, s4  }
.LBB2_1:
0xb: {  	[tilespmem:s7], [sflag:$0x1] =	stream.linear.gather [hbm4b:s2+s3], $0x2800, $0x38;
	[tilespmem:$0x4F10] =	vst v63  }
0xc: {  	_ =	swait.ge [sflag:s8], $0x2800  }
0xd: {  	[sflag:s8] =	ssyncset.done $0x0  }
0xe: {  	[sflag:s8] =	ssyncadd.s32 $0xFFFFD800  }
0xf: {  	[tilespmem:s3], [sflag:$0x1] =	stream.linear.gather [hbm4b:s4+s3], $0x2710, $0x38;
	[tilespmem:$0x4F10] =	vst v63  }
0x10: {  	_ =	swait.ge [sflag:s8], $0x2710  }
0x11: {  	[sflag:s8] =	ssyncset.done $0x0  }
0x12: {  	s11 =	simm.s32 $0x0;
	s10 =	simm.s32 $0x40;
	[sflag:s8] =	ssyncadd.s32 $0xFFFFD8F0  }
.LBB2_2:
0x13: {  	p0 =	sne.s32 s10, $0x9C00;
	v1 =	vld [tilespmem:s11+$0x0];
	_ =	sdelay $0x3  }
.Ltmp0:
0x14: {  	(pc) =	sbr.rel @p0 .LBB2_2-.Ltmp0, $2  }
0x15: {  	_ =	sdelay $0x2  }
0x16: {  	s11 =	sshra.s32 s10, $0x2;
	s10 =	sadd.s32 $0x40, s10;
	[tilespmem:v1+s7+$0x0] =	vst.idx.add.f32.msk $0xffff, v0  }
0x17: {  	v1 =	vld [tilespmem:s11+$0x0];
	_ =	sdelay $0x5  }
0x18: {  	s9 =	sadd.s32 $0x1, s9  }
0x19: {  	p0 =	sne.s32 s9, s6  }
.Ltmp1:
0x1a: {  	[tilespmem:v1+s7+$0x0] =	vst.idx.add.f32.msk $0xffff, v0;
	(pc) =	sbr.rel @p0 .LBB2_1-.Ltmp1, $4  }
0x1b: {  	[hbm4b:s5+s3] =	stream.linear.scatter [tilespmem:s7], [sflag:$0x1], $0x2800, $0x38;
	[tilespmem:$0x4F10] =	vst v63  }
0x1c: {  	_ =	swait.ge [sflag:s8], $0x2800  }
0x1d: {  	[sflag:s8] =	ssyncset.done $0x0  }
0x1e: {  	[sflag:s8] =	ssyncadd.s32 $0xFFFFD800  }
0x1f: {  	_ =	sfence.sel $0x180000  }
0x20: {  	[bflag:$0x0] =	sbarrier.arrive $0xFFFF  }
0x21: {  	p0 =	sne.s32 s0, $0x0;
	_ =	strace $0x90000047  }
0x22: {  	s0 =	sadd.s32 @!p0 $0x100000, s1;
	[bflag:$0x2] =	sbarrier.arrive $0xFFFF  }
0x23: {  	[sflag:s0] =	ssyncadd.tile.s32 @!p0 $0x1;
	_ =	shalt  }
.Lfunc_end2:
_tile_overlayer_lowered:
.L_overlay_start_2:
0x24: {  	(tag) =	ssettag $0x2  }
0x25: {  	s0 =	rddreg [dreg:$0x0];
	s2 =	stileid.u32  }
0x26: {  	s1 =	rddreg [dreg:$0x1];
	p0 =	sne.s32 s2, $0x0  }
0x27: {  	s3 =	rddreg [dreg:$0x2];
	[bflag:$0x3] =	sbarrier.arrive $0xFFFF;
	s2 =	simm.s32 @!p0 $0x1C01  }
0x28: {  	[timem:s3], [sflag:s2] =	dma.local @!p0 [hbm:s0], s1  }
0x29: {  	s0 =	simm.s32 @!p0 $0x1  }
0x2a: {  	_ =	swait.ge @!p0 [sflag:s0], s1  }
0x2b: {  	s1 =	ssub.s32 @!p0 $0x0, s1;
	[sflag:s0] =	ssyncset.done @!p0 $0x0  }
0x2c: {  	[sflag:s0] =	ssyncadd.s32 @!p0 s1  }
0x2d: {  	[bflag:$0x3] =	sbarrier.arrive $0xFFFF  }
0x2e: {  	_ =	shalt  }

</sc_bundles>
